<compile_context>
chip_gen: v7x
topology: tpu7x:2x2x1
jax: 0.10.2.dev20260603
libtpu: 0.0.44.dev20260713+nightly
codegen_flags: <defaults>
</compile_context>

<pallas_src>
import functools

import jax
import jax.numpy as jnp
from jax import lax
from jax.experimental import pallas as pl
from jax.experimental.pallas import tpu as pltpu
from jax.experimental.pallas import tpu_sc as plsc

HID = 768
HALF = HID // 2
EPS = 1e-12
NC, NS, L = 2, 16, 16
NW = NC * NS
GCH = 32
BLK = 2048


def _pack_row(rows, bf, row, brow):
    for kk in range(HALF // L):
        ks = pl.ds(kk * L, L)
        a = rows[row, ks]
        b = rows[row, pl.ds(HALF + kk * L, L)]
        p = plsc.pack(a, b, format=plsc.PackFormat.INTERLEAVED)
        bf[brow, ks] = plsc.bitcast(p, jnp.int32)


def _gather_body(ids_hbm, word_hbm, out_hbm, idx_v, rows, bf, sem_g0, sem_g1,
                 sem_s0, sem_s1, sem_i):
    tok = ids_hbm.shape[0]
    tpw = tok // NW
    n_ch = tpw // GCH

    wid = lax.axis_index("s") * NC + lax.axis_index("c")
    base = wid * tpw

    pltpu.async_copy(ids_hbm.at[pl.ds(base, tpw)], idx_v, sem_i).wait()

    gsems = [sem_g0, sem_g1]
    ssems = [sem_s0, sem_s1]

    def gather_copy(g, slot):
        return pltpu.make_async_copy(
            word_hbm.at[idx_v.at[pl.ds(g * GCH, GCH)]],
            rows.at[pl.ds(slot * GCH, GCH)], gsems[slot])

    def scatter_copy(g, slot):
        return pltpu.make_async_copy(
            bf.at[pl.ds(slot * GCH, GCH)],
            out_hbm.at[pl.ds(base + g * GCH, GCH)], ssems[slot])

    def pack_chunk(slot):
        @plsc.parallel_loop(0, GCH, unroll=4)
        def _(r):
            _pack_row(rows, bf, slot * GCH + r, slot * GCH + r)

    gather_copy(0, 0).start()
    gather_copy(1, 1).start()

    def step(g, slot, first):
        gather_copy(g, slot).wait()
        if not first:
            scatter_copy(g - 2, slot).wait()
        pack_chunk(slot)
        scatter_copy(g, slot).start()
        gather_copy(lax.rem(g + 2, n_ch), slot).start()

    step(0, 0, True)
    step(1, 1, True)

    def loop_body(g2, _):
        step(2 * g2, 0, False)
        step(2 * g2 + 1, 1, False)
        return 0

    lax.fori_loop(1, n_ch // 2, loop_body, 0)

    gather_copy(0, 0).wait()
    gather_copy(1, 1).wait()
    scatter_copy(n_ch - 2, 0).wait()
    scatter_copy(n_ch - 1, 1).wait()


@jax.jit
def _sc_gather(ids, word_emb):
    tok = ids.shape[0]
    mesh = plsc.VectorSubcoreMesh(core_axis_name="c", subcore_axis_name="s")
    k = pl.kernel(
        _gather_body,
        out_type=jax.ShapeDtypeStruct((tok, HALF), jnp.int32),
        mesh=mesh,
        compiler_params=pltpu.CompilerParams(needs_layout_passes=False),
        scratch_types=[
            pltpu.VMEM((tok // NW,), jnp.int32),
            pltpu.VMEM((2 * GCH, HID), jnp.float32),
            pltpu.VMEM((2 * GCH, HALF), jnp.int32),
            pltpu.SemaphoreType.DMA,
            pltpu.SemaphoreType.DMA,
            pltpu.SemaphoreType.DMA,
            pltpu.SemaphoreType.DMA,
            pltpu.SemaphoreType.DMA,
        ],
    )
    return k(ids, word_emb)


def _ln_body(words_ref, pos_ref, tt_ref, at_ref, type_ref, tag_ref,
             gam_ref, bet_ref, out_ref):
    u = words_ref[...]
    wa = lax.bitcast_convert_type(u << 16, jnp.float32)
    wb = lax.bitcast_convert_type(u & jnp.int32(-65536), jnp.float32)
    tt = tt_ref[0]
    at = at_ref[0]

    blk = u.shape[0]
    col = lax.broadcasted_iota(jnp.int32, (blk, 8), 1)
    oh = ((col == tt) | (col == at + 2)).astype(jnp.float32)
    cc = jnp.concatenate(
        [type_ref[...], tag_ref[...],
         jnp.zeros((3, HID), jnp.float32)], axis=0)
    extras = jnp.dot(oh, cc, preferred_element_type=jnp.float32)

    def half(w, lo):
        hs = slice(lo, lo + HALF)
        return w + pos_ref[:, hs] + extras[:, hs]

    ea = half(wa, 0)
    eb = half(wb, HALF)
    ones_h = jnp.ones((HALF, 1), jnp.float32)
    s1 = (jnp.dot(ea, ones_h, preferred_element_type=jnp.float32)
          + jnp.dot(eb, ones_h, preferred_element_type=jnp.float32))
    s2 = (jnp.dot(ea * ea, ones_h, preferred_element_type=jnp.float32)
          + jnp.dot(eb * eb, ones_h, preferred_element_type=jnp.float32))
    mean = s1 * (1.0 / HID)
    var = s2 * (1.0 / HID) - mean * mean
    r = lax.rsqrt(var + EPS)
    out_ref[:, :HALF] = ((ea - mean) * r * gam_ref[0, :HALF][None, :]
                         + bet_ref[0, :HALF][None, :])
    out_ref[:, HALF:] = ((eb - mean) * r * gam_ref[0, HALF:][None, :]
                         + bet_ref[0, HALF:][None, :])


@jax.jit
def _run(ids, tt3, at3, word_emb, pos_emb, type_emb, tag_emb, gamma, beta):
    tok = ids.shape[0]
    seq = pos_emb.shape[0]
    n_s = seq // BLK
    n_b = tok // seq
    words = _sc_gather(ids, word_emb)
    return pl.pallas_call(
        _ln_body,
        grid=(n_s, n_b),
        in_specs=[
            pl.BlockSpec((BLK, HALF), lambda j, b: (b * n_s + j, 0)),
            pl.BlockSpec((BLK, HID), lambda j, b: (j, 0)),
            pl.BlockSpec((1, BLK, 1), lambda j, b: (b * n_s + j, 0, 0)),
            pl.BlockSpec((1, BLK, 1), lambda j, b: (b * n_s + j, 0, 0)),
            pl.BlockSpec((2, HID), lambda j, b: (0, 0)),
            pl.BlockSpec((3, HID), lambda j, b: (0, 0)),
            pl.BlockSpec((1, HID), lambda j, b: (0, 0)),
            pl.BlockSpec((1, HID), lambda j, b: (0, 0)),
        ],
        out_specs=pl.BlockSpec((BLK, HID), lambda j, b: (b * n_s + j, 0)),
        out_shape=jax.ShapeDtypeStruct((tok, HID), jnp.float32),
    )(words, pos_emb, tt3, at3, type_emb, tag_emb, gamma, beta)


def kernel(input_ids, token_type_ids, answer_tag_ids, word_emb, pos_emb,
           type_emb, tag_emb, ln_gamma, ln_beta):
    b, s = input_ids.shape
    tok = b * s
    ids = input_ids.reshape(-1).astype(jnp.int32)
    tt3 = token_type_ids.astype(jnp.int32).reshape(tok // BLK, BLK, 1)
    at3 = answer_tag_ids.astype(jnp.int32).reshape(tok // BLK, BLK, 1)
    out = _run(ids, tt3, at3, word_emb, pos_emb, type_emb, tag_emb,
               ln_gamma.reshape(1, HID), ln_beta.reshape(1, HID))
    return out.reshape(b, s, HID)

# --- scband reference (transcript-rebuilt; emitter-appended) ---
"""Pipeline reference for scband-bert-embeddings-88837103550528 (READ-ONLY COPY).

The authoritative reference and input builder live on the scoring server;
editing this copy changes nothing except your own understanding.
"""

import jax, jax.numpy as jnp
import numpy as np

VOCAB = 30522
HID = 768
MAX_POS = 4096
TYPE_VOCAB = 2
TAG_VOCAB = 3
B, S = 4, 4096
EPS = 1e-12


def setup_inputs(seed: int = 0) -> dict:
    key = jax.random.key(seed)
    ks = jax.random.split(key, 8)
    input_ids = jax.random.randint(ks[0], (B, S), 0, VOCAB, dtype=jnp.int64 if jax.config.jax_enable_x64 else jnp.int32)
    token_type_ids = jax.random.randint(ks[1], (B, S), 0, TYPE_VOCAB, dtype=input_ids.dtype)
    answer_tag_ids = jax.random.randint(ks[2], (B, S), 0, TAG_VOCAB, dtype=input_ids.dtype)
    word_emb = jax.random.normal(ks[3], (VOCAB, HID), dtype=jnp.float32) * 0.02
    word_emb = word_emb.at[0].set(0.0)  # padding_idx=0
    pos_emb = jax.random.normal(ks[4], (MAX_POS, HID), dtype=jnp.float32) * 0.02
    type_emb = jax.random.normal(ks[5], (TYPE_VOCAB, HID), dtype=jnp.float32) * 0.02
    tag_emb = jax.random.normal(ks[6], (TAG_VOCAB, HID), dtype=jnp.float32) * 0.02
    ln_gamma = jnp.ones((HID,), dtype=jnp.float32)
    ln_beta = jnp.zeros((HID,), dtype=jnp.float32)
    return {
        'input_ids': input_ids,
        'token_type_ids': token_type_ids,
        'answer_tag_ids': answer_tag_ids,
        'word_emb': word_emb,
        'pos_emb': pos_emb,
        'type_emb': type_emb,
        'tag_emb': tag_emb,
        'ln_gamma': ln_gamma,
        'ln_beta': ln_beta,
    }


def reference(input_ids, token_type_ids, answer_tag_ids, word_emb, pos_emb, type_emb, tag_emb, ln_gamma, ln_beta):
    seq_len = input_ids.shape[1]
    position_ids = jnp.arange(seq_len, dtype=input_ids.dtype)[None, :]
    position_ids = jnp.broadcast_to(position_ids, input_ids.shape)

    words = jnp.take(word_emb, input_ids, axis=0)
    positions = jnp.take(pos_emb, position_ids, axis=0)
    types = jnp.take(type_emb, token_type_ids, axis=0)
    tags = jnp.take(tag_emb, answer_tag_ids, axis=0)

    embeddings = words + positions + types + tags
    mean = jnp.mean(embeddings, axis=-1, keepdims=True)
    var = jnp.mean(jnp.square(embeddings - mean), axis=-1, keepdims=True)
    normed = (embeddings - mean) / jnp.sqrt(var + EPS)
    out = normed * ln_gamma + ln_beta
    # dropout is identity in eval mode
    return out

if __name__ == "__main__":
    import jax
    _d = setup_inputs()
    print(jax.jit(kernel)(*tuple(_d.values())))

</pallas_src>

<mosaic_0001>
#map = affine_map<(d0, d1) -> (0)>
#map1 = affine_map<(d0, d1) -> (0, 0)>
module attributes {stable_mosaic.version = 14 : i64} {
  func.func @_gather_body(%arg0: i32, %arg1: i32, %arg2: memref<16384xi32, #tpu.memory_space<hbm>>, %arg3: memref<30522x768xf32, #tpu.memory_space<hbm>>, %arg4: memref<16384x384xi32, #tpu.memory_space<hbm>>, %arg5: memref<512xi32, #tpu.memory_space<vmem>>, %arg6: memref<64x768xf32, #tpu.memory_space<vmem>>, %arg7: memref<64x384xi32, #tpu.memory_space<vmem>>, %arg8: memref<!tpu.dma_semaphore, #tpu.memory_space<semaphore_mem>>, %arg9: memref<!tpu.dma_semaphore, #tpu.memory_space<semaphore_mem>>, %arg10: memref<!tpu.dma_semaphore, #tpu.memory_space<semaphore_mem>>, %arg11: memref<!tpu.dma_semaphore, #tpu.memory_space<semaphore_mem>>, %arg12: memref<!tpu.dma_semaphore, #tpu.memory_space<semaphore_mem>>) attributes {dimension_semantics = [#tpu.dimension_semantics<core_parallel>, #tpu.dimension_semantics<subcore_parallel>], iteration_bounds = array<i64: 2, 16>, scalar_prefetch = 0 : i64, scratch_operands = 8 : i64, tpu.core_type = #tpu.core_type<sc_vector_subcore>, window_params = [{transform_indices = #map}, {transform_indices = #map1}, {transform_indices = #map1}]} {
    %mul3A = arith.constant 2 : i32
    %mul3A_0 = arith.muli %arg1, %mul3A : i32
    %add3A = arith.addi %mul3A_0, %arg0 : i32
    %mul3A_1 = arith.constant 512 : i32
    %mul3A_2 = arith.muli %add3A, %mul3A_1 : i32
    %dma_start3A = tpu.memref_slice %arg2[%mul3A_2] : memref<16384xi32, #tpu.memory_space<hbm>> -> memref<512xi32, #tpu.memory_space<hbm>>
    %dma_start3A_3 = tpu.memref_slice %arg2[%mul3A_2] : memref<16384xi32, #tpu.memory_space<hbm>> -> memref<512xi32, #tpu.memory_space<hbm>>
    tpu.enqueue_dma source(%dma_start3A_3 : memref<512xi32, #tpu.memory_space<hbm>>) target(%arg5 : memref<512xi32, #tpu.memory_space<vmem>>) target_semaphore(%arg12 : memref<!tpu.dma_semaphore, #tpu.memory_space<semaphore_mem>>)
    %dma_wait3A = tpu.memref_slice %arg2[%mul3A_2] : memref<16384xi32, #tpu.memory_space<hbm>> -> memref<512xi32, #tpu.memory_space<hbm>>
    %dma_wait3A_4 = tpu.memref_slice %arg2[%mul3A_2] : memref<16384xi32, #tpu.memory_space<hbm>> -> memref<512xi32, #tpu.memory_space<hbm>>
    tpu.wait_dma2 semaphore(%arg12 : memref<!tpu.dma_semaphore, #tpu.memory_space<semaphore_mem>>) src(%dma_wait3A_4 : memref<512xi32, #tpu.memory_space<hbm>>) dst(%arg5 : memref<512xi32, #tpu.memory_space<vmem>>)
    %dma_start3A_5 = arith.constant 0 : i32
    %dma_start3A_6 = arith.constant 0 : i32
    %dma_start3A_7 = tpu.memref_slice %arg6[%dma_start3A_5, %dma_start3A_6] : memref<64x768xf32, #tpu.memory_space<vmem>> -> memref<32x768xf32, #tpu.memory_space<vmem>>
    %dma_start3A_8 = arith.constant 0 : i32
    %dma_start3A_9 = tpu.memref_slice %arg5[%dma_start3A_8] : memref<512xi32, #tpu.memory_space<vmem>> -> memref<32xi32, #tpu.memory_space<vmem>>
    %dma_start3A_10 = arith.constant 0 : i32
    %dma_start3A_11 = arith.constant 0 : i32
    %dma_start3A_12 = tpu.memref_slice %arg3[%dma_start3A_10, %dma_start3A_11] : memref<30522x768xf32, #tpu.memory_space<hbm>> -> memref<30522x768xf32, #tpu.memory_space<hbm>>
    tpu.enqueue_indirect_dma source(%dma_start3A_12 : memref<30522x768xf32, #tpu.memory_space<hbm>>) target(%dma_start3A_7 : memref<32x768xf32, #tpu.memory_space<vmem>>) offsets(%dma_start3A_9 : memref<32xi32, #tpu.memory_space<vmem>>) semaphore(%arg8 : memref<!tpu.dma_semaphore, #tpu.memory_space<semaphore_mem>>)
    %dma_start3A_13 = arith.constant 32 : i32
    %dma_start3A_14 = arith.constant 0 : i32
    %dma_start3A_15 = tpu.memref_slice %arg6[%dma_start3A_13, %dma_start3A_14] : memref<64x768xf32, #tpu.memory_space<vmem>> -> memref<32x768xf32, #tpu.memory_space<vmem>>
    %dma_start3A_16 = arith.constant 32 : i32
    %dma_start3A_17 = tpu.memref_slice %arg5[%dma_start3A_16] : memref<512xi32, #tpu.memory_space<vmem>> -> memref<32xi32, #tpu.memory_space<vmem>>
    %dma_start3A_18 = arith.constant 0 : i32
    %dma_start3A_19 = arith.constant 0 : i32
    %dma_start3A_20 = tpu.memref_slice %arg3[%dma_start3A_18, %dma_start3A_19] : memref<30522x768xf32, #tpu.memory_space<hbm>> -> memref<30522x768xf32, #tpu.memory_space<hbm>>
    tpu.enqueue_indirect_dma source(%dma_start3A_20 : memref<30522x768xf32, #tpu.memory_space<hbm>>) target(%dma_start3A_15 : memref<32x768xf32, #tpu.memory_space<vmem>>) offsets(%dma_start3A_17 : memref<32xi32, #tpu.memory_space<vmem>>) semaphore(%arg9 : memref<!tpu.dma_semaphore, #tpu.memory_space<semaphore_mem>>)
    %dma_wait3A_21 = arith.constant 0 : i32
    %dma_wait3A_22 = arith.constant 0 : i32
    %dma_wait3A_23 = tpu.memref_slice %arg6[%dma_wait3A_21, %dma_wait3A_22] : memref<64x768xf32, #tpu.memory_space<vmem>> -> memref<32x768xf32, #tpu.memory_space<vmem>>
    %dma_wait3A_24 = arith.constant 0 : i32
    %dma_wait3A_25 = tpu.memref_slice %arg5[%dma_wait3A_24] : memref<512xi32, #tpu.memory_space<vmem>> -> memref<32xi32, #tpu.memory_space<vmem>>
    %dma_wait3A_26 = arith.constant 0 : i32
    %dma_wait3A_27 = arith.constant 0 : i32
    %dma_wait3A_28 = tpu.memref_slice %arg3[%dma_wait3A_26, %dma_wait3A_27] : memref<30522x768xf32, #tpu.memory_space<hbm>> -> memref<30522x768xf32, #tpu.memory_space<hbm>>
    tpu.wait_indirect_dma semaphore(%arg8 : memref<!tpu.dma_semaphore, #tpu.memory_space<semaphore_mem>>) src(%dma_wait3A_28 : memref<30522x768xf32, #tpu.memory_space<hbm>>) dst(%dma_wait3A_23 : memref<32x768xf32, #tpu.memory_space<vmem>>)
    %parallel_loop3A = arith.constant 0 : i32
    %parallel_loop3A_29 = arith.constant 32 : i32
    %parallel_loop3A_30 = arith.constant 1 : i32
    scf.for %parallel_loop3A_135 = %parallel_loop3A to %parallel_loop3A_29 step %parallel_loop3A_30  : i32 {
      %parallel_loop3A_136 = arith.constant 0 : i32
      %parallel_loop3A_137 = arith.addi %parallel_loop3A_136, %parallel_loop3A_135 : i32
      %parallel_loop3A_138 = arith.constant 0 : i32
      %parallel_loop3A_139 = arith.addi %parallel_loop3A_138, %parallel_loop3A_135 : i32
      %parallel_loop3A_140 = arith.index_cast %parallel_loop3A_137 : i32 to index
      %parallel_loop3A_141 = arith.constant 0 : index
      %parallel_loop3A_142 = tpu.vector_load %arg6[%parallel_loop3A_140, %parallel_loop3A_141] {strides = array<i32>} : memref<64x768xf32, #tpu.memory_space<vmem>>, vector<16xf32>,
      %parallel_loop3A_143 = arith.index_cast %parallel_loop3A_137 : i32 to index
      %parallel_loop3A_144 = arith.constant 384 : index
      %parallel_loop3A_145 = tpu.vector_load %arg6[%parallel_loop3A_143, %parallel_loop3A_144] {strides = array<i32>} : memref<64x768xf32, #tpu.memory_space<vmem>>, vector<16xf32>,
      %parallel_loop3A_146 = tpu.pack_subelements %parallel_loop3A_142, %parallel_loop3A_145 {pack_format = #tpu.pack_format<interleaved>, positions = array<i32: 0, 1>} : vector<16xf32>, vector<16xf32> -> vector<32xbf16>
      %parallel_loop3A_147 = vector.bitcast %parallel_loop3A_146 : vector<32xbf16> to vector<16xi32>
      %parallel_loop3A_148 = arith.index_cast %parallel_loop3A_139 : i32 to index
      %parallel_loop3A_149 = arith.constant 0 : index
      %parallel_loop3A_150 = tpu.vector_load %arg7[%parallel_loop3A_148, %parallel_loop3A_149] {strides = array<i32>} : memref<64x384xi32, #tpu.memory_space<vmem>>, vector<16xi32>,
      tpu.vector_store %arg7[%parallel_loop3A_148, %parallel_loop3A_149], %parallel_loop3A_147 {strides = array<i32>} : memref<64x384xi32, #tpu.memory_space<vmem>>, vector<16xi32>,
      %parallel_loop3A_151 = arith.index_cast %parallel_loop3A_137 : i32 to index
      %parallel_loop3A_152 = arith.constant 16 : index
      %parallel_loop3A_153 = tpu.vector_load %arg6[%parallel_loop3A_151, %parallel_loop3A_152] {strides = array<i32>} : memref<64x768xf32, #tpu.memory_space<vmem>>, vector<16xf32>,
      %parallel_loop3A_154 = arith.index_cast %parallel_loop3A_137 : i32 to index
      %parallel_loop3A_155 = arith.constant 400 : index
      %parallel_loop3A_156 = tpu.vector_load %arg6[%parallel_loop3A_154, %parallel_loop3A_155] {strides = array<i32>} : memref<64x768xf32, #tpu.memory_space<vmem>>, vector<16xf32>,
      %parallel_loop3A_157 = tpu.pack_subelements %parallel_loop3A_153, %parallel_loop3A_156 {pack_format = #tpu.pack_format<interleaved>, positions = array<i32: 0, 1>} : vector<16xf32>, vector<16xf32> -> vector<32xbf16>
      %parallel_loop3A_158 = vector.bitcast %parallel_loop3A_157 : vector<32xbf16> to vector<16xi32>
      %parallel_loop3A_159 = arith.index_cast %parallel_loop3A_139 : i32 to index
      %parallel_loop3A_160 = arith.constant 16 : index
      %parallel_loop3A_161 = tpu.vector_load %arg7[%parallel_loop3A_159, %parallel_loop3A_160] {strides = array<i32>} : memref<64x384xi32, #tpu.memory_space<vmem>>, vector<16xi32>,
      tpu.vector_store %arg7[%parallel_loop3A_159, %parallel_loop3A_160], %parallel_loop3A_158 {strides = array<i32>} : memref<64x384xi32, #tpu.memory_space<vmem>>, vector<16xi32>,
      %parallel_loop3A_162 = arith.index_cast %parallel_loop3A_137 : i32 to index
      %parallel_loop3A_163 = arith.constant 32 : index
      %parallel_loop3A_164 = tpu.vector_load %arg6[%parallel_loop3A_162, %parallel_loop3A_163] {strides = array<i32>} : memref<64x768xf32, #tpu.memory_space<vmem>>, vector<16xf32>,
      %parallel_loop3A_165 = arith.index_cast %parallel_loop3A_137 : i32 to index
      %parallel_loop3A_166 = arith.constant 416 : index
      %parallel_loop3A_167 = tpu.vector_load %arg6[%parallel_loop3A_165, %parallel_loop3A_166] {strides = array<i32>} : memref<64x768xf32, #tpu.memory_space<vmem>>, vector<16xf32>,
      %parallel_loop3A_168 = tpu.pack_subelements %parallel_loop3A_164, %parallel_loop3A_167 {pack_format = #tpu.pack_format<interleaved>, positions = array<i32: 0, 1>} : vector<16xf32>, vector<16xf32> -> vector<32xbf16>
      %parallel_loop3A_169 = vector.bitcast %parallel_loop3A_168 : vector<32xbf16> to vector<16xi32>
      %parallel_loop3A_170 = arith.index_cast %parallel_loop3A_139 : i32 to index
      %parallel_loop3A_171 = arith.constant 32 : index
      %parallel_loop3A_172 = tpu.vector_load %arg7[%parallel_loop3A_170, %parallel_loop3A_171] {strides = array<i32>} : memref<64x384xi32, #tpu.memory_space<vmem>>, vector<16xi32>,
      tpu.vector_store %arg7[%parallel_loop3A_170, %parallel_loop3A_171], %parallel_loop3A_169 {strides = array<i32>} : memref<64x384xi32, #tpu.memory_space<vmem>>, vector<16xi32>,
      %parallel_loop3A_173 = arith.index_cast %parallel_loop3A_137 : i32 to index
      %parallel_loop3A_174 = arith.constant 48 : index
      %parallel_loop3A_175 = tpu.vector_load %arg6[%parallel_loop3A_173, %parallel_loop3A_174] {strides = array<i32>} : memref<64x768xf32, #tpu.memory_space<vmem>>, vector<16xf32>,
      %parallel_loop3A_176 = arith.index_cast %parallel_loop3A_137 : i32 to index
      %parallel_loop3A_177 = arith.constant 432 : index
      %parallel_loop3A_178 = tpu.vector_load %arg6[%parallel_loop3A_176, %parallel_loop3A_177] {strides = array<i32>} : memref<64x768xf32, #tpu.memory_space<vmem>>, vector<16xf32>,
      %parallel_loop3A_179 = tpu.pack_subelements %parallel_loop3A_175, %parallel_loop3A_178 {pack_format = #tpu.pack_format<interleaved>, positions = array<i32: 0, 1>} : vector<16xf32>, vector<16xf32> -> vector<32xbf16>
      %parallel_loop3A_180 = vector.bitcast %parallel_loop3A_179 : vector<32xbf16> to vector<16xi32>
      %parallel_loop3A_181 = arith.index_cast %parallel_loop3A_139 : i32 to index
      %parallel_loop3A_182 = arith.constant 48 : index
      %parallel_loop3A_183 = tpu.vector_load %arg7[%parallel_loop3A_181, %parallel_loop3A_182] {strides = array<i32>} : memref<64x384xi32, #tpu.memory_space<vmem>>, vector<16xi32>,
      tpu.vector_store %arg7[%parallel_loop3A_181, %parallel_loop3A_182], %parallel_loop3A_180 {strides = array<i32>} : memref<64x384xi32, #tpu.memory_space<vmem>>, vector<16xi32>,
      %parallel_loop3A_184 = arith.index_cast %parallel_loop3A_137 : i32 to index
      %parallel_loop3A_185 = arith.constant 64 : index
      %parallel_loop3A_186 = tpu.vector_load %arg6[%parallel_loop3A_184, %parallel_loop3A_185] {strides = array<i32>} : memref<64x768xf32, #tpu.memory_space<vmem>>, vector<16xf32>,
      %parallel_loop3A_187 = arith.index_cast %parallel_loop3A_137 : i32 to index
      %parallel_loop3A_188 = arith.constant 448 : index
      %parallel_loop3A_189 = tpu.vector_load %arg6[%parallel_loop3A_187, %parallel_loop3A_188] {strides = array<i32>} : memref<64x768xf32, #tpu.memory_space<vmem>>, vector<16xf32>,
      %parallel_loop3A_190 = tpu.pack_subelements %parallel_loop3A_186, %parallel_loop3A_189 {pack_format = #tpu.pack_format<interleaved>, positions = array<i32: 0, 1>} : vector<16xf32>, vector<16xf32> -> vector<32xbf16>
      %parallel_loop3A_191 = vector.bitcast %parallel_loop3A_190 : vector<32xbf16> to vector<16xi32>
      %parallel_loop3A_192 = arith.index_cast %parallel_loop3A_139 : i32 to index
      %parallel_loop3A_193 = arith.constant 64 : index
      %parallel_loop3A_194 = tpu.vector_load %arg7[%parallel_loop3A_192, %parallel_loop3A_193] {strides = array<i32>} : memref<64x384xi32, #tpu.memory_space<vmem>>, vector<16xi32>,
      tpu.vector_store %arg7[%parallel_loop3A_192, %parallel_loop3A_193], %parallel_loop3A_191 {strides = array<i32>} : memref<64x384xi32, #tpu.memory_space<vmem>>, vector<16xi32>,
      %parallel_loop3A_195 = arith.index_cast %parallel_loop3A_137 : i32 to index
      %parallel_loop3A_196 = arith.constant 80 : index
      %parallel_loop3A_197 = tpu.vector_load %arg6[%parallel_loop3A_195, %parallel_loop3A_196] {strides = array<i32>} : memref<64x768xf32, #tpu.memory_space<vmem>>, vector<16xf32>,
      %parallel_loop3A_198 = arith.index_cast %parallel_loop3A_137 : i32 to index
      %parallel_loop3A_199 = arith.constant 464 : index
      %parallel_loop3A_200 = tpu.vector_load %arg6[%parallel_loop3A_198, %parallel_loop3A_199] {strides = array<i32>} : memref<64x768xf32, #tpu.memory_space<vmem>>, vector<16xf32>,
      %parallel_loop3A_201 = tpu.pack_subelements %parallel_loop3A_197, %parallel_loop3A_200 {pack_format = #tpu.pack_format<interleaved>, positions = array<i32: 0, 1>} : vector<16xf32>, vector<16xf32> -> vector<32xbf16>
      %parallel_loop3A_202 = vector.bitcast %parallel_loop3A_201 : vector<32xbf16> to vector<16xi32>
      %parallel_loop3A_203 = arith.index_cast %parallel_loop3A_139 : i32 to index
      %parallel_loop3A_204 = arith.constant 80 : index
      %parallel_loop3A_205 = tpu.vector_load %arg7[%parallel_loop3A_203, %parallel_loop3A_204] {strides = array<i32>} : memref<64x384xi32, #tpu.memory_space<vmem>>, vector<16xi32>,
      tpu.vector_store %arg7[%parallel_loop3A_203, %parallel_loop3A_204], %parallel_loop3A_202 {strides = array<i32>} : memref<64x384xi32, #tpu.memory_space<vmem>>, vector<16xi32>,
      %parallel_loop3A_206 = arith.index_cast %parallel_loop3A_137 : i32 to index
      %parallel_loop3A_207 = arith.constant 96 : index
      %parallel_loop3A_208 = tpu.vector_load %arg6[%parallel_loop3A_206, %parallel_loop3A_207] {strides = array<i32>} : memref<64x768xf32, #tpu.memory_space<vmem>>, vector<16xf32>,
      %parallel_loop3A_209 = arith.index_cast %parallel_loop3A_137 : i32 to index
      %parallel_loop3A_210 = arith.constant 480 : index
      %parallel_loop3A_211 = tpu.vector_load %arg6[%parallel_loop3A_209, %parallel_loop3A_210] {strides = array<i32>} : memref<64x768xf32, #tpu.memory_space<vmem>>, vector<16xf32>,
      %parallel_loop3A_212 = tpu.pack_subelements %parallel_loop3A_208, %parallel_loop3A_211 {pack_format = #tpu.pack_format<interleaved>, positions = array<i32: 0, 1>} : vector<16xf32>, vector<16xf32> -> vector<32xbf16>
      %parallel_loop3A_213 = vector.bitcast %parallel_loop3A_212 : vector<32xbf16> to vector<16xi32>
      %parallel_loop3A_214 = arith.index_cast %parallel_loop3A_139 : i32 to index
      %parallel_loop3A_215 = arith.constant 96 : index
      %parallel_loop3A_216 = tpu.vector_load %arg7[%parallel_loop3A_214, %parallel_loop3A_215] {strides = array<i32>} : memref<64x384xi32, #tpu.memory_space<vmem>>, vector<16xi32>,
      tpu.vector_store %arg7[%parallel_loop3A_214, %parallel_loop3A_215], %parallel_loop3A_213 {strides = array<i32>} : memref<64x384xi32, #tpu.memory_space<vmem>>, vector<16xi32>,
      %parallel_loop3A_217 = arith.index_cast %parallel_loop3A_137 : i32 to index
      %parallel_loop3A_218 = arith.constant 112 : index
      %parallel_loop3A_219 = tpu.vector_load %arg6[%parallel_loop3A_217, %parallel_loop3A_218] {strides = array<i32>} : memref<64x768xf32, #tpu.memory_space<vmem>>, vector<16xf32>,
      %parallel_loop3A_220 = arith.index_cast %parallel_loop3A_137 : i32 to index
      %parallel_loop3A_221 = arith.constant 496 : index
      %parallel_loop3A_222 = tpu.vector_load %arg6[%parallel_loop3A_220, %parallel_loop3A_221] {strides = array<i32>} : memref<64x768xf32, #tpu.memory_space<vmem>>, vector<16xf32>,
      %parallel_loop3A_223 = tpu.pack_subelements %parallel_loop3A_219, %parallel_loop3A_222 {pack_format = #tpu.pack_format<interleaved>, positions = array<i32: 0, 1>} : vector<16xf32>, vector<16xf32> -> vector<32xbf16>
      %parallel_loop3A_224 = vector.bitcast %parallel_loop3A_223 : vector<32xbf16> to vector<16xi32>
      %parallel_loop3A_225 = arith.index_cast %parallel_loop3A_139 : i32 to index
      %parallel_loop3A_226 = arith.constant 112 : index
      %parallel_loop3A_227 = tpu.vector_load %arg7[%parallel_loop3A_225, %parallel_loop3A_226] {strides = array<i32>} : memref<64x384xi32, #tpu.memory_space<vmem>>, vector<16xi32>,
      tpu.vector_store %arg7[%parallel_loop3A_225, %parallel_loop3A_226], %parallel_loop3A_224 {strides = array<i32>} : memref<64x384xi32, #tpu.memory_space<vmem>>, vector<16xi32>,
      %parallel_loop3A_228 = arith.index_cast %parallel_loop3A_137 : i32 to index
      %parallel_loop3A_229 = arith.constant 128 : index
      %parallel_loop3A_230 = tpu.vector_load %arg6[%parallel_loop3A_228, %parallel_loop3A_229] {strides = array<i32>} : memref<64x768xf32, #tpu.memory_space<vmem>>, vector<16xf32>,
      %parallel_loop3A_231 = arith.index_cast %parallel_loop3A_137 : i32 to index
      %parallel_loop3A_232 = arith.constant 512 : index
      %parallel_loop3A_233 = tpu.vector_load %arg6[%parallel_loop3A_231, %parallel_loop3A_232] {strides = array<i32>} : memref<64x768xf32, #tpu.memory_space<vmem>>, vector<16xf32>,
      %parallel_loop3A_234 = tpu.pack_subelements %parallel_loop3A_230, %parallel_loop3A_233 {pack_format = #tpu.pack_format<interleaved>, positions = array<i32: 0, 1>} : vector<16xf32>, vector<16xf32> -> vector<32xbf16>
      %parallel_loop3A_235 = vector.bitcast %parallel_loop3A_234 : vector<32xbf16> to vector<16xi32>
      %parallel_loop3A_236 = arith.index_cast %parallel_loop3A_139 : i32 to index
      %parallel_loop3A_237 = arith.constant 128 : index
      %parallel_loop3A_238 = tpu.vector_load %arg7[%parallel_loop3A_236, %parallel_loop3A_237] {strides = array<i32>} : memref<64x384xi32, #tpu.memory_space<vmem>>, vector<16xi32>,
      tpu.vector_store %arg7[%parallel_loop3A_236, %parallel_loop3A_237], %parallel_loop3A_235 {strides = array<i32>} : memref<64x384xi32, #tpu.memory_space<vmem>>, vector<16xi32>,
      %parallel_loop3A_239 = arith.index_cast %parallel_loop3A_137 : i32 to index
      %parallel_loop3A_240 = arith.constant 144 : index
      %parallel_loop3A_241 = tpu.vector_load %arg6[%parallel_loop3A_239, %parallel_loop3A_240] {strides = array<i32>} : memref<64x768xf32, #tpu.memory_space<vmem>>, vector<16xf32>,
      %parallel_loop3A_242 = arith.index_cast %parallel_loop3A_137 : i32 to index
      %parallel_loop3A_243 = arith.constant 528 : index
      %parallel_loop3A_244 = tpu.vector_load %arg6[%parallel_loop3A_242, %parallel_loop3A_243] {strides = array<i32>} : memref<64x768xf32, #tpu.memory_space<vmem>>, vector<16xf32>,
      %parallel_loop3A_245 = tpu.pack_subelements %parallel_loop3A_241, %parallel_loop3A_244 {pack_format = #tpu.pack_format<interleaved>, positions = array<i32: 0, 1>} : vector<16xf32>, vector<16xf32> -> vector<32xbf16>
      %parallel_loop3A_246 = vector.bitcast %parallel_loop3A_245 : vector<32xbf16> to vector<16xi32>
      %parallel_loop3A_247 = arith.index_cast %parallel_loop3A_139 : i32 to index
      %parallel_loop3A_248 = arith.constant 144 : index
      %parallel_loop3A_249 = tpu.vector_load %arg7[%parallel_loop3A_247, %parallel_loop3A_248] {strides = array<i32>} : memref<64x384xi32, #tpu.memory_space<vmem>>, vector<16xi32>,
      tpu.vector_store %arg7[%parallel_loop3A_247, %parallel_loop3A_248], %parallel_loop3A_246 {strides = array<i32>} : memref<64x384xi32, #tpu.memory_space<vmem>>, vector<16xi32>,
      %parallel_loop3A_250 = arith.index_cast %parallel_loop3A_137 : i32 to index
      %parallel_loop3A_251 = arith.constant 160 : index
      %parallel_loop3A_252 = tpu.vector_load %arg6[%parallel_loop3A_250, %parallel_loop3A_251] {strides = array<i32>} : memref<64x768xf32, #tpu.memory_space<vmem>>, vector<16xf32>,
      %parallel_loop3A_253 = arith.index_cast %parallel_loop3A_137 : i32 to index
      %parallel_loop3A_254 = arith.constant 544 : index
      %parallel_loop3A_255 = tpu.vector_load %arg6[%parallel_loop3A_253, %parallel_loop3A_254] {strides = array<i32>} : memref<64x768xf32, #tpu.memory_space<vmem>>, vector<16xf32>,
      %parallel_loop3A_256 = tpu.pack_subelements %parallel_loop3A_252, %parallel_loop3A_255 {pack_format = #tpu.pack_format<interleaved>, positions = array<i32: 0, 1>} : vector<16xf32>, vector<16xf32> -> vector<32xbf16>
      %parallel_loop3A_257 = vector.bitcast %parallel_loop3A_256 : vector<32xbf16> to vector<16xi32>
      %parallel_loop3A_258 = arith.index_cast %parallel_loop3A_139 : i32 to index
      %parallel_loop3A_259 = arith.constant 160 : index
      %parallel_loop3A_260 = tpu.vector_load %arg7[%parallel_loop3A_258, %parallel_loop3A_259] {strides = array<i32>} : memref<64x384xi32, #tpu.memory_space<vmem>>, vector<16xi32>,
      tpu.vector_store %arg7[%parallel_loop3A_258, %parallel_loop3A_259], %parallel_loop3A_257 {strides = array<i32>} : memref<64x384xi32, #tpu.memory_space<vmem>>, vector<16xi32>,
      %parallel_loop3A_261 = arith.index_cast %parallel_loop3A_137 : i32 to index
      %parallel_loop3A_262 = arith.constant 176 : index
      %parallel_loop3A_263 = tpu.vector_load %arg6[%parallel_loop3A_261, %parallel_loop3A_262] {strides = array<i32>} : memref<64x768xf32, #tpu.memory_space<vmem>>, vector<16xf32>,
      %parallel_loop3A_264 = arith.index_cast %parallel_loop3A_137 : i32 to index
      %parallel_loop3A_265 = arith.constant 560 : index
      %parallel_loop3A_266 = tpu.vector_load %arg6[%parallel_loop3A_264, %parallel_loop3A_265] {strides = array<i32>} : memref<64x768xf32, #tpu.memory_space<vmem>>, vector<16xf32>,
      %parallel_loop3A_267 = tpu.pack_subelements %parallel_loop3A_263, %parallel_loop3A_266 {pack_format = #tpu.pack_format<interleaved>, positions = array<i32: 0, 1>} : vector<16xf32>, vector<16xf32> -> vector<32xbf16>
      %parallel_loop3A_268 = vector.bitcast %parallel_loop3A_267 : vector<32xbf16> to vector<16xi32>
      %parallel_loop3A_269 = arith.index_cast %parallel_loop3A_139 : i32 to index
      %parallel_loop3A_270 = arith.constant 176 : index
      %parallel_loop3A_271 = tpu.vector_load %arg7[%parallel_loop3A_269, %parallel_loop3A_270] {strides = array<i32>} : memref<64x384xi32, #tpu.memory_space<vmem>>, vector<16xi32>,
      tpu.vector_store %arg7[%parallel_loop3A_269, %parallel_loop3A_270], %parallel_loop3A_268 {strides = array<i32>} : memref<64x384xi32, #tpu.memory_space<vmem>>, vector<16xi32>,
      %parallel_loop3A_272 = arith.index_cast %parallel_loop3A_137 : i32 to index
      %parallel_loop3A_273 = arith.constant 192 : index
      %parallel_loop3A_274 = tpu.vector_load %arg6[%parallel_loop3A_272, %parallel_loop3A_273] {strides = array<i32>} : memref<64x768xf32, #tpu.memory_space<vmem>>, vector<16xf32>,
      %parallel_loop3A_275 = arith.index_cast %parallel_loop3A_137 : i32 to index
      %parallel_loop3A_276 = arith.constant 576 : index
      %parallel_loop3A_277 = tpu.vector_load %arg6[%parallel_loop3A_275, %parallel_loop3A_276] {strides = array<i32>} : memref<64x768xf32, #tpu.memory_space<vmem>>, vector<16xf32>,
      %parallel_loop3A_278 = tpu.pack_subelements %parallel_loop3A_274, %parallel_loop3A_277 {pack_format = #tpu.pack_format<interleaved>, positions = array<i32: 0, 1>} : vector<16xf32>, vector<16xf32> -> vector<32xbf16>
      %parallel_loop3A_279 = vector.bitcast %parallel_loop3A_278 : vector<32xbf16> to vector<16xi32>
      %parallel_loop3A_280 = arith.index_cast %parallel_loop3A_139 : i32 to index
      %parallel_loop3A_281 = arith.constant 192 : index
      %parallel_loop3A_282 = tpu.vector_load %arg7[%parallel_loop3A_280, %parallel_loop3A_281] {strides = array<i32>} : memref<64x384xi32, #tpu.memory_space<vmem>>, vector<16xi32>,
      tpu.vector_store %arg7[%parallel_loop3A_280, %parallel_loop3A_281], %parallel_loop3A_279 {strides = array<i32>} : memref<64x384xi32, #tpu.memory_space<vmem>>, vector<16xi32>,
      %parallel_loop3A_283 = arith.index_cast %parallel_loop3A_137 : i32 to index
      %parallel_loop3A_284 = arith.constant 208 : index
      %parallel_loop3A_285 = tpu.vector_load %arg6[%parallel_loop3A_283, %parallel_loop3A_284] {strides = array<i32>} : memref<64x768xf32, #tpu.memory_space<vmem>>, vector<16xf32>,
      %parallel_loop3A_286 = arith.index_cast %parallel_loop3A_137 : i32 to index
      %parallel_loop3A_287 = arith.constant 592 : index
      %parallel_loop3A_288 = tpu.vector_load %arg6[%parallel_loop3A_286, %parallel_loop3A_287] {strides = array<i32>} : memref<64x768xf32, #tpu.memory_space<vmem>>, vector<16xf32>,
      %parallel_loop3A_289 = tpu.pack_subelements %parallel_loop3A_285, %parallel_loop3A_288 {pack_format = #tpu.pack_format<interleaved>, positions = array<i32: 0, 1>} : vector<16xf32>, vector<16xf32> -> vector<32xbf16>
      %parallel_loop3A_290 = vector.bitcast %parallel_loop3A_289 : vector<32xbf16> to vector<16xi32>
      %parallel_loop3A_291 = arith.index_cast %parallel_loop3A_139 : i32 to index
      %parallel_loop3A_292 = arith.constant 208 : index
      %parallel_loop3A_293 = tpu.vector_load %arg7[%parallel_loop3A_291, %parallel_loop3A_292] {strides = array<i32>} : memref<64x384xi32, #tpu.memory_space<vmem>>, vector<16xi32>,
      tpu.vector_store %arg7[%parallel_loop3A_291, %parallel_loop3A_292], %parallel_loop3A_290 {strides = array<i32>} : memref<64x384xi32, #tpu.memory_space<vmem>>, vector<16xi32>,
      %parallel_loop3A_294 = arith.index_cast %parallel_loop3A_137 : i32 to index
      %parallel_loop3A_295 = arith.constant 224 : index
      %parallel_loop3A_296 = tpu.vector_load %arg6[%parallel_loop3A_294, %parallel_loop3A_295] {strides = array<i32>} : memref<64x768xf32, #tpu.memory_space<vmem>>, vector<16xf32>,
      %parallel_loop3A_297 = arith.index_cast %parallel_loop3A_137 : i32 to index
      %parallel_loop3A_298 = arith.constant 608 : index
      %parallel_loop3A_299 = tpu.vector_load %arg6[%parallel_loop3A_297, %parallel_loop3A_298] {strides = array<i32>} : memref<64x768xf32, #tpu.memory_space<vmem>>, vector<16xf32>,
      %parallel_loop3A_300 = tpu.pack_subelements %parallel_loop3A_296, %parallel_loop3A_299 {pack_format = #tpu.pack_format<interleaved>, positions = array<i32: 0, 1>} : vector<16xf32>, vector<16xf32> -> vector<32xbf16>
      %parallel_loop3A_301 = vector.bitcast %parallel_loop3A_300 : vector<32xbf16> to vector<16xi32>
      %parallel_loop3A_302 = arith.index_cast %parallel_loop3A_139 : i32 to index
      %parallel_loop3A_303 = arith.constant 224 : index
      %parallel_loop3A_304 = tpu.vector_load %arg7[%parallel_loop3A_302, %parallel_loop3A_303] {strides = array<i32>} : memref<64x384xi32, #tpu.memory_space<vmem>>, vector<16xi32>,
      tpu.vector_store %arg7[%parallel_loop3A_302, %parallel_loop3A_303], %parallel_loop3A_301 {strides = array<i32>} : memref<64x384xi32, #tpu.memory_space<vmem>>, vector<16xi32>,
      %parallel_loop3A_305 = arith.index_cast %parallel_loop3A_137 : i32 to index
      %parallel_loop3A_306 = arith.constant 240 : index
      %parallel_loop3A_307 = tpu.vector_load %arg6[%parallel_loop3A_305, %parallel_loop3A_306] {strides = array<i32>} : memref<64x768xf32, #tpu.memory_space<vmem>>, vector<16xf32>,
      %parallel_loop3A_308 = arith.index_cast %parallel_loop3A_137 : i32 to index
      %parallel_loop3A_309 = arith.constant 624 : index
      %parallel_loop3A_310 = tpu.vector_load %arg6[%parallel_loop3A_308, %parallel_loop3A_309] {strides = array<i32>} : memref<64x768xf32, #tpu.memory_space<vmem>>, vector<16xf32>,
      %parallel_loop3A_311 = tpu.pack_subelements %parallel_loop3A_307, %parallel_loop3A_310 {pack_format = #tpu.pack_format<interleaved>, positions = array<i32: 0, 1>} : vector<16xf32>, vector<16xf32> -> vector<32xbf16>
      %parallel_loop3A_312 = vector.bitcast %parallel_loop3A_311 : vector<32xbf16> to vector<16xi32>
      %parallel_loop3A_313 = arith.index_cast %parallel_loop3A_139 : i32 to index
      %parallel_loop3A_314 = arith.constant 240 : index
      %parallel_loop3A_315 = tpu.vector_load %arg7[%parallel_loop3A_313, %parallel_loop3A_314] {strides = array<i32>} : memref<64x384xi32, #tpu.memory_space<vmem>>, vector<16xi32>,
      tpu.vector_store %arg7[%parallel_loop3A_313, %parallel_loop3A_314], %parallel_loop3A_312 {strides = array<i32>} : memref<64x384xi32, #tpu.memory_space<vmem>>, vector<16xi32>,
      %parallel_loop3A_316 = arith.index_cast %parallel_loop3A_137 : i32 to index
      %parallel_loop3A_317 = arith.constant 256 : index
      %parallel_loop3A_318 = tpu.vector_load %arg6[%parallel_loop3A_316, %parallel_loop3A_317] {strides = array<i32>} : memref<64x768xf32, #tpu.memory_space<vmem>>, vector<16xf32>,
      %parallel_loop3A_319 = arith.index_cast %parallel_loop3A_137 : i32 to index
      %parallel_loop3A_320 = arith.constant 640 : index
      %parallel_loop3A_321 = tpu.vector_load %arg6[%parallel_loop3A_319, %parallel_loop3A_320] {strides = array<i32>} : memref<64x768xf32, #tpu.memory_space<vmem>>, vector<16xf32>,
      %parallel_loop3A_322 = tpu.pack_subelements %parallel_loop3A_318, %parallel_loop3A_321 {pack_format = #tpu.pack_format<interleaved>, positions = array<i32: 0, 1>} : vector<16xf32>, vector<16xf32> -> vector<32xbf16>
      %parallel_loop3A_323 = vector.bitcast %parallel_loop3A_322 : vector<32xbf16> to vector<16xi32>
      %parallel_loop3A_324 = arith.index_cast %parallel_loop3A_139 : i32 to index
      %parallel_loop3A_325 = arith.constant 256 : index
      %parallel_loop3A_326 = tpu.vector_load %arg7[%parallel_loop3A_324, %parallel_loop3A_325] {strides = array<i32>} : memref<64x384xi32, #tpu.memory_space<vmem>>, vector<16xi32>,
      tpu.vector_store %arg7[%parallel_loop3A_324, %parallel_loop3A_325], %parallel_loop3A_323 {strides = array<i32>} : memref<64x384xi32, #tpu.memory_space<vmem>>, vector<16xi32>,
      %parallel_loop3A_327 = arith.index_cast %parallel_loop3A_137 : i32 to index
      %parallel_loop3A_328 = arith.constant 272 : index
      %parallel_loop3A_329 = tpu.vector_load %arg6[%parallel_loop3A_327, %parallel_loop3A_328] {strides = array<i32>} : memref<64x768xf32, #tpu.memory_space<vmem>>, vector<16xf32>,
      %parallel_loop3A_330 = arith.index_cast %parallel_loop3A_137 : i32 to index
      %parallel_loop3A_331 = arith.constant 656 : index
      %parallel_loop3A_332 = tpu.vector_load %arg6[%parallel_loop3A_330, %parallel_loop3A_331] {strides = array<i32>} : memref<64x768xf32, #tpu.memory_space<vmem>>, vector<16xf32>,
      %parallel_loop3A_333 = tpu.pack_subelements %parallel_loop3A_329, %parallel_loop3A_332 {pack_format = #tpu.pack_format<interleaved>, positions = array<i32: 0, 1>} : vector<16xf32>, vector<16xf32> -> vector<32xbf16>
      %parallel_loop3A_334 = vector.bitcast %parallel_loop3A_333 : vector<32xbf16> to vector<16xi32>
      %parallel_loop3A_335 = arith.index_cast %parallel_loop3A_139 : i32 to index
      %parallel_loop3A_336 = arith.constant 272 : index
      %parallel_loop3A_337 = tpu.vector_load %arg7[%parallel_loop3A_335, %parallel_loop3A_336] {strides = array<i32>} : memref<64x384xi32, #tpu.memory_space<vmem>>, vector<16xi32>,
      tpu.vector_store %arg7[%parallel_loop3A_335, %parallel_loop3A_336], %parallel_loop3A_334 {strides = array<i32>} : memref<64x384xi32, #tpu.memory_space<vmem>>, vector<16xi32>,
      %parallel_loop3A_338 = arith.index_cast %parallel_loop3A_137 : i32 to index
      %parallel_loop3A_339 = arith.constant 288 : index
      %parallel_loop3A_340 = tpu.vector_load %arg6[%parallel_loop3A_338, %parallel_loop3A_339] {strides = array<i32>} : memref<64x768xf32, #tpu.memory_space<vmem>>, vector<16xf32>,
      %parallel_loop3A_341 = arith.index_cast %parallel_loop3A_137 : i32 to index
      %parallel_loop3A_342 = arith.constant 672 : index
      %parallel_loop3A_343 = tpu.vector_load %arg6[%parallel_loop3A_341, %parallel_loop3A_342] {strides = array<i32>} : memref<64x768xf32, #tpu.memory_space<vmem>>, vector<16xf32>,
      %parallel_loop3A_344 = tpu.pack_subelements %parallel_loop3A_340, %parallel_loop3A_343 {pack_format = #tpu.pack_format<interleaved>, positions = array<i32: 0, 1>} : vector<16xf32>, vector<16xf32> -> vector<32xbf16>
      %parallel_loop3A_345 = vector.bitcast %parallel_loop3A_344 : vector<32xbf16> to vector<16xi32>
      %parallel_loop3A_346 = arith.index_cast %parallel_loop3A_139 : i32 to index
      %parallel_loop3A_347 = arith.constant 288 : index
      %parallel_loop3A_348 = tpu.vector_load %arg7[%parallel_loop3A_346, %parallel_loop3A_347] {strides = array<i32>} : memref<64x384xi32, #tpu.memory_space<vmem>>, vector<16xi32>,
      tpu.vector_store %arg7[%parallel_loop3A_346, %parallel_loop3A_347], %parallel_loop3A_345 {strides = array<i32>} : memref<64x384xi32, #tpu.memory_space<vmem>>, vector<16xi32>,
      %parallel_loop3A_349 = arith.index_cast %parallel_loop3A_137 : i32 to index
      %parallel_loop3A_350 = arith.constant 304 : index
      %parallel_loop3A_351 = tpu.vector_load %arg6[%parallel_loop3A_349, %parallel_loop3A_350] {strides = array<i32>} : memref<64x768xf32, #tpu.memory_space<vmem>>, vector<16xf32>,
      %parallel_loop3A_352 = arith.index_cast %parallel_loop3A_137 : i32 to index
      %parallel_loop3A_353 = arith.constant 688 : index
      %parallel_loop3A_354 = tpu.vector_load %arg6[%parallel_loop3A_352, %parallel_loop3A_353] {strides = array<i32>} : memref<64x768xf32, #tpu.memory_space<vmem>>, vector<16xf32>,
      %parallel_loop3A_355 = tpu.pack_subelements %parallel_loop3A_351, %parallel_loop3A_354 {pack_format = #tpu.pack_format<interleaved>, positions = array<i32: 0, 1>} : vector<16xf32>, vector<16xf32> -> vector<32xbf16>
      %parallel_loop3A_356 = vector.bitcast %parallel_loop3A_355 : vector<32xbf16> to vector<16xi32>
      %parallel_loop3A_357 = arith.index_cast %parallel_loop3A_139 : i32 to index
      %parallel_loop3A_358 = arith.constant 304 : index
      %parallel_loop3A_359 = tpu.vector_load %arg7[%parallel_loop3A_357, %parallel_loop3A_358] {strides = array<i32>} : memref<64x384xi32, #tpu.memory_space<vmem>>, vector<16xi32>,
      tpu.vector_store %arg7[%parallel_loop3A_357, %parallel_loop3A_358], %parallel_loop3A_356 {strides = array<i32>} : memref<64x384xi32, #tpu.memory_space<vmem>>, vector<16xi32>,
      %parallel_loop3A_360 = arith.index_cast %parallel_loop3A_137 : i32 to index
      %parallel_loop3A_361 = arith.constant 320 : index
      %parallel_loop3A_362 = tpu.vector_load %arg6[%parallel_loop3A_360, %parallel_loop3A_361] {strides = array<i32>} : memref<64x768xf32, #tpu.memory_space<vmem>>, vector<16xf32>,
      %parallel_loop3A_363 = arith.index_cast %parallel_loop3A_137 : i32 to index
      %parallel_loop3A_364 = arith.constant 704 : index
      %parallel_loop3A_365 = tpu.vector_load %arg6[%parallel_loop3A_363, %parallel_loop3A_364] {strides = array<i32>} : memref<64x768xf32, #tpu.memory_space<vmem>>, vector<16xf32>,
      %parallel_loop3A_366 = tpu.pack_subelements %parallel_loop3A_362, %parallel_loop3A_365 {pack_format = #tpu.pack_format<interleaved>, positions = array<i32: 0, 1>} : vector<16xf32>, vector<16xf32> -> vector<32xbf16>
      %parallel_loop3A_367 = vector.bitcast %parallel_loop3A_366 : vector<32xbf16> to vector<16xi32>
      %parallel_loop3A_368 = arith.index_cast %parallel_loop3A_139 : i32 to index
      %parallel_loop3A_369 = arith.constant 320 : index
      %parallel_loop3A_370 = tpu.vector_load %arg7[%parallel_loop3A_368, %parallel_loop3A_369] {strides = array<i32>} : memref<64x384xi32, #tpu.memory_space<vmem>>, vector<16xi32>,
      tpu.vector_store %arg7[%parallel_loop3A_368, %parallel_loop3A_369], %parallel_loop3A_367 {strides = array<i32>} : memref<64x384xi32, #tpu.memory_space<vmem>>, vector<16xi32>,
      %parallel_loop3A_371 = arith.index_cast %parallel_loop3A_137 : i32 to index
      %parallel_loop3A_372 = arith.constant 336 : index
      %parallel_loop3A_373 = tpu.vector_load %arg6[%parallel_loop3A_371, %parallel_loop3A_372] {strides = array<i32>} : memref<64x768xf32, #tpu.memory_space<vmem>>, vector<16xf32>,
      %parallel_loop3A_374 = arith.index_cast %parallel_loop3A_137 : i32 to index
      %parallel_loop3A_375 = arith.constant 720 : index
      %parallel_loop3A_376 = tpu.vector_load %arg6[%parallel_loop3A_374, %parallel_loop3A_375] {strides = array<i32>} : memref<64x768xf32, #tpu.memory_space<vmem>>, vector<16xf32>,
      %parallel_loop3A_377 = tpu.pack_subelements %parallel_loop3A_373, %parallel_loop3A_376 {pack_format = #tpu.pack_format<interleaved>, positions = array<i32: 0, 1>} : vector<16xf32>, vector<16xf32> -> vector<32xbf16>
      %parallel_loop3A_378 = vector.bitcast %parallel_loop3A_377 : vector<32xbf16> to vector<16xi32>
      %parallel_loop3A_379 = arith.index_cast %parallel_loop3A_139 : i32 to index
      %parallel_loop3A_380 = arith.constant 336 : index
      %parallel_loop3A_381 = tpu.vector_load %arg7[%parallel_loop3A_379, %parallel_loop3A_380] {strides = array<i32>} : memref<64x384xi32, #tpu.memory_space<vmem>>, vector<16xi32>,
      tpu.vector_store %arg7[%parallel_loop3A_379, %parallel_loop3A_380], %parallel_loop3A_378 {strides = array<i32>} : memref<64x384xi32, #tpu.memory_space<vmem>>, vector<16xi32>,
      %parallel_loop3A_382 = arith.index_cast %parallel_loop3A_137 : i32 to index
      %parallel_loop3A_383 = arith.constant 352 : index
      %parallel_loop3A_384 = tpu.vector_load %arg6[%parallel_loop3A_382, %parallel_loop3A_383] {strides = array<i32>} : memref<64x768xf32, #tpu.memory_space<vmem>>, vector<16xf32>,
      %parallel_loop3A_385 = arith.index_cast %parallel_loop3A_137 : i32 to index
      %parallel_loop3A_386 = arith.constant 736 : index
      %parallel_loop3A_387 = tpu.vector_load %arg6[%parallel_loop3A_385, %parallel_loop3A_386] {strides = array<i32>} : memref<64x768xf32, #tpu.memory_space<vmem>>, vector<16xf32>,
      %parallel_loop3A_388 = tpu.pack_subelements %parallel_loop3A_384, %parallel_loop3A_387 {pack_format = #tpu.pack_format<interleaved>, positions = array<i32: 0, 1>} : vector<16xf32>, vector<16xf32> -> vector<32xbf16>
      %parallel_loop3A_389 = vector.bitcast %parallel_loop3A_388 : vector<32xbf16> to vector<16xi32>
      %parallel_loop3A_390 = arith.index_cast %parallel_loop3A_139 : i32 to index
      %parallel_loop3A_391 = arith.constant 352 : index
      %parallel_loop3A_392 = tpu.vector_load %arg7[%parallel_loop3A_390, %parallel_loop3A_391] {strides = array<i32>} : memref<64x384xi32, #tpu.memory_space<vmem>>, vector<16xi32>,
      tpu.vector_store %arg7[%parallel_loop3A_390, %parallel_loop3A_391], %parallel_loop3A_389 {strides = array<i32>} : memref<64x384xi32, #tpu.memory_space<vmem>>, vector<16xi32>,
      %parallel_loop3A_393 = arith.index_cast %parallel_loop3A_137 : i32 to index
      %parallel_loop3A_394 = arith.constant 368 : index
      %parallel_loop3A_395 = tpu.vector_load %arg6[%parallel_loop3A_393, %parallel_loop3A_394] {strides = array<i32>} : memref<64x768xf32, #tpu.memory_space<vmem>>, vector<16xf32>,
      %parallel_loop3A_396 = arith.index_cast %parallel_loop3A_137 : i32 to index
      %parallel_loop3A_397 = arith.constant 752 : index
      %parallel_loop3A_398 = tpu.vector_load %arg6[%parallel_loop3A_396, %parallel_loop3A_397] {strides = array<i32>} : memref<64x768xf32, #tpu.memory_space<vmem>>, vector<16xf32>,
      %parallel_loop3A_399 = tpu.pack_subelements %parallel_loop3A_395, %parallel_loop3A_398 {pack_format = #tpu.pack_format<interleaved>, positions = array<i32: 0, 1>} : vector<16xf32>, vector<16xf32> -> vector<32xbf16>
      %parallel_loop3A_400 = vector.bitcast %parallel_loop3A_399 : vector<32xbf16> to vector<16xi32>
      %parallel_loop3A_401 = arith.index_cast %parallel_loop3A_139 : i32 to index
      %parallel_loop3A_402 = arith.constant 368 : index
      %parallel_loop3A_403 = tpu.vector_load %arg7[%parallel_loop3A_401, %parallel_loop3A_402] {strides = array<i32>} : memref<64x384xi32, #tpu.memory_space<vmem>>, vector<16xi32>,
      tpu.vector_store %arg7[%parallel_loop3A_401, %parallel_loop3A_402], %parallel_loop3A_400 {strides = array<i32>} : memref<64x384xi32, #tpu.memory_space<vmem>>, vector<16xi32>,
    } {sc.loop_unroll_factor = 4 : i64, sc.parallel_access}
    %add3A_31 = arith.constant 0 : i32
    %add3A_32 = arith.addi %mul3A_2, %add3A_31 : i32
    %dma_start3A_33 = arith.constant 0 : i32
    %dma_start3A_34 = arith.constant 0 : i32
    %dma_start3A_35 = tpu.memref_slice %arg7[%dma_start3A_33, %dma_start3A_34] : memref<64x384xi32, #tpu.memory_space<vmem>> -> memref<32x384xi32, #tpu.memory_space<vmem>>
    %dma_start3A_36 = arith.constant 0 : i32
    %dma_start3A_37 = tpu.memref_slice %arg4[%add3A_32, %dma_start3A_36] : memref<16384x384xi32, #tpu.memory_space<hbm>> -> memref<32x384xi32, #tpu.memory_space<hbm>>
    %dma_start3A_38 = arith.constant 0 : i32
    %dma_start3A_39 = tpu.memref_slice %arg4[%add3A_32, %dma_start3A_38] : memref<16384x384xi32, #tpu.memory_space<hbm>> -> memref<32x384xi32, #tpu.memory_space<hbm>>
    %dma_start3A_40 = arith.constant 0 : i32
    %dma_start3A_41 = arith.constant 0 : i32
    %dma_start3A_42 = tpu.memref_slice %arg7[%dma_start3A_40, %dma_start3A_41] : memref<64x384xi32, #tpu.memory_space<vmem>> -> memref<32x384xi32, #tpu.memory_space<vmem>>
    tpu.enqueue_dma source(%dma_start3A_42 : memref<32x384xi32, #tpu.memory_space<vmem>>) target(%dma_start3A_39 : memref<32x384xi32, #tpu.memory_space<hbm>>) target_semaphore(%arg10 : memref<!tpu.dma_semaphore, #tpu.memory_space<semaphore_mem>>)
    %rem3A = arith.constant 2 : i32
    %rem3A_43 = arith.constant 16 : i32
    %rem3A_44 = arith.remsi %rem3A, %rem3A_43 : i32
    %mul3A_45 = arith.constant 32 : i32
    %mul3A_46 = arith.muli %rem3A_44, %mul3A_45 : i32
    %dma_start3A_47 = arith.constant 0 : i32
    %dma_start3A_48 = arith.constant 0 : i32
    %dma_start3A_49 = tpu.memref_slice %arg6[%dma_start3A_47, %dma_start3A_48] : memref<64x768xf32, #tpu.memory_space<vmem>> -> memref<32x768xf32, #tpu.memory_space<vmem>>
    %dma_start3A_50 = tpu.memref_slice %arg5[%mul3A_46] : memref<512xi32, #tpu.memory_space<vmem>> -> memref<32xi32, #tpu.memory_space<vmem>>
    %dma_start3A_51 = arith.constant 0 : i32
    %dma_start3A_52 = arith.constant 0 : i32
    %dma_start3A_53 = tpu.memref_slice %arg3[%dma_start3A_51, %dma_start3A_52] : memref<30522x768xf32, #tpu.memory_space<hbm>> -> memref<30522x768xf32, #tpu.memory_space<hbm>>
    tpu.enqueue_indirect_dma source(%dma_start3A_53 : memref<30522x768xf32, #tpu.memory_space<hbm>>) target(%dma_start3A_49 : memref<32x768xf32, #tpu.memory_space<vmem>>) offsets(%dma_start3A_50 : memref<32xi32, #tpu.memory_space<vmem>>) semaphore(%arg8 : memref<!tpu.dma_semaphore, #tpu.memory_space<semaphore_mem>>)
    %dma_wait3A_54 = arith.constant 32 : i32
    %dma_wait3A_55 = arith.constant 0 : i32
    %dma_wait3A_56 = tpu.memref_slice %arg6[%dma_wait3A_54, %dma_wait3A_55] : memref<64x768xf32, #tpu.memory_space<vmem>> -> memref<32x768xf32, #tpu.memory_space<vmem>>
    %dma_wait3A_57 = arith.constant 32 : i32
    %dma_wait3A_58 = tpu.memref_slice %arg5[%dma_wait3A_57] : memref<512xi32, #tpu.memory_space<vmem>> -> memref<32xi32, #tpu.memory_space<vmem>>
    %dma_wait3A_59 = arith.constant 0 : i32
    %dma_wait3A_60 = arith.constant 0 : i32
    %dma_wait3A_61 = tpu.memref_slice %arg3[%dma_wait3A_59, %dma_wait3A_60] : memref<30522x768xf32, #tpu.memory_space<hbm>> -> memref<30522x768xf32, #tpu.memory_space<hbm>>
    tpu.wait_indirect_dma semaphore(%arg9 : memref<!tpu.dma_semaphore, #tpu.memory_space<semaphore_mem>>) src(%dma_wait3A_61 : memref<30522x768xf32, #tpu.memory_space<hbm>>) dst(%dma_wait3A_56 : memref<32x768xf32, #tpu.memory_space<vmem>>)
    %parallel_loop3A_62 = arith.constant 0 : i32
    %parallel_loop3A_63 = arith.constant 32 : i32
    %parallel_loop3A_64 = arith.constant 1 : i32
    scf.for %parallel_loop3A_135 = %parallel_loop3A_62 to %parallel_loop3A_63 step %parallel_loop3A_64  : i32 {
      %parallel_loop3A_136 = arith.constant 32 : i32
      %parallel_loop3A_137 = arith.addi %parallel_loop3A_136, %parallel_loop3A_135 : i32
      %parallel_loop3A_138 = arith.constant 32 : i32
      %parallel_loop3A_139 = arith.addi %parallel_loop3A_138, %parallel_loop3A_135 : i32
      %parallel_loop3A_140 = arith.index_cast %parallel_loop3A_137 : i32 to index
      %parallel_loop3A_141 = arith.constant 0 : index
      %parallel_loop3A_142 = tpu.vector_load %arg6[%parallel_loop3A_140, %parallel_loop3A_141] {strides = array<i32>} : memref<64x768xf32, #tpu.memory_space<vmem>>, vector<16xf32>,
      %parallel_loop3A_143 = arith.index_cast %parallel_loop3A_137 : i32 to index
      %parallel_loop3A_144 = arith.constant 384 : index
      %parallel_loop3A_145 = tpu.vector_load %arg6[%parallel_loop3A_143, %parallel_loop3A_144] {strides = array<i32>} : memref<64x768xf32, #tpu.memory_space<vmem>>, vector<16xf32>,
      %parallel_loop3A_146 = tpu.pack_subelements %parallel_loop3A_142, %parallel_loop3A_145 {pack_format = #tpu.pack_format<interleaved>, positions = array<i32: 0, 1>} : vector<16xf32>, vector<16xf32> -> vector<32xbf16>
      %parallel_loop3A_147 = vector.bitcast %parallel_loop3A_146 : vector<32xbf16> to vector<16xi32>
      %parallel_loop3A_148 = arith.index_cast %parallel_loop3A_139 : i32 to index
      %parallel_loop3A_149 = arith.constant 0 : index
      %parallel_loop3A_150 = tpu.vector_load %arg7[%parallel_loop3A_148, %parallel_loop3A_149] {strides = array<i32>} : memref<64x384xi32, #tpu.memory_space<vmem>>, vector<16xi32>,
      tpu.vector_store %arg7[%parallel_loop3A_148, %parallel_loop3A_149], %parallel_loop3A_147 {strides = array<i32>} : memref<64x384xi32, #tpu.memory_space<vmem>>, vector<16xi32>,
      %parallel_loop3A_151 = arith.index_cast %parallel_loop3A_137 : i32 to index
      %parallel_loop3A_152 = arith.constant 16 : index
      %parallel_loop3A_153 = tpu.vector_load %arg6[%parallel_loop3A_151, %parallel_loop3A_152] {strides = array<i32>} : memref<64x768xf32, #tpu.memory_space<vmem>>, vector<16xf32>,
      %parallel_loop3A_154 = arith.index_cast %parallel_loop3A_137 : i32 to index
      %parallel_loop3A_155 = arith.constant 400 : index
      %parallel_loop3A_156 = tpu.vector_load %arg6[%parallel_loop3A_154, %parallel_loop3A_155] {strides = array<i32>} : memref<64x768xf32, #tpu.memory_space<vmem>>, vector<16xf32>,
      %parallel_loop3A_157 = tpu.pack_subelements %parallel_loop3A_153, %parallel_loop3A_156 {pack_format = #tpu.pack_format<interleaved>, positions = array<i32: 0, 1>} : vector<16xf32>, vector<16xf32> -> vector<32xbf16>
      %parallel_loop3A_158 = vector.bitcast %parallel_loop3A_157 : vector<32xbf16> to vector<16xi32>
      %parallel_loop3A_159 = arith.index_cast %parallel_loop3A_139 : i32 to index
      %parallel_loop3A_160 = arith.constant 16 : index
      %parallel_loop3A_161 = tpu.vector_load %arg7[%parallel_loop3A_159, %parallel_loop3A_160] {strides = array<i32>} : memref<64x384xi32, #tpu.memory_space<vmem>>, vector<16xi32>,
      tpu.vector_store %arg7[%parallel_loop3A_159, %parallel_loop3A_160], %parallel_loop3A_158 {strides = array<i32>} : memref<64x384xi32, #tpu.memory_space<vmem>>, vector<16xi32>,
      %parallel_loop3A_162 = arith.index_cast %parallel_loop3A_137 : i32 to index
      %parallel_loop3A_163 = arith.constant 32 : index
      %parallel_loop3A_164 = tpu.vector_load %arg6[%parallel_loop3A_162, %parallel_loop3A_163] {strides = array<i32>} : memref<64x768xf32, #tpu.memory_space<vmem>>, vector<16xf32>,
      %parallel_loop3A_165 = arith.index_cast %parallel_loop3A_137 : i32 to index
      %parallel_loop3A_166 = arith.constant 416 : index
      %parallel_loop3A_167 = tpu.vector_load %arg6[%parallel_loop3A_165, %parallel_loop3A_166] {strides = array<i32>} : memref<64x768xf32, #tpu.memory_space<vmem>>, vector<16xf32>,
      %parallel_loop3A_168 = tpu.pack_subelements %parallel_loop3A_164, %parallel_loop3A_167 {pack_format = #tpu.pack_format<interleaved>, positions = array<i32: 0, 1>} : vector<16xf32>, vector<16xf32> -> vector<32xbf16>
      %parallel_loop3A_169 = vector.bitcast %parallel_loop3A_168 : vector<32xbf16> to vector<16xi32>
      %parallel_loop3A_170 = arith.index_cast %parallel_loop3A_139 : i32 to index
      %parallel_loop3A_171 = arith.constant 32 : index
      %parallel_loop3A_172 = tpu.vector_load %arg7[%parallel_loop3A_170, %parallel_loop3A_171] {strides = array<i32>} : memref<64x384xi32, #tpu.memory_space<vmem>>, vector<16xi32>,
      tpu.vector_store %arg7[%parallel_loop3A_170, %parallel_loop3A_171], %parallel_loop3A_169 {strides = array<i32>} : memref<64x384xi32, #tpu.memory_space<vmem>>, vector<16xi32>,
      %parallel_loop3A_173 = arith.index_cast %parallel_loop3A_137 : i32 to index
      %parallel_loop3A_174 = arith.constant 48 : index
      %parallel_loop3A_175 = tpu.vector_load %arg6[%parallel_loop3A_173, %parallel_loop3A_174] {strides = array<i32>} : memref<64x768xf32, #tpu.memory_space<vmem>>, vector<16xf32>,
      %parallel_loop3A_176 = arith.index_cast %parallel_loop3A_137 : i32 to index
      %parallel_loop3A_177 = arith.constant 432 : index
      %parallel_loop3A_178 = tpu.vector_load %arg6[%parallel_loop3A_176, %parallel_loop3A_177] {strides = array<i32>} : memref<64x768xf32, #tpu.memory_space<vmem>>, vector<16xf32>,
      %parallel_loop3A_179 = tpu.pack_subelements %parallel_loop3A_175, %parallel_loop3A_178 {pack_format = #tpu.pack_format<interleaved>, positions = array<i32: 0, 1>} : vector<16xf32>, vector<16xf32> -> vector<32xbf16>
      %parallel_loop3A_180 = vector.bitcast %parallel_loop3A_179 : vector<32xbf16> to vector<16xi32>
      %parallel_loop3A_181 = arith.index_cast %parallel_loop3A_139 : i32 to index
      %parallel_loop3A_182 = arith.constant 48 : index
      %parallel_loop3A_183 = tpu.vector_load %arg7[%parallel_loop3A_181, %parallel_loop3A_182] {strides = array<i32>} : memref<64x384xi32, #tpu.memory_space<vmem>>, vector<16xi32>,
      tpu.vector_store %arg7[%parallel_loop3A_181, %parallel_loop3A_182], %parallel_loop3A_180 {strides = array<i32>} : memref<64x384xi32, #tpu.memory_space<vmem>>, vector<16xi32>,
      %parallel_loop3A_184 = arith.index_cast %parallel_loop3A_137 : i32 to index
      %parallel_loop3A_185 = arith.constant 64 : index
      %parallel_loop3A_186 = tpu.vector_load %arg6[%parallel_loop3A_184, %parallel_loop3A_185] {strides = array<i32>} : memref<64x768xf32, #tpu.memory_space<vmem>>, vector<16xf32>,
      %parallel_loop3A_187 = arith.index_cast %parallel_loop3A_137 : i32 to index
      %parallel_loop3A_188 = arith.constant 448 : index
      %parallel_loop3A_189 = tpu.vector_load %arg6[%parallel_loop3A_187, %parallel_loop3A_188] {strides = array<i32>} : memref<64x768xf32, #tpu.memory_space<vmem>>, vector<16xf32>,
      %parallel_loop3A_190 = tpu.pack_subelements %parallel_loop3A_186, %parallel_loop3A_189 {pack_format = #tpu.pack_format<interleaved>, positions = array<i32: 0, 1>} : vector<16xf32>, vector<16xf32> -> vector<32xbf16>
      %parallel_loop3A_191 = vector.bitcast %parallel_loop3A_190 : vector<32xbf16> to vector<16xi32>
      %parallel_loop3A_192 = arith.index_cast %parallel_loop3A_139 : i32 to index
      %parallel_loop3A_193 = arith.constant 64 : index
      %parallel_loop3A_194 = tpu.vector_load %arg7[%parallel_loop3A_192, %parallel_loop3A_193] {strides = array<i32>} : memref<64x384xi32, #tpu.memory_space<vmem>>, vector<16xi32>,
      tpu.vector_store %arg7[%parallel_loop3A_192, %parallel_loop3A_193], %parallel_loop3A_191 {strides = array<i32>} : memref<64x384xi32, #tpu.memory_space<vmem>>, vector<16xi32>,
      %parallel_loop3A_195 = arith.index_cast %parallel_loop3A_137 : i32 to index
      %parallel_loop3A_196 = arith.constant 80 : index
      %parallel_loop3A_197 = tpu.vector_load %arg6[%parallel_loop3A_195, %parallel_loop3A_196] {strides = array<i32>} : memref<64x768xf32, #tpu.memory_space<vmem>>, vector<16xf32>,
      %parallel_loop3A_198 = arith.index_cast %parallel_loop3A_137 : i32 to index
      %parallel_loop3A_199 = arith.constant 464 : index
      %parallel_loop3A_200 = tpu.vector_load %arg6[%parallel_loop3A_198, %parallel_loop3A_199] {strides = array<i32>} : memref<64x768xf32, #tpu.memory_space<vmem>>, vector<16xf32>,
      %parallel_loop3A_201 = tpu.pack_subelements %parallel_loop3A_197, %parallel_loop3A_200 {pack_format = #tpu.pack_format<interleaved>, positions = array<i32: 0, 1>} : vector<16xf32>, vector<16xf32> -> vector<32xbf16>
      %parallel_loop3A_202 = vector.bitcast %parallel_loop3A_201 : vector<32xbf16> to vector<16xi32>
      %parallel_loop3A_203 = arith.index_cast %parallel_loop3A_139 : i32 to index
      %parallel_loop3A_204 = arith.constant 80 : index
      %parallel_loop3A_205 = tpu.vector_load %arg7[%parallel_loop3A_203, %parallel_loop3A_204] {strides = array<i32>} : memref<64x384xi32, #tpu.memory_space<vmem>>, vector<16xi32>,
      tpu.vector_store %arg7[%parallel_loop3A_203, %parallel_loop3A_204], %parallel_loop3A_202 {strides = array<i32>} : memref<64x384xi32, #tpu.memory_space<vmem>>, vector<16xi32>,
      %parallel_loop3A_206 = arith.index_cast %parallel_loop3A_137 : i32 to index
      %parallel_loop3A_207 = arith.constant 96 : index
      %parallel_loop3A_208 = tpu.vector_load %arg6[%parallel_loop3A_206, %parallel_loop3A_207] {strides = array<i32>} : memref<64x768xf32, #tpu.memory_space<vmem>>, vector<16xf32>,
      %parallel_loop3A_209 = arith.index_cast %parallel_loop3A_137 : i32 to index
      %parallel_loop3A_210 = arith.constant 480 : index
      %parallel_loop3A_211 = tpu.vector_load %arg6[%parallel_loop3A_209, %parallel_loop3A_210] {strides = array<i32>} : memref<64x768xf32, #tpu.memory_space<vmem>>, vector<16xf32>,
      %parallel_loop3A_212 = tpu.pack_subelements %parallel_loop3A_208, %parallel_loop3A_211 {pack_format = #tpu.pack_format<interleaved>, positions = array<i32: 0, 1>} : vector<16xf32>, vector<16xf32> -> vector<32xbf16>
      %parallel_loop3A_213 = vector.bitcast %parallel_loop3A_212 : vector<32xbf16> to vector<16xi32>
      %parallel_loop3A_214 = arith.index_cast %parallel_loop3A_139 : i32 to index
      %parallel_loop3A_215 = arith.constant 96 : index
      %parallel_loop3A_216 = tpu.vector_load %arg7[%parallel_loop3A_214, %parallel_loop3A_215] {strides = array<i32>} : memref<64x384xi32, #tpu.memory_space<vmem>>, vector<16xi32>,
      tpu.vector_store %arg7[%parallel_loop3A_214, %parallel_loop3A_215], %parallel_loop3A_213 {strides = array<i32>} : memref<64x384xi32, #tpu.memory_space<vmem>>, vector<16xi32>,
      %parallel_loop3A_217 = arith.index_cast %parallel_loop3A_137 : i32 to index
      %parallel_loop3A_218 = arith.constant 112 : index
      %parallel_loop3A_219 = tpu.vector_load %arg6[%parallel_loop3A_217, %parallel_loop3A_218] {strides = array<i32>} : memref<64x768xf32, #tpu.memory_space<vmem>>, vector<16xf32>,
      %parallel_loop3A_220 = arith.index_cast %parallel_loop3A_137 : i32 to index
      %parallel_loop3A_221 = arith.constant 496 : index
      %parallel_loop3A_222 = tpu.vector_load %arg6[%parallel_loop3A_220, %parallel_loop3A_221] {strides = array<i32>} : memref<64x768xf32, #tpu.memory_space<vmem>>, vector<16xf32>,
      %parallel_loop3A_223 = tpu.pack_subelements %parallel_loop3A_219, %parallel_loop3A_222 {pack_format = #tpu.pack_format<interleaved>, positions = array<i32: 0, 1>} : vector<16xf32>, vector<16xf32> -> vector<32xbf16>
      %parallel_loop3A_224 = vector.bitcast %parallel_loop3A_223 : vector<32xbf16> to vector<16xi32>
      %parallel_loop3A_225 = arith.index_cast %parallel_loop3A_139 : i32 to index
      %parallel_loop3A_226 = arith.constant 112 : index
      %parallel_loop3A_227 = tpu.vector_load %arg7[%parallel_loop3A_225, %parallel_loop3A_226] {strides = array<i32>} : memref<64x384xi32, #tpu.memory_space<vmem>>, vector<16xi32>,
      tpu.vector_store %arg7[%parallel_loop3A_225, %parallel_loop3A_226], %parallel_loop3A_224 {strides = array<i32>} : memref<64x384xi32, #tpu.memory_space<vmem>>, vector<16xi32>,
      %parallel_loop3A_228 = arith.index_cast %parallel_loop3A_137 : i32 to index
      %parallel_loop3A_229 = arith.constant 128 : index
      %parallel_loop3A_230 = tpu.vector_load %arg6[%parallel_loop3A_228, %parallel_loop3A_229] {strides = array<i32>} : memref<64x768xf32, #tpu.memory_space<vmem>>, vector<16xf32>,
      %parallel_loop3A_231 = arith.index_cast %parallel_loop3A_137 : i32 to index
      %parallel_loop3A_232 = arith.constant 512 : index
      %parallel_loop3A_233 = tpu.vector_load %arg6[%parallel_loop3A_231, %parallel_loop3A_232] {strides = array<i32>} : memref<64x768xf32, #tpu.memory_space<vmem>>, vector<16xf32>,
      %parallel_loop3A_234 = tpu.pack_subelements %parallel_loop3A_230, %parallel_loop3A_233 {pack_format = #tpu.pack_format<interleaved>, positions = array<i32: 0, 1>} : vector<16xf32>, vector<16xf32> -> vector<32xbf16>
      %parallel_loop3A_235 = vector.bitcast %parallel_loop3A_234 : vector<32xbf16> to vector<16xi32>
      %parallel_loop3A_236 = arith.index_cast %parallel_loop3A_139 : i32 to index
      %parallel_loop3A_237 = arith.constant 128 : index
      %parallel_loop3A_238 = tpu.vector_load %arg7[%parallel_loop3A_236, %parallel_loop3A_237] {strides = array<i32>} : memref<64x384xi32, #tpu.memory_space<vmem>>, vector<16xi32>,
      tpu.vector_store %arg7[%parallel_loop3A_236, %parallel_loop3A_237], %parallel_loop3A_235 {strides = array<i32>} : memref<64x384xi32, #tpu.memory_space<vmem>>, vector<16xi32>,
      %parallel_loop3A_239 = arith.index_cast %parallel_loop3A_137 : i32 to index
      %parallel_loop3A_240 = arith.constant 144 : index
      %parallel_loop3A_241 = tpu.vector_load %arg6[%parallel_loop3A_239, %parallel_loop3A_240] {strides = array<i32>} : memref<64x768xf32, #tpu.memory_space<vmem>>, vector<16xf32>,
      %parallel_loop3A_242 = arith.index_cast %parallel_loop3A_137 : i32 to index
      %parallel_loop3A_243 = arith.constant 528 : index
      %parallel_loop3A_244 = tpu.vector_load %arg6[%parallel_loop3A_242, %parallel_loop3A_243] {strides = array<i32>} : memref<64x768xf32, #tpu.memory_space<vmem>>, vector<16xf32>,
      %parallel_loop3A_245 = tpu.pack_subelements %parallel_loop3A_241, %parallel_loop3A_244 {pack_format = #tpu.pack_format<interleaved>, positions = array<i32: 0, 1>} : vector<16xf32>, vector<16xf32> -> vector<32xbf16>
      %parallel_loop3A_246 = vector.bitcast %parallel_loop3A_245 : vector<32xbf16> to vector<16xi32>
      %parallel_loop3A_247 = arith.index_cast %parallel_loop3A_139 : i32 to index
      %parallel_loop3A_248 = arith.constant 144 : index
      %parallel_loop3A_249 = tpu.vector_load %arg7[%parallel_loop3A_247, %parallel_loop3A_248] {strides = array<i32>} : memref<64x384xi32, #tpu.memory_space<vmem>>, vector<16xi32>,
      tpu.vector_store %arg7[%parallel_loop3A_247, %parallel_loop3A_248], %parallel_loop3A_246 {strides = array<i32>} : memref<64x384xi32, #tpu.memory_space<vmem>>, vector<16xi32>,
      %parallel_loop3A_250 = arith.index_cast %parallel_loop3A_137 : i32 to index
      %parallel_loop3A_251 = arith.constant 160 : index
      %parallel_loop3A_252 = tpu.vector_load %arg6[%parallel_loop3A_250, %parallel_loop3A_251] {strides = array<i32>} : memref<64x768xf32, #tpu.memory_space<vmem>>, vector<16xf32>,
      %parallel_loop3A_253 = arith.index_cast %parallel_loop3A_137 : i32 to index
      %parallel_loop3A_254 = arith.constant 544 : index
      %parallel_loop3A_255 = tpu.vector_load %arg6[%parallel_loop3A_253, %parallel_loop3A_254] {strides = array<i32>} : memref<64x768xf32, #tpu.memory_space<vmem>>, vector<16xf32>,
      %parallel_loop3A_256 = tpu.pack_subelements %parallel_loop3A_252, %parallel_loop3A_255 {pack_format = #tpu.pack_format<interleaved>, positions = array<i32: 0, 1>} : vector<16xf32>, vector<16xf32> -> vector<32xbf16>
      %parallel_loop3A_257 = vector.bitcast %parallel_loop3A_256 : vector<32xbf16> to vector<16xi32>
      %parallel_loop3A_258 = arith.index_cast %parallel_loop3A_139 : i32 to index
      %parallel_loop3A_259 = arith.constant 160 : index
      %parallel_loop3A_260 = tpu.vector_load %arg7[%parallel_loop3A_258, %parallel_loop3A_259] {strides = array<i32>} : memref<64x384xi32, #tpu.memory_space<vmem>>, vector<16xi32>,
      tpu.vector_store %arg7[%parallel_loop3A_258, %parallel_loop3A_259], %parallel_loop3A_257 {strides = array<i32>} : memref<64x384xi32, #tpu.memory_space<vmem>>, vector<16xi32>,
      %parallel_loop3A_261 = arith.index_cast %parallel_loop3A_137 : i32 to index
      %parallel_loop3A_262 = arith.constant 176 : index
      %parallel_loop3A_263 = tpu.vector_load %arg6[%parallel_loop3A_261, %parallel_loop3A_262] {strides = array<i32>} : memref<64x768xf32, #tpu.memory_space<vmem>>, vector<16xf32>,
      %parallel_loop3A_264 = arith.index_cast %parallel_loop3A_137 : i32 to index
      %parallel_loop3A_265 = arith.constant 560 : index
      %parallel_loop3A_266 = tpu.vector_load %arg6[%parallel_loop3A_264, %parallel_loop3A_265] {strides = array<i32>} : memref<64x768xf32, #tpu.memory_space<vmem>>, vector<16xf32>,
      %parallel_loop3A_267 = tpu.pack_subelements %parallel_loop3A_263, %parallel_loop3A_266 {pack_format = #tpu.pack_format<interleaved>, positions = array<i32: 0, 1>} : vector<16xf32>, vector<16xf32> -> vector<32xbf16>
      %parallel_loop3A_268 = vector.bitcast %parallel_loop3A_267 : vector<32xbf16> to vector<16xi32>
      %parallel_loop3A_269 = arith.index_cast %parallel_loop3A_139 : i32 to index
      %parallel_loop3A_270 = arith.constant 176 : index
      %parallel_loop3A_271 = tpu.vector_load %arg7[%parallel_loop3A_269, %parallel_loop3A_270] {strides = array<i32>} : memref<64x384xi32, #tpu.memory_space<vmem>>, vector<16xi32>,
      tpu.vector_store %arg7[%parallel_loop3A_269, %parallel_loop3A_270], %parallel_loop3A_268 {strides = array<i32>} : memref<64x384xi32, #tpu.memory_space<vmem>>, vector<16xi32>,
      %parallel_loop3A_272 = arith.index_cast %parallel_loop3A_137 : i32 to index
      %parallel_loop3A_273 = arith.constant 192 : index
      %parallel_loop3A_274 = tpu.vector_load %arg6[%parallel_loop3A_272, %parallel_loop3A_273] {strides = array<i32>} : memref<64x768xf32, #tpu.memory_space<vmem>>, vector<16xf32>,
      %parallel_loop3A_275 = arith.index_cast %parallel_loop3A_137 : i32 to index
      %parallel_loop3A_276 = arith.constant 576 : index
      %parallel_loop3A_277 = tpu.vector_load %arg6[%parallel_loop3A_275, %parallel_loop3A_276] {strides = array<i32>} : memref<64x768xf32, #tpu.memory_space<vmem>>, vector<16xf32>,
      %parallel_loop3A_278 = tpu.pack_subelements %parallel_loop3A_274, %parallel_loop3A_277 {pack_format = #tpu.pack_format<interleaved>, positions = array<i32: 0, 1>} : vector<16xf32>, vector<16xf32> -> vector<32xbf16>
      %parallel_loop3A_279 = vector.bitcast %parallel_loop3A_278 : vector<32xbf16> to vector<16xi32>
      %parallel_loop3A_280 = arith.index_cast %parallel_loop3A_139 : i32 to index
      %parallel_loop3A_281 = arith.constant 192 : index
      %parallel_loop3A_282 = tpu.vector_load %arg7[%parallel_loop3A_280, %parallel_loop3A_281] {strides = array<i32>} : memref<64x384xi32, #tpu.memory_space<vmem>>, vector<16xi32>,
      tpu.vector_store %arg7[%parallel_loop3A_280, %parallel_loop3A_281], %parallel_loop3A_279 {strides = array<i32>} : memref<64x384xi32, #tpu.memory_space<vmem>>, vector<16xi32>,
      %parallel_loop3A_283 = arith.index_cast %parallel_loop3A_137 : i32 to index
      %parallel_loop3A_284 = arith.constant 208 : index
      %parallel_loop3A_285 = tpu.vector_load %arg6[%parallel_loop3A_283, %parallel_loop3A_284] {strides = array<i32>} : memref<64x768xf32, #tpu.memory_space<vmem>>, vector<16xf32>,
      %parallel_loop3A_286 = arith.index_cast %parallel_loop3A_137 : i32 to index
      %parallel_loop3A_287 = arith.constant 592 : index
      %parallel_loop3A_288 = tpu.vector_load %arg6[%parallel_loop3A_286, %parallel_loop3A_287] {strides = array<i32>} : memref<64x768xf32, #tpu.memory_space<vmem>>, vector<16xf32>,
      %parallel_loop3A_289 = tpu.pack_subelements %parallel_loop3A_285, %parallel_loop3A_288 {pack_format = #tpu.pack_format<interleaved>, positions = array<i32: 0, 1>} : vector<16xf32>, vector<16xf32> -> vector<32xbf16>
      %parallel_loop3A_290 = vector.bitcast %parallel_loop3A_289 : vector<32xbf16> to vector<16xi32>
      %parallel_loop3A_291 = arith.index_cast %parallel_loop3A_139 : i32 to index
      %parallel_loop3A_292 = arith.constant 208 : index
      %parallel_loop3A_293 = tpu.vector_load %arg7[%parallel_loop3A_291, %parallel_loop3A_292] {strides = array<i32>} : memref<64x384xi32, #tpu.memory_space<vmem>>, vector<16xi32>,
      tpu.vector_store %arg7[%parallel_loop3A_291, %parallel_loop3A_292], %parallel_loop3A_290 {strides = array<i32>} : memref<64x384xi32, #tpu.memory_space<vmem>>, vector<16xi32>,
      %parallel_loop3A_294 = arith.index_cast %parallel_loop3A_137 : i32 to index
      %parallel_loop3A_295 = arith.constant 224 : index
      %parallel_loop3A_296 = tpu.vector_load %arg6[%parallel_loop3A_294, %parallel_loop3A_295] {strides = array<i32>} : memref<64x768xf32, #tpu.memory_space<vmem>>, vector<16xf32>,
      %parallel_loop3A_297 = arith.index_cast %parallel_loop3A_137 : i32 to index
      %parallel_loop3A_298 = arith.constant 608 : index
      %parallel_loop3A_299 = tpu.vector_load %arg6[%parallel_loop3A_297, %parallel_loop3A_298] {strides = array<i32>} : memref<64x768xf32, #tpu.memory_space<vmem>>, vector<16xf32>,
      %parallel_loop3A_300 = tpu.pack_subelements %parallel_loop3A_296, %parallel_loop3A_299 {pack_format = #tpu.pack_format<interleaved>, positions = array<i32: 0, 1>} : vector<16xf32>, vector<16xf32> -> vector<32xbf16>
      %parallel_loop3A_301 = vector.bitcast %parallel_loop3A_300 : vector<32xbf16> to vector<16xi32>
      %parallel_loop3A_302 = arith.index_cast %parallel_loop3A_139 : i32 to index
      %parallel_loop3A_303 = arith.constant 224 : index
      %parallel_loop3A_304 = tpu.vector_load %arg7[%parallel_loop3A_302, %parallel_loop3A_303] {strides = array<i32>} : memref<64x384xi32, #tpu.memory_space<vmem>>, vector<16xi32>,
      tpu.vector_store %arg7[%parallel_loop3A_302, %parallel_loop3A_303], %parallel_loop3A_301 {strides = array<i32>} : memref<64x384xi32, #tpu.memory_space<vmem>>, vector<16xi32>,
      %parallel_loop3A_305 = arith.index_cast %parallel_loop3A_137 : i32 to index
      %parallel_loop3A_306 = arith.constant 240 : index
      %parallel_loop3A_307 = tpu.vector_load %arg6[%parallel_loop3A_305, %parallel_loop3A_306] {strides = array<i32>} : memref<64x768xf32, #tpu.memory_space<vmem>>, vector<16xf32>,
      %parallel_loop3A_308 = arith.index_cast %parallel_loop3A_137 : i32 to index
      %parallel_loop3A_309 = arith.constant 624 : index
      %parallel_loop3A_310 = tpu.vector_load %arg6[%parallel_loop3A_308, %parallel_loop3A_309] {strides = array<i32>} : memref<64x768xf32, #tpu.memory_space<vmem>>, vector<16xf32>,
      %parallel_loop3A_311 = tpu.pack_subelements %parallel_loop3A_307, %parallel_loop3A_310 {pack_format = #tpu.pack_format<interleaved>, positions = array<i32: 0, 1>} : vector<16xf32>, vector<16xf32> -> vector<32xbf16>
      %parallel_loop3A_312 = vector.bitcast %parallel_loop3A_311 : vector<32xbf16> to vector<16xi32>
      %parallel_loop3A_313 = arith.index_cast %parallel_loop3A_139 : i32 to index
      %parallel_loop3A_314 = arith.constant 240 : index
      %parallel_loop3A_315 = tpu.vector_load %arg7[%parallel_loop3A_313, %parallel_loop3A_314] {strides = array<i32>} : memref<64x384xi32, #tpu.memory_space<vmem>>, vector<16xi32>,
      tpu.vector_store %arg7[%parallel_loop3A_313, %parallel_loop3A_314], %parallel_loop3A_312 {strides = array<i32>} : memref<64x384xi32, #tpu.memory_space<vmem>>, vector<16xi32>,
      %parallel_loop3A_316 = arith.index_cast %parallel_loop3A_137 : i32 to index
      %parallel_loop3A_317 = arith.constant 256 : index
      %parallel_loop3A_318 = tpu.vector_load %arg6[%parallel_loop3A_316, %parallel_loop3A_317] {strides = array<i32>} : memref<64x768xf32, #tpu.memory_space<vmem>>, vector<16xf32>,
      %parallel_loop3A_319 = arith.index_cast %parallel_loop3A_137 : i32 to index
      %parallel_loop3A_320 = arith.constant 640 : index
      %parallel_loop3A_321 = tpu.vector_load %arg6[%parallel_loop3A_319, %parallel_loop3A_320] {strides = array<i32>} : memref<64x768xf32, #tpu.memory_space<vmem>>, vector<16xf32>,
      %parallel_loop3A_322 = tpu.pack_subelements %parallel_loop3A_318, %parallel_loop3A_321 {pack_format = #tpu.pack_format<interleaved>, positions = array<i32: 0, 1>} : vector<16xf32>, vector<16xf32> -> vector<32xbf16>
      %parallel_loop3A_323 = vector.bitcast %parallel_loop3A_322 : vector<32xbf16> to vector<16xi32>
      %parallel_loop3A_324 = arith.index_cast %parallel_loop3A_139 : i32 to index
      %parallel_loop3A_325 = arith.constant 256 : index
      %parallel_loop3A_326 = tpu.vector_load %arg7[%parallel_loop3A_324, %parallel_loop3A_325] {strides = array<i32>} : memref<64x384xi32, #tpu.memory_space<vmem>>, vector<16xi32>,
      tpu.vector_store %arg7[%parallel_loop3A_324, %parallel_loop3A_325], %parallel_loop3A_323 {strides = array<i32>} : memref<64x384xi32, #tpu.memory_space<vmem>>, vector<16xi32>,
      %parallel_loop3A_327 = arith.index_cast %parallel_loop3A_137 : i32 to index
      %parallel_loop3A_328 = arith.constant 272 : index
      %parallel_loop3A_329 = tpu.vector_load %arg6[%parallel_loop3A_327, %parallel_loop3A_328] {strides = array<i32>} : memref<64x768xf32, #tpu.memory_space<vmem>>, vector<16xf32>,
      %parallel_loop3A_330 = arith.index_cast %parallel_loop3A_137 : i32 to index
      %parallel_loop3A_331 = arith.constant 656 : index
      %parallel_loop3A_332 = tpu.vector_load %arg6[%parallel_loop3A_330, %parallel_loop3A_331] {strides = array<i32>} : memref<64x768xf32, #tpu.memory_space<vmem>>, vector<16xf32>,
      %parallel_loop3A_333 = tpu.pack_subelements %parallel_loop3A_329, %parallel_loop3A_332 {pack_format = #tpu.pack_format<interleaved>, positions = array<i32: 0, 1>} : vector<16xf32>, vector<16xf32> -> vector<32xbf16>
      %parallel_loop3A_334 = vector.bitcast %parallel_loop3A_333 : vector<32xbf16> to vector<16xi32>
      %parallel_loop3A_335 = arith.index_cast %parallel_loop3A_139 : i32 to index
      %parallel_loop3A_336 = arith.constant 272 : index
      %parallel_loop3A_337 = tpu.vector_load %arg7[%parallel_loop3A_335, %parallel_loop3A_336] {strides = array<i32>} : memref<64x384xi32, #tpu.memory_space<vmem>>, vector<16xi32>,
      tpu.vector_store %arg7[%parallel_loop3A_335, %parallel_loop3A_336], %parallel_loop3A_334 {strides = array<i32>} : memref<64x384xi32, #tpu.memory_space<vmem>>, vector<16xi32>,
      %parallel_loop3A_338 = arith.index_cast %parallel_loop3A_137 : i32 to index
      %parallel_loop3A_339 = arith.constant 288 : index
      %parallel_loop3A_340 = tpu.vector_load %arg6[%parallel_loop3A_338, %parallel_loop3A_339] {strides = array<i32>} : memref<64x768xf32, #tpu.memory_space<vmem>>, vector<16xf32>,
      %parallel_loop3A_341 = arith.index_cast %parallel_loop3A_137 : i32 to index
      %parallel_loop3A_342 = arith.constant 672 : index
      %parallel_loop3A_343 = tpu.vector_load %arg6[%parallel_loop3A_341, %parallel_loop3A_342] {strides = array<i32>} : memref<64x768xf32, #tpu.memory_space<vmem>>, vector<16xf32>,
      %parallel_loop3A_344 = tpu.pack_subelements %parallel_loop3A_340, %parallel_loop3A_343 {pack_format = #tpu.pack_format<interleaved>, positions = array<i32: 0, 1>} : vector<16xf32>, vector<16xf32> -> vector<32xbf16>
      %parallel_loop3A_345 = vector.bitcast %parallel_loop3A_344 : vector<32xbf16> to vector<16xi32>
      %parallel_loop3A_346 = arith.index_cast %parallel_loop3A_139 : i32 to index
      %parallel_loop3A_347 = arith.constant 288 : index
      %parallel_loop3A_348 = tpu.vector_load %arg7[%parallel_loop3A_346, %parallel_loop3A_347] {strides = array<i32>} : memref<64x384xi32, #tpu.memory_space<vmem>>, vector<16xi32>,
      tpu.vector_store %arg7[%parallel_loop3A_346, %parallel_loop3A_347], %parallel_loop3A_345 {strides = array<i32>} : memref<64x384xi32, #tpu.memory_space<vmem>>, vector<16xi32>,
      %parallel_loop3A_349 = arith.index_cast %parallel_loop3A_137 : i32 to index
      %parallel_loop3A_350 = arith.constant 304 : index
      %parallel_loop3A_351 = tpu.vector_load %arg6[%parallel_loop3A_349, %parallel_loop3A_350] {strides = array<i32>} : memref<64x768xf32, #tpu.memory_space<vmem>>, vector<16xf32>,
      %parallel_loop3A_352 = arith.index_cast %parallel_loop3A_137 : i32 to index
      %parallel_loop3A_353 = arith.constant 688 : index
      %parallel_loop3A_354 = tpu.vector_load %arg6[%parallel_loop3A_352, %parallel_loop3A_353] {strides = array<i32>} : memref<64x768xf32, #tpu.memory_space<vmem>>, vector<16xf32>,
      %parallel_loop3A_355 = tpu.pack_subelements %parallel_loop3A_351, %parallel_loop3A_354 {pack_format = #tpu.pack_format<interleaved>, positions = array<i32: 0, 1>} : vector<16xf32>, vector<16xf32> -> vector<32xbf16>
      %parallel_loop3A_356 = vector.bitcast %parallel_loop3A_355 : vector<32xbf16> to vector<16xi32>
      %parallel_loop3A_357 = arith.index_cast %parallel_loop3A_139 : i32 to index
      %parallel_loop3A_358 = arith.constant 304 : index
      %parallel_loop3A_359 = tpu.vector_load %arg7[%parallel_loop3A_357, %parallel_loop3A_358] {strides = array<i32>} : memref<64x384xi32, #tpu.memory_space<vmem>>, vector<16xi32>,
      tpu.vector_store %arg7[%parallel_loop3A_357, %parallel_loop3A_358], %parallel_loop3A_356 {strides = array<i32>} : memref<64x384xi32, #tpu.memory_space<vmem>>, vector<16xi32>,
      %parallel_loop3A_360 = arith.index_cast %parallel_loop3A_137 : i32 to index
      %parallel_loop3A_361 = arith.constant 320 : index
      %parallel_loop3A_362 = tpu.vector_load %arg6[%parallel_loop3A_360, %parallel_loop3A_361] {strides = array<i32>} : memref<64x768xf32, #tpu.memory_space<vmem>>, vector<16xf32>,
      %parallel_loop3A_363 = arith.index_cast %parallel_loop3A_137 : i32 to index
      %parallel_loop3A_364 = arith.constant 704 : index
      %parallel_loop3A_365 = tpu.vector_load %arg6[%parallel_loop3A_363, %parallel_loop3A_364] {strides = array<i32>} : memref<64x768xf32, #tpu.memory_space<vmem>>, vector<16xf32>,
      %parallel_loop3A_366 = tpu.pack_subelements %parallel_loop3A_362, %parallel_loop3A_365 {pack_format = #tpu.pack_format<interleaved>, positions = array<i32: 0, 1>} : vector<16xf32>, vector<16xf32> -> vector<32xbf16>
      %parallel_loop3A_367 = vector.bitcast %parallel_loop3A_366 : vector<32xbf16> to vector<16xi32>
      %parallel_loop3A_368 = arith.index_cast %parallel_loop3A_139 : i32 to index
      %parallel_loop3A_369 = arith.constant 320 : index
      %parallel_loop3A_370 = tpu.vector_load %arg7[%parallel_loop3A_368, %parallel_loop3A_369] {strides = array<i32>} : memref<64x384xi32, #tpu.memory_space<vmem>>, vector<16xi32>,
      tpu.vector_store %arg7[%parallel_loop3A_368, %parallel_loop3A_369], %parallel_loop3A_367 {strides = array<i32>} : memref<64x384xi32, #tpu.memory_space<vmem>>, vector<16xi32>,
      %parallel_loop3A_371 = arith.index_cast %parallel_loop3A_137 : i32 to index
      %parallel_loop3A_372 = arith.constant 336 : index
      %parallel_loop3A_373 = tpu.vector_load %arg6[%parallel_loop3A_371, %parallel_loop3A_372] {strides = array<i32>} : memref<64x768xf32, #tpu.memory_space<vmem>>, vector<16xf32>,
      %parallel_loop3A_374 = arith.index_cast %parallel_loop3A_137 : i32 to index
      %parallel_loop3A_375 = arith.constant 720 : index
      %parallel_loop3A_376 = tpu.vector_load %arg6[%parallel_loop3A_374, %parallel_loop3A_375] {strides = array<i32>} : memref<64x768xf32, #tpu.memory_space<vmem>>, vector<16xf32>,
      %parallel_loop3A_377 = tpu.pack_subelements %parallel_loop3A_373, %parallel_loop3A_376 {pack_format = #tpu.pack_format<interleaved>, positions = array<i32: 0, 1>} : vector<16xf32>, vector<16xf32> -> vector<32xbf16>
      %parallel_loop3A_378 = vector.bitcast %parallel_loop3A_377 : vector<32xbf16> to vector<16xi32>
      %parallel_loop3A_379 = arith.index_cast %parallel_loop3A_139 : i32 to index
      %parallel_loop3A_380 = arith.constant 336 : index
      %parallel_loop3A_381 = tpu.vector_load %arg7[%parallel_loop3A_379, %parallel_loop3A_380] {strides = array<i32>} : memref<64x384xi32, #tpu.memory_space<vmem>>, vector<16xi32>,
      tpu.vector_store %arg7[%parallel_loop3A_379, %parallel_loop3A_380], %parallel_loop3A_378 {strides = array<i32>} : memref<64x384xi32, #tpu.memory_space<vmem>>, vector<16xi32>,
      %parallel_loop3A_382 = arith.index_cast %parallel_loop3A_137 : i32 to index
      %parallel_loop3A_383 = arith.constant 352 : index
      %parallel_loop3A_384 = tpu.vector_load %arg6[%parallel_loop3A_382, %parallel_loop3A_383] {strides = array<i32>} : memref<64x768xf32, #tpu.memory_space<vmem>>, vector<16xf32>,
      %parallel_loop3A_385 = arith.index_cast %parallel_loop3A_137 : i32 to index
      %parallel_loop3A_386 = arith.constant 736 : index
      %parallel_loop3A_387 = tpu.vector_load %arg6[%parallel_loop3A_385, %parallel_loop3A_386] {strides = array<i32>} : memref<64x768xf32, #tpu.memory_space<vmem>>, vector<16xf32>,
      %parallel_loop3A_388 = tpu.pack_subelements %parallel_loop3A_384, %parallel_loop3A_387 {pack_format = #tpu.pack_format<interleaved>, positions = array<i32: 0, 1>} : vector<16xf32>, vector<16xf32> -> vector<32xbf16>
      %parallel_loop3A_389 = vector.bitcast %parallel_loop3A_388 : vector<32xbf16> to vector<16xi32>
      %parallel_loop3A_390 = arith.index_cast %parallel_loop3A_139 : i32 to index
      %parallel_loop3A_391 = arith.constant 352 : index
      %parallel_loop3A_392 = tpu.vector_load %arg7[%parallel_loop3A_390, %parallel_loop3A_391] {strides = array<i32>} : memref<64x384xi32, #tpu.memory_space<vmem>>, vector<16xi32>,
      tpu.vector_store %arg7[%parallel_loop3A_390, %parallel_loop3A_391], %parallel_loop3A_389 {strides = array<i32>} : memref<64x384xi32, #tpu.memory_space<vmem>>, vector<16xi32>,
      %parallel_loop3A_393 = arith.index_cast %parallel_loop3A_137 : i32 to index
      %parallel_loop3A_394 = arith.constant 368 : index
      %parallel_loop3A_395 = tpu.vector_load %arg6[%parallel_loop3A_393, %parallel_loop3A_394] {strides = array<i32>} : memref<64x768xf32, #tpu.memory_space<vmem>>, vector<16xf32>,
      %parallel_loop3A_396 = arith.index_cast %parallel_loop3A_137 : i32 to index
      %parallel_loop3A_397 = arith.constant 752 : index
      %parallel_loop3A_398 = tpu.vector_load %arg6[%parallel_loop3A_396, %parallel_loop3A_397] {strides = array<i32>} : memref<64x768xf32, #tpu.memory_space<vmem>>, vector<16xf32>,
      %parallel_loop3A_399 = tpu.pack_subelements %parallel_loop3A_395, %parallel_loop3A_398 {pack_format = #tpu.pack_format<interleaved>, positions = array<i32: 0, 1>} : vector<16xf32>, vector<16xf32> -> vector<32xbf16>
      %parallel_loop3A_400 = vector.bitcast %parallel_loop3A_399 : vector<32xbf16> to vector<16xi32>
      %parallel_loop3A_401 = arith.index_cast %parallel_loop3A_139 : i32 to index
      %parallel_loop3A_402 = arith.constant 368 : index
      %parallel_loop3A_403 = tpu.vector_load %arg7[%parallel_loop3A_401, %parallel_loop3A_402] {strides = array<i32>} : memref<64x384xi32, #tpu.memory_space<vmem>>, vector<16xi32>,
      tpu.vector_store %arg7[%parallel_loop3A_401, %parallel_loop3A_402], %parallel_loop3A_400 {strides = array<i32>} : memref<64x384xi32, #tpu.memory_space<vmem>>, vector<16xi32>,
    } {sc.loop_unroll_factor = 4 : i64, sc.parallel_access}
    %add3A_65 = arith.constant 32 : i32
    %add3A_66 = arith.addi %mul3A_2, %add3A_65 : i32
    %dma_start3A_67 = arith.constant 32 : i32
    %dma_start3A_68 = arith.constant 0 : i32
    %dma_start3A_69 = tpu.memref_slice %arg7[%dma_start3A_67, %dma_start3A_68] : memref<64x384xi32, #tpu.memory_space<vmem>> -> memref<32x384xi32, #tpu.memory_space<vmem>>
    %dma_start3A_70 = arith.constant 0 : i32
    %dma_start3A_71 = tpu.memref_slice %arg4[%add3A_66, %dma_start3A_70] : memref<16384x384xi32, #tpu.memory_space<hbm>> -> memref<32x384xi32, #tpu.memory_space<hbm>>
    %dma_start3A_72 = arith.constant 0 : i32
    %dma_start3A_73 = tpu.memref_slice %arg4[%add3A_66, %dma_start3A_72] : memref<16384x384xi32, #tpu.memory_space<hbm>> -> memref<32x384xi32, #tpu.memory_space<hbm>>
    %dma_start3A_74 = arith.constant 32 : i32
    %dma_start3A_75 = arith.constant 0 : i32
    %dma_start3A_76 = tpu.memref_slice %arg7[%dma_start3A_74, %dma_start3A_75] : memref<64x384xi32, #tpu.memory_space<vmem>> -> memref<32x384xi32, #tpu.memory_space<vmem>>
    tpu.enqueue_dma source(%dma_start3A_76 : memref<32x384xi32, #tpu.memory_space<vmem>>) target(%dma_start3A_73 : memref<32x384xi32, #tpu.memory_space<hbm>>) target_semaphore(%arg11 : memref<!tpu.dma_semaphore, #tpu.memory_space<semaphore_mem>>)
    %rem3A_77 = arith.constant 3 : i32
    %rem3A_78 = arith.constant 16 : i32
    %rem3A_79 = arith.remsi %rem3A_77, %rem3A_78 : i32
    %mul3A_80 = arith.constant 32 : i32
    %mul3A_81 = arith.muli %rem3A_79, %mul3A_80 : i32
    %dma_start3A_82 = arith.constant 32 : i32
    %dma_start3A_83 = arith.constant 0 : i32
    %dma_start3A_84 = tpu.memref_slice %arg6[%dma_start3A_82, %dma_start3A_83] : memref<64x768xf32, #tpu.memory_space<vmem>> -> memref<32x768xf32, #tpu.memory_space<vmem>>
    %dma_start3A_85 = tpu.memref_slice %arg5[%mul3A_81] : memref<512xi32, #tpu.memory_space<vmem>> -> memref<32xi32, #tpu.memory_space<vmem>>
    %dma_start3A_86 = arith.constant 0 : i32
    %dma_start3A_87 = arith.constant 0 : i32
    %dma_start3A_88 = tpu.memref_slice %arg3[%dma_start3A_86, %dma_start3A_87] : memref<30522x768xf32, #tpu.memory_space<hbm>> -> memref<30522x768xf32, #tpu.memory_space<hbm>>
    tpu.enqueue_indirect_dma source(%dma_start3A_88 : memref<30522x768xf32, #tpu.memory_space<hbm>>) target(%dma_start3A_84 : memref<32x768xf32, #tpu.memory_space<vmem>>) offsets(%dma_start3A_85 : memref<32xi32, #tpu.memory_space<vmem>>) semaphore(%arg9 : memref<!tpu.dma_semaphore, #tpu.memory_space<semaphore_mem>>)
    %scan3A = arith.constant 0 : i32
    %scan3A_89 = arith.constant 1 : i32
    %scan3A_90 = arith.constant 7 : i32
    %scan3A_91 = arith.addi %scan3A_89, %scan3A_90 : i32
    %scan3A_92 = arith.constant 1 : i32
    %scan3A_93 = scf.for %scan3A_135 = %scan3A_89 to %scan3A_91 step %scan3A_92 iter_args(%scan3A_136 = %scan3A) -> (i32)  : i32 {
      %mul3A_137 = arith.constant 2 : i32
      %mul3A_138 = arith.muli %mul3A_137, %scan3A_135 : i32
      %mul3A_139 = arith.constant 32 : i32
      %mul3A_140 = arith.muli %mul3A_138, %mul3A_139 : i32
      %dma_wait3A_141 = arith.constant 0 : i32
      %dma_wait3A_142 = arith.constant 0 : i32
      %dma_wait3A_143 = tpu.memref_slice %arg6[%dma_wait3A_141, %dma_wait3A_142] : memref<64x768xf32, #tpu.memory_space<vmem>> -> memref<32x768xf32, #tpu.memory_space<vmem>>
      %dma_wait3A_144 = tpu.memref_slice %arg5[%mul3A_140] : memref<512xi32, #tpu.memory_space<vmem>> -> memref<32xi32, #tpu.memory_space<vmem>>
      %dma_wait3A_145 = arith.constant 0 : i32
      %dma_wait3A_146 = arith.constant 0 : i32
      %dma_wait3A_147 = tpu.memref_slice %arg3[%dma_wait3A_145, %dma_wait3A_146] : memref<30522x768xf32, #tpu.memory_space<hbm>> -> memref<30522x768xf32, #tpu.memory_space<hbm>>
      tpu.wait_indirect_dma semaphore(%arg8 : memref<!tpu.dma_semaphore, #tpu.memory_space<semaphore_mem>>) src(%dma_wait3A_147 : memref<30522x768xf32, #tpu.memory_space<hbm>>) dst(%dma_wait3A_143 : memref<32x768xf32, #tpu.memory_space<vmem>>)
      %sub3A = arith.constant 2 : i32
      %sub3A_148 = arith.subi %mul3A_138, %sub3A : i32
      %mul3A_149 = arith.constant 32 : i32
      %mul3A_150 = arith.muli %sub3A_148, %mul3A_149 : i32
      %add3A_151 = arith.addi %mul3A_2, %mul3A_150 : i32
      %dma_wait3A_152 = arith.constant 0 : i32
      %dma_wait3A_153 = arith.constant 0 : i32
      %dma_wait3A_154 = tpu.memref_slice %arg7[%dma_wait3A_152, %dma_wait3A_153] : memref<64x384xi32, #tpu.memory_space<vmem>> -> memref<32x384xi32, #tpu.memory_space<vmem>>
      %dma_wait3A_155 = arith.constant 0 : i32
      %dma_wait3A_156 = tpu.memref_slice %arg4[%add3A_151, %dma_wait3A_155] : memref<16384x384xi32, #tpu.memory_space<hbm>> -> memref<32x384xi32, #tpu.memory_space<hbm>>
      %dma_wait3A_157 = arith.constant 0 : i32
      %dma_wait3A_158 = tpu.memref_slice %arg4[%add3A_151, %dma_wait3A_157] : memref<16384x384xi32, #tpu.memory_space<hbm>> -> memref<32x384xi32, #tpu.memory_space<hbm>>
      %dma_wait3A_159 = arith.constant 0 : i32
      %dma_wait3A_160 = arith.constant 0 : i32
      %dma_wait3A_161 = tpu.memref_slice %arg7[%dma_wait3A_159, %dma_wait3A_160] : memref<64x384xi32, #tpu.memory_space<vmem>> -> memref<32x384xi32, #tpu.memory_space<vmem>>
      tpu.wait_dma2 semaphore(%arg10 : memref<!tpu.dma_semaphore, #tpu.memory_space<semaphore_mem>>) src(%dma_wait3A_161 : memref<32x384xi32, #tpu.memory_space<vmem>>) dst(%dma_wait3A_158 : memref<32x384xi32, #tpu.memory_space<hbm>>)
      %parallel_loop3A_162 = arith.constant 0 : i32
      %parallel_loop3A_163 = arith.constant 32 : i32
      %parallel_loop3A_164 = arith.constant 1 : i32
      scf.for %parallel_loop3A_249 = %parallel_loop3A_162 to %parallel_loop3A_163 step %parallel_loop3A_164  : i32 {
        %parallel_loop3A_250 = arith.constant 0 : i32
        %parallel_loop3A_251 = arith.addi %parallel_loop3A_250, %parallel_loop3A_249 : i32
        %parallel_loop3A_252 = arith.constant 0 : i32
        %parallel_loop3A_253 = arith.addi %parallel_loop3A_252, %parallel_loop3A_249 : i32
        %parallel_loop3A_254 = arith.index_cast %parallel_loop3A_251 : i32 to index
        %parallel_loop3A_255 = arith.constant 0 : index
        %parallel_loop3A_256 = tpu.vector_load %arg6[%parallel_loop3A_254, %parallel_loop3A_255] {strides = array<i32>} : memref<64x768xf32, #tpu.memory_space<vmem>>, vector<16xf32>,
        %parallel_loop3A_257 = arith.index_cast %parallel_loop3A_251 : i32 to index
        %parallel_loop3A_258 = arith.constant 384 : index
        %parallel_loop3A_259 = tpu.vector_load %arg6[%parallel_loop3A_257, %parallel_loop3A_258] {strides = array<i32>} : memref<64x768xf32, #tpu.memory_space<vmem>>, vector<16xf32>,
        %parallel_loop3A_260 = tpu.pack_subelements %parallel_loop3A_256, %parallel_loop3A_259 {pack_format = #tpu.pack_format<interleaved>, positions = array<i32: 0, 1>} : vector<16xf32>, vector<16xf32> -> vector<32xbf16>
        %parallel_loop3A_261 = vector.bitcast %parallel_loop3A_260 : vector<32xbf16> to vector<16xi32>
        %parallel_loop3A_262 = arith.index_cast %parallel_loop3A_253 : i32 to index
        %parallel_loop3A_263 = arith.constant 0 : index
        %parallel_loop3A_264 = tpu.vector_load %arg7[%parallel_loop3A_262, %parallel_loop3A_263] {strides = array<i32>} : memref<64x384xi32, #tpu.memory_space<vmem>>, vector<16xi32>,
        tpu.vector_store %arg7[%parallel_loop3A_262, %parallel_loop3A_263], %parallel_loop3A_261 {strides = array<i32>} : memref<64x384xi32, #tpu.memory_space<vmem>>, vector<16xi32>,
        %parallel_loop3A_265 = arith.index_cast %parallel_loop3A_251 : i32 to index
        %parallel_loop3A_266 = arith.constant 16 : index
        %parallel_loop3A_267 = tpu.vector_load %arg6[%parallel_loop3A_265, %parallel_loop3A_266] {strides = array<i32>} : memref<64x768xf32, #tpu.memory_space<vmem>>, vector<16xf32>,
        %parallel_loop3A_268 = arith.index_cast %parallel_loop3A_251 : i32 to index
        %parallel_loop3A_269 = arith.constant 400 : index
        %parallel_loop3A_270 = tpu.vector_load %arg6[%parallel_loop3A_268, %parallel_loop3A_269] {strides = array<i32>} : memref<64x768xf32, #tpu.memory_space<vmem>>, vector<16xf32>,
        %parallel_loop3A_271 = tpu.pack_subelements %parallel_loop3A_267, %parallel_loop3A_270 {pack_format = #tpu.pack_format<interleaved>, positions = array<i32: 0, 1>} : vector<16xf32>, vector<16xf32> -> vector<32xbf16>
        %parallel_loop3A_272 = vector.bitcast %parallel_loop3A_271 : vector<32xbf16> to vector<16xi32>
        %parallel_loop3A_273 = arith.index_cast %parallel_loop3A_253 : i32 to index
        %parallel_loop3A_274 = arith.constant 16 : index
        %parallel_loop3A_275 = tpu.vector_load %arg7[%parallel_loop3A_273, %parallel_loop3A_274] {strides = array<i32>} : memref<64x384xi32, #tpu.memory_space<vmem>>, vector<16xi32>,
        tpu.vector_store %arg7[%parallel_loop3A_273, %parallel_loop3A_274], %parallel_loop3A_272 {strides = array<i32>} : memref<64x384xi32, #tpu.memory_space<vmem>>, vector<16xi32>,
        %parallel_loop3A_276 = arith.index_cast %parallel_loop3A_251 : i32 to index
        %parallel_loop3A_277 = arith.constant 32 : index
        %parallel_loop3A_278 = tpu.vector_load %arg6[%parallel_loop3A_276, %parallel_loop3A_277] {strides = array<i32>} : memref<64x768xf32, #tpu.memory_space<vmem>>, vector<16xf32>,
        %parallel_loop3A_279 = arith.index_cast %parallel_loop3A_251 : i32 to index
        %parallel_loop3A_280 = arith.constant 416 : index
        %parallel_loop3A_281 = tpu.vector_load %arg6[%parallel_loop3A_279, %parallel_loop3A_280] {strides = array<i32>} : memref<64x768xf32, #tpu.memory_space<vmem>>, vector<16xf32>,
        %parallel_loop3A_282 = tpu.pack_subelements %parallel_loop3A_278, %parallel_loop3A_281 {pack_format = #tpu.pack_format<interleaved>, positions = array<i32: 0, 1>} : vector<16xf32>, vector<16xf32> -> vector<32xbf16>
        %parallel_loop3A_283 = vector.bitcast %parallel_loop3A_282 : vector<32xbf16> to vector<16xi32>
        %parallel_loop3A_284 = arith.index_cast %parallel_loop3A_253 : i32 to index
        %parallel_loop3A_285 = arith.constant 32 : index
        %parallel_loop3A_286 = tpu.vector_load %arg7[%parallel_loop3A_284, %parallel_loop3A_285] {strides = array<i32>} : memref<64x384xi32, #tpu.memory_space<vmem>>, vector<16xi32>,
        tpu.vector_store %arg7[%parallel_loop3A_284, %parallel_loop3A_285], %parallel_loop3A_283 {strides = array<i32>} : memref<64x384xi32, #tpu.memory_space<vmem>>, vector<16xi32>,
        %parallel_loop3A_287 = arith.index_cast %parallel_loop3A_251 : i32 to index
        %parallel_loop3A_288 = arith.constant 48 : index
        %parallel_loop3A_289 = tpu.vector_load %arg6[%parallel_loop3A_287, %parallel_loop3A_288] {strides = array<i32>} : memref<64x768xf32, #tpu.memory_space<vmem>>, vector<16xf32>,
        %parallel_loop3A_290 = arith.index_cast %parallel_loop3A_251 : i32 to index
        %parallel_loop3A_291 = arith.constant 432 : index
        %parallel_loop3A_292 = tpu.vector_load %arg6[%parallel_loop3A_290, %parallel_loop3A_291] {strides = array<i32>} : memref<64x768xf32, #tpu.memory_space<vmem>>, vector<16xf32>,
        %parallel_loop3A_293 = tpu.pack_subelements %parallel_loop3A_289, %parallel_loop3A_292 {pack_format = #tpu.pack_format<interleaved>, positions = array<i32: 0, 1>} : vector<16xf32>, vector<16xf32> -> vector<32xbf16>
        %parallel_loop3A_294 = vector.bitcast %parallel_loop3A_293 : vector<32xbf16> to vector<16xi32>
        %parallel_loop3A_295 = arith.index_cast %parallel_loop3A_253 : i32 to index
        %parallel_loop3A_296 = arith.constant 48 : index
        %parallel_loop3A_297 = tpu.vector_load %arg7[%parallel_loop3A_295, %parallel_loop3A_296] {strides = array<i32>} : memref<64x384xi32, #tpu.memory_space<vmem>>, vector<16xi32>,
        tpu.vector_store %arg7[%parallel_loop3A_295, %parallel_loop3A_296], %parallel_loop3A_294 {strides = array<i32>} : memref<64x384xi32, #tpu.memory_space<vmem>>, vector<16xi32>,
        %parallel_loop3A_298 = arith.index_cast %parallel_loop3A_251 : i32 to index
        %parallel_loop3A_299 = arith.constant 64 : index
        %parallel_loop3A_300 = tpu.vector_load %arg6[%parallel_loop3A_298, %parallel_loop3A_299] {strides = array<i32>} : memref<64x768xf32, #tpu.memory_space<vmem>>, vector<16xf32>,
        %parallel_loop3A_301 = arith.index_cast %parallel_loop3A_251 : i32 to index
        %parallel_loop3A_302 = arith.constant 448 : index
        %parallel_loop3A_303 = tpu.vector_load %arg6[%parallel_loop3A_301, %parallel_loop3A_302] {strides = array<i32>} : memref<64x768xf32, #tpu.memory_space<vmem>>, vector<16xf32>,
        %parallel_loop3A_304 = tpu.pack_subelements %parallel_loop3A_300, %parallel_loop3A_303 {pack_format = #tpu.pack_format<interleaved>, positions = array<i32: 0, 1>} : vector<16xf32>, vector<16xf32> -> vector<32xbf16>
        %parallel_loop3A_305 = vector.bitcast %parallel_loop3A_304 : vector<32xbf16> to vector<16xi32>
        %parallel_loop3A_306 = arith.index_cast %parallel_loop3A_253 : i32 to index
        %parallel_loop3A_307 = arith.constant 64 : index
        %parallel_loop3A_308 = tpu.vector_load %arg7[%parallel_loop3A_306, %parallel_loop3A_307] {strides = array<i32>} : memref<64x384xi32, #tpu.memory_space<vmem>>, vector<16xi32>,
        tpu.vector_store %arg7[%parallel_loop3A_306, %parallel_loop3A_307], %parallel_loop3A_305 {strides = array<i32>} : memref<64x384xi32, #tpu.memory_space<vmem>>, vector<16xi32>,
        %parallel_loop3A_309 = arith.index_cast %parallel_loop3A_251 : i32 to index
        %parallel_loop3A_310 = arith.constant 80 : index
        %parallel_loop3A_311 = tpu.vector_load %arg6[%parallel_loop3A_309, %parallel_loop3A_310] {strides = array<i32>} : memref<64x768xf32, #tpu.memory_space<vmem>>, vector<16xf32>,
        %parallel_loop3A_312 = arith.index_cast %parallel_loop3A_251 : i32 to index
        %parallel_loop3A_313 = arith.constant 464 : index
        %parallel_loop3A_314 = tpu.vector_load %arg6[%parallel_loop3A_312, %parallel_loop3A_313] {strides = array<i32>} : memref<64x768xf32, #tpu.memory_space<vmem>>, vector<16xf32>,
        %parallel_loop3A_315 = tpu.pack_subelements %parallel_loop3A_311, %parallel_loop3A_314 {pack_format = #tpu.pack_format<interleaved>, positions = array<i32: 0, 1>} : vector<16xf32>, vector<16xf32> -> vector<32xbf16>
        %parallel_loop3A_316 = vector.bitcast %parallel_loop3A_315 : vector<32xbf16> to vector<16xi32>
        %parallel_loop3A_317 = arith.index_cast %parallel_loop3A_253 : i32 to index
        %parallel_loop3A_318 = arith.constant 80 : index
        %parallel_loop3A_319 = tpu.vector_load %arg7[%parallel_loop3A_317, %parallel_loop3A_318] {strides = array<i32>} : memref<64x384xi32, #tpu.memory_space<vmem>>, vector<16xi32>,
        tpu.vector_store %arg7[%parallel_loop3A_317, %parallel_loop3A_318], %parallel_loop3A_316 {strides = array<i32>} : memref<64x384xi32, #tpu.memory_space<vmem>>, vector<16xi32>,
        %parallel_loop3A_320 = arith.index_cast %parallel_loop3A_251 : i32 to index
        %parallel_loop3A_321 = arith.constant 96 : index
        %parallel_loop3A_322 = tpu.vector_load %arg6[%parallel_loop3A_320, %parallel_loop3A_321] {strides = array<i32>} : memref<64x768xf32, #tpu.memory_space<vmem>>, vector<16xf32>,
        %parallel_loop3A_323 = arith.index_cast %parallel_loop3A_251 : i32 to index
        %parallel_loop3A_324 = arith.constant 480 : index
        %parallel_loop3A_325 = tpu.vector_load %arg6[%parallel_loop3A_323, %parallel_loop3A_324] {strides = array<i32>} : memref<64x768xf32, #tpu.memory_space<vmem>>, vector<16xf32>,
        %parallel_loop3A_326 = tpu.pack_subelements %parallel_loop3A_322, %parallel_loop3A_325 {pack_format = #tpu.pack_format<interleaved>, positions = array<i32: 0, 1>} : vector<16xf32>, vector<16xf32> -> vector<32xbf16>
        %parallel_loop3A_327 = vector.bitcast %parallel_loop3A_326 : vector<32xbf16> to vector<16xi32>
        %parallel_loop3A_328 = arith.index_cast %parallel_loop3A_253 : i32 to index
        %parallel_loop3A_329 = arith.constant 96 : index
        %parallel_loop3A_330 = tpu.vector_load %arg7[%parallel_loop3A_328, %parallel_loop3A_329] {strides = array<i32>} : memref<64x384xi32, #tpu.memory_space<vmem>>, vector<16xi32>,
        tpu.vector_store %arg7[%parallel_loop3A_328, %parallel_loop3A_329], %parallel_loop3A_327 {strides = array<i32>} : memref<64x384xi32, #tpu.memory_space<vmem>>, vector<16xi32>,
        %parallel_loop3A_331 = arith.index_cast %parallel_loop3A_251 : i32 to index
        %parallel_loop3A_332 = arith.constant 112 : index
        %parallel_loop3A_333 = tpu.vector_load %arg6[%parallel_loop3A_331, %parallel_loop3A_332] {strides = array<i32>} : memref<64x768xf32, #tpu.memory_space<vmem>>, vector<16xf32>,
        %parallel_loop3A_334 = arith.index_cast %parallel_loop3A_251 : i32 to index
        %parallel_loop3A_335 = arith.constant 496 : index
        %parallel_loop3A_336 = tpu.vector_load %arg6[%parallel_loop3A_334, %parallel_loop3A_335] {strides = array<i32>} : memref<64x768xf32, #tpu.memory_space<vmem>>, vector<16xf32>,
        %parallel_loop3A_337 = tpu.pack_subelements %parallel_loop3A_333, %parallel_loop3A_336 {pack_format = #tpu.pack_format<interleaved>, positions = array<i32: 0, 1>} : vector<16xf32>, vector<16xf32> -> vector<32xbf16>
        %parallel_loop3A_338 = vector.bitcast %parallel_loop3A_337 : vector<32xbf16> to vector<16xi32>
        %parallel_loop3A_339 = arith.index_cast %parallel_loop3A_253 : i32 to index
        %parallel_loop3A_340 = arith.constant 112 : index
        %parallel_loop3A_341 = tpu.vector_load %arg7[%parallel_loop3A_339, %parallel_loop3A_340] {strides = array<i32>} : memref<64x384xi32, #tpu.memory_space<vmem>>, vector<16xi32>,
        tpu.vector_store %arg7[%parallel_loop3A_339, %parallel_loop3A_340], %parallel_loop3A_338 {strides = array<i32>} : memref<64x384xi32, #tpu.memory_space<vmem>>, vector<16xi32>,
        %parallel_loop3A_342 = arith.index_cast %parallel_loop3A_251 : i32 to index
        %parallel_loop3A_343 = arith.constant 128 : index
        %parallel_loop3A_344 = tpu.vector_load %arg6[%parallel_loop3A_342, %parallel_loop3A_343] {strides = array<i32>} : memref<64x768xf32, #tpu.memory_space<vmem>>, vector<16xf32>,
        %parallel_loop3A_345 = arith.index_cast %parallel_loop3A_251 : i32 to index
        %parallel_loop3A_346 = arith.constant 512 : index
        %parallel_loop3A_347 = tpu.vector_load %arg6[%parallel_loop3A_345, %parallel_loop3A_346] {strides = array<i32>} : memref<64x768xf32, #tpu.memory_space<vmem>>, vector<16xf32>,
        %parallel_loop3A_348 = tpu.pack_subelements %parallel_loop3A_344, %parallel_loop3A_347 {pack_format = #tpu.pack_format<interleaved>, positions = array<i32: 0, 1>} : vector<16xf32>, vector<16xf32> -> vector<32xbf16>
        %parallel_loop3A_349 = vector.bitcast %parallel_loop3A_348 : vector<32xbf16> to vector<16xi32>
        %parallel_loop3A_350 = arith.index_cast %parallel_loop3A_253 : i32 to index
        %parallel_loop3A_351 = arith.constant 128 : index
        %parallel_loop3A_352 = tpu.vector_load %arg7[%parallel_loop3A_350, %parallel_loop3A_351] {strides = array<i32>} : memref<64x384xi32, #tpu.memory_space<vmem>>, vector<16xi32>,
        tpu.vector_store %arg7[%parallel_loop3A_350, %parallel_loop3A_351], %parallel_loop3A_349 {strides = array<i32>} : memref<64x384xi32, #tpu.memory_space<vmem>>, vector<16xi32>,
        %parallel_loop3A_353 = arith.index_cast %parallel_loop3A_251 : i32 to index
        %parallel_loop3A_354 = arith.constant 144 : index
        %parallel_loop3A_355 = tpu.vector_load %arg6[%parallel_loop3A_353, %parallel_loop3A_354] {strides = array<i32>} : memref<64x768xf32, #tpu.memory_space<vmem>>, vector<16xf32>,
        %parallel_loop3A_356 = arith.index_cast %parallel_loop3A_251 : i32 to index
        %parallel_loop3A_357 = arith.constant 528 : index
        %parallel_loop3A_358 = tpu.vector_load %arg6[%parallel_loop3A_356, %parallel_loop3A_357] {strides = array<i32>} : memref<64x768xf32, #tpu.memory_space<vmem>>, vector<16xf32>,
        %parallel_loop3A_359 = tpu.pack_subelements %parallel_loop3A_355, %parallel_loop3A_358 {pack_format = #tpu.pack_format<interleaved>, positions = array<i32: 0, 1>} : vector<16xf32>, vector<16xf32> -> vector<32xbf16>
        %parallel_loop3A_360 = vector.bitcast %parallel_loop3A_359 : vector<32xbf16> to vector<16xi32>
        %parallel_loop3A_361 = arith.index_cast %parallel_loop3A_253 : i32 to index
        %parallel_loop3A_362 = arith.constant 144 : index
        %parallel_loop3A_363 = tpu.vector_load %arg7[%parallel_loop3A_361, %parallel_loop3A_362] {strides = array<i32>} : memref<64x384xi32, #tpu.memory_space<vmem>>, vector<16xi32>,
        tpu.vector_store %arg7[%parallel_loop3A_361, %parallel_loop3A_362], %parallel_loop3A_360 {strides = array<i32>} : memref<64x384xi32, #tpu.memory_space<vmem>>, vector<16xi32>,
        %parallel_loop3A_364 = arith.index_cast %parallel_loop3A_251 : i32 to index
        %parallel_loop3A_365 = arith.constant 160 : index
        %parallel_loop3A_366 = tpu.vector_load %arg6[%parallel_loop3A_364, %parallel_loop3A_365] {strides = array<i32>} : memref<64x768xf32, #tpu.memory_space<vmem>>, vector<16xf32>,
        %parallel_loop3A_367 = arith.index_cast %parallel_loop3A_251 : i32 to index
        %parallel_loop3A_368 = arith.constant 544 : index
        %parallel_loop3A_369 = tpu.vector_load %arg6[%parallel_loop3A_367, %parallel_loop3A_368] {strides = array<i32>} : memref<64x768xf32, #tpu.memory_space<vmem>>, vector<16xf32>,
        %parallel_loop3A_370 = tpu.pack_subelements %parallel_loop3A_366, %parallel_loop3A_369 {pack_format = #tpu.pack_format<interleaved>, positions = array<i32: 0, 1>} : vector<16xf32>, vector<16xf32> -> vector<32xbf16>
        %parallel_loop3A_371 = vector.bitcast %parallel_loop3A_370 : vector<32xbf16> to vector<16xi32>
        %parallel_loop3A_372 = arith.index_cast %parallel_loop3A_253 : i32 to index
        %parallel_loop3A_373 = arith.constant 160 : index
        %parallel_loop3A_374 = tpu.vector_load %arg7[%parallel_loop3A_372, %parallel_loop3A_373] {strides = array<i32>} : memref<64x384xi32, #tpu.memory_space<vmem>>, vector<16xi32>,
        tpu.vector_store %arg7[%parallel_loop3A_372, %parallel_loop3A_373], %parallel_loop3A_371 {strides = array<i32>} : memref<64x384xi32, #tpu.memory_space<vmem>>, vector<16xi32>,
        %parallel_loop3A_375 = arith.index_cast %parallel_loop3A_251 : i32 to index
        %parallel_loop3A_376 = arith.constant 176 : index
        %parallel_loop3A_377 = tpu.vector_load %arg6[%parallel_loop3A_375, %parallel_loop3A_376] {strides = array<i32>} : memref<64x768xf32, #tpu.memory_space<vmem>>, vector<16xf32>,
        %parallel_loop3A_378 = arith.index_cast %parallel_loop3A_251 : i32 to index
        %parallel_loop3A_379 = arith.constant 560 : index
        %parallel_loop3A_380 = tpu.vector_load %arg6[%parallel_loop3A_378, %parallel_loop3A_379] {strides = array<i32>} : memref<64x768xf32, #tpu.memory_space<vmem>>, vector<16xf32>,
        %parallel_loop3A_381 = tpu.pack_subelements %parallel_loop3A_377, %parallel_loop3A_380 {pack_format = #tpu.pack_format<interleaved>, positions = array<i32: 0, 1>} : vector<16xf32>, vector<16xf32> -> vector<32xbf16>
        %parallel_loop3A_382 = vector.bitcast %parallel_loop3A_381 : vector<32xbf16> to vector<16xi32>
        %parallel_loop3A_383 = arith.index_cast %parallel_loop3A_253 : i32 to index
        %parallel_loop3A_384 = arith.constant 176 : index
        %parallel_loop3A_385 = tpu.vector_load %arg7[%parallel_loop3A_383, %parallel_loop3A_384] {strides = array<i32>} : memref<64x384xi32, #tpu.memory_space<vmem>>, vector<16xi32>,
        tpu.vector_store %arg7[%parallel_loop3A_383, %parallel_loop3A_384], %parallel_loop3A_382 {strides = array<i32>} : memref<64x384xi32, #tpu.memory_space<vmem>>, vector<16xi32>,
        %parallel_loop3A_386 = arith.index_cast %parallel_loop3A_251 : i32 to index
        %parallel_loop3A_387 = arith.constant 192 : index
        %parallel_loop3A_388 = tpu.vector_load %arg6[%parallel_loop3A_386, %parallel_loop3A_387] {strides = array<i32>} : memref<64x768xf32, #tpu.memory_space<vmem>>, vector<16xf32>,
        %parallel_loop3A_389 = arith.index_cast %parallel_loop3A_251 : i32 to index
        %parallel_loop3A_390 = arith.constant 576 : index
        %parallel_loop3A_391 = tpu.vector_load %arg6[%parallel_loop3A_389, %parallel_loop3A_390] {strides = array<i32>} : memref<64x768xf32, #tpu.memory_space<vmem>>, vector<16xf32>,
        %parallel_loop3A_392 = tpu.pack_subelements %parallel_loop3A_388, %parallel_loop3A_391 {pack_format = #tpu.pack_format<interleaved>, positions = array<i32: 0, 1>} : vector<16xf32>, vector<16xf32> -> vector<32xbf16>
        %parallel_loop3A_393 = vector.bitcast %parallel_loop3A_392 : vector<32xbf16> to vector<16xi32>
        %parallel_loop3A_394 = arith.index_cast %parallel_loop3A_253 : i32 to index
        %parallel_loop3A_395 = arith.constant 192 : index
        %parallel_loop3A_396 = tpu.vector_load %arg7[%parallel_loop3A_394, %parallel_loop3A_395] {strides = array<i32>} : memref<64x384xi32, #tpu.memory_space<vmem>>, vector<16xi32>,
        tpu.vector_store %arg7[%parallel_loop3A_394, %parallel_loop3A_395], %parallel_loop3A_393 {strides = array<i32>} : memref<64x384xi32, #tpu.memory_space<vmem>>, vector<16xi32>,
        %parallel_loop3A_397 = arith.index_cast %parallel_loop3A_251 : i32 to index
        %parallel_loop3A_398 = arith.constant 208 : index
        %parallel_loop3A_399 = tpu.vector_load %arg6[%parallel_loop3A_397, %parallel_loop3A_398] {strides = array<i32>} : memref<64x768xf32, #tpu.memory_space<vmem>>, vector<16xf32>,
        %parallel_loop3A_400 = arith.index_cast %parallel_loop3A_251 : i32 to index
        %parallel_loop3A_401 = arith.constant 592 : index
        %parallel_loop3A_402 = tpu.vector_load %arg6[%parallel_loop3A_400, %parallel_loop3A_401] {strides = array<i32>} : memref<64x768xf32, #tpu.memory_space<vmem>>, vector<16xf32>,
        %parallel_loop3A_403 = tpu.pack_subelements %parallel_loop3A_399, %parallel_loop3A_402 {pack_format = #tpu.pack_format<interleaved>, positions = array<i32: 0, 1>} : vector<16xf32>, vector<16xf32> -> vector<32xbf16>
        %parallel_loop3A_404 = vector.bitcast %parallel_loop3A_403 : vector<32xbf16> to vector<16xi32>
        %parallel_loop3A_405 = arith.index_cast %parallel_loop3A_253 : i32 to index
        %parallel_loop3A_406 = arith.constant 208 : index
        %parallel_loop3A_407 = tpu.vector_load %arg7[%parallel_loop3A_405, %parallel_loop3A_406] {strides = array<i32>} : memref<64x384xi32, #tpu.memory_space<vmem>>, vector<16xi32>,
        tpu.vector_store %arg7[%parallel_loop3A_405, %parallel_loop3A_406], %parallel_loop3A_404 {strides = array<i32>} : memref<64x384xi32, #tpu.memory_space<vmem>>, vector<16xi32>,
        %parallel_loop3A_408 = arith.index_cast %parallel_loop3A_251 : i32 to index
        %parallel_loop3A_409 = arith.constant 224 : index
        %parallel_loop3A_410 = tpu.vector_load %arg6[%parallel_loop3A_408, %parallel_loop3A_409] {strides = array<i32>} : memref<64x768xf32, #tpu.memory_space<vmem>>, vector<16xf32>,
        %parallel_loop3A_411 = arith.index_cast %parallel_loop3A_251 : i32 to index
        %parallel_loop3A_412 = arith.constant 608 : index
        %parallel_loop3A_413 = tpu.vector_load %arg6[%parallel_loop3A_411, %parallel_loop3A_412] {strides = array<i32>} : memref<64x768xf32, #tpu.memory_space<vmem>>, vector<16xf32>,
        %parallel_loop3A_414 = tpu.pack_subelements %parallel_loop3A_410, %parallel_loop3A_413 {pack_format = #tpu.pack_format<interleaved>, positions = array<i32: 0, 1>} : vector<16xf32>, vector<16xf32> -> vector<32xbf16>
        %parallel_loop3A_415 = vector.bitcast %parallel_loop3A_414 : vector<32xbf16> to vector<16xi32>
        %parallel_loop3A_416 = arith.index_cast %parallel_loop3A_253 : i32 to index
        %parallel_loop3A_417 = arith.constant 224 : index
        %parallel_loop3A_418 = tpu.vector_load %arg7[%parallel_loop3A_416, %parallel_loop3A_417] {strides = array<i32>} : memref<64x384xi32, #tpu.memory_space<vmem>>, vector<16xi32>,
        tpu.vector_store %arg7[%parallel_loop3A_416, %parallel_loop3A_417], %parallel_loop3A_415 {strides = array<i32>} : memref<64x384xi32, #tpu.memory_space<vmem>>, vector<16xi32>,
        %parallel_loop3A_419 = arith.index_cast %parallel_loop3A_251 : i32 to index
        %parallel_loop3A_420 = arith.constant 240 : index
        %parallel_loop3A_421 = tpu.vector_load %arg6[%parallel_loop3A_419, %parallel_loop3A_420] {strides = array<i32>} : memref<64x768xf32, #tpu.memory_space<vmem>>, vector<16xf32>,
        %parallel_loop3A_422 = arith.index_cast %parallel_loop3A_251 : i32 to index
        %parallel_loop3A_423 = arith.constant 624 : index
        %parallel_loop3A_424 = tpu.vector_load %arg6[%parallel_loop3A_422, %parallel_loop3A_423] {strides = array<i32>} : memref<64x768xf32, #tpu.memory_space<vmem>>, vector<16xf32>,
        %parallel_loop3A_425 = tpu.pack_subelements %parallel_loop3A_421, %parallel_loop3A_424 {pack_format = #tpu.pack_format<interleaved>, positions = array<i32: 0, 1>} : vector<16xf32>, vector<16xf32> -> vector<32xbf16>
        %parallel_loop3A_426 = vector.bitcast %parallel_loop3A_425 : vector<32xbf16> to vector<16xi32>
        %parallel_loop3A_427 = arith.index_cast %parallel_loop3A_253 : i32 to index
        %parallel_loop3A_428 = arith.constant 240 : index
        %parallel_loop3A_429 = tpu.vector_load %arg7[%parallel_loop3A_427, %parallel_loop3A_428] {strides = array<i32>} : memref<64x384xi32, #tpu.memory_space<vmem>>, vector<16xi32>,
        tpu.vector_store %arg7[%parallel_loop3A_427, %parallel_loop3A_428], %parallel_loop3A_426 {strides = array<i32>} : memref<64x384xi32, #tpu.memory_space<vmem>>, vector<16xi32>,
        %parallel_loop3A_430 = arith.index_cast %parallel_loop3A_251 : i32 to index
        %parallel_loop3A_431 = arith.constant 256 : index
        %parallel_loop3A_432 = tpu.vector_load %arg6[%parallel_loop3A_430, %parallel_loop3A_431] {strides = array<i32>} : memref<64x768xf32, #tpu.memory_space<vmem>>, vector<16xf32>,
        %parallel_loop3A_433 = arith.index_cast %parallel_loop3A_251 : i32 to index
        %parallel_loop3A_434 = arith.constant 640 : index
        %parallel_loop3A_435 = tpu.vector_load %arg6[%parallel_loop3A_433, %parallel_loop3A_434] {strides = array<i32>} : memref<64x768xf32, #tpu.memory_space<vmem>>, vector<16xf32>,
        %parallel_loop3A_436 = tpu.pack_subelements %parallel_loop3A_432, %parallel_loop3A_435 {pack_format = #tpu.pack_format<interleaved>, positions = array<i32: 0, 1>} : vector<16xf32>, vector<16xf32> -> vector<32xbf16>
        %parallel_loop3A_437 = vector.bitcast %parallel_loop3A_436 : vector<32xbf16> to vector<16xi32>
        %parallel_loop3A_438 = arith.index_cast %parallel_loop3A_253 : i32 to index
        %parallel_loop3A_439 = arith.constant 256 : index
        %parallel_loop3A_440 = tpu.vector_load %arg7[%parallel_loop3A_438, %parallel_loop3A_439] {strides = array<i32>} : memref<64x384xi32, #tpu.memory_space<vmem>>, vector<16xi32>,
        tpu.vector_store %arg7[%parallel_loop3A_438, %parallel_loop3A_439], %parallel_loop3A_437 {strides = array<i32>} : memref<64x384xi32, #tpu.memory_space<vmem>>, vector<16xi32>,
        %parallel_loop3A_441 = arith.index_cast %parallel_loop3A_251 : i32 to index
        %parallel_loop3A_442 = arith.constant 272 : index
        %parallel_loop3A_443 = tpu.vector_load %arg6[%parallel_loop3A_441, %parallel_loop3A_442] {strides = array<i32>} : memref<64x768xf32, #tpu.memory_space<vmem>>, vector<16xf32>,
        %parallel_loop3A_444 = arith.index_cast %parallel_loop3A_251 : i32 to index
        %parallel_loop3A_445 = arith.constant 656 : index
        %parallel_loop3A_446 = tpu.vector_load %arg6[%parallel_loop3A_444, %parallel_loop3A_445] {strides = array<i32>} : memref<64x768xf32, #tpu.memory_space<vmem>>, vector<16xf32>,
        %parallel_loop3A_447 = tpu.pack_subelements %parallel_loop3A_443, %parallel_loop3A_446 {pack_format = #tpu.pack_format<interleaved>, positions = array<i32: 0, 1>} : vector<16xf32>, vector<16xf32> -> vector<32xbf16>
        %parallel_loop3A_448 = vector.bitcast %parallel_loop3A_447 : vector<32xbf16> to vector<16xi32>
        %parallel_loop3A_449 = arith.index_cast %parallel_loop3A_253 : i32 to index
        %parallel_loop3A_450 = arith.constant 272 : index
        %parallel_loop3A_451 = tpu.vector_load %arg7[%parallel_loop3A_449, %parallel_loop3A_450] {strides = array<i32>} : memref<64x384xi32, #tpu.memory_space<vmem>>, vector<16xi32>,
        tpu.vector_store %arg7[%parallel_loop3A_449, %parallel_loop3A_450], %parallel_loop3A_448 {strides = array<i32>} : memref<64x384xi32, #tpu.memory_space<vmem>>, vector<16xi32>,
        %parallel_loop3A_452 = arith.index_cast %parallel_loop3A_251 : i32 to index
        %parallel_loop3A_453 = arith.constant 288 : index
        %parallel_loop3A_454 = tpu.vector_load %arg6[%parallel_loop3A_452, %parallel_loop3A_453] {strides = array<i32>} : memref<64x768xf32, #tpu.memory_space<vmem>>, vector<16xf32>,
        %parallel_loop3A_455 = arith.index_cast %parallel_loop3A_251 : i32 to index
        %parallel_loop3A_456 = arith.constant 672 : index
        %parallel_loop3A_457 = tpu.vector_load %arg6[%parallel_loop3A_455, %parallel_loop3A_456] {strides = array<i32>} : memref<64x768xf32, #tpu.memory_space<vmem>>, vector<16xf32>,
        %parallel_loop3A_458 = tpu.pack_subelements %parallel_loop3A_454, %parallel_loop3A_457 {pack_format = #tpu.pack_format<interleaved>, positions = array<i32: 0, 1>} : vector<16xf32>, vector<16xf32> -> vector<32xbf16>
        %parallel_loop3A_459 = vector.bitcast %parallel_loop3A_458 : vector<32xbf16> to vector<16xi32>
        %parallel_loop3A_460 = arith.index_cast %parallel_loop3A_253 : i32 to index
        %parallel_loop3A_461 = arith.constant 288 : index
        %parallel_loop3A_462 = tpu.vector_load %arg7[%parallel_loop3A_460, %parallel_loop3A_461] {strides = array<i32>} : memref<64x384xi32, #tpu.memory_space<vmem>>, vector<16xi32>,
        tpu.vector_store %arg7[%parallel_loop3A_460, %parallel_loop3A_461], %parallel_loop3A_459 {strides = array<i32>} : memref<64x384xi32, #tpu.memory_space<vmem>>, vector<16xi32>,
        %parallel_loop3A_463 = arith.index_cast %parallel_loop3A_251 : i32 to index
        %parallel_loop3A_464 = arith.constant 304 : index
        %parallel_loop3A_465 = tpu.vector_load %arg6[%parallel_loop3A_463, %parallel_loop3A_464] {strides = array<i32>} : memref<64x768xf32, #tpu.memory_space<vmem>>, vector<16xf32>,
        %parallel_loop3A_466 = arith.index_cast %parallel_loop3A_251 : i32 to index
        %parallel_loop3A_467 = arith.constant 688 : index
        %parallel_loop3A_468 = tpu.vector_load %arg6[%parallel_loop3A_466, %parallel_loop3A_467] {strides = array<i32>} : memref<64x768xf32, #tpu.memory_space<vmem>>, vector<16xf32>,
        %parallel_loop3A_469 = tpu.pack_subelements %parallel_loop3A_465, %parallel_loop3A_468 {pack_format = #tpu.pack_format<interleaved>, positions = array<i32: 0, 1>} : vector<16xf32>, vector<16xf32> -> vector<32xbf16>
        %parallel_loop3A_470 = vector.bitcast %parallel_loop3A_469 : vector<32xbf16> to vector<16xi32>
        %parallel_loop3A_471 = arith.index_cast %parallel_loop3A_253 : i32 to index
        %parallel_loop3A_472 = arith.constant 304 : index
        %parallel_loop3A_473 = tpu.vector_load %arg7[%parallel_loop3A_471, %parallel_loop3A_472] {strides = array<i32>} : memref<64x384xi32, #tpu.memory_space<vmem>>, vector<16xi32>,
        tpu.vector_store %arg7[%parallel_loop3A_471, %parallel_loop3A_472], %parallel_loop3A_470 {strides = array<i32>} : memref<64x384xi32, #tpu.memory_space<vmem>>, vector<16xi32>,
        %parallel_loop3A_474 = arith.index_cast %parallel_loop3A_251 : i32 to index
        %parallel_loop3A_475 = arith.constant 320 : index
        %parallel_loop3A_476 = tpu.vector_load %arg6[%parallel_loop3A_474, %parallel_loop3A_475] {strides = array<i32>} : memref<64x768xf32, #tpu.memory_space<vmem>>, vector<16xf32>,
        %parallel_loop3A_477 = arith.index_cast %parallel_loop3A_251 : i32 to index
        %parallel_loop3A_478 = arith.constant 704 : index
        %parallel_loop3A_479 = tpu.vector_load %arg6[%parallel_loop3A_477, %parallel_loop3A_478] {strides = array<i32>} : memref<64x768xf32, #tpu.memory_space<vmem>>, vector<16xf32>,
        %parallel_loop3A_480 = tpu.pack_subelements %parallel_loop3A_476, %parallel_loop3A_479 {pack_format = #tpu.pack_format<interleaved>, positions = array<i32: 0, 1>} : vector<16xf32>, vector<16xf32> -> vector<32xbf16>
        %parallel_loop3A_481 = vector.bitcast %parallel_loop3A_480 : vector<32xbf16> to vector<16xi32>
        %parallel_loop3A_482 = arith.index_cast %parallel_loop3A_253 : i32 to index
        %parallel_loop3A_483 = arith.constant 320 : index
        %parallel_loop3A_484 = tpu.vector_load %arg7[%parallel_loop3A_482, %parallel_loop3A_483] {strides = array<i32>} : memref<64x384xi32, #tpu.memory_space<vmem>>, vector<16xi32>,
        tpu.vector_store %arg7[%parallel_loop3A_482, %parallel_loop3A_483], %parallel_loop3A_481 {strides = array<i32>} : memref<64x384xi32, #tpu.memory_space<vmem>>, vector<16xi32>,
        %parallel_loop3A_485 = arith.index_cast %parallel_loop3A_251 : i32 to index
        %parallel_loop3A_486 = arith.constant 336 : index
        %parallel_loop3A_487 = tpu.vector_load %arg6[%parallel_loop3A_485, %parallel_loop3A_486] {strides = array<i32>} : memref<64x768xf32, #tpu.memory_space<vmem>>, vector<16xf32>,
        %parallel_loop3A_488 = arith.index_cast %parallel_loop3A_251 : i32 to index
        %parallel_loop3A_489 = arith.constant 720 : index
        %parallel_loop3A_490 = tpu.vector_load %arg6[%parallel_loop3A_488, %parallel_loop3A_489] {strides = array<i32>} : memref<64x768xf32, #tpu.memory_space<vmem>>, vector<16xf32>,
        %parallel_loop3A_491 = tpu.pack_subelements %parallel_loop3A_487, %parallel_loop3A_490 {pack_format = #tpu.pack_format<interleaved>, positions = array<i32: 0, 1>} : vector<16xf32>, vector<16xf32> -> vector<32xbf16>
        %parallel_loop3A_492 = vector.bitcast %parallel_loop3A_491 : vector<32xbf16> to vector<16xi32>
        %parallel_loop3A_493 = arith.index_cast %parallel_loop3A_253 : i32 to index
        %parallel_loop3A_494 = arith.constant 336 : index
        %parallel_loop3A_495 = tpu.vector_load %arg7[%parallel_loop3A_493, %parallel_loop3A_494] {strides = array<i32>} : memref<64x384xi32, #tpu.memory_space<vmem>>, vector<16xi32>,
        tpu.vector_store %arg7[%parallel_loop3A_493, %parallel_loop3A_494], %parallel_loop3A_492 {strides = array<i32>} : memref<64x384xi32, #tpu.memory_space<vmem>>, vector<16xi32>,
        %parallel_loop3A_496 = arith.index_cast %parallel_loop3A_251 : i32 to index
        %parallel_loop3A_497 = arith.constant 352 : index
        %parallel_loop3A_498 = tpu.vector_load %arg6[%parallel_loop3A_496, %parallel_loop3A_497] {strides = array<i32>} : memref<64x768xf32, #tpu.memory_space<vmem>>, vector<16xf32>,
        %parallel_loop3A_499 = arith.index_cast %parallel_loop3A_251 : i32 to index
        %parallel_loop3A_500 = arith.constant 736 : index
        %parallel_loop3A_501 = tpu.vector_load %arg6[%parallel_loop3A_499, %parallel_loop3A_500] {strides = array<i32>} : memref<64x768xf32, #tpu.memory_space<vmem>>, vector<16xf32>,
        %parallel_loop3A_502 = tpu.pack_subelements %parallel_loop3A_498, %parallel_loop3A_501 {pack_format = #tpu.pack_format<interleaved>, positions = array<i32: 0, 1>} : vector<16xf32>, vector<16xf32> -> vector<32xbf16>
        %parallel_loop3A_503 = vector.bitcast %parallel_loop3A_502 : vector<32xbf16> to vector<16xi32>
        %parallel_loop3A_504 = arith.index_cast %parallel_loop3A_253 : i32 to index
        %parallel_loop3A_505 = arith.constant 352 : index
        %parallel_loop3A_506 = tpu.vector_load %arg7[%parallel_loop3A_504, %parallel_loop3A_505] {strides = array<i32>} : memref<64x384xi32, #tpu.memory_space<vmem>>, vector<16xi32>,
        tpu.vector_store %arg7[%parallel_loop3A_504, %parallel_loop3A_505], %parallel_loop3A_503 {strides = array<i32>} : memref<64x384xi32, #tpu.memory_space<vmem>>, vector<16xi32>,
        %parallel_loop3A_507 = arith.index_cast %parallel_loop3A_251 : i32 to index
        %parallel_loop3A_508 = arith.constant 368 : index
        %parallel_loop3A_509 = tpu.vector_load %arg6[%parallel_loop3A_507, %parallel_loop3A_508] {strides = array<i32>} : memref<64x768xf32, #tpu.memory_space<vmem>>, vector<16xf32>,
        %parallel_loop3A_510 = arith.index_cast %parallel_loop3A_251 : i32 to index
        %parallel_loop3A_511 = arith.constant 752 : index
        %parallel_loop3A_512 = tpu.vector_load %arg6[%parallel_loop3A_510, %parallel_loop3A_511] {strides = array<i32>} : memref<64x768xf32, #tpu.memory_space<vmem>>, vector<16xf32>,
        %parallel_loop3A_513 = tpu.pack_subelements %parallel_loop3A_509, %parallel_loop3A_512 {pack_format = #tpu.pack_format<interleaved>, positions = array<i32: 0, 1>} : vector<16xf32>, vector<16xf32> -> vector<32xbf16>
        %parallel_loop3A_514 = vector.bitcast %parallel_loop3A_513 : vector<32xbf16> to vector<16xi32>
        %parallel_loop3A_515 = arith.index_cast %parallel_loop3A_253 : i32 to index
        %parallel_loop3A_516 = arith.constant 368 : index
        %parallel_loop3A_517 = tpu.vector_load %arg7[%parallel_loop3A_515, %parallel_loop3A_516] {strides = array<i32>} : memref<64x384xi32, #tpu.memory_space<vmem>>, vector<16xi32>,
        tpu.vector_store %arg7[%parallel_loop3A_515, %parallel_loop3A_516], %parallel_loop3A_514 {strides = array<i32>} : memref<64x384xi32, #tpu.memory_space<vmem>>, vector<16xi32>,
      } {sc.loop_unroll_factor = 4 : i64, sc.parallel_access}
      %mul3A_165 = arith.constant 32 : i32
      %mul3A_166 = arith.muli %mul3A_138, %mul3A_165 : i32
      %add3A_167 = arith.addi %mul3A_2, %mul3A_166 : i32
      %dma_start3A_168 = arith.constant 0 : i32
      %dma_start3A_169 = arith.constant 0 : i32
      %dma_start3A_170 = tpu.memref_slice %arg7[%dma_start3A_168, %dma_start3A_169] : memref<64x384xi32, #tpu.memory_space<vmem>> -> memref<32x384xi32, #tpu.memory_space<vmem>>
      %dma_start3A_171 = arith.constant 0 : i32
      %dma_start3A_172 = tpu.memref_slice %arg4[%add3A_167, %dma_start3A_171] : memref<16384x384xi32, #tpu.memory_space<hbm>> -> memref<32x384xi32, #tpu.memory_space<hbm>>
      %dma_start3A_173 = arith.constant 0 : i32
      %dma_start3A_174 = tpu.memref_slice %arg4[%add3A_167, %dma_start3A_173] : memref<16384x384xi32, #tpu.memory_space<hbm>> -> memref<32x384xi32, #tpu.memory_space<hbm>>
      %dma_start3A_175 = arith.constant 0 : i32
      %dma_start3A_176 = arith.constant 0 : i32
      %dma_start3A_177 = tpu.memref_slice %arg7[%dma_start3A_175, %dma_start3A_176] : memref<64x384xi32, #tpu.memory_space<vmem>> -> memref<32x384xi32, #tpu.memory_space<vmem>>
      tpu.enqueue_dma source(%dma_start3A_177 : memref<32x384xi32, #tpu.memory_space<vmem>>) target(%dma_start3A_174 : memref<32x384xi32, #tpu.memory_space<hbm>>) target_semaphore(%arg10 : memref<!tpu.dma_semaphore, #tpu.memory_space<semaphore_mem>>)
      %add3A_178 = arith.constant 2 : i32
      %add3A_179 = arith.addi %mul3A_138, %add3A_178 : i32
      %rem3A_180 = arith.constant 16 : i32
      %rem3A_181 = arith.remsi %add3A_179, %rem3A_180 : i32
      %mul3A_182 = arith.constant 32 : i32
      %mul3A_183 = arith.muli %rem3A_181, %mul3A_182 : i32
      %dma_start3A_184 = arith.constant 0 : i32
      %dma_start3A_185 = arith.constant 0 : i32
      %dma_start3A_186 = tpu.memref_slice %arg6[%dma_start3A_184, %dma_start3A_185] : memref<64x768xf32, #tpu.memory_space<vmem>> -> memref<32x768xf32, #tpu.memory_space<vmem>>
      %dma_start3A_187 = tpu.memref_slice %arg5[%mul3A_183] : memref<512xi32, #tpu.memory_space<vmem>> -> memref<32xi32, #tpu.memory_space<vmem>>
      %dma_start3A_188 = arith.constant 0 : i32
      %dma_start3A_189 = arith.constant 0 : i32
      %dma_start3A_190 = tpu.memref_slice %arg3[%dma_start3A_188, %dma_start3A_189] : memref<30522x768xf32, #tpu.memory_space<hbm>> -> memref<30522x768xf32, #tpu.memory_space<hbm>>
      tpu.enqueue_indirect_dma source(%dma_start3A_190 : memref<30522x768xf32, #tpu.memory_space<hbm>>) target(%dma_start3A_186 : memref<32x768xf32, #tpu.memory_space<vmem>>) offsets(%dma_start3A_187 : memref<32xi32, #tpu.memory_space<vmem>>) semaphore(%arg8 : memref<!tpu.dma_semaphore, #tpu.memory_space<semaphore_mem>>)
      %mul3A_191 = arith.constant 2 : i32
      %mul3A_192 = arith.muli %mul3A_191, %scan3A_135 : i32
      %add3A_193 = arith.constant 1 : i32
      %add3A_194 = arith.addi %mul3A_192, %add3A_193 : i32
      %mul3A_195 = arith.constant 32 : i32
      %mul3A_196 = arith.muli %add3A_194, %mul3A_195 : i32
      %dma_wait3A_197 = arith.constant 32 : i32
      %dma_wait3A_198 = arith.constant 0 : i32
      %dma_wait3A_199 = tpu.memref_slice %arg6[%dma_wait3A_197, %dma_wait3A_198] : memref<64x768xf32, #tpu.memory_space<vmem>> -> memref<32x768xf32, #tpu.memory_space<vmem>>
      %dma_wait3A_200 = tpu.memref_slice %arg5[%mul3A_196] : memref<512xi32, #tpu.memory_space<vmem>> -> memref<32xi32, #tpu.memory_space<vmem>>
      %dma_wait3A_201 = arith.constant 0 : i32
      %dma_wait3A_202 = arith.constant 0 : i32
      %dma_wait3A_203 = tpu.memref_slice %arg3[%dma_wait3A_201, %dma_wait3A_202] : memref<30522x768xf32, #tpu.memory_space<hbm>> -> memref<30522x768xf32, #tpu.memory_space<hbm>>
      tpu.wait_indirect_dma semaphore(%arg9 : memref<!tpu.dma_semaphore, #tpu.memory_space<semaphore_mem>>) src(%dma_wait3A_203 : memref<30522x768xf32, #tpu.memory_space<hbm>>) dst(%dma_wait3A_199 : memref<32x768xf32, #tpu.memory_space<vmem>>)
      %sub3A_204 = arith.constant 2 : i32
      %sub3A_205 = arith.subi %add3A_194, %sub3A_204 : i32
      %mul3A_206 = arith.constant 32 : i32
      %mul3A_207 = arith.muli %sub3A_205, %mul3A_206 : i32
      %add3A_208 = arith.addi %mul3A_2, %mul3A_207 : i32
      %dma_wait3A_209 = arith.constant 32 : i32
      %dma_wait3A_210 = arith.constant 0 : i32
      %dma_wait3A_211 = tpu.memref_slice %arg7[%dma_wait3A_209, %dma_wait3A_210] : memref<64x384xi32, #tpu.memory_space<vmem>> -> memref<32x384xi32, #tpu.memory_space<vmem>>
      %dma_wait3A_212 = arith.constant 0 : i32
      %dma_wait3A_213 = tpu.memref_slice %arg4[%add3A_208, %dma_wait3A_212] : memref<16384x384xi32, #tpu.memory_space<hbm>> -> memref<32x384xi32, #tpu.memory_space<hbm>>
      %dma_wait3A_214 = arith.constant 0 : i32
      %dma_wait3A_215 = tpu.memref_slice %arg4[%add3A_208, %dma_wait3A_214] : memref<16384x384xi32, #tpu.memory_space<hbm>> -> memref<32x384xi32, #tpu.memory_space<hbm>>
      %dma_wait3A_216 = arith.constant 32 : i32
      %dma_wait3A_217 = arith.constant 0 : i32
      %dma_wait3A_218 = tpu.memref_slice %arg7[%dma_wait3A_216, %dma_wait3A_217] : memref<64x384xi32, #tpu.memory_space<vmem>> -> memref<32x384xi32, #tpu.memory_space<vmem>>
      tpu.wait_dma2 semaphore(%arg11 : memref<!tpu.dma_semaphore, #tpu.memory_space<semaphore_mem>>) src(%dma_wait3A_218 : memref<32x384xi32, #tpu.memory_space<vmem>>) dst(%dma_wait3A_215 : memref<32x384xi32, #tpu.memory_space<hbm>>)
      %parallel_loop3A_219 = arith.constant 0 : i32
      %parallel_loop3A_220 = arith.constant 32 : i32
      %parallel_loop3A_221 = arith.constant 1 : i32
      scf.for %parallel_loop3A_249 = %parallel_loop3A_219 to %parallel_loop3A_220 step %parallel_loop3A_221  : i32 {
        %parallel_loop3A_250 = arith.constant 32 : i32
        %parallel_loop3A_251 = arith.addi %parallel_loop3A_250, %parallel_loop3A_249 : i32
        %parallel_loop3A_252 = arith.constant 32 : i32
        %parallel_loop3A_253 = arith.addi %parallel_loop3A_252, %parallel_loop3A_249 : i32
        %parallel_loop3A_254 = arith.index_cast %parallel_loop3A_251 : i32 to index
        %parallel_loop3A_255 = arith.constant 0 : index
        %parallel_loop3A_256 = tpu.vector_load %arg6[%parallel_loop3A_254, %parallel_loop3A_255] {strides = array<i32>} : memref<64x768xf32, #tpu.memory_space<vmem>>, vector<16xf32>,
        %parallel_loop3A_257 = arith.index_cast %parallel_loop3A_251 : i32 to index
        %parallel_loop3A_258 = arith.constant 384 : index
        %parallel_loop3A_259 = tpu.vector_load %arg6[%parallel_loop3A_257, %parallel_loop3A_258] {strides = array<i32>} : memref<64x768xf32, #tpu.memory_space<vmem>>, vector<16xf32>,
        %parallel_loop3A_260 = tpu.pack_subelements %parallel_loop3A_256, %parallel_loop3A_259 {pack_format = #tpu.pack_format<interleaved>, positions = array<i32: 0, 1>} : vector<16xf32>, vector<16xf32> -> vector<32xbf16>
        %parallel_loop3A_261 = vector.bitcast %parallel_loop3A_260 : vector<32xbf16> to vector<16xi32>
        %parallel_loop3A_262 = arith.index_cast %parallel_loop3A_253 : i32 to index
        %parallel_loop3A_263 = arith.constant 0 : index
        %parallel_loop3A_264 = tpu.vector_load %arg7[%parallel_loop3A_262, %parallel_loop3A_263] {strides = array<i32>} : memref<64x384xi32, #tpu.memory_space<vmem>>, vector<16xi32>,
        tpu.vector_store %arg7[%parallel_loop3A_262, %parallel_loop3A_263], %parallel_loop3A_261 {strides = array<i32>} : memref<64x384xi32, #tpu.memory_space<vmem>>, vector<16xi32>,
        %parallel_loop3A_265 = arith.index_cast %parallel_loop3A_251 : i32 to index
        %parallel_loop3A_266 = arith.constant 16 : index
        %parallel_loop3A_267 = tpu.vector_load %arg6[%parallel_loop3A_265, %parallel_loop3A_266] {strides = array<i32>} : memref<64x768xf32, #tpu.memory_space<vmem>>, vector<16xf32>,
        %parallel_loop3A_268 = arith.index_cast %parallel_loop3A_251 : i32 to index
        %parallel_loop3A_269 = arith.constant 400 : index
        %parallel_loop3A_270 = tpu.vector_load %arg6[%parallel_loop3A_268, %parallel_loop3A_269] {strides = array<i32>} : memref<64x768xf32, #tpu.memory_space<vmem>>, vector<16xf32>,
        %parallel_loop3A_271 = tpu.pack_subelements %parallel_loop3A_267, %parallel_loop3A_270 {pack_format = #tpu.pack_format<interleaved>, positions = array<i32: 0, 1>} : vector<16xf32>, vector<16xf32> -> vector<32xbf16>
        %parallel_loop3A_272 = vector.bitcast %parallel_loop3A_271 : vector<32xbf16> to vector<16xi32>
        %parallel_loop3A_273 = arith.index_cast %parallel_loop3A_253 : i32 to index
        %parallel_loop3A_274 = arith.constant 16 : index
        %parallel_loop3A_275 = tpu.vector_load %arg7[%parallel_loop3A_273, %parallel_loop3A_274] {strides = array<i32>} : memref<64x384xi32, #tpu.memory_space<vmem>>, vector<16xi32>,
        tpu.vector_store %arg7[%parallel_loop3A_273, %parallel_loop3A_274], %parallel_loop3A_272 {strides = array<i32>} : memref<64x384xi32, #tpu.memory_space<vmem>>, vector<16xi32>,
        %parallel_loop3A_276 = arith.index_cast %parallel_loop3A_251 : i32 to index
        %parallel_loop3A_277 = arith.constant 32 : index
        %parallel_loop3A_278 = tpu.vector_load %arg6[%parallel_loop3A_276, %parallel_loop3A_277] {strides = array<i32>} : memref<64x768xf32, #tpu.memory_space<vmem>>, vector<16xf32>,
        %parallel_loop3A_279 = arith.index_cast %parallel_loop3A_251 : i32 to index
        %parallel_loop3A_280 = arith.constant 416 : index
        %parallel_loop3A_281 = tpu.vector_load %arg6[%parallel_loop3A_279, %parallel_loop3A_280] {strides = array<i32>} : memref<64x768xf32, #tpu.memory_space<vmem>>, vector<16xf32>,
        %parallel_loop3A_282 = tpu.pack_subelements %parallel_loop3A_278, %parallel_loop3A_281 {pack_format = #tpu.pack_format<interleaved>, positions = array<i32: 0, 1>} : vector<16xf32>, vector<16xf32> -> vector<32xbf16>
        %parallel_loop3A_283 = vector.bitcast %parallel_loop3A_282 : vector<32xbf16> to vector<16xi32>
        %parallel_loop3A_284 = arith.index_cast %parallel_loop3A_253 : i32 to index
        %parallel_loop3A_285 = arith.constant 32 : index
        %parallel_loop3A_286 = tpu.vector_load %arg7[%parallel_loop3A_284, %parallel_loop3A_285] {strides = array<i32>} : memref<64x384xi32, #tpu.memory_space<vmem>>, vector<16xi32>,
        tpu.vector_store %arg7[%parallel_loop3A_284, %parallel_loop3A_285], %parallel_loop3A_283 {strides = array<i32>} : memref<64x384xi32, #tpu.memory_space<vmem>>, vector<16xi32>,
        %parallel_loop3A_287 = arith.index_cast %parallel_loop3A_251 : i32 to index
        %parallel_loop3A_288 = arith.constant 48 : index
        %parallel_loop3A_289 = tpu.vector_load %arg6[%parallel_loop3A_287, %parallel_loop3A_288] {strides = array<i32>} : memref<64x768xf32, #tpu.memory_space<vmem>>, vector<16xf32>,
        %parallel_loop3A_290 = arith.index_cast %parallel_loop3A_251 : i32 to index
        %parallel_loop3A_291 = arith.constant 432 : index
        %parallel_loop3A_292 = tpu.vector_load %arg6[%parallel_loop3A_290, %parallel_loop3A_291] {strides = array<i32>} : memref<64x768xf32, #tpu.memory_space<vmem>>, vector<16xf32>,
        %parallel_loop3A_293 = tpu.pack_subelements %parallel_loop3A_289, %parallel_loop3A_292 {pack_format = #tpu.pack_format<interleaved>, positions = array<i32: 0, 1>} : vector<16xf32>, vector<16xf32> -> vector<32xbf16>
        %parallel_loop3A_294 = vector.bitcast %parallel_loop3A_293 : vector<32xbf16> to vector<16xi32>
        %parallel_loop3A_295 = arith.index_cast %parallel_loop3A_253 : i32 to index
        %parallel_loop3A_296 = arith.constant 48 : index
        %parallel_loop3A_297 = tpu.vector_load %arg7[%parallel_loop3A_295, %parallel_loop3A_296] {strides = array<i32>} : memref<64x384xi32, #tpu.memory_space<vmem>>, vector<16xi32>,
        tpu.vector_store %arg7[%parallel_loop3A_295, %parallel_loop3A_296], %parallel_loop3A_294 {strides = array<i32>} : memref<64x384xi32, #tpu.memory_space<vmem>>, vector<16xi32>,
        %parallel_loop3A_298 = arith.index_cast %parallel_loop3A_251 : i32 to index
        %parallel_loop3A_299 = arith.constant 64 : index
        %parallel_loop3A_300 = tpu.vector_load %arg6[%parallel_loop3A_298, %parallel_loop3A_299] {strides = array<i32>} : memref<64x768xf32, #tpu.memory_space<vmem>>, vector<16xf32>,
        %parallel_loop3A_301 = arith.index_cast %parallel_loop3A_251 : i32 to index
        %parallel_loop3A_302 = arith.constant 448 : index
        %parallel_loop3A_303 = tpu.vector_load %arg6[%parallel_loop3A_301, %parallel_loop3A_302] {strides = array<i32>} : memref<64x768xf32, #tpu.memory_space<vmem>>, vector<16xf32>,
        %parallel_loop3A_304 = tpu.pack_subelements %parallel_loop3A_300, %parallel_loop3A_303 {pack_format = #tpu.pack_format<interleaved>, positions = array<i32: 0, 1>} : vector<16xf32>, vector<16xf32> -> vector<32xbf16>
        %parallel_loop3A_305 = vector.bitcast %parallel_loop3A_304 : vector<32xbf16> to vector<16xi32>
        %parallel_loop3A_306 = arith.index_cast %parallel_loop3A_253 : i32 to index
        %parallel_loop3A_307 = arith.constant 64 : index
        %parallel_loop3A_308 = tpu.vector_load %arg7[%parallel_loop3A_306, %parallel_loop3A_307] {strides = array<i32>} : memref<64x384xi32, #tpu.memory_space<vmem>>, vector<16xi32>,
        tpu.vector_store %arg7[%parallel_loop3A_306, %parallel_loop3A_307], %parallel_loop3A_305 {strides = array<i32>} : memref<64x384xi32, #tpu.memory_space<vmem>>, vector<16xi32>,
        %parallel_loop3A_309 = arith.index_cast %parallel_loop3A_251 : i32 to index
        %parallel_loop3A_310 = arith.constant 80 : index
        %parallel_loop3A_311 = tpu.vector_load %arg6[%parallel_loop3A_309, %parallel_loop3A_310] {strides = array<i32>} : memref<64x768xf32, #tpu.memory_space<vmem>>, vector<16xf32>,
        %parallel_loop3A_312 = arith.index_cast %parallel_loop3A_251 : i32 to index
        %parallel_loop3A_313 = arith.constant 464 : index
        %parallel_loop3A_314 = tpu.vector_load %arg6[%parallel_loop3A_312, %parallel_loop3A_313] {strides = array<i32>} : memref<64x768xf32, #tpu.memory_space<vmem>>, vector<16xf32>,
        %parallel_loop3A_315 = tpu.pack_subelements %parallel_loop3A_311, %parallel_loop3A_314 {pack_format = #tpu.pack_format<interleaved>, positions = array<i32: 0, 1>} : vector<16xf32>, vector<16xf32> -> vector<32xbf16>
        %parallel_loop3A_316 = vector.bitcast %parallel_loop3A_315 : vector<32xbf16> to vector<16xi32>
        %parallel_loop3A_317 = arith.index_cast %parallel_loop3A_253 : i32 to index
        %parallel_loop3A_318 = arith.constant 80 : index
        %parallel_loop3A_319 = tpu.vector_load %arg7[%parallel_loop3A_317, %parallel_loop3A_318] {strides = array<i32>} : memref<64x384xi32, #tpu.memory_space<vmem>>, vector<16xi32>,
        tpu.vector_store %arg7[%parallel_loop3A_317, %parallel_loop3A_318], %parallel_loop3A_316 {strides = array<i32>} : memref<64x384xi32, #tpu.memory_space<vmem>>, vector<16xi32>,
        %parallel_loop3A_320 = arith.index_cast %parallel_loop3A_251 : i32 to index
        %parallel_loop3A_321 = arith.constant 96 : index
        %parallel_loop3A_322 = tpu.vector_load %arg6[%parallel_loop3A_320, %parallel_loop3A_321] {strides = array<i32>} : memref<64x768xf32, #tpu.memory_space<vmem>>, vector<16xf32>,
        %parallel_loop3A_323 = arith.index_cast %parallel_loop3A_251 : i32 to index
        %parallel_loop3A_324 = arith.constant 480 : index
        %parallel_loop3A_325 = tpu.vector_load %arg6[%parallel_loop3A_323, %parallel_loop3A_324] {strides = array<i32>} : memref<64x768xf32, #tpu.memory_space<vmem>>, vector<16xf32>,
        %parallel_loop3A_326 = tpu.pack_subelements %parallel_loop3A_322, %parallel_loop3A_325 {pack_format = #tpu.pack_format<interleaved>, positions = array<i32: 0, 1>} : vector<16xf32>, vector<16xf32> -> vector<32xbf16>
        %parallel_loop3A_327 = vector.bitcast %parallel_loop3A_326 : vector<32xbf16> to vector<16xi32>
        %parallel_loop3A_328 = arith.index_cast %parallel_loop3A_253 : i32 to index
        %parallel_loop3A_329 = arith.constant 96 : index
        %parallel_loop3A_330 = tpu.vector_load %arg7[%parallel_loop3A_328, %parallel_loop3A_329] {strides = array<i32>} : memref<64x384xi32, #tpu.memory_space<vmem>>, vector<16xi32>,
        tpu.vector_store %arg7[%parallel_loop3A_328, %parallel_loop3A_329], %parallel_loop3A_327 {strides = array<i32>} : memref<64x384xi32, #tpu.memory_space<vmem>>, vector<16xi32>,
        %parallel_loop3A_331 = arith.index_cast %parallel_loop3A_251 : i32 to index
        %parallel_loop3A_332 = arith.constant 112 : index
        %parallel_loop3A_333 = tpu.vector_load %arg6[%parallel_loop3A_331, %parallel_loop3A_332] {strides = array<i32>} : memref<64x768xf32, #tpu.memory_space<vmem>>, vector<16xf32>,
        %parallel_loop3A_334 = arith.index_cast %parallel_loop3A_251 : i32 to index
        %parallel_loop3A_335 = arith.constant 496 : index
        %parallel_loop3A_336 = tpu.vector_load %arg6[%parallel_loop3A_334, %parallel_loop3A_335] {strides = array<i32>} : memref<64x768xf32, #tpu.memory_space<vmem>>, vector<16xf32>,
        %parallel_loop3A_337 = tpu.pack_subelements %parallel_loop3A_333, %parallel_loop3A_336 {pack_format = #tpu.pack_format<interleaved>, positions = array<i32: 0, 1>} : vector<16xf32>, vector<16xf32> -> vector<32xbf16>
        %parallel_loop3A_338 = vector.bitcast %parallel_loop3A_337 : vector<32xbf16> to vector<16xi32>
        %parallel_loop3A_339 = arith.index_cast %parallel_loop3A_253 : i32 to index
        %parallel_loop3A_340 = arith.constant 112 : index
        %parallel_loop3A_341 = tpu.vector_load %arg7[%parallel_loop3A_339, %parallel_loop3A_340] {strides = array<i32>} : memref<64x384xi32, #tpu.memory_space<vmem>>, vector<16xi32>,
        tpu.vector_store %arg7[%parallel_loop3A_339, %parallel_loop3A_340], %parallel_loop3A_338 {strides = array<i32>} : memref<64x384xi32, #tpu.memory_space<vmem>>, vector<16xi32>,
        %parallel_loop3A_342 = arith.index_cast %parallel_loop3A_251 : i32 to index
        %parallel_loop3A_343 = arith.constant 128 : index
        %parallel_loop3A_344 = tpu.vector_load %arg6[%parallel_loop3A_342, %parallel_loop3A_343] {strides = array<i32>} : memref<64x768xf32, #tpu.memory_space<vmem>>, vector<16xf32>,
        %parallel_loop3A_345 = arith.index_cast %parallel_loop3A_251 : i32 to index
        %parallel_loop3A_346 = arith.constant 512 : index
        %parallel_loop3A_347 = tpu.vector_load %arg6[%parallel_loop3A_345, %parallel_loop3A_346] {strides = array<i32>} : memref<64x768xf32, #tpu.memory_space<vmem>>, vector<16xf32>,
        %parallel_loop3A_348 = tpu.pack_subelements %parallel_loop3A_344, %parallel_loop3A_347 {pack_format = #tpu.pack_format<interleaved>, positions = array<i32: 0, 1>} : vector<16xf32>, vector<16xf32> -> vector<32xbf16>
        %parallel_loop3A_349 = vector.bitcast %parallel_loop3A_348 : vector<32xbf16> to vector<16xi32>
        %parallel_loop3A_350 = arith.index_cast %parallel_loop3A_253 : i32 to index
        %parallel_loop3A_351 = arith.constant 128 : index
        %parallel_loop3A_352 = tpu.vector_load %arg7[%parallel_loop3A_350, %parallel_loop3A_351] {strides = array<i32>} : memref<64x384xi32, #tpu.memory_space<vmem>>, vector<16xi32>,
        tpu.vector_store %arg7[%parallel_loop3A_350, %parallel_loop3A_351], %parallel_loop3A_349 {strides = array<i32>} : memref<64x384xi32, #tpu.memory_space<vmem>>, vector<16xi32>,
        %parallel_loop3A_353 = arith.index_cast %parallel_loop3A_251 : i32 to index
        %parallel_loop3A_354 = arith.constant 144 : index
        %parallel_loop3A_355 = tpu.vector_load %arg6[%parallel_loop3A_353, %parallel_loop3A_354] {strides = array<i32>} : memref<64x768xf32, #tpu.memory_space<vmem>>, vector<16xf32>,
        %parallel_loop3A_356 = arith.index_cast %parallel_loop3A_251 : i32 to index
        %parallel_loop3A_357 = arith.constant 528 : index
        %parallel_loop3A_358 = tpu.vector_load %arg6[%parallel_loop3A_356, %parallel_loop3A_357] {strides = array<i32>} : memref<64x768xf32, #tpu.memory_space<vmem>>, vector<16xf32>,
        %parallel_loop3A_359 = tpu.pack_subelements %parallel_loop3A_355, %parallel_loop3A_358 {pack_format = #tpu.pack_format<interleaved>, positions = array<i32: 0, 1>} : vector<16xf32>, vector<16xf32> -> vector<32xbf16>
        %parallel_loop3A_360 = vector.bitcast %parallel_loop3A_359 : vector<32xbf16> to vector<16xi32>
        %parallel_loop3A_361 = arith.index_cast %parallel_loop3A_253 : i32 to index
        %parallel_loop3A_362 = arith.constant 144 : index
        %parallel_loop3A_363 = tpu.vector_load %arg7[%parallel_loop3A_361, %parallel_loop3A_362] {strides = array<i32>} : memref<64x384xi32, #tpu.memory_space<vmem>>, vector<16xi32>,
        tpu.vector_store %arg7[%parallel_loop3A_361, %parallel_loop3A_362], %parallel_loop3A_360 {strides = array<i32>} : memref<64x384xi32, #tpu.memory_space<vmem>>, vector<16xi32>,
        %parallel_loop3A_364 = arith.index_cast %parallel_loop3A_251 : i32 to index
        %parallel_loop3A_365 = arith.constant 160 : index
        %parallel_loop3A_366 = tpu.vector_load %arg6[%parallel_loop3A_364, %parallel_loop3A_365] {strides = array<i32>} : memref<64x768xf32, #tpu.memory_space<vmem>>, vector<16xf32>,
        %parallel_loop3A_367 = arith.index_cast %parallel_loop3A_251 : i32 to index
        %parallel_loop3A_368 = arith.constant 544 : index
        %parallel_loop3A_369 = tpu.vector_load %arg6[%parallel_loop3A_367, %parallel_loop3A_368] {strides = array<i32>} : memref<64x768xf32, #tpu.memory_space<vmem>>, vector<16xf32>,
        %parallel_loop3A_370 = tpu.pack_subelements %parallel_loop3A_366, %parallel_loop3A_369 {pack_format = #tpu.pack_format<interleaved>, positions = array<i32: 0, 1>} : vector<16xf32>, vector<16xf32> -> vector<32xbf16>
        %parallel_loop3A_371 = vector.bitcast %parallel_loop3A_370 : vector<32xbf16> to vector<16xi32>
        %parallel_loop3A_372 = arith.index_cast %parallel_loop3A_253 : i32 to index
        %parallel_loop3A_373 = arith.constant 160 : index
        %parallel_loop3A_374 = tpu.vector_load %arg7[%parallel_loop3A_372, %parallel_loop3A_373] {strides = array<i32>} : memref<64x384xi32, #tpu.memory_space<vmem>>, vector<16xi32>,
        tpu.vector_store %arg7[%parallel_loop3A_372, %parallel_loop3A_373], %parallel_loop3A_371 {strides = array<i32>} : memref<64x384xi32, #tpu.memory_space<vmem>>, vector<16xi32>,
        %parallel_loop3A_375 = arith.index_cast %parallel_loop3A_251 : i32 to index
        %parallel_loop3A_376 = arith.constant 176 : index
        %parallel_loop3A_377 = tpu.vector_load %arg6[%parallel_loop3A_375, %parallel_loop3A_376] {strides = array<i32>} : memref<64x768xf32, #tpu.memory_space<vmem>>, vector<16xf32>,
        %parallel_loop3A_378 = arith.index_cast %parallel_loop3A_251 : i32 to index
        %parallel_loop3A_379 = arith.constant 560 : index
        %parallel_loop3A_380 = tpu.vector_load %arg6[%parallel_loop3A_378, %parallel_loop3A_379] {strides = array<i32>} : memref<64x768xf32, #tpu.memory_space<vmem>>, vector<16xf32>,
        %parallel_loop3A_381 = tpu.pack_subelements %parallel_loop3A_377, %parallel_loop3A_380 {pack_format = #tpu.pack_format<interleaved>, positions = array<i32: 0, 1>} : vector<16xf32>, vector<16xf32> -> vector<32xbf16>
        %parallel_loop3A_382 = vector.bitcast %parallel_loop3A_381 : vector<32xbf16> to vector<16xi32>
        %parallel_loop3A_383 = arith.index_cast %parallel_loop3A_253 : i32 to index
        %parallel_loop3A_384 = arith.constant 176 : index
        %parallel_loop3A_385 = tpu.vector_load %arg7[%parallel_loop3A_383, %parallel_loop3A_384] {strides = array<i32>} : memref<64x384xi32, #tpu.memory_space<vmem>>, vector<16xi32>,
        tpu.vector_store %arg7[%parallel_loop3A_383, %parallel_loop3A_384], %parallel_loop3A_382 {strides = array<i32>} : memref<64x384xi32, #tpu.memory_space<vmem>>, vector<16xi32>,
        %parallel_loop3A_386 = arith.index_cast %parallel_loop3A_251 : i32 to index
        %parallel_loop3A_387 = arith.constant 192 : index
        %parallel_loop3A_388 = tpu.vector_load %arg6[%parallel_loop3A_386, %parallel_loop3A_387] {strides = array<i32>} : memref<64x768xf32, #tpu.memory_space<vmem>>, vector<16xf32>,
        %parallel_loop3A_389 = arith.index_cast %parallel_loop3A_251 : i32 to index
        %parallel_loop3A_390 = arith.constant 576 : index
        %parallel_loop3A_391 = tpu.vector_load %arg6[%parallel_loop3A_389, %parallel_loop3A_390] {strides = array<i32>} : memref<64x768xf32, #tpu.memory_space<vmem>>, vector<16xf32>,
        %parallel_loop3A_392 = tpu.pack_subelements %parallel_loop3A_388, %parallel_loop3A_391 {pack_format = #tpu.pack_format<interleaved>, positions = array<i32: 0, 1>} : vector<16xf32>, vector<16xf32> -> vector<32xbf16>
        %parallel_loop3A_393 = vector.bitcast %parallel_loop3A_392 : vector<32xbf16> to vector<16xi32>
        %parallel_loop3A_394 = arith.index_cast %parallel_loop3A_253 : i32 to index
        %parallel_loop3A_395 = arith.constant 192 : index
        %parallel_loop3A_396 = tpu.vector_load %arg7[%parallel_loop3A_394, %parallel_loop3A_395] {strides = array<i32>} : memref<64x384xi32, #tpu.memory_space<vmem>>, vector<16xi32>,
        tpu.vector_store %arg7[%parallel_loop3A_394, %parallel_loop3A_395], %parallel_loop3A_393 {strides = array<i32>} : memref<64x384xi32, #tpu.memory_space<vmem>>, vector<16xi32>,
        %parallel_loop3A_397 = arith.index_cast %parallel_loop3A_251 : i32 to index
        %parallel_loop3A_398 = arith.constant 208 : index
        %parallel_loop3A_399 = tpu.vector_load %arg6[%parallel_loop3A_397, %parallel_loop3A_398] {strides = array<i32>} : memref<64x768xf32, #tpu.memory_space<vmem>>, vector<16xf32>,
        %parallel_loop3A_400 = arith.index_cast %parallel_loop3A_251 : i32 to index
        %parallel_loop3A_401 = arith.constant 592 : index
        %parallel_loop3A_402 = tpu.vector_load %arg6[%parallel_loop3A_400, %parallel_loop3A_401] {strides = array<i32>} : memref<64x768xf32, #tpu.memory_space<vmem>>, vector<16xf32>,
        %parallel_loop3A_403 = tpu.pack_subelements %parallel_loop3A_399, %parallel_loop3A_402 {pack_format = #tpu.pack_format<interleaved>, positions = array<i32: 0, 1>} : vector<16xf32>, vector<16xf32> -> vector<32xbf16>
        %parallel_loop3A_404 = vector.bitcast %parallel_loop3A_403 : vector<32xbf16> to vector<16xi32>
        %parallel_loop3A_405 = arith.index_cast %parallel_loop3A_253 : i32 to index
        %parallel_loop3A_406 = arith.constant 208 : index
        %parallel_loop3A_407 = tpu.vector_load %arg7[%parallel_loop3A_405, %parallel_loop3A_406] {strides = array<i32>} : memref<64x384xi32, #tpu.memory_space<vmem>>, vector<16xi32>,
        tpu.vector_store %arg7[%parallel_loop3A_405, %parallel_loop3A_406], %parallel_loop3A_404 {strides = array<i32>} : memref<64x384xi32, #tpu.memory_space<vmem>>, vector<16xi32>,
        %parallel_loop3A_408 = arith.index_cast %parallel_loop3A_251 : i32 to index
        %parallel_loop3A_409 = arith.constant 224 : index
        %parallel_loop3A_410 = tpu.vector_load %arg6[%parallel_loop3A_408, %parallel_loop3A_409] {strides = array<i32>} : memref<64x768xf32, #tpu.memory_space<vmem>>, vector<16xf32>,
        %parallel_loop3A_411 = arith.index_cast %parallel_loop3A_251 : i32 to index
        %parallel_loop3A_412 = arith.constant 608 : index
        %parallel_loop3A_413 = tpu.vector_load %arg6[%parallel_loop3A_411, %parallel_loop3A_412] {strides = array<i32>} : memref<64x768xf32, #tpu.memory_space<vmem>>, vector<16xf32>,
        %parallel_loop3A_414 = tpu.pack_subelements %parallel_loop3A_410, %parallel_loop3A_413 {pack_format = #tpu.pack_format<interleaved>, positions = array<i32: 0, 1>} : vector<16xf32>, vector<16xf32> -> vector<32xbf16>
        %parallel_loop3A_415 = vector.bitcast %parallel_loop3A_414 : vector<32xbf16> to vector<16xi32>
        %parallel_loop3A_416 = arith.index_cast %parallel_loop3A_253 : i32 to index
        %parallel_loop3A_417 = arith.constant 224 : index
        %parallel_loop3A_418 = tpu.vector_load %arg7[%parallel_loop3A_416, %parallel_loop3A_417] {strides = array<i32>} : memref<64x384xi32, #tpu.memory_space<vmem>>, vector<16xi32>,
        tpu.vector_store %arg7[%parallel_loop3A_416, %parallel_loop3A_417], %parallel_loop3A_415 {strides = array<i32>} : memref<64x384xi32, #tpu.memory_space<vmem>>, vector<16xi32>,
        %parallel_loop3A_419 = arith.index_cast %parallel_loop3A_251 : i32 to index
        %parallel_loop3A_420 = arith.constant 240 : index
        %parallel_loop3A_421 = tpu.vector_load %arg6[%parallel_loop3A_419, %parallel_loop3A_420] {strides = array<i32>} : memref<64x768xf32, #tpu.memory_space<vmem>>, vector<16xf32>,
        %parallel_loop3A_422 = arith.index_cast %parallel_loop3A_251 : i32 to index
        %parallel_loop3A_423 = arith.constant 624 : index
        %parallel_loop3A_424 = tpu.vector_load %arg6[%parallel_loop3A_422, %parallel_loop3A_423] {strides = array<i32>} : memref<64x768xf32, #tpu.memory_space<vmem>>, vector<16xf32>,
        %parallel_loop3A_425 = tpu.pack_subelements %parallel_loop3A_421, %parallel_loop3A_424 {pack_format = #tpu.pack_format<interleaved>, positions = array<i32: 0, 1>} : vector<16xf32>, vector<16xf32> -> vector<32xbf16>
        %parallel_loop3A_426 = vector.bitcast %parallel_loop3A_425 : vector<32xbf16> to vector<16xi32>
        %parallel_loop3A_427 = arith.index_cast %parallel_loop3A_253 : i32 to index
        %parallel_loop3A_428 = arith.constant 240 : index
        %parallel_loop3A_429 = tpu.vector_load %arg7[%parallel_loop3A_427, %parallel_loop3A_428] {strides = array<i32>} : memref<64x384xi32, #tpu.memory_space<vmem>>, vector<16xi32>,
        tpu.vector_store %arg7[%parallel_loop3A_427, %parallel_loop3A_428], %parallel_loop3A_426 {strides = array<i32>} : memref<64x384xi32, #tpu.memory_space<vmem>>, vector<16xi32>,
        %parallel_loop3A_430 = arith.index_cast %parallel_loop3A_251 : i32 to index
        %parallel_loop3A_431 = arith.constant 256 : index
        %parallel_loop3A_432 = tpu.vector_load %arg6[%parallel_loop3A_430, %parallel_loop3A_431] {strides = array<i32>} : memref<64x768xf32, #tpu.memory_space<vmem>>, vector<16xf32>,
        %parallel_loop3A_433 = arith.index_cast %parallel_loop3A_251 : i32 to index
        %parallel_loop3A_434 = arith.constant 640 : index
        %parallel_loop3A_435 = tpu.vector_load %arg6[%parallel_loop3A_433, %parallel_loop3A_434] {strides = array<i32>} : memref<64x768xf32, #tpu.memory_space<vmem>>, vector<16xf32>,
        %parallel_loop3A_436 = tpu.pack_subelements %parallel_loop3A_432, %parallel_loop3A_435 {pack_format = #tpu.pack_format<interleaved>, positions = array<i32: 0, 1>} : vector<16xf32>, vector<16xf32> -> vector<32xbf16>
        %parallel_loop3A_437 = vector.bitcast %parallel_loop3A_436 : vector<32xbf16> to vector<16xi32>
        %parallel_loop3A_438 = arith.index_cast %parallel_loop3A_253 : i32 to index
        %parallel_loop3A_439 = arith.constant 256 : index
        %parallel_loop3A_440 = tpu.vector_load %arg7[%parallel_loop3A_438, %parallel_loop3A_439] {strides = array<i32>} : memref<64x384xi32, #tpu.memory_space<vmem>>, vector<16xi32>,
        tpu.vector_store %arg7[%parallel_loop3A_438, %parallel_loop3A_439], %parallel_loop3A_437 {strides = array<i32>} : memref<64x384xi32, #tpu.memory_space<vmem>>, vector<16xi32>,
        %parallel_loop3A_441 = arith.index_cast %parallel_loop3A_251 : i32 to index
        %parallel_loop3A_442 = arith.constant 272 : index
        %parallel_loop3A_443 = tpu.vector_load %arg6[%parallel_loop3A_441, %parallel_loop3A_442] {strides = array<i32>} : memref<64x768xf32, #tpu.memory_space<vmem>>, vector<16xf32>,
        %parallel_loop3A_444 = arith.index_cast %parallel_loop3A_251 : i32 to index
        %parallel_loop3A_445 = arith.constant 656 : index
        %parallel_loop3A_446 = tpu.vector_load %arg6[%parallel_loop3A_444, %parallel_loop3A_445] {strides = array<i32>} : memref<64x768xf32, #tpu.memory_space<vmem>>, vector<16xf32>,
        %parallel_loop3A_447 = tpu.pack_subelements %parallel_loop3A_443, %parallel_loop3A_446 {pack_format = #tpu.pack_format<interleaved>, positions = array<i32: 0, 1>} : vector<16xf32>, vector<16xf32> -> vector<32xbf16>
        %parallel_loop3A_448 = vector.bitcast %parallel_loop3A_447 : vector<32xbf16> to vector<16xi32>
        %parallel_loop3A_449 = arith.index_cast %parallel_loop3A_253 : i32 to index
        %parallel_loop3A_450 = arith.constant 272 : index
        %parallel_loop3A_451 = tpu.vector_load %arg7[%parallel_loop3A_449, %parallel_loop3A_450] {strides = array<i32>} : memref<64x384xi32, #tpu.memory_space<vmem>>, vector<16xi32>,
        tpu.vector_store %arg7[%parallel_loop3A_449, %parallel_loop3A_450], %parallel_loop3A_448 {strides = array<i32>} : memref<64x384xi32, #tpu.memory_space<vmem>>, vector<16xi32>,
        %parallel_loop3A_452 = arith.index_cast %parallel_loop3A_251 : i32 to index
        %parallel_loop3A_453 = arith.constant 288 : index
        %parallel_loop3A_454 = tpu.vector_load %arg6[%parallel_loop3A_452, %parallel_loop3A_453] {strides = array<i32>} : memref<64x768xf32, #tpu.memory_space<vmem>>, vector<16xf32>,
        %parallel_loop3A_455 = arith.index_cast %parallel_loop3A_251 : i32 to index
        %parallel_loop3A_456 = arith.constant 672 : index
        %parallel_loop3A_457 = tpu.vector_load %arg6[%parallel_loop3A_455, %parallel_loop3A_456] {strides = array<i32>} : memref<64x768xf32, #tpu.memory_space<vmem>>, vector<16xf32>,
        %parallel_loop3A_458 = tpu.pack_subelements %parallel_loop3A_454, %parallel_loop3A_457 {pack_format = #tpu.pack_format<interleaved>, positions = array<i32: 0, 1>} : vector<16xf32>, vector<16xf32> -> vector<32xbf16>
        %parallel_loop3A_459 = vector.bitcast %parallel_loop3A_458 : vector<32xbf16> to vector<16xi32>
        %parallel_loop3A_460 = arith.index_cast %parallel_loop3A_253 : i32 to index
        %parallel_loop3A_461 = arith.constant 288 : index
        %parallel_loop3A_462 = tpu.vector_load %arg7[%parallel_loop3A_460, %parallel_loop3A_461] {strides = array<i32>} : memref<64x384xi32, #tpu.memory_space<vmem>>, vector<16xi32>,
        tpu.vector_store %arg7[%parallel_loop3A_460, %parallel_loop3A_461], %parallel_loop3A_459 {strides = array<i32>} : memref<64x384xi32, #tpu.memory_space<vmem>>, vector<16xi32>,
        %parallel_loop3A_463 = arith.index_cast %parallel_loop3A_251 : i32 to index
        %parallel_loop3A_464 = arith.constant 304 : index
        %parallel_loop3A_465 = tpu.vector_load %arg6[%parallel_loop3A_463, %parallel_loop3A_464] {strides = array<i32>} : memref<64x768xf32, #tpu.memory_space<vmem>>, vector<16xf32>,
        %parallel_loop3A_466 = arith.index_cast %parallel_loop3A_251 : i32 to index
        %parallel_loop3A_467 = arith.constant 688 : index
        %parallel_loop3A_468 = tpu.vector_load %arg6[%parallel_loop3A_466, %parallel_loop3A_467] {strides = array<i32>} : memref<64x768xf32, #tpu.memory_space<vmem>>, vector<16xf32>,
        %parallel_loop3A_469 = tpu.pack_subelements %parallel_loop3A_465, %parallel_loop3A_468 {pack_format = #tpu.pack_format<interleaved>, positions = array<i32: 0, 1>} : vector<16xf32>, vector<16xf32> -> vector<32xbf16>
        %parallel_loop3A_470 = vector.bitcast %parallel_loop3A_469 : vector<32xbf16> to vector<16xi32>
        %parallel_loop3A_471 = arith.index_cast %parallel_loop3A_253 : i32 to index
        %parallel_loop3A_472 = arith.constant 304 : index
        %parallel_loop3A_473 = tpu.vector_load %arg7[%parallel_loop3A_471, %parallel_loop3A_472] {strides = array<i32>} : memref<64x384xi32, #tpu.memory_space<vmem>>, vector<16xi32>,
        tpu.vector_store %arg7[%parallel_loop3A_471, %parallel_loop3A_472], %parallel_loop3A_470 {strides = array<i32>} : memref<64x384xi32, #tpu.memory_space<vmem>>, vector<16xi32>,
        %parallel_loop3A_474 = arith.index_cast %parallel_loop3A_251 : i32 to index
        %parallel_loop3A_475 = arith.constant 320 : index
        %parallel_loop3A_476 = tpu.vector_load %arg6[%parallel_loop3A_474, %parallel_loop3A_475] {strides = array<i32>} : memref<64x768xf32, #tpu.memory_space<vmem>>, vector<16xf32>,
        %parallel_loop3A_477 = arith.index_cast %parallel_loop3A_251 : i32 to index
        %parallel_loop3A_478 = arith.constant 704 : index
        %parallel_loop3A_479 = tpu.vector_load %arg6[%parallel_loop3A_477, %parallel_loop3A_478] {strides = array<i32>} : memref<64x768xf32, #tpu.memory_space<vmem>>, vector<16xf32>,
        %parallel_loop3A_480 = tpu.pack_subelements %parallel_loop3A_476, %parallel_loop3A_479 {pack_format = #tpu.pack_format<interleaved>, positions = array<i32: 0, 1>} : vector<16xf32>, vector<16xf32> -> vector<32xbf16>
        %parallel_loop3A_481 = vector.bitcast %parallel_loop3A_480 : vector<32xbf16> to vector<16xi32>
        %parallel_loop3A_482 = arith.index_cast %parallel_loop3A_253 : i32 to index
        %parallel_loop3A_483 = arith.constant 320 : index
        %parallel_loop3A_484 = tpu.vector_load %arg7[%parallel_loop3A_482, %parallel_loop3A_483] {strides = array<i32>} : memref<64x384xi32, #tpu.memory_space<vmem>>, vector<16xi32>,
        tpu.vector_store %arg7[%parallel_loop3A_482, %parallel_loop3A_483], %parallel_loop3A_481 {strides = array<i32>} : memref<64x384xi32, #tpu.memory_space<vmem>>, vector<16xi32>,
        %parallel_loop3A_485 = arith.index_cast %parallel_loop3A_251 : i32 to index
        %parallel_loop3A_486 = arith.constant 336 : index
        %parallel_loop3A_487 = tpu.vector_load %arg6[%parallel_loop3A_485, %parallel_loop3A_486] {strides = array<i32>} : memref<64x768xf32, #tpu.memory_space<vmem>>, vector<16xf32>,
        %parallel_loop3A_488 = arith.index_cast %parallel_loop3A_251 : i32 to index
        %parallel_loop3A_489 = arith.constant 720 : index
        %parallel_loop3A_490 = tpu.vector_load %arg6[%parallel_loop3A_488, %parallel_loop3A_489] {strides = array<i32>} : memref<64x768xf32, #tpu.memory_space<vmem>>, vector<16xf32>,
        %parallel_loop3A_491 = tpu.pack_subelements %parallel_loop3A_487, %parallel_loop3A_490 {pack_format = #tpu.pack_format<interleaved>, positions = array<i32: 0, 1>} : vector<16xf32>, vector<16xf32> -> vector<32xbf16>
        %parallel_loop3A_492 = vector.bitcast %parallel_loop3A_491 : vector<32xbf16> to vector<16xi32>
        %parallel_loop3A_493 = arith.index_cast %parallel_loop3A_253 : i32 to index
        %parallel_loop3A_494 = arith.constant 336 : index
        %parallel_loop3A_495 = tpu.vector_load %arg7[%parallel_loop3A_493, %parallel_loop3A_494] {strides = array<i32>} : memref<64x384xi32, #tpu.memory_space<vmem>>, vector<16xi32>,
        tpu.vector_store %arg7[%parallel_loop3A_493, %parallel_loop3A_494], %parallel_loop3A_492 {strides = array<i32>} : memref<64x384xi32, #tpu.memory_space<vmem>>, vector<16xi32>,
        %parallel_loop3A_496 = arith.index_cast %parallel_loop3A_251 : i32 to index
        %parallel_loop3A_497 = arith.constant 352 : index
        %parallel_loop3A_498 = tpu.vector_load %arg6[%parallel_loop3A_496, %parallel_loop3A_497] {strides = array<i32>} : memref<64x768xf32, #tpu.memory_space<vmem>>, vector<16xf32>,
        %parallel_loop3A_499 = arith.index_cast %parallel_loop3A_251 : i32 to index
        %parallel_loop3A_500 = arith.constant 736 : index
        %parallel_loop3A_501 = tpu.vector_load %arg6[%parallel_loop3A_499, %parallel_loop3A_500] {strides = array<i32>} : memref<64x768xf32, #tpu.memory_space<vmem>>, vector<16xf32>,
        %parallel_loop3A_502 = tpu.pack_subelements %parallel_loop3A_498, %parallel_loop3A_501 {pack_format = #tpu.pack_format<interleaved>, positions = array<i32: 0, 1>} : vector<16xf32>, vector<16xf32> -> vector<32xbf16>
        %parallel_loop3A_503 = vector.bitcast %parallel_loop3A_502 : vector<32xbf16> to vector<16xi32>
        %parallel_loop3A_504 = arith.index_cast %parallel_loop3A_253 : i32 to index
        %parallel_loop3A_505 = arith.constant 352 : index
        %parallel_loop3A_506 = tpu.vector_load %arg7[%parallel_loop3A_504, %parallel_loop3A_505] {strides = array<i32>} : memref<64x384xi32, #tpu.memory_space<vmem>>, vector<16xi32>,
        tpu.vector_store %arg7[%parallel_loop3A_504, %parallel_loop3A_505], %parallel_loop3A_503 {strides = array<i32>} : memref<64x384xi32, #tpu.memory_space<vmem>>, vector<16xi32>,
        %parallel_loop3A_507 = arith.index_cast %parallel_loop3A_251 : i32 to index
        %parallel_loop3A_508 = arith.constant 368 : index
        %parallel_loop3A_509 = tpu.vector_load %arg6[%parallel_loop3A_507, %parallel_loop3A_508] {strides = array<i32>} : memref<64x768xf32, #tpu.memory_space<vmem>>, vector<16xf32>,
        %parallel_loop3A_510 = arith.index_cast %parallel_loop3A_251 : i32 to index
        %parallel_loop3A_511 = arith.constant 752 : index
        %parallel_loop3A_512 = tpu.vector_load %arg6[%parallel_loop3A_510, %parallel_loop3A_511] {strides = array<i32>} : memref<64x768xf32, #tpu.memory_space<vmem>>, vector<16xf32>,
        %parallel_loop3A_513 = tpu.pack_subelements %parallel_loop3A_509, %parallel_loop3A_512 {pack_format = #tpu.pack_format<interleaved>, positions = array<i32: 0, 1>} : vector<16xf32>, vector<16xf32> -> vector<32xbf16>
        %parallel_loop3A_514 = vector.bitcast %parallel_loop3A_513 : vector<32xbf16> to vector<16xi32>
        %parallel_loop3A_515 = arith.index_cast %parallel_loop3A_253 : i32 to index
        %parallel_loop3A_516 = arith.constant 368 : index
        %parallel_loop3A_517 = tpu.vector_load %arg7[%parallel_loop3A_515, %parallel_loop3A_516] {strides = array<i32>} : memref<64x384xi32, #tpu.memory_space<vmem>>, vector<16xi32>,
        tpu.vector_store %arg7[%parallel_loop3A_515, %parallel_loop3A_516], %parallel_loop3A_514 {strides = array<i32>} : memref<64x384xi32, #tpu.memory_space<vmem>>, vector<16xi32>,
      } {sc.loop_unroll_factor = 4 : i64, sc.parallel_access}
      %mul3A_222 = arith.constant 32 : i32
      %mul3A_223 = arith.muli %add3A_194, %mul3A_222 : i32
      %add3A_224 = arith.addi %mul3A_2, %mul3A_223 : i32
      %dma_start3A_225 = arith.constant 32 : i32
      %dma_start3A_226 = arith.constant 0 : i32
      %dma_start3A_227 = tpu.memref_slice %arg7[%dma_start3A_225, %dma_start3A_226] : memref<64x384xi32, #tpu.memory_space<vmem>> -> memref<32x384xi32, #tpu.memory_space<vmem>>
      %dma_start3A_228 = arith.constant 0 : i32
      %dma_start3A_229 = tpu.memref_slice %arg4[%add3A_224, %dma_start3A_228] : memref<16384x384xi32, #tpu.memory_space<hbm>> -> memref<32x384xi32, #tpu.memory_space<hbm>>
      %dma_start3A_230 = arith.constant 0 : i32
      %dma_start3A_231 = tpu.memref_slice %arg4[%add3A_224, %dma_start3A_230] : memref<16384x384xi32, #tpu.memory_space<hbm>> -> memref<32x384xi32, #tpu.memory_space<hbm>>
      %dma_start3A_232 = arith.constant 32 : i32
      %dma_start3A_233 = arith.constant 0 : i32
      %dma_start3A_234 = tpu.memref_slice %arg7[%dma_start3A_232, %dma_start3A_233] : memref<64x384xi32, #tpu.memory_space<vmem>> -> memref<32x384xi32, #tpu.memory_space<vmem>>
      tpu.enqueue_dma source(%dma_start3A_234 : memref<32x384xi32, #tpu.memory_space<vmem>>) target(%dma_start3A_231 : memref<32x384xi32, #tpu.memory_space<hbm>>) target_semaphore(%arg11 : memref<!tpu.dma_semaphore, #tpu.memory_space<semaphore_mem>>)
      %add3A_235 = arith.constant 2 : i32
      %add3A_236 = arith.addi %add3A_194, %add3A_235 : i32
      %rem3A_237 = arith.constant 16 : i32
      %rem3A_238 = arith.remsi %add3A_236, %rem3A_237 : i32
      %mul3A_239 = arith.constant 32 : i32
      %mul3A_240 = arith.muli %rem3A_238, %mul3A_239 : i32
      %dma_start3A_241 = arith.constant 32 : i32
      %dma_start3A_242 = arith.constant 0 : i32
      %dma_start3A_243 = tpu.memref_slice %arg6[%dma_start3A_241, %dma_start3A_242] : memref<64x768xf32, #tpu.memory_space<vmem>> -> memref<32x768xf32, #tpu.memory_space<vmem>>
      %dma_start3A_244 = tpu.memref_slice %arg5[%mul3A_240] : memref<512xi32, #tpu.memory_space<vmem>> -> memref<32xi32, #tpu.memory_space<vmem>>
      %dma_start3A_245 = arith.constant 0 : i32
      %dma_start3A_246 = arith.constant 0 : i32
      %dma_start3A_247 = tpu.memref_slice %arg3[%dma_start3A_245, %dma_start3A_246] : memref<30522x768xf32, #tpu.memory_space<hbm>> -> memref<30522x768xf32, #tpu.memory_space<hbm>>
      tpu.enqueue_indirect_dma source(%dma_start3A_247 : memref<30522x768xf32, #tpu.memory_space<hbm>>) target(%dma_start3A_243 : memref<32x768xf32, #tpu.memory_space<vmem>>) offsets(%dma_start3A_244 : memref<32xi32, #tpu.memory_space<vmem>>) semaphore(%arg9 : memref<!tpu.dma_semaphore, #tpu.memory_space<semaphore_mem>>)
      %scan3A_248 = arith.constant 0 : i32
      scf.yield %scan3A_248 : i32
    }
    %scan3A_94 = arith.constant 7 : i32
    %dma_wait3A_95 = arith.constant 0 : i32
    %dma_wait3A_96 = arith.constant 0 : i32
    %dma_wait3A_97 = tpu.memref_slice %arg6[%dma_wait3A_95, %dma_wait3A_96] : memref<64x768xf32, #tpu.memory_space<vmem>> -> memref<32x768xf32, #tpu.memory_space<vmem>>
    %dma_wait3A_98 = arith.constant 0 : i32
    %dma_wait3A_99 = tpu.memref_slice %arg5[%dma_wait3A_98] : memref<512xi32, #tpu.memory_space<vmem>> -> memref<32xi32, #tpu.memory_space<vmem>>
    %dma_wait3A_100 = arith.constant 0 : i32
    %dma_wait3A_101 = arith.constant 0 : i32
    %dma_wait3A_102 = tpu.memref_slice %arg3[%dma_wait3A_100, %dma_wait3A_101] : memref<30522x768xf32, #tpu.memory_space<hbm>> -> memref<30522x768xf32, #tpu.memory_space<hbm>>
    tpu.wait_indirect_dma semaphore(%arg8 : memref<!tpu.dma_semaphore, #tpu.memory_space<semaphore_mem>>) src(%dma_wait3A_102 : memref<30522x768xf32, #tpu.memory_space<hbm>>) dst(%dma_wait3A_97 : memref<32x768xf32, #tpu.memory_space<vmem>>)
    %dma_wait3A_103 = arith.constant 32 : i32
    %dma_wait3A_104 = arith.constant 0 : i32
    %dma_wait3A_105 = tpu.memref_slice %arg6[%dma_wait3A_103, %dma_wait3A_104] : memref<64x768xf32, #tpu.memory_space<vmem>> -> memref<32x768xf32, #tpu.memory_space<vmem>>
    %dma_wait3A_106 = arith.constant 32 : i32
    %dma_wait3A_107 = tpu.memref_slice %arg5[%dma_wait3A_106] : memref<512xi32, #tpu.memory_space<vmem>> -> memref<32xi32, #tpu.memory_space<vmem>>
    %dma_wait3A_108 = arith.constant 0 : i32
    %dma_wait3A_109 = arith.constant 0 : i32
    %dma_wait3A_110 = tpu.memref_slice %arg3[%dma_wait3A_108, %dma_wait3A_109] : memref<30522x768xf32, #tpu.memory_space<hbm>> -> memref<30522x768xf32, #tpu.memory_space<hbm>>
    tpu.wait_indirect_dma semaphore(%arg9 : memref<!tpu.dma_semaphore, #tpu.memory_space<semaphore_mem>>) src(%dma_wait3A_110 : memref<30522x768xf32, #tpu.memory_space<hbm>>) dst(%dma_wait3A_105 : memref<32x768xf32, #tpu.memory_space<vmem>>)
    %add3A_111 = arith.constant 448 : i32
    %add3A_112 = arith.addi %mul3A_2, %add3A_111 : i32
    %dma_wait3A_113 = arith.constant 0 : i32
    %dma_wait3A_114 = arith.constant 0 : i32
    %dma_wait3A_115 = tpu.memref_slice %arg7[%dma_wait3A_113, %dma_wait3A_114] : memref<64x384xi32, #tpu.memory_space<vmem>> -> memref<32x384xi32, #tpu.memory_space<vmem>>
    %dma_wait3A_116 = arith.constant 0 : i32
    %dma_wait3A_117 = tpu.memref_slice %arg4[%add3A_112, %dma_wait3A_116] : memref<16384x384xi32, #tpu.memory_space<hbm>> -> memref<32x384xi32, #tpu.memory_space<hbm>>
    %dma_wait3A_118 = arith.constant 0 : i32
    %dma_wait3A_119 = tpu.memref_slice %arg4[%add3A_112, %dma_wait3A_118] : memref<16384x384xi32, #tpu.memory_space<hbm>> -> memref<32x384xi32, #tpu.memory_space<hbm>>
    %dma_wait3A_120 = arith.constant 0 : i32
    %dma_wait3A_121 = arith.constant 0 : i32
    %dma_wait3A_122 = tpu.memref_slice %arg7[%dma_wait3A_120, %dma_wait3A_121] : memref<64x384xi32, #tpu.memory_space<vmem>> -> memref<32x384xi32, #tpu.memory_space<vmem>>
    tpu.wait_dma2 semaphore(%arg10 : memref<!tpu.dma_semaphore, #tpu.memory_space<semaphore_mem>>) src(%dma_wait3A_122 : memref<32x384xi32, #tpu.memory_space<vmem>>) dst(%dma_wait3A_119 : memref<32x384xi32, #tpu.memory_space<hbm>>)
    %add3A_123 = arith.constant 480 : i32
    %add3A_124 = arith.addi %mul3A_2, %add3A_123 : i32
    %dma_wait3A_125 = arith.constant 32 : i32
    %dma_wait3A_126 = arith.constant 0 : i32
    %dma_wait3A_127 = tpu.memref_slice %arg7[%dma_wait3A_125, %dma_wait3A_126] : memref<64x384xi32, #tpu.memory_space<vmem>> -> memref<32x384xi32, #tpu.memory_space<vmem>>
    %dma_wait3A_128 = arith.constant 0 : i32
    %dma_wait3A_129 = tpu.memref_slice %arg4[%add3A_124, %dma_wait3A_128] : memref<16384x384xi32, #tpu.memory_space<hbm>> -> memref<32x384xi32, #tpu.memory_space<hbm>>
    %dma_wait3A_130 = arith.constant 0 : i32
    %dma_wait3A_131 = tpu.memref_slice %arg4[%add3A_124, %dma_wait3A_130] : memref<16384x384xi32, #tpu.memory_space<hbm>> -> memref<32x384xi32, #tpu.memory_space<hbm>>
    %dma_wait3A_132 = arith.constant 32 : i32
    %dma_wait3A_133 = arith.constant 0 : i32
    %dma_wait3A_134 = tpu.memref_slice %arg7[%dma_wait3A_132, %dma_wait3A_133] : memref<64x384xi32, #tpu.memory_space<vmem>> -> memref<32x384xi32, #tpu.memory_space<vmem>>
    tpu.wait_dma2 semaphore(%arg11 : memref<!tpu.dma_semaphore, #tpu.memory_space<semaphore_mem>>) src(%dma_wait3A_134 : memref<32x384xi32, #tpu.memory_space<vmem>>) dst(%dma_wait3A_131 : memref<32x384xi32, #tpu.memory_space<hbm>>)
    return
  }
}

</mosaic_0001>

<sc_bundles>
// kernel: _sc_gather.3.cloned.1.call-start
scs
__scs_entry_jumppad:
0x0: {  	(pc) =	sbr.rel $0x88, $3  }
0x1: {  	(tag) =	ssettag $0x0;
	lr =	simm.s32 $0x1  }
0x2: {  	[smem:$0x3F9F] =	sst lr;
	_ =	strace $0xD0000000  }
0x3: {  	_ = 	snop  }
0x4: {  	_ = 	snop  }
0x5: {  	_ = 	snop  }
0x6: {  	_ = 	snop  }
0x7: {  	_ = 	snop  }
__scs_overlays_trampoline_lowered:
0x8: {  	[smem:$0x3FAE] =	sst s0  }
0x9: {  	[smem:$0x3FAF] =	sst s1  }
0xa: {  	[smem:$0x3FB0] =	sst s2  }
0xb: {  	[smem:$0x3FB1] =	sst s3  }
0xc: {  	[smem:$0x3FB2] =	sst s4  }
0xd: {  	[smem:$0x3FB3] =	sst s5  }
0xe: {  	[smem:$0x3FB4] =	sst s6  }
0xf: {  	[smem:$0x3FB5] =	sst s7  }
0x10: {  	[smem:$0x3FB6] =	sst s8  }
0x11: {  	[smem:$0x3FB7] =	sst s9;
	s0 =	simm.s32 @!p0 $0x0  }
0x12: {  	s1 =	sld [smem:$0x3F9D];
	s0 =	simm.s32 @p0 $0x1  }
0x13: {  	[smem:$0x3FB8] =	sst s0;
	s0 =	simm.s32 @!p1 $0x0  }
0x14: {  	s2 =	sld [smem:$0x3F9C];
	s0 =	simm.s32 @p1 $0x1  }
0x15: {  	[smem:$0x3FB9] =	sst s0;
	s0 =	simm.s32 @!p2 $0x0  }
0x16: {  	s3 =	sld [smem:$0x3FDB];
	s0 =	simm.s32 @p2 $0x1  }
0x17: {  	s4 =	simm.s32 $0x1BF5;
	[smem:$0x3FBB] =	sst s0  }
0x18: {  	s0 =	sld [smem:$0x3F9E];
	_ =	swait.ge [sflag:s4], $0x0  }
0x19: {  	s7 =	sld [smem:$0x3F9F]  }
0x1a: {  	s8 =	sadd.s32 $0xFFFFE003, lr  }
0x1b: {  	s9 =	sadd.s32 $0xFFFFFEF7, lr;
	s5 =	simm.s32 $0xFFFFFFFF;
	p2 =	slt.u32 s8, $0xFFFFF086  }
0x1c: {  	p1 =	slt.u32 s9, $0xF7A;
	s5 =	simm.s32 @!p2 $0x0  }
0x1d: {  	s5 =	simm.s32 @p1 $0x1;
	p0 =	seq.s32 s7, s2  }
0x1e: {  	s7 =	smul.u32 @!p0 $0xF7A, s2;
	p2 =	seq.s32 @!p0 s5, $0x0  }
0x1f: {  	s9 =	smul.u32 $0xF7A, s1;
	s8 =	simm.s32 @!p0 $0x1BF5;
	p2 =	por !p2, p0  }
0x20: {  	[sflag:s8] =	ssyncset.s32 @!p0 $0xFFFFF086;
	s6 =	sadd.s32 @!p0 s3, s7;
	s7 =	simm.s32 @!p0 $0x108  }
0x21: {  	s3 =	sadd.s32 s3, s9;
	s6 =	sadd.s32 @!p0 $0x88, s6;
	s7 =	simm.s32 @p2 $0x1082  }
0x22: {  	[simem:s7], [sflag:s8] =	dma.local @!p0 [hbm:s6], $0xF7A  }
0x23: {  	s9 =	sor.u32 $0xD0000000, s2;
	s6 =	simm.s32 $0x108;
	_ =	swait.ge @!p0 [sflag:s8], $0x0  }
0x24: {  	s3 =	sadd.s32 $0x88, s3;
	s6 =	simm.s32 @!p1 $0x1082;
	[sflag:s4] =	ssyncset.s32 $0xFFFFF086  }
0x25: {  	[simem:s6], [sflag:s4] =	dma.local [hbm:s3], $0xF7A  }
0x26: {  	[smem:$0x3F9F] =	sst s1;
	(tag) =	ssettag s2;
	_ =	strace s9  }
0x27: {  	s1 =	sld [smem:$0x3FAF]  }
0x28: {  	s2 =	sld [smem:$0x3FB0]  }
0x29: {  	s4 =	sld [smem:$0x3FB2]  }
0x2a: {  	p0 =	seq.s32 s5, $0x0;
	s5 =	sld [smem:$0x3FB3]  }
0x2b: {  	s6 =	sld [smem:$0x3FB4]  }
0x2c: {  	s7 =	sld [smem:$0x3FB5]  }
0x2d: {  	s3 =	simm.s32 $0x108;
	s8 =	sld [smem:$0x3FB6]  }
0x2e: {  	s3 =	simm.s32 @!p0 $0x1082;
	s9 =	sld [smem:$0x3FB7]  }
0x2f: {  	lr =	sadd.s32 s0, s3;
	s0 =	sld [smem:$0x3FAE]  }
0x30: {  	s3 =	sld [smem:$0x3FB1]  }
0x31: {  	[smem:$0x3FBA] =	sst s10  }
0x32: {  	s10 =	sld [smem:$0x3FB8];
	_ =	sdelay $0x3  }
0x33: {  	p0 =	seq.s32 s10, $0x1;
	s10 =	sld [smem:$0x3FBA];
	_ =	sdelay $0x3  }
0x34: {  	[smem:$0x3FBA] =	sst s10  }
0x35: {  	s10 =	sld [smem:$0x3FB9];
	_ =	sdelay $0x3  }
0x36: {  	p1 =	seq.s32 s10, $0x1;
	s10 =	sld [smem:$0x3FBA];
	_ =	sdelay $0x3  }
0x37: {  	[smem:$0x3FBA] =	sst s10  }
0x38: {  	s10 =	sld [smem:$0x3FBB]  }
0x39: {  	_ = 	snop;
	(pc) =	sbr.ind lr, $3  }
0x3a: {  	_ = 	snop  }
0x3b: {  	_ = 	snop  }
0x3c: {  	p2 =	seq.s32 s10, $0x1;
	s10 =	sld [smem:$0x3FBA]  }
0x3d: {  	_ =	shalt  }
0x3e: {  	_ =	shalt  }
0x3f: {  	_ =	shalt  }
0x40: {  	_ =	shalt  }
0x41: {  	_ =	shalt  }
0x42: {  	_ =	shalt  }
0x43: {  	_ =	shalt  }
0x44: {  	_ =	shalt  }
0x45: {  	_ =	shalt  }
0x46: {  	_ =	shalt  }
0x47: {  	_ =	shalt  }
0x48: {  	_ =	shalt  }
0x49: {  	_ =	shalt  }
0x4a: {  	_ =	shalt  }
0x4b: {  	_ =	shalt  }
0x4c: {  	_ =	shalt  }
0x4d: {  	_ =	shalt  }
0x4e: {  	_ =	shalt  }
0x4f: {  	_ =	shalt  }
0x50: {  	_ =	shalt  }
0x51: {  	_ =	shalt  }
0x52: {  	_ =	shalt  }
0x53: {  	_ =	shalt  }
0x54: {  	_ =	shalt  }
0x55: {  	_ =	shalt  }
0x56: {  	_ =	shalt  }
0x57: {  	_ =	shalt  }
0x58: {  	_ =	shalt  }
0x59: {  	_ =	shalt  }
0x5a: {  	_ =	shalt  }
0x5b: {  	_ =	shalt  }
0x5c: {  	_ =	shalt  }
0x5d: {  	_ =	shalt  }
0x5e: {  	_ =	shalt  }
0x5f: {  	_ =	shalt  }
0x60: {  	_ =	shalt  }
0x61: {  	_ =	shalt  }
0x62: {  	_ =	shalt  }
0x63: {  	_ =	shalt  }
0x64: {  	_ =	shalt  }
0x65: {  	_ =	shalt  }
0x66: {  	_ =	shalt  }
0x67: {  	_ =	shalt  }
0x68: {  	_ =	shalt  }
0x69: {  	_ =	shalt  }
0x6a: {  	_ =	shalt  }
0x6b: {  	_ =	shalt  }
0x6c: {  	_ =	shalt  }
0x6d: {  	_ =	shalt  }
0x6e: {  	_ =	shalt  }
0x6f: {  	_ =	shalt  }
0x70: {  	_ =	shalt  }
0x71: {  	_ =	shalt  }
0x72: {  	_ =	shalt  }
0x73: {  	_ =	shalt  }
0x74: {  	_ =	shalt  }
0x75: {  	_ =	shalt  }
0x76: {  	_ =	shalt  }
0x77: {  	_ =	shalt  }
0x78: {  	_ =	shalt  }
0x79: {  	_ =	shalt  }
0x7a: {  	_ =	shalt  }
0x7b: {  	_ =	shalt  }
0x7c: {  	_ =	shalt  }
0x7d: {  	_ =	shalt  }
0x7e: {  	_ =	shalt  }
0x7f: {  	_ =	shalt  }
0x80: {  	_ =	shalt  }
0x81: {  	_ =	shalt  }
0x82: {  	_ =	shalt  }
0x83: {  	_ =	shalt  }
0x84: {  	_ =	shalt  }
0x85: {  	_ =	shalt  }
0x86: {  	_ =	shalt  }
0x87: {  	_ =	shalt  }
.Lfunc_end0:
.L_simem_size_0:
called_computation_lowered:
.L_overlay_start_0:
0x88: {  	s2 =	sld [smem:$0x3FD9]  }
0x89: {  	s3 =	sld [smem:$0x3FFE];
	_ =	sdelay $0x1  }
0x8a: {  	s1 =	srdreg.scid  }
0x8b: {  	s0 =	sand.u32 $0x1, s1  }
0x8c: {  	s18 =	sshll.u32 s0, $0xA;
	s2 =	sadd.s32 s3, s2  }
0x8d: {  	s2 =	sadd.s32 s2, s18  }
0x8e: {  	[smem:$0x3FC6] =	sst s2  }
0x8f: {  	_ = 	snop  }
0x90: {  	s2 =	sld [smem:$0x3FC9]  }
0x91: {  	s19 =	sld [smem:$0x3FC8]  }
0x92: {  	s4 =	sld [smem:$0x3FD0];
	(tm) =	ssettm $0x1  }
0x93: {  	s5 =	sld [smem:$0x3FFB];
	_ =	sdelay $0x3  }
0x94: {  	_ =	strace s5  }
0x95: {  	s5 =	sld [smem:$0x3FFC];
	_ =	sdelay $0x3  }
0x96: {  	_ =	strace s5  }
0x97: {  	s5 =	sld [smem:$0x3FFD];
	_ =	sdelay $0x3  }
0x98: {  	_ =	strace s5  }
0x99: {  	_ =	strace $0x8FFFFFFF  }
0x9a: {  	s20 =	sld [smem:$0x3FDB];
	_ =	sdelay $0x1  }
0x9b: {  	s6 =	simm.s32 $_scs_section_size  }
0x9c: {  	s7 =	simm.s32 $_size__tile_overlayer_lowered;
	s8 =	simm.s32 $_tile_overlayer_lowered  }
0x9d: {  	s23 =	simm.s32 $0x1BFF;
	s22 =	sshll.u32 s8, $0x1;
	s5 =	sadd.s32 s6, s20  }
0x9e: {  	s9 =	simm.s32 $0x0;
	s21 =	sshll.u32 s7, $0x1;
	s7 =	sadd.s32 s22, s5  }
0x9f: {  	[timem:s9], [sflag:s23] =	dma.local [hbm:s7], s21  }
0xa0: {  	_ =	swait.ge [sflag:s23], s21  }
0xa1: {  	s6 =	ssub.s32 $0x0, s21;
	[sflag:s23] =	ssyncset.done $0x0  }
0xa2: {  	[sflag:s23] =	ssyncadd.s32 s6;
	_ =	sdelay $0x1  }
0xa3: {  	s24 =	simm.s32 $0x1B8B  }
0xa4: {  	_ =	swait.ge [sflag:s24], $0x1  }
0xa5: {  	[sflag:s24] =	ssyncset.done $0x0  }
0xa6: {  	s25 =	simm.s32 $0x1B8E;
	[sflag:s24] =	ssyncadd.s32 $0xFFFFFFFF  }
0xa7: {  	s26 =	simm.s32 $execute0_lowered;
	[smem:$0x3FD2] =	sst s25  }
0xa8: {  	s6 =	sshll.u32 s26, $0x1;
	_ =	strace $0x80000046;
	[dreg:$0x1] =	wrdreg $0xFFFFFFFF  }
0xa9: {  	s28 =	simm.s32 $_size_execute0_lowered;
	s5 =	sadd.s32 s5, s6;
	[dreg:$0x0] =	wrdreg $0x0  }
0xaa: {  	s6 =	sshll.u32 s28, $0x1;
	[dreg:$0x2] =	wrdreg s5  }
0xab: {  	[dreg:$0x3] =	wrdreg s6  }
0xac: {  	[dreg:$0x4] =	wrdreg $0xC0  }
0xad: {  	_ =	task [dreg:s9], $0x5FFFF  }
0xae: {  	[dreg:$0x1] =	wrdreg $0xFFFFFFFF  }
0xaf: {  	[dreg:$0x0] =	wrdreg $0x60  }
0xb0: {  	[dreg:$0x2] =	wrdreg s2  }
0xb1: {  	[dreg:$0x3] =	wrdreg s19  }
0xb2: {  	[dreg:$0x4] =	wrdreg s4  }
0xb3: {  	[dreg:$0x5] =	wrdreg $0x9  }
0xb4: {  	_ =	task.clear_ibuf [dreg:s9], $0x6FFFF;
	_ =	strace $0x90000046  }
0xb5: {  	s29 =	simm.s32 $0x9;
	_ =	strace $0x80000048  }
0xb6: {  	_ =	swait.ge [sflag:s29], $0x1  }
0xb7: {  	[sflag:s29] =	ssyncadd.s32 $0xFFFFFFFF  }
0xb8: {  	_ =	strace $0x90000048  }
0xb9: {  	_ =	sfence  }
0xba: {  	s30 =	sld [smem:$0x0];
	_ =	sdelay $0x2  }
0xbb: {  	s31 =	sshll.u32 s1, $0xD;
	s1 =	sshrl.u32 s1, $0x2  }
0xbc: {  	s3 =	sand.u32 $0x4000, s31;
	s1 =	sadd.s32 s1, s30  }
0xbd: {  	s0 =	sor.u32 s3, s0;
	s1 =	sshll.u32 s1, $0x11  }
0xbe: {  	s0 =	sor.u32 s1, s0  }
0xbf: {  	s0 =	sadd.s32 $0x8F2B, s0  }
0xc0: {  	[sflag:s0] =	ssyncadd.remote.s32 $0x1  }
0xc1: {  	_ =	sfence.sel $0xFFFF  }
0xc2: {  	[dreg:$0x0] =	wrdreg $0xFFFFFFFF;
	(pc) =	sbr.abs _section_cstart, $3  }
0xc3: {  	[dreg:$0x1] =	wrdreg $0xFFFFFFFF  }
0xc4: {  	_ =	task.clear_ibuf [dreg:s9], $0x2FFFF;
	_ =	strace $0x9FFFFFFF  }
0xc5: {  	(tm) =	ssettm $0x7FFFFFFF  }
tec
execute0_lowered:
.L_overlay_start_1:
0x0: {  	(tag) =	ssettag $0x1  }
0x1: {  	s0 =	rddreg [dreg:$0x0]  }
0x2: {  	s2 =	rddreg [dreg:$0x1];
	s1 =	srdreg.scid  }
0x3: {  	s6 =	rddreg [dreg:$0x2];
	s3 =	stileid.u32  }
0x4: {  	s4 =	simm.s32 $0x0;
	s14 =	simm.s32 $0x2;
	s15 =	simm.s32 $0x3  }
0x5: {  	s16 =	simm.s32 $0x4;
	s1 =	sand.u32 $0x1, s1;
	s3 =	sshll.u32 s3, $0xA  }
0x6: {  	[smem:$0x7FF] =	sst s4;
	s7 =	sadd.s32 $0x100, s2;
	s5 =	sshll.u32 s1, $0x9  }
0x7: {  	s29 =	sadd.s32 $0x600, s6;
	s1 =	ssub.s32 $0x2, s1;
	s5 =	sor.u32 s5, s3  }
0x8: {  	s26 =	sshrl.u32 s1, $0x1;
	[dreg:$0x5] =	wrdreg s5;
	s5 =	sshrl.u32 s5, $0x3  }
0x9: {  	s1 =	ssub.s32 s1, s26;
	s28 =	smul.u32 $0x180, s5;
	s0 =	sadd.s32 s0, s5  }
0xa: {  	_ =	strace $0x80000047;
	s31 =	smax.u32 s1, $0x1;
	[dreg:$0x4] =	wrdreg s0  }
0xb: {  	v2 =	vlaneseq.u32;
	s9 =	sadd.s32 $0x200, s2;
	[dreg:$0x8] =	wrdreg s31;
	s30 =	sadd.s32 s6, s28  }
0xc: {  	vm0 =	vmmov $0xffff;
	v1 =	vshrl.u32 v2, $0x3;
	s8 =	smov.u32 s29;
	s0 =	sadd.s32 s28, s29;
	[dreg:$0x6] =	wrdreg s30  }
0xd: {  	v0 =	vand.u32 $0x7, v2;
	v2 =	vor.u32 $0x8, v2;
	v1 =	vmul.u32 $0x8, v1;
	s3 =	simm.s32 $0x1;
	s1 =	simm.s32 $0x0;
	[dreg:$0x7] =	wrdreg s0  }
.LBB2_1:
0xe: {  	[dreg:$0x9] =	wrdreg s1  }
0xf: {  	s0 =	rddreg [dreg:$0x4];
	s12 =	simm.s32 $0x5  }
0x10: {  	[tilespmem:s4], [sflag:$0x5] =	stream.linear.gather [hbm4b:s0+s4], $0x200, $0x38;
	[tilespmem:$0x12200] =	vst v63  }
0x11: {  	_ =	swait.ge [sflag:s12], $0x200  }
0x12: {  	[sflag:s12] =	ssyncset.done $0x0  }
0x13: {  	[sflag:s12] =	ssyncadd.s32 $0xFFFFFE00  }
0x14: {  	v3 =	vld [tilespmem:$0x0];
	_ =	sdelay $0x4  }
0x15: {  	v4 =	vshrl.u32 v3, $0x3  }
0x16: {  	v4 =	vmul.u32 $0x30, v4  }
0x17: {  	v3 =	vand.u32 $0x7, v3  }
0x18: {  	v3 =	vor.u32 v3, v4  }
0x19: {  	v4 =	vperm.xlane v3, v0;
	_ =	sdelay $0x1  }
0x1a: {  	v4 =	vadd.s32 v1, v4;
	_ =	sdelay $0x3  }
0x1b: {  	s13 =	simm.s32 $0x200;
	v3 =	vperm.xlane v3, v2  }
0x1c: {  	[tilespmem:s13], [sflag:$0x1] =	stream.indirect_vreg.gather [hbm4b:s2+s4], $0x80, v4, vm0, $0xb8;
	[tilespmem:$0x12200] =	vst v63  }
0x1d: {  	s17 =	simm.s32 $0xA00;
	v3 =	vadd.s32 v1, v3  }
0x1e: {  	[tilespmem:s17], [sflag:$0x1] =	stream.indirect_vreg.gather [hbm4b:s7+s4], $0x80, v4, vm0, $0xb8;
	[tilespmem:$0x12200] =	vst v63  }
0x1f: {  	s18 =	simm.s32 $0x1200  }
0x20: {  	[tilespmem:s18], [sflag:$0x1] =	stream.indirect_vreg.gather [hbm4b:s9+s4], $0x80, v4, vm0, $0xb8;
	[tilespmem:$0x12200] =	vst v63  }
0x21: {  	s19 =	simm.s32 $0x1A00  }
0x22: {  	[tilespmem:s19], [sflag:$0x1] =	stream.indirect_vreg.gather [hbm4b:s2+s4], $0x80, v3, vm0, $0xb8;
	[tilespmem:$0x12200] =	vst v63  }
0x23: {  	s20 =	simm.s32 $0x2200  }
0x24: {  	[tilespmem:s20], [sflag:$0x1] =	stream.indirect_vreg.gather [hbm4b:s7+s4], $0x80, v3, vm0, $0xb8;
	[tilespmem:$0x12200] =	vst v63  }
0x25: {  	s21 =	simm.s32 $0x2A00  }
0x26: {  	[tilespmem:s21], [sflag:$0x1] =	stream.indirect_vreg.gather [hbm4b:s9+s4], $0x80, v3, vm0, $0xb8;
	[tilespmem:$0x12200] =	vst v63  }
0x27: {  	v3 =	vld [tilespmem:$0x10];
	_ =	sdelay $0x4  }
0x28: {  	v4 =	vshrl.u32 v3, $0x3  }
0x29: {  	v4 =	vmul.u32 $0x30, v4  }
0x2a: {  	v3 =	vand.u32 $0x7, v3  }
0x2b: {  	v3 =	vor.u32 v3, v4  }
0x2c: {  	v4 =	vperm.xlane v3, v0;
	_ =	sdelay $0x1  }
0x2d: {  	v4 =	vadd.s32 v1, v4;
	_ =	sdelay $0x3  }
0x2e: {  	s22 =	simm.s32 $0x3200;
	v3 =	vperm.xlane v3, v2  }
0x2f: {  	[tilespmem:s22], [sflag:$0x1] =	stream.indirect_vreg.gather [hbm4b:s2+s4], $0x80, v4, vm0, $0xb8;
	[tilespmem:$0x12200] =	vst v63  }
0x30: {  	s23 =	simm.s32 $0x3A00;
	v3 =	vadd.s32 v1, v3  }
0x31: {  	[tilespmem:s23], [sflag:$0x1] =	stream.indirect_vreg.gather [hbm4b:s7+s4], $0x80, v4, vm0, $0xb8;
	[tilespmem:$0x12200] =	vst v63  }
0x32: {  	s24 =	simm.s32 $0x4200  }
0x33: {  	[tilespmem:s24], [sflag:$0x1] =	stream.indirect_vreg.gather [hbm4b:s9+s4], $0x80, v4, vm0, $0xb8;
	[tilespmem:$0x12200] =	vst v63  }
0x34: {  	s25 =	simm.s32 $0x4A00  }
0x35: {  	[tilespmem:s25], [sflag:$0x1] =	stream.indirect_vreg.gather [hbm4b:s2+s4], $0x80, v3, vm0, $0xb8;
	[tilespmem:$0x12200] =	vst v63  }
0x36: {  	s26 =	simm.s32 $0x5200  }
0x37: {  	[tilespmem:s26], [sflag:$0x1] =	stream.indirect_vreg.gather [hbm4b:s7+s4], $0x80, v3, vm0, $0xb8;
	[tilespmem:$0x12200] =	vst v63  }
0x38: {  	s1 =	simm.s32 $0x5A00  }
0x39: {  	[tilespmem:s1], [sflag:$0x1] =	stream.indirect_vreg.gather [hbm4b:s9+s4], $0x80, v3, vm0, $0xb8;
	[tilespmem:$0x12200] =	vst v63  }
0x3a: {  	v3 =	vld [tilespmem:$0x20];
	_ =	sdelay $0x4  }
0x3b: {  	v4 =	vshrl.u32 v3, $0x3  }
0x3c: {  	v4 =	vmul.u32 $0x30, v4  }
0x3d: {  	v3 =	vand.u32 $0x7, v3  }
0x3e: {  	v3 =	vor.u32 v3, v4  }
0x3f: {  	v4 =	vperm.xlane v3, v0;
	_ =	sdelay $0x1  }
0x40: {  	v4 =	vadd.s32 v1, v4;
	_ =	sdelay $0x3  }
0x41: {  	s5 =	simm.s32 $0x6200;
	v3 =	vperm.xlane v3, v2  }
0x42: {  	[tilespmem:s5], [sflag:$0x2] =	stream.indirect_vreg.gather [hbm4b:s2+s4], $0x80, v4, vm0, $0xb8;
	[tilespmem:$0x12200] =	vst v63  }
0x43: {  	s6 =	simm.s32 $0x6A00;
	v3 =	vadd.s32 v1, v3  }
0x44: {  	[tilespmem:s6], [sflag:$0x2] =	stream.indirect_vreg.gather [hbm4b:s7+s4], $0x80, v4, vm0, $0xb8;
	[tilespmem:$0x12200] =	vst v63  }
0x45: {  	s10 =	simm.s32 $0x7200  }
0x46: {  	[tilespmem:s10], [sflag:$0x2] =	stream.indirect_vreg.gather [hbm4b:s9+s4], $0x80, v4, vm0, $0xb8;
	[tilespmem:$0x12200] =	vst v63  }
0x47: {  	s11 =	simm.s32 $0x7A00  }
0x48: {  	[tilespmem:s11], [sflag:$0x2] =	stream.indirect_vreg.gather [hbm4b:s2+s4], $0x80, v3, vm0, $0xb8;
	[tilespmem:$0x12200] =	vst v63  }
0x49: {  	s12 =	simm.s32 $0x8200  }
0x4a: {  	[tilespmem:s12], [sflag:$0x2] =	stream.indirect_vreg.gather [hbm4b:s7+s4], $0x80, v3, vm0, $0xb8;
	[tilespmem:$0x12200] =	vst v63  }
0x4b: {  	s13 =	simm.s32 $0x8A00  }
0x4c: {  	[tilespmem:s13], [sflag:$0x2] =	stream.indirect_vreg.gather [hbm4b:s9+s4], $0x80, v3, vm0, $0xb8;
	[tilespmem:$0x12200] =	vst v63  }
0x4d: {  	v3 =	vld [tilespmem:$0x30];
	_ =	sdelay $0x4  }
0x4e: {  	v4 =	vshrl.u32 v3, $0x3  }
0x4f: {  	v4 =	vmul.u32 $0x30, v4  }
0x50: {  	v3 =	vand.u32 $0x7, v3  }
0x51: {  	v3 =	vor.u32 v3, v4  }
0x52: {  	v4 =	vperm.xlane v3, v0;
	_ =	sdelay $0x1  }
0x53: {  	v4 =	vadd.s32 v1, v4;
	_ =	sdelay $0x3  }
0x54: {  	s17 =	simm.s32 $0x9200;
	v3 =	vperm.xlane v3, v2  }
0x55: {  	[tilespmem:s17], [sflag:$0x2] =	stream.indirect_vreg.gather [hbm4b:s2+s4], $0x80, v4, vm0, $0xb8;
	[tilespmem:$0x12200] =	vst v63  }
0x56: {  	s18 =	simm.s32 $0x9A00;
	v3 =	vadd.s32 v1, v3  }
0x57: {  	[tilespmem:s18], [sflag:$0x2] =	stream.indirect_vreg.gather [hbm4b:s7+s4], $0x80, v4, vm0, $0xb8;
	[tilespmem:$0x12200] =	vst v63  }
0x58: {  	s19 =	simm.s32 $0xA200  }
0x59: {  	[tilespmem:s19], [sflag:$0x2] =	stream.indirect_vreg.gather [hbm4b:s9+s4], $0x80, v4, vm0, $0xb8;
	[tilespmem:$0x12200] =	vst v63  }
0x5a: {  	s20 =	simm.s32 $0xAA00  }
0x5b: {  	[tilespmem:s20], [sflag:$0x2] =	stream.indirect_vreg.gather [hbm4b:s2+s4], $0x80, v3, vm0, $0xb8;
	[tilespmem:$0x12200] =	vst v63  }
0x5c: {  	s21 =	simm.s32 $0xB200;
	s12 =	simm.s32 $0x0  }
0x5d: {  	[tilespmem:s21], [sflag:$0x2] =	stream.indirect_vreg.gather [hbm4b:s7+s4], $0x80, v3, vm0, $0xb8;
	[tilespmem:$0x12200] =	vst v63  }
0x5e: {  	s23 =	simm.s32 $0xBA00;
	s22 =	smul.u32 $0x6000, s12  }
0x5f: {  	[tilespmem:s23], [sflag:$0x2] =	stream.indirect_vreg.gather [hbm4b:s9+s4], $0x80, v3, vm0, $0xb8;
	[tilespmem:$0x12200] =	vst v63  }
0x60: {  	s0 =	sand.u32 $0x200, s4;
	s1 =	sshra.s32 s22, $0x2;
	_ =	swait.ge [sflag:s3], $0x6000  }
0x61: {  	s6 =	sor.u32 $0x180, s0;
	s13 =	sor.u32 $0x200, s1;
	[sflag:s3] =	ssyncset.done $0x0  }
0x62: {  	s20 =	sadd.s32 s6, s13;
	s23 =	sadd.s32 $0xE00, s1;
	[sflag:s3] =	ssyncadd.s32 $0xFFFFA000  }
0x63: {  	s5 =	sadd.s32 s6, s23;
	v3 =	vld [tilespmem:s20+$0x0]  }
0x64: {  	s19 =	sadd.s32 s0, s13;
	v4 =	vld [tilespmem:s5+$0x0]  }
0x65: {  	s10 =	sor.u32 $0x80, s0;
	s18 =	smul.u32 $0x3000, s12;
	s11 =	sadd.s32 s0, s23;
	v5 =	vld [tilespmem:s19+$0x0]  }
0x66: {  	s21 =	sadd.s32 s10, s13;
	v6 =	vld [tilespmem:s11+$0x0]  }
0x67: {  	s17 =	sor.u32 $0x100, s0;
	s18 =	sshra.s32 s18, $0x2;
	s12 =	sadd.s32 s10, s23;
	v7 =	vld [tilespmem:s21+$0x0]  }
0x68: {  	s22 =	sadd.s32 s17, s13;
	s13 =	sadd.s32 $0xC200, s18;
	v8 =	vld [tilespmem:s12+$0x0]  }
0x69: {  	s24 =	sadd.s32 s6, s13;
	s23 =	sadd.s32 s17, s23;
	v9 =	vld [tilespmem:s22+$0x0];
	v3 =	vpack.i.f32.bf16 v4, v3  }
0x6a: {  	v4 =	vld [tilespmem:s23+$0x0];
	[tilespmem:s24+$0x0] =	vst v3  }
0x6b: {  	s26 =	sadd.s32 s0, s13;
	v3 =	vpack.i.f32.bf16 v6, v5;
	v5 =	vld [tilespmem:s20+$0x10]  }
0x6c: {  	[tilespmem:s26+$0x0] =	vst v3;
	v3 =	vld [tilespmem:s5+$0x10]  }
0x6d: {  	s25 =	sadd.s32 s10, s13;
	v7 =	vpack.i.f32.bf16 v8, v7;
	v6 =	vld [tilespmem:s19+$0x10]  }
0x6e: {  	[tilespmem:s25+$0x0] =	vst v7;
	v8 =	vld [tilespmem:s11+$0x10]  }
0x6f: {  	s13 =	sadd.s32 s17, s13;
	v7 =	vld [tilespmem:s21+$0x10];
	v4 =	vpack.i.f32.bf16 v4, v9  }
0x70: {  	v9 =	vld [tilespmem:s12+$0x10];
	[tilespmem:s13+$0x0] =	vst v4  }
0x71: {  	v4 =	vld [tilespmem:s22+$0x10];
	v3 =	vpack.i.f32.bf16 v3, v5  }
0x72: {  	v5 =	vld [tilespmem:s23+$0x10];
	[tilespmem:s24+$0x10] =	vst v3  }
0x73: {  	v3 =	vpack.i.f32.bf16 v8, v6;
	v6 =	vld [tilespmem:s20+$0x20]  }
0x74: {  	[tilespmem:s26+$0x10] =	vst v3;
	v3 =	vld [tilespmem:s5+$0x20]  }
0x75: {  	v8 =	vld [tilespmem:s19+$0x20];
	v7 =	vpack.i.f32.bf16 v9, v7  }
0x76: {  	v9 =	vld [tilespmem:s11+$0x20];
	[tilespmem:s25+$0x10] =	vst v7  }
0x77: {  	v7 =	vld [tilespmem:s21+$0x20];
	v4 =	vpack.i.f32.bf16 v5, v4  }
0x78: {  	v5 =	vld [tilespmem:s12+$0x20];
	[tilespmem:s13+$0x10] =	vst v4  }
0x79: {  	v4 =	vld [tilespmem:s22+$0x20];
	v3 =	vpack.i.f32.bf16 v3, v6  }
0x7a: {  	v6 =	vld [tilespmem:s23+$0x20];
	[tilespmem:s24+$0x20] =	vst v3  }
0x7b: {  	v3 =	vpack.i.f32.bf16 v9, v8;
	v8 =	vld [tilespmem:s20+$0x30]  }
0x7c: {  	[tilespmem:s26+$0x20] =	vst v3;
	v3 =	vld [tilespmem:s5+$0x30]  }
0x7d: {  	v9 =	vld [tilespmem:s19+$0x30];
	v5 =	vpack.i.f32.bf16 v5, v7  }
0x7e: {  	v7 =	vld [tilespmem:s11+$0x30];
	[tilespmem:s25+$0x20] =	vst v5  }
0x7f: {  	v5 =	vld [tilespmem:s21+$0x30];
	v4 =	vpack.i.f32.bf16 v6, v4  }
0x80: {  	v6 =	vld [tilespmem:s12+$0x30];
	[tilespmem:s13+$0x20] =	vst v4  }
0x81: {  	v4 =	vld [tilespmem:s22+$0x30];
	v3 =	vpack.i.f32.bf16 v3, v8  }
0x82: {  	v8 =	vld [tilespmem:s23+$0x30];
	[tilespmem:s24+$0x30] =	vst v3  }
0x83: {  	v3 =	vpack.i.f32.bf16 v7, v9;
	v7 =	vld [tilespmem:s20+$0x40]  }
0x84: {  	[tilespmem:s26+$0x30] =	vst v3;
	v3 =	vld [tilespmem:s5+$0x40]  }
0x85: {  	v9 =	vld [tilespmem:s19+$0x40];
	v5 =	vpack.i.f32.bf16 v6, v5  }
0x86: {  	v6 =	vld [tilespmem:s11+$0x40];
	[tilespmem:s25+$0x30] =	vst v5  }
0x87: {  	v5 =	vld [tilespmem:s21+$0x40];
	v4 =	vpack.i.f32.bf16 v8, v4  }
0x88: {  	v8 =	vld [tilespmem:s12+$0x40];
	[tilespmem:s13+$0x30] =	vst v4  }
0x89: {  	v4 =	vld [tilespmem:s22+$0x40];
	v3 =	vpack.i.f32.bf16 v3, v7  }
0x8a: {  	v7 =	vld [tilespmem:s23+$0x40];
	[tilespmem:s24+$0x40] =	vst v3  }
0x8b: {  	v3 =	vpack.i.f32.bf16 v6, v9;
	v6 =	vld [tilespmem:s20+$0x50]  }
0x8c: {  	[tilespmem:s26+$0x40] =	vst v3;
	v3 =	vld [tilespmem:s5+$0x50]  }
0x8d: {  	v9 =	vld [tilespmem:s19+$0x50];
	v5 =	vpack.i.f32.bf16 v8, v5  }
0x8e: {  	v8 =	vld [tilespmem:s11+$0x50];
	[tilespmem:s25+$0x40] =	vst v5  }
0x8f: {  	v5 =	vld [tilespmem:s21+$0x50];
	v4 =	vpack.i.f32.bf16 v7, v4  }
0x90: {  	v7 =	vld [tilespmem:s12+$0x50];
	[tilespmem:s13+$0x40] =	vst v4  }
0x91: {  	v4 =	vld [tilespmem:s22+$0x50];
	v3 =	vpack.i.f32.bf16 v3, v6  }
0x92: {  	v6 =	vld [tilespmem:s23+$0x50];
	[tilespmem:s24+$0x50] =	vst v3  }
0x93: {  	v3 =	vpack.i.f32.bf16 v8, v9;
	v8 =	vld [tilespmem:s20+$0x60]  }
0x94: {  	[tilespmem:s26+$0x50] =	vst v3;
	v3 =	vld [tilespmem:s5+$0x60]  }
0x95: {  	v9 =	vld [tilespmem:s19+$0x60];
	v5 =	vpack.i.f32.bf16 v7, v5  }
0x96: {  	v7 =	vld [tilespmem:s11+$0x60];
	[tilespmem:s25+$0x50] =	vst v5  }
0x97: {  	v5 =	vld [tilespmem:s21+$0x60];
	v4 =	vpack.i.f32.bf16 v6, v4  }
0x98: {  	v6 =	vld [tilespmem:s12+$0x60];
	[tilespmem:s13+$0x50] =	vst v4  }
0x99: {  	v4 =	vld [tilespmem:s22+$0x60];
	v3 =	vpack.i.f32.bf16 v3, v8  }
0x9a: {  	v8 =	vld [tilespmem:s23+$0x60];
	[tilespmem:s24+$0x60] =	vst v3  }
0x9b: {  	v3 =	vpack.i.f32.bf16 v7, v9;
	v7 =	vld [tilespmem:s20+$0x70]  }
0x9c: {  	[tilespmem:s26+$0x60] =	vst v3;
	v3 =	vld [tilespmem:s5+$0x70]  }
0x9d: {  	v9 =	vld [tilespmem:s19+$0x70];
	v5 =	vpack.i.f32.bf16 v6, v5  }
0x9e: {  	v6 =	vld [tilespmem:s11+$0x70];
	[tilespmem:s25+$0x60] =	vst v5  }
0x9f: {  	v5 =	vld [tilespmem:s21+$0x70];
	v4 =	vpack.i.f32.bf16 v8, v4  }
0xa0: {  	v8 =	vld [tilespmem:s12+$0x70];
	[tilespmem:s13+$0x60] =	vst v4  }
0xa1: {  	v4 =	vld [tilespmem:s22+$0x70];
	v3 =	vpack.i.f32.bf16 v3, v7  }
0xa2: {  	s11 =	sadd.s32 $0x1200, s1;
	v7 =	vld [tilespmem:s23+$0x70];
	[tilespmem:s24+$0x70] =	vst v3  }
0xa3: {  	v3 =	vpack.i.f32.bf16 v6, v9;
	s24 =	sadd.s32 s6, s11;
	v6 =	vld [tilespmem:s20+$0x400]  }
0xa4: {  	[tilespmem:s26+$0x70] =	vst v3;
	v3 =	vld [tilespmem:s24+$0x0]  }
0xa5: {  	s5 =	sadd.s32 s0, s11;
	v9 =	vld [tilespmem:s19+$0x400];
	v5 =	vpack.i.f32.bf16 v8, v5  }
0xa6: {  	v8 =	vld [tilespmem:s5+$0x0];
	[tilespmem:s25+$0x70] =	vst v5  }
0xa7: {  	s23 =	sadd.s32 s10, s11;
	v5 =	vld [tilespmem:s21+$0x400];
	v4 =	vpack.i.f32.bf16 v7, v4  }
0xa8: {  	s12 =	sadd.s32 $0xC600, s18;
	v7 =	vld [tilespmem:s23+$0x0];
	[tilespmem:s13+$0x70] =	vst v4  }
0xa9: {  	s26 =	sadd.s32 s6, s12;
	s25 =	sadd.s32 s17, s11;
	v4 =	vld [tilespmem:s22+$0x400];
	v3 =	vpack.i.f32.bf16 v3, v6  }
0xaa: {  	v6 =	vld [tilespmem:s25+$0x0];
	[tilespmem:s26+$0x0] =	vst v3  }
0xab: {  	s13 =	sadd.s32 s0, s12;
	v3 =	vpack.i.f32.bf16 v8, v9;
	v8 =	vld [tilespmem:s20+$0x410]  }
0xac: {  	[tilespmem:s13+$0x0] =	vst v3;
	v3 =	vld [tilespmem:s24+$0x10]  }
0xad: {  	s11 =	sadd.s32 s10, s12;
	v9 =	vld [tilespmem:s19+$0x410];
	v5 =	vpack.i.f32.bf16 v7, v5  }
0xae: {  	v7 =	vld [tilespmem:s5+$0x10];
	[tilespmem:s11+$0x0] =	vst v5  }
0xaf: {  	s12 =	sadd.s32 s17, s12;
	v5 =	vld [tilespmem:s21+$0x410];
	v4 =	vpack.i.f32.bf16 v6, v4  }
0xb0: {  	v6 =	vld [tilespmem:s23+$0x10];
	[tilespmem:s12+$0x0] =	vst v4  }
0xb1: {  	v4 =	vld [tilespmem:s22+$0x410];
	v3 =	vpack.i.f32.bf16 v3, v8  }
0xb2: {  	v8 =	vld [tilespmem:s25+$0x10];
	[tilespmem:s26+$0x10] =	vst v3  }
0xb3: {  	v3 =	vpack.i.f32.bf16 v7, v9;
	v7 =	vld [tilespmem:s20+$0x420]  }
0xb4: {  	[tilespmem:s13+$0x10] =	vst v3;
	v3 =	vld [tilespmem:s24+$0x20]  }
0xb5: {  	v9 =	vld [tilespmem:s19+$0x420];
	v5 =	vpack.i.f32.bf16 v6, v5  }
0xb6: {  	v6 =	vld [tilespmem:s5+$0x20];
	[tilespmem:s11+$0x10] =	vst v5  }
0xb7: {  	v5 =	vld [tilespmem:s21+$0x420];
	v4 =	vpack.i.f32.bf16 v8, v4  }
0xb8: {  	v8 =	vld [tilespmem:s23+$0x20];
	[tilespmem:s12+$0x10] =	vst v4  }
0xb9: {  	v4 =	vld [tilespmem:s22+$0x420];
	v3 =	vpack.i.f32.bf16 v3, v7  }
0xba: {  	v7 =	vld [tilespmem:s25+$0x20];
	[tilespmem:s26+$0x20] =	vst v3  }
0xbb: {  	v3 =	vpack.i.f32.bf16 v6, v9;
	v6 =	vld [tilespmem:s20+$0x430]  }
0xbc: {  	[tilespmem:s13+$0x20] =	vst v3;
	v3 =	vld [tilespmem:s24+$0x30]  }
0xbd: {  	v9 =	vld [tilespmem:s19+$0x430];
	v5 =	vpack.i.f32.bf16 v8, v5  }
0xbe: {  	v8 =	vld [tilespmem:s5+$0x30];
	[tilespmem:s11+$0x20] =	vst v5  }
0xbf: {  	v5 =	vld [tilespmem:s21+$0x430];
	v4 =	vpack.i.f32.bf16 v7, v4  }
0xc0: {  	v7 =	vld [tilespmem:s23+$0x30];
	[tilespmem:s12+$0x20] =	vst v4  }
0xc1: {  	v4 =	vld [tilespmem:s22+$0x430];
	v3 =	vpack.i.f32.bf16 v3, v6  }
0xc2: {  	v6 =	vld [tilespmem:s25+$0x30];
	[tilespmem:s26+$0x30] =	vst v3  }
0xc3: {  	v3 =	vpack.i.f32.bf16 v8, v9;
	v8 =	vld [tilespmem:s20+$0x440]  }
0xc4: {  	[tilespmem:s13+$0x30] =	vst v3;
	v3 =	vld [tilespmem:s24+$0x40]  }
0xc5: {  	v9 =	vld [tilespmem:s19+$0x440];
	v5 =	vpack.i.f32.bf16 v7, v5  }
0xc6: {  	v7 =	vld [tilespmem:s5+$0x40];
	[tilespmem:s11+$0x30] =	vst v5  }
0xc7: {  	v5 =	vld [tilespmem:s21+$0x440];
	v4 =	vpack.i.f32.bf16 v6, v4  }
0xc8: {  	v6 =	vld [tilespmem:s23+$0x40];
	[tilespmem:s12+$0x30] =	vst v4  }
0xc9: {  	v4 =	vld [tilespmem:s22+$0x440];
	v3 =	vpack.i.f32.bf16 v3, v8  }
0xca: {  	v8 =	vld [tilespmem:s25+$0x40];
	[tilespmem:s26+$0x40] =	vst v3  }
0xcb: {  	v3 =	vpack.i.f32.bf16 v7, v9;
	v7 =	vld [tilespmem:s20+$0x450]  }
0xcc: {  	[tilespmem:s13+$0x40] =	vst v3;
	v3 =	vld [tilespmem:s24+$0x50]  }
0xcd: {  	v9 =	vld [tilespmem:s19+$0x450];
	v5 =	vpack.i.f32.bf16 v6, v5  }
0xce: {  	v6 =	vld [tilespmem:s5+$0x50];
	[tilespmem:s11+$0x40] =	vst v5  }
0xcf: {  	v5 =	vld [tilespmem:s21+$0x450];
	v4 =	vpack.i.f32.bf16 v8, v4  }
0xd0: {  	v8 =	vld [tilespmem:s23+$0x50];
	[tilespmem:s12+$0x40] =	vst v4  }
0xd1: {  	v4 =	vld [tilespmem:s22+$0x450];
	v3 =	vpack.i.f32.bf16 v3, v7  }
0xd2: {  	v7 =	vld [tilespmem:s25+$0x50];
	[tilespmem:s26+$0x50] =	vst v3  }
0xd3: {  	v3 =	vpack.i.f32.bf16 v6, v9;
	v6 =	vld [tilespmem:s20+$0x460]  }
0xd4: {  	[tilespmem:s13+$0x50] =	vst v3;
	v3 =	vld [tilespmem:s24+$0x60]  }
0xd5: {  	v9 =	vld [tilespmem:s19+$0x460];
	v5 =	vpack.i.f32.bf16 v8, v5  }
0xd6: {  	v8 =	vld [tilespmem:s5+$0x60];
	[tilespmem:s11+$0x50] =	vst v5  }
0xd7: {  	v5 =	vld [tilespmem:s21+$0x460];
	v4 =	vpack.i.f32.bf16 v7, v4  }
0xd8: {  	v7 =	vld [tilespmem:s23+$0x60];
	[tilespmem:s12+$0x50] =	vst v4  }
0xd9: {  	v4 =	vld [tilespmem:s22+$0x460];
	v3 =	vpack.i.f32.bf16 v3, v6  }
0xda: {  	v6 =	vld [tilespmem:s25+$0x60];
	[tilespmem:s26+$0x60] =	vst v3  }
0xdb: {  	v8 =	vpack.i.f32.bf16 v8, v9;
	v3 =	vld [tilespmem:s20+$0x470]  }
0xdc: {  	v9 =	vld [tilespmem:s24+$0x70];
	[tilespmem:s13+$0x60] =	vst v8  }
0xdd: {  	v8 =	vld [tilespmem:s19+$0x470];
	v5 =	vpack.i.f32.bf16 v7, v5  }
0xde: {  	v7 =	vld [tilespmem:s5+$0x70];
	[tilespmem:s11+$0x60] =	vst v5  }
0xdf: {  	v5 =	vld [tilespmem:s21+$0x470];
	v4 =	vpack.i.f32.bf16 v6, v4  }
0xe0: {  	v6 =	vld [tilespmem:s23+$0x70];
	[tilespmem:s12+$0x60] =	vst v4  }
0xe1: {  	s24 =	sadd.s32 $0xA00, s1;
	v4 =	vld [tilespmem:s22+$0x470];
	v3 =	vpack.i.f32.bf16 v9, v3  }
0xe2: {  	s5 =	sadd.s32 $0x1600, s1;
	s21 =	sadd.s32 s6, s24;
	v9 =	vld [tilespmem:s25+$0x70];
	[tilespmem:s26+$0x70] =	vst v3  }
0xe3: {  	s1 =	sadd.s32 s6, s5;
	v3 =	vpack.i.f32.bf16 v7, v8;
	v7 =	vld [tilespmem:s21+$0x0]  }
0xe4: {  	s26 =	sadd.s32 s0, s24;
	[tilespmem:s13+$0x70] =	vst v3;
	v3 =	vld [tilespmem:s1+$0x0]  }
0xe5: {  	s31 =	sadd.s32 s0, s5;
	v8 =	vld [tilespmem:s26+$0x0];
	v5 =	vpack.i.f32.bf16 v6, v5  }
0xe6: {  	s23 =	sadd.s32 s10, s24;
	v6 =	vld [tilespmem:s31+$0x0];
	[tilespmem:s11+$0x70] =	vst v5  }
0xe7: {  	s29 =	sadd.s32 s10, s5;
	v5 =	vld [tilespmem:s23+$0x0];
	v4 =	vpack.i.f32.bf16 v9, v4  }
0xe8: {  	s28 =	sadd.s32 s17, s24;
	s22 =	sadd.s32 $0xCA00, s18;
	[tilespmem:s12+$0x70] =	vst v4;
	v4 =	vld [tilespmem:s29+$0x0]  }
0xe9: {  	s25 =	sadd.s32 s17, s5;
	s6 =	sadd.s32 s6, s22;
	v9 =	vld [tilespmem:s28+$0x0];
	v3 =	vpack.i.f32.bf16 v3, v7  }
0xea: {  	v7 =	vld [tilespmem:s25+$0x0];
	[tilespmem:s6+$0x0] =	vst v3  }
0xeb: {  	s0 =	sadd.s32 s0, s22;
	v3 =	vpack.i.f32.bf16 v6, v8;
	v6 =	vld [tilespmem:s21+$0x10]  }
0xec: {  	[tilespmem:s0+$0x0] =	vst v3;
	v3 =	vld [tilespmem:s1+$0x10]  }
0xed: {  	s24 =	sadd.s32 s10, s22;
	v8 =	vld [tilespmem:s26+$0x10];
	v4 =	vpack.i.f32.bf16 v4, v5  }
0xee: {  	v5 =	vld [tilespmem:s31+$0x10];
	[tilespmem:s24+$0x0] =	vst v4  }
0xef: {  	s30 =	sadd.s32 s17, s22;
	v7 =	vpack.i.f32.bf16 v7, v9;
	v4 =	vld [tilespmem:s23+$0x10]  }
0xf0: {  	v9 =	vld [tilespmem:s29+$0x10];
	[tilespmem:s30+$0x0] =	vst v7  }
0xf1: {  	v7 =	vld [tilespmem:s28+$0x10];
	v3 =	vpack.i.f32.bf16 v3, v6  }
0xf2: {  	v6 =	vld [tilespmem:s25+$0x10];
	[tilespmem:s6+$0x10] =	vst v3  }
0xf3: {  	v3 =	vpack.i.f32.bf16 v5, v8;
	v5 =	vld [tilespmem:s21+$0x20]  }
0xf4: {  	[tilespmem:s0+$0x10] =	vst v3;
	v3 =	vld [tilespmem:s1+$0x20]  }
0xf5: {  	v8 =	vld [tilespmem:s26+$0x20];
	v4 =	vpack.i.f32.bf16 v9, v4  }
0xf6: {  	v9 =	vld [tilespmem:s31+$0x20];
	[tilespmem:s24+$0x10] =	vst v4  }
0xf7: {  	v6 =	vpack.i.f32.bf16 v6, v7;
	v4 =	vld [tilespmem:s23+$0x20]  }
0xf8: {  	v7 =	vld [tilespmem:s29+$0x20];
	[tilespmem:s30+$0x10] =	vst v6  }
0xf9: {  	v6 =	vld [tilespmem:s28+$0x20];
	v3 =	vpack.i.f32.bf16 v3, v5  }
0xfa: {  	v5 =	vld [tilespmem:s25+$0x20];
	[tilespmem:s6+$0x20] =	vst v3  }
0xfb: {  	v3 =	vpack.i.f32.bf16 v9, v8;
	v8 =	vld [tilespmem:s21+$0x30]  }
0xfc: {  	[tilespmem:s0+$0x20] =	vst v3;
	v3 =	vld [tilespmem:s1+$0x30]  }
0xfd: {  	v9 =	vld [tilespmem:s26+$0x30];
	v4 =	vpack.i.f32.bf16 v7, v4  }
0xfe: {  	v7 =	vld [tilespmem:s31+$0x30];
	[tilespmem:s24+$0x20] =	vst v4  }
0xff: {  	v4 =	vld [tilespmem:s23+$0x30];
	v5 =	vpack.i.f32.bf16 v5, v6  }
0x100: {  	v6 =	vld [tilespmem:s29+$0x30];
	[tilespmem:s30+$0x20] =	vst v5  }
0x101: {  	v5 =	vld [tilespmem:s28+$0x30];
	v3 =	vpack.i.f32.bf16 v3, v8  }
0x102: {  	v8 =	vld [tilespmem:s25+$0x30];
	[tilespmem:s6+$0x30] =	vst v3  }
0x103: {  	v3 =	vpack.i.f32.bf16 v7, v9;
	v7 =	vld [tilespmem:s21+$0x40]  }
0x104: {  	[tilespmem:s0+$0x30] =	vst v3;
	v3 =	vld [tilespmem:s1+$0x40]  }
0x105: {  	v9 =	vld [tilespmem:s26+$0x40];
	v4 =	vpack.i.f32.bf16 v6, v4  }
0x106: {  	v6 =	vld [tilespmem:s31+$0x40];
	[tilespmem:s24+$0x30] =	vst v4  }
0x107: {  	v4 =	vld [tilespmem:s23+$0x40];
	v5 =	vpack.i.f32.bf16 v8, v5  }
0x108: {  	v8 =	vld [tilespmem:s29+$0x40];
	[tilespmem:s30+$0x30] =	vst v5  }
0x109: {  	v5 =	vld [tilespmem:s28+$0x40];
	v3 =	vpack.i.f32.bf16 v3, v7  }
0x10a: {  	v7 =	vld [tilespmem:s25+$0x40];
	[tilespmem:s6+$0x40] =	vst v3  }
0x10b: {  	v3 =	vpack.i.f32.bf16 v6, v9;
	v6 =	vld [tilespmem:s21+$0x50]  }
0x10c: {  	[tilespmem:s0+$0x40] =	vst v3;
	v3 =	vld [tilespmem:s1+$0x50]  }
0x10d: {  	v9 =	vld [tilespmem:s26+$0x50];
	v4 =	vpack.i.f32.bf16 v8, v4  }
0x10e: {  	v8 =	vld [tilespmem:s31+$0x50];
	[tilespmem:s24+$0x40] =	vst v4  }
0x10f: {  	v4 =	vld [tilespmem:s23+$0x50];
	v5 =	vpack.i.f32.bf16 v7, v5  }
0x110: {  	v7 =	vld [tilespmem:s29+$0x50];
	[tilespmem:s30+$0x40] =	vst v5  }
0x111: {  	v10 =	vld [tilespmem:s28+$0x50];
	v3 =	vpack.i.f32.bf16 v3, v6  }
0x112: {  	v6 =	vld [tilespmem:s25+$0x50];
	[tilespmem:s6+$0x50] =	vst v3  }
0x113: {  	v3 =	vpack.i.f32.bf16 v8, v9;
	v8 =	vld [tilespmem:s21+$0x60]  }
0x114: {  	[tilespmem:s0+$0x50] =	vst v3;
	v3 =	vld [tilespmem:s1+$0x60]  }
0x115: {  	v9 =	vld [tilespmem:s26+$0x60];
	v4 =	vpack.i.f32.bf16 v7, v4  }
0x116: {  	v11 =	vld [tilespmem:s31+$0x60];
	[tilespmem:s24+$0x50] =	vst v4  }
0x117: {  	v5 =	vld [tilespmem:s23+$0x60];
	v4 =	vpack.i.f32.bf16 v6, v10  }
0x118: {  	v7 =	vld [tilespmem:s29+$0x60];
	[tilespmem:s30+$0x50] =	vst v4  }
0x119: {  	v4 =	vld [tilespmem:s28+$0x60];
	v3 =	vpack.i.f32.bf16 v3, v8  }
0x11a: {  	v6 =	vld [tilespmem:s25+$0x60];
	[tilespmem:s6+$0x60] =	vst v3  }
0x11b: {  	s18 =	simm.s32 $0x0;
	s17 =	simm.s32 $0x0;
	v8 =	vpack.i.f32.bf16 v11, v9;
	v3 =	vld [tilespmem:s21+$0x70]  }
.LBB2_2:
0x11c: {  	s17 =	sadd.s32 $0x4, s17;
	[tilespmem:s0+$0x60] =	vst v8;
	v8 =	vld [tilespmem:s1+$0x70]  }
0x11d: {  	s5 =	sshrl.u32 s17, $0x3;
	p0 =	slt.u32 s17, $0x1C;
	v9 =	vld [tilespmem:s26+$0x70];
	v5 =	vpack.i.f32.bf16 v7, v5  }
0x11e: {  	s1 =	smul.u32 $0x6000, s5;
	v7 =	vld [tilespmem:s31+$0x70];
	[tilespmem:s24+$0x60] =	vst v5  }
0x11f: {  	s18 =	sadd.s32 $0x200, s18;
	v5 =	vld [tilespmem:s23+$0x70];
	v4 =	vpack.i.f32.bf16 v6, v4  }
0x120: {  	s19 =	sand.u32 $0x200, s18;
	s23 =	sshra.s32 s1, $0x2;
	v6 =	vld [tilespmem:s29+$0x70];
	[tilespmem:s30+$0x60] =	vst v4  }
0x121: {  	s21 =	sor.u32 $0x80, s19;
	s20 =	sor.u32 $0x180, s19;
	s11 =	sor.u32 $0x200, s23;
	v4 =	vld [tilespmem:s28+$0x70];
	v3 =	vpack.i.f32.bf16 v8, v3  }
0x122: {  	s22 =	sor.u32 $0x100, s19;
	s13 =	sadd.s32 $0xE00, s23;
	s29 =	sadd.s32 s20, s11;
	v8 =	vld [tilespmem:s25+$0x70];
	[tilespmem:s6+$0x70] =	vst v3  }
0x123: {  	s26 =	sadd.s32 s19, s11;
	s1 =	sadd.s32 s19, s13;
	s12 =	sadd.s32 s20, s13;
	v3 =	vld [tilespmem:s29+$0x0];
	v7 =	vpack.i.f32.bf16 v7, v9  }
0x124: {  	s28 =	sadd.s32 s21, s11;
	s10 =	sadd.s32 s21, s13;
	s25 =	sadd.s32 s22, s11;
	v9 =	vld [tilespmem:s12+$0x0];
	[tilespmem:s0+$0x70] =	vst v7  }
0x125: {  	s31 =	sadd.s32 s22, s13;
	s0 =	smul.u32 $0x3000, s5;
	v7 =	vld [tilespmem:s26+$0x0];
	v5 =	vpack.i.f32.bf16 v6, v5  }
0x126: {  	v6 =	vld [tilespmem:s1+$0x0];
	[tilespmem:s24+$0x70] =	vst v5  }
0x127: {  	s24 =	sshra.s32 s0, $0x2;
	v5 =	vld [tilespmem:s28+$0x0];
	v4 =	vpack.i.f32.bf16 v8, v4  }
0x128: {  	s0 =	sadd.s32 $0xC200, s24;
	v8 =	vld [tilespmem:s10+$0x0];
	[tilespmem:s30+$0x70] =	vst v4  }
0x129: {  	s11 =	sadd.s32 s19, s0;
	s6 =	sadd.s32 s21, s0;
	s5 =	sadd.s32 s20, s0;
	v4 =	vld [tilespmem:s25+$0x0];
	v3 =	vpack.i.f32.bf16 v9, v3  }
0x12a: {  	s0 =	sadd.s32 s22, s0;
	v9 =	vld [tilespmem:s31+$0x0];
	[tilespmem:s5+$0x0] =	vst v3  }
0x12b: {  	v3 =	vpack.i.f32.bf16 v6, v7;
	v6 =	vld [tilespmem:s29+$0x10]  }
0x12c: {  	[tilespmem:s11+$0x0] =	vst v3;
	v3 =	vld [tilespmem:s12+$0x10]  }
0x12d: {  	v7 =	vld [tilespmem:s26+$0x10];
	v5 =	vpack.i.f32.bf16 v8, v5  }
0x12e: {  	v8 =	vld [tilespmem:s1+$0x10];
	[tilespmem:s6+$0x0] =	vst v5  }
0x12f: {  	v5 =	vld [tilespmem:s28+$0x10];
	v4 =	vpack.i.f32.bf16 v9, v4  }
0x130: {  	v9 =	vld [tilespmem:s10+$0x10];
	[tilespmem:s0+$0x0] =	vst v4  }
0x131: {  	v4 =	vld [tilespmem:s25+$0x10];
	v3 =	vpack.i.f32.bf16 v3, v6  }
0x132: {  	v6 =	vld [tilespmem:s31+$0x10];
	[tilespmem:s5+$0x10] =	vst v3  }
0x133: {  	v3 =	vpack.i.f32.bf16 v8, v7;
	v7 =	vld [tilespmem:s29+$0x20]  }
0x134: {  	[tilespmem:s11+$0x10] =	vst v3;
	v3 =	vld [tilespmem:s12+$0x20]  }
0x135: {  	v8 =	vld [tilespmem:s26+$0x20];
	v5 =	vpack.i.f32.bf16 v9, v5  }
0x136: {  	v9 =	vld [tilespmem:s1+$0x20];
	[tilespmem:s6+$0x10] =	vst v5  }
0x137: {  	v5 =	vld [tilespmem:s28+$0x20];
	v4 =	vpack.i.f32.bf16 v6, v4  }
0x138: {  	v6 =	vld [tilespmem:s10+$0x20];
	[tilespmem:s0+$0x10] =	vst v4  }
0x139: {  	v4 =	vld [tilespmem:s25+$0x20];
	v3 =	vpack.i.f32.bf16 v3, v7  }
0x13a: {  	v7 =	vld [tilespmem:s31+$0x20];
	[tilespmem:s5+$0x20] =	vst v3  }
0x13b: {  	v3 =	vpack.i.f32.bf16 v9, v8;
	v8 =	vld [tilespmem:s29+$0x30]  }
0x13c: {  	[tilespmem:s11+$0x20] =	vst v3;
	v3 =	vld [tilespmem:s12+$0x30]  }
0x13d: {  	v9 =	vld [tilespmem:s26+$0x30];
	v5 =	vpack.i.f32.bf16 v6, v5  }
0x13e: {  	v6 =	vld [tilespmem:s1+$0x30];
	[tilespmem:s6+$0x20] =	vst v5  }
0x13f: {  	v5 =	vld [tilespmem:s28+$0x30];
	v4 =	vpack.i.f32.bf16 v7, v4  }
0x140: {  	v7 =	vld [tilespmem:s10+$0x30];
	[tilespmem:s0+$0x20] =	vst v4  }
0x141: {  	v4 =	vld [tilespmem:s25+$0x30];
	v3 =	vpack.i.f32.bf16 v3, v8  }
0x142: {  	v8 =	vld [tilespmem:s31+$0x30];
	[tilespmem:s5+$0x30] =	vst v3  }
0x143: {  	v3 =	vpack.i.f32.bf16 v6, v9;
	v6 =	vld [tilespmem:s29+$0x40]  }
0x144: {  	[tilespmem:s11+$0x30] =	vst v3;
	v3 =	vld [tilespmem:s12+$0x40]  }
0x145: {  	v9 =	vld [tilespmem:s26+$0x40];
	v5 =	vpack.i.f32.bf16 v7, v5  }
0x146: {  	v7 =	vld [tilespmem:s1+$0x40];
	[tilespmem:s6+$0x30] =	vst v5  }
0x147: {  	v5 =	vld [tilespmem:s28+$0x40];
	v4 =	vpack.i.f32.bf16 v8, v4  }
0x148: {  	v8 =	vld [tilespmem:s10+$0x40];
	[tilespmem:s0+$0x30] =	vst v4  }
0x149: {  	v4 =	vld [tilespmem:s25+$0x40];
	v3 =	vpack.i.f32.bf16 v3, v6  }
0x14a: {  	v6 =	vld [tilespmem:s31+$0x40];
	[tilespmem:s5+$0x40] =	vst v3  }
0x14b: {  	v3 =	vpack.i.f32.bf16 v7, v9;
	v7 =	vld [tilespmem:s29+$0x50]  }
0x14c: {  	[tilespmem:s11+$0x40] =	vst v3;
	v3 =	vld [tilespmem:s12+$0x50]  }
0x14d: {  	v9 =	vld [tilespmem:s26+$0x50];
	v5 =	vpack.i.f32.bf16 v8, v5  }
0x14e: {  	v8 =	vld [tilespmem:s1+$0x50];
	[tilespmem:s6+$0x40] =	vst v5  }
0x14f: {  	v5 =	vld [tilespmem:s28+$0x50];
	v4 =	vpack.i.f32.bf16 v6, v4  }
0x150: {  	v6 =	vld [tilespmem:s10+$0x50];
	[tilespmem:s0+$0x40] =	vst v4  }
0x151: {  	v4 =	vld [tilespmem:s25+$0x50];
	v3 =	vpack.i.f32.bf16 v3, v7  }
0x152: {  	v7 =	vld [tilespmem:s31+$0x50];
	[tilespmem:s5+$0x50] =	vst v3  }
0x153: {  	v3 =	vpack.i.f32.bf16 v8, v9;
	v8 =	vld [tilespmem:s29+$0x60]  }
0x154: {  	[tilespmem:s11+$0x50] =	vst v3;
	v3 =	vld [tilespmem:s12+$0x60]  }
0x155: {  	v9 =	vld [tilespmem:s26+$0x60];
	v5 =	vpack.i.f32.bf16 v6, v5  }
0x156: {  	v6 =	vld [tilespmem:s1+$0x60];
	[tilespmem:s6+$0x50] =	vst v5  }
0x157: {  	v5 =	vld [tilespmem:s28+$0x60];
	v4 =	vpack.i.f32.bf16 v7, v4  }
0x158: {  	v7 =	vld [tilespmem:s10+$0x60];
	[tilespmem:s0+$0x50] =	vst v4  }
0x159: {  	v4 =	vld [tilespmem:s25+$0x60];
	v3 =	vpack.i.f32.bf16 v3, v8  }
0x15a: {  	v8 =	vld [tilespmem:s31+$0x60];
	[tilespmem:s5+$0x60] =	vst v3  }
0x15b: {  	v3 =	vpack.i.f32.bf16 v6, v9;
	v6 =	vld [tilespmem:s29+$0x70]  }
0x15c: {  	[tilespmem:s11+$0x60] =	vst v3;
	v3 =	vld [tilespmem:s12+$0x70]  }
0x15d: {  	v9 =	vld [tilespmem:s26+$0x70];
	v5 =	vpack.i.f32.bf16 v7, v5  }
0x15e: {  	v7 =	vld [tilespmem:s1+$0x70];
	[tilespmem:s6+$0x60] =	vst v5  }
0x15f: {  	v5 =	vld [tilespmem:s28+$0x70];
	v4 =	vpack.i.f32.bf16 v8, v4  }
0x160: {  	v8 =	vld [tilespmem:s10+$0x70];
	[tilespmem:s0+$0x60] =	vst v4  }
0x161: {  	v4 =	vld [tilespmem:s25+$0x70];
	v3 =	vpack.i.f32.bf16 v3, v6  }
0x162: {  	s1 =	sadd.s32 $0x1200, s23;
	v6 =	vld [tilespmem:s31+$0x70];
	[tilespmem:s5+$0x70] =	vst v3  }
0x163: {  	s30 =	sadd.s32 s19, s1;
	s12 =	sadd.s32 s20, s1;
	s10 =	sadd.s32 s21, s1;
	v3 =	vpack.i.f32.bf16 v7, v9;
	v7 =	vld [tilespmem:s29+$0x400]  }
0x164: {  	s1 =	sadd.s32 s22, s1;
	[tilespmem:s11+$0x70] =	vst v3;
	v3 =	vld [tilespmem:s12+$0x0]  }
0x165: {  	v9 =	vld [tilespmem:s26+$0x400];
	v5 =	vpack.i.f32.bf16 v8, v5  }
0x166: {  	v8 =	vld [tilespmem:s30+$0x0];
	[tilespmem:s6+$0x70] =	vst v5  }
0x167: {  	v5 =	vld [tilespmem:s28+$0x400];
	v4 =	vpack.i.f32.bf16 v6, v4  }
0x168: {  	s13 =	sadd.s32 $0xC600, s24;
	v6 =	vld [tilespmem:s10+$0x0];
	[tilespmem:s0+$0x70] =	vst v4  }
0x169: {  	s5 =	sadd.s32 s20, s13;
	s11 =	sadd.s32 s19, s13;
	s6 =	sadd.s32 s21, s13;
	v4 =	vld [tilespmem:s25+$0x400];
	v3 =	vpack.i.f32.bf16 v3, v7  }
0x16a: {  	s0 =	sadd.s32 s22, s13;
	v7 =	vld [tilespmem:s1+$0x0];
	[tilespmem:s5+$0x0] =	vst v3  }
0x16b: {  	v3 =	vpack.i.f32.bf16 v8, v9;
	v8 =	vld [tilespmem:s29+$0x410]  }
0x16c: {  	[tilespmem:s11+$0x0] =	vst v3;
	v3 =	vld [tilespmem:s12+$0x10]  }
0x16d: {  	v9 =	vld [tilespmem:s26+$0x410];
	v5 =	vpack.i.f32.bf16 v6, v5  }
0x16e: {  	v6 =	vld [tilespmem:s30+$0x10];
	[tilespmem:s6+$0x0] =	vst v5  }
0x16f: {  	v5 =	vld [tilespmem:s28+$0x410];
	v4 =	vpack.i.f32.bf16 v7, v4  }
0x170: {  	v7 =	vld [tilespmem:s10+$0x10];
	[tilespmem:s0+$0x0] =	vst v4  }
0x171: {  	v4 =	vld [tilespmem:s25+$0x410];
	v3 =	vpack.i.f32.bf16 v3, v8  }
0x172: {  	v8 =	vld [tilespmem:s1+$0x10];
	[tilespmem:s5+$0x10] =	vst v3  }
0x173: {  	v3 =	vpack.i.f32.bf16 v6, v9;
	v6 =	vld [tilespmem:s29+$0x420]  }
0x174: {  	[tilespmem:s11+$0x10] =	vst v3;
	v3 =	vld [tilespmem:s12+$0x20]  }
0x175: {  	v9 =	vld [tilespmem:s26+$0x420];
	v5 =	vpack.i.f32.bf16 v7, v5  }
0x176: {  	v7 =	vld [tilespmem:s30+$0x20];
	[tilespmem:s6+$0x10] =	vst v5  }
0x177: {  	v5 =	vld [tilespmem:s28+$0x420];
	v4 =	vpack.i.f32.bf16 v8, v4  }
0x178: {  	v8 =	vld [tilespmem:s10+$0x20];
	[tilespmem:s0+$0x10] =	vst v4  }
0x179: {  	v4 =	vld [tilespmem:s25+$0x420];
	v3 =	vpack.i.f32.bf16 v3, v6  }
0x17a: {  	v6 =	vld [tilespmem:s1+$0x20];
	[tilespmem:s5+$0x20] =	vst v3  }
0x17b: {  	v3 =	vpack.i.f32.bf16 v7, v9;
	v7 =	vld [tilespmem:s29+$0x430]  }
0x17c: {  	[tilespmem:s11+$0x20] =	vst v3;
	v3 =	vld [tilespmem:s12+$0x30]  }
0x17d: {  	v9 =	vld [tilespmem:s26+$0x430];
	v5 =	vpack.i.f32.bf16 v8, v5  }
0x17e: {  	v8 =	vld [tilespmem:s30+$0x30];
	[tilespmem:s6+$0x20] =	vst v5  }
0x17f: {  	v5 =	vld [tilespmem:s28+$0x430];
	v4 =	vpack.i.f32.bf16 v6, v4  }
0x180: {  	v6 =	vld [tilespmem:s10+$0x30];
	[tilespmem:s0+$0x20] =	vst v4  }
0x181: {  	v4 =	vld [tilespmem:s25+$0x430];
	v3 =	vpack.i.f32.bf16 v3, v7  }
0x182: {  	v7 =	vld [tilespmem:s1+$0x30];
	[tilespmem:s5+$0x30] =	vst v3  }
0x183: {  	v3 =	vpack.i.f32.bf16 v8, v9;
	v8 =	vld [tilespmem:s29+$0x440]  }
0x184: {  	[tilespmem:s11+$0x30] =	vst v3;
	v3 =	vld [tilespmem:s12+$0x40]  }
0x185: {  	v9 =	vld [tilespmem:s26+$0x440];
	v5 =	vpack.i.f32.bf16 v6, v5  }
0x186: {  	v6 =	vld [tilespmem:s30+$0x40];
	[tilespmem:s6+$0x30] =	vst v5  }
0x187: {  	v5 =	vld [tilespmem:s28+$0x440];
	v4 =	vpack.i.f32.bf16 v7, v4  }
0x188: {  	v7 =	vld [tilespmem:s10+$0x40];
	[tilespmem:s0+$0x30] =	vst v4  }
0x189: {  	v4 =	vld [tilespmem:s25+$0x440];
	v3 =	vpack.i.f32.bf16 v3, v8  }
0x18a: {  	v8 =	vld [tilespmem:s1+$0x40];
	[tilespmem:s5+$0x40] =	vst v3  }
0x18b: {  	v3 =	vpack.i.f32.bf16 v6, v9;
	v6 =	vld [tilespmem:s29+$0x450]  }
0x18c: {  	[tilespmem:s11+$0x40] =	vst v3;
	v3 =	vld [tilespmem:s12+$0x50]  }
0x18d: {  	v9 =	vld [tilespmem:s26+$0x450];
	v5 =	vpack.i.f32.bf16 v7, v5  }
0x18e: {  	v7 =	vld [tilespmem:s30+$0x50];
	[tilespmem:s6+$0x40] =	vst v5  }
0x18f: {  	v5 =	vld [tilespmem:s28+$0x450];
	v4 =	vpack.i.f32.bf16 v8, v4  }
0x190: {  	v8 =	vld [tilespmem:s10+$0x50];
	[tilespmem:s0+$0x40] =	vst v4  }
0x191: {  	v4 =	vld [tilespmem:s25+$0x450];
	v3 =	vpack.i.f32.bf16 v3, v6  }
0x192: {  	v6 =	vld [tilespmem:s1+$0x50];
	[tilespmem:s5+$0x50] =	vst v3  }
0x193: {  	v3 =	vpack.i.f32.bf16 v7, v9;
	v7 =	vld [tilespmem:s29+$0x460]  }
0x194: {  	[tilespmem:s11+$0x50] =	vst v3;
	v3 =	vld [tilespmem:s12+$0x60]  }
0x195: {  	v9 =	vld [tilespmem:s26+$0x460];
	v5 =	vpack.i.f32.bf16 v8, v5  }
0x196: {  	v8 =	vld [tilespmem:s30+$0x60];
	[tilespmem:s6+$0x50] =	vst v5  }
0x197: {  	v5 =	vld [tilespmem:s28+$0x460];
	v4 =	vpack.i.f32.bf16 v6, v4  }
0x198: {  	v6 =	vld [tilespmem:s10+$0x60];
	[tilespmem:s0+$0x50] =	vst v4  }
0x199: {  	v4 =	vld [tilespmem:s25+$0x460];
	v3 =	vpack.i.f32.bf16 v3, v7  }
0x19a: {  	v7 =	vld [tilespmem:s1+$0x60];
	[tilespmem:s5+$0x60] =	vst v3  }
0x19b: {  	v3 =	vpack.i.f32.bf16 v8, v9;
	v8 =	vld [tilespmem:s29+$0x470]  }
0x19c: {  	[tilespmem:s11+$0x60] =	vst v3;
	v3 =	vld [tilespmem:s12+$0x70]  }
0x19d: {  	v9 =	vld [tilespmem:s26+$0x470];
	v5 =	vpack.i.f32.bf16 v6, v5  }
0x19e: {  	v6 =	vld [tilespmem:s30+$0x70];
	[tilespmem:s6+$0x60] =	vst v5  }
0x19f: {  	v5 =	vld [tilespmem:s28+$0x470];
	v4 =	vpack.i.f32.bf16 v7, v4  }
0x1a0: {  	v7 =	vld [tilespmem:s10+$0x70];
	[tilespmem:s0+$0x60] =	vst v4  }
0x1a1: {  	s12 =	sadd.s32 $0xA00, s23;
	v4 =	vld [tilespmem:s25+$0x470];
	v3 =	vpack.i.f32.bf16 v3, v8  }
0x1a2: {  	s13 =	sadd.s32 $0x1600, s23;
	s26 =	sadd.s32 s19, s12;
	s10 =	sadd.s32 s20, s12;
	v8 =	vld [tilespmem:s1+$0x70];
	[tilespmem:s5+$0x70] =	vst v3  }
0x1a3: {  	s31 =	sadd.s32 s19, s13;
	s23 =	sadd.s32 s21, s12;
	s1 =	sadd.s32 s20, s13;
	v3 =	vpack.i.f32.bf16 v6, v9;
	v6 =	vld [tilespmem:s10+$0x0]  }
0x1a4: {  	s29 =	sadd.s32 s21, s13;
	s28 =	sadd.s32 s22, s12;
	s25 =	sadd.s32 s22, s13;
	[tilespmem:s11+$0x70] =	vst v3;
	v3 =	vld [tilespmem:s1+$0x0]  }
0x1a5: {  	v9 =	vld [tilespmem:s26+$0x0];
	v5 =	vpack.i.f32.bf16 v7, v5  }
0x1a6: {  	v7 =	vld [tilespmem:s31+$0x0];
	[tilespmem:s6+$0x70] =	vst v5  }
0x1a7: {  	v5 =	vld [tilespmem:s23+$0x0];
	v4 =	vpack.i.f32.bf16 v8, v4  }
0x1a8: {  	s5 =	sadd.s32 $0xCA00, s24;
	v8 =	vld [tilespmem:s29+$0x0];
	[tilespmem:s0+$0x70] =	vst v4  }
0x1a9: {  	s24 =	sadd.s32 s21, s5;
	s6 =	sadd.s32 s20, s5;
	s0 =	sadd.s32 s19, s5;
	v4 =	vld [tilespmem:s28+$0x0];
	v3 =	vpack.i.f32.bf16 v3, v6  }
0x1aa: {  	s30 =	sadd.s32 s22, s5;
	v6 =	vld [tilespmem:s25+$0x0];
	[tilespmem:s6+$0x0] =	vst v3  }
0x1ab: {  	v3 =	vpack.i.f32.bf16 v7, v9;
	v7 =	vld [tilespmem:s10+$0x10]  }
0x1ac: {  	[tilespmem:s0+$0x0] =	vst v3;
	v3 =	vld [tilespmem:s1+$0x10]  }
0x1ad: {  	v9 =	vld [tilespmem:s26+$0x10];
	v5 =	vpack.i.f32.bf16 v8, v5  }
0x1ae: {  	v8 =	vld [tilespmem:s31+$0x10];
	[tilespmem:s24+$0x0] =	vst v5  }
0x1af: {  	v5 =	vld [tilespmem:s23+$0x10];
	v4 =	vpack.i.f32.bf16 v6, v4  }
0x1b0: {  	v6 =	vld [tilespmem:s29+$0x10];
	[tilespmem:s30+$0x0] =	vst v4  }
0x1b1: {  	v4 =	vld [tilespmem:s28+$0x10];
	v3 =	vpack.i.f32.bf16 v3, v7  }
0x1b2: {  	v7 =	vld [tilespmem:s25+$0x10];
	[tilespmem:s6+$0x10] =	vst v3  }
0x1b3: {  	v3 =	vpack.i.f32.bf16 v8, v9;
	v8 =	vld [tilespmem:s10+$0x20]  }
0x1b4: {  	[tilespmem:s0+$0x10] =	vst v3;
	v3 =	vld [tilespmem:s1+$0x20]  }
0x1b5: {  	v9 =	vld [tilespmem:s26+$0x20];
	v5 =	vpack.i.f32.bf16 v6, v5  }
0x1b6: {  	v6 =	vld [tilespmem:s31+$0x20];
	[tilespmem:s24+$0x10] =	vst v5  }
0x1b7: {  	v5 =	vld [tilespmem:s23+$0x20];
	v4 =	vpack.i.f32.bf16 v7, v4  }
0x1b8: {  	v7 =	vld [tilespmem:s29+$0x20];
	[tilespmem:s30+$0x10] =	vst v4  }
0x1b9: {  	v4 =	vld [tilespmem:s28+$0x20];
	v3 =	vpack.i.f32.bf16 v3, v8  }
0x1ba: {  	v8 =	vld [tilespmem:s25+$0x20];
	[tilespmem:s6+$0x20] =	vst v3  }
0x1bb: {  	v3 =	vpack.i.f32.bf16 v6, v9;
	v6 =	vld [tilespmem:s10+$0x30]  }
0x1bc: {  	[tilespmem:s0+$0x20] =	vst v3;
	v3 =	vld [tilespmem:s1+$0x30]  }
0x1bd: {  	v9 =	vld [tilespmem:s26+$0x30];
	v5 =	vpack.i.f32.bf16 v7, v5  }
0x1be: {  	v7 =	vld [tilespmem:s31+$0x30];
	[tilespmem:s24+$0x20] =	vst v5  }
0x1bf: {  	v5 =	vld [tilespmem:s23+$0x30];
	v4 =	vpack.i.f32.bf16 v8, v4  }
0x1c0: {  	v8 =	vld [tilespmem:s29+$0x30];
	[tilespmem:s30+$0x20] =	vst v4  }
0x1c1: {  	v4 =	vld [tilespmem:s28+$0x30];
	v3 =	vpack.i.f32.bf16 v3, v6  }
0x1c2: {  	v6 =	vld [tilespmem:s25+$0x30];
	[tilespmem:s6+$0x30] =	vst v3  }
0x1c3: {  	v3 =	vpack.i.f32.bf16 v7, v9;
	v7 =	vld [tilespmem:s10+$0x40]  }
0x1c4: {  	[tilespmem:s0+$0x30] =	vst v3;
	v3 =	vld [tilespmem:s1+$0x40]  }
0x1c5: {  	v9 =	vld [tilespmem:s26+$0x40];
	v5 =	vpack.i.f32.bf16 v8, v5  }
0x1c6: {  	v8 =	vld [tilespmem:s31+$0x40];
	[tilespmem:s24+$0x30] =	vst v5  }
0x1c7: {  	v5 =	vld [tilespmem:s23+$0x40];
	v4 =	vpack.i.f32.bf16 v6, v4  }
0x1c8: {  	v6 =	vld [tilespmem:s29+$0x40];
	[tilespmem:s30+$0x30] =	vst v4  }
0x1c9: {  	v4 =	vld [tilespmem:s28+$0x40];
	v3 =	vpack.i.f32.bf16 v3, v7  }
0x1ca: {  	v7 =	vld [tilespmem:s25+$0x40];
	[tilespmem:s6+$0x40] =	vst v3  }
0x1cb: {  	v3 =	vpack.i.f32.bf16 v8, v9;
	v8 =	vld [tilespmem:s10+$0x50]  }
0x1cc: {  	[tilespmem:s0+$0x40] =	vst v3;
	v3 =	vld [tilespmem:s1+$0x50]  }
0x1cd: {  	v9 =	vld [tilespmem:s26+$0x50];
	v5 =	vpack.i.f32.bf16 v6, v5  }
0x1ce: {  	v6 =	vld [tilespmem:s31+$0x50];
	[tilespmem:s24+$0x40] =	vst v5  }
0x1cf: {  	v5 =	vld [tilespmem:s23+$0x50];
	v4 =	vpack.i.f32.bf16 v7, v4  }
0x1d0: {  	v7 =	vld [tilespmem:s29+$0x50];
	[tilespmem:s30+$0x40] =	vst v4  }
0x1d1: {  	v4 =	vld [tilespmem:s28+$0x50];
	v3 =	vpack.i.f32.bf16 v3, v8  }
0x1d2: {  	v8 =	vld [tilespmem:s25+$0x50];
	[tilespmem:s6+$0x50] =	vst v3  }
0x1d3: {  	v3 =	vpack.i.f32.bf16 v6, v9;
	v6 =	vld [tilespmem:s10+$0x60]  }
0x1d4: {  	[tilespmem:s0+$0x50] =	vst v3;
	v3 =	vld [tilespmem:s1+$0x60]  }
0x1d5: {  	v9 =	vld [tilespmem:s26+$0x60];
	v5 =	vpack.i.f32.bf16 v7, v5  }
0x1d6: {  	v10 =	vld [tilespmem:s31+$0x60];
	[tilespmem:s24+$0x50] =	vst v5  }
.Ltmp0:
0x1d7: {  	v5 =	vld [tilespmem:s23+$0x60];
	v4 =	vpack.i.f32.bf16 v8, v4;
	(pc) =	sbr.rel @p0 .LBB2_2-.Ltmp0, $4  }
0x1d8: {  	v7 =	vld [tilespmem:s29+$0x60];
	[tilespmem:s30+$0x50] =	vst v4  }
0x1d9: {  	v4 =	vld [tilespmem:s28+$0x60];
	v3 =	vpack.i.f32.bf16 v3, v6  }
0x1da: {  	v6 =	vld [tilespmem:s25+$0x60];
	[tilespmem:s6+$0x60] =	vst v3  }
0x1db: {  	v8 =	vpack.i.f32.bf16 v10, v9;
	v3 =	vld [tilespmem:s10+$0x70]  }
0x1dc: {  	[tilespmem:s0+$0x60] =	vst v8;
	v8 =	vld [tilespmem:s1+$0x70]  }
0x1dd: {  	v9 =	vld [tilespmem:s26+$0x70];
	v5 =	vpack.i.f32.bf16 v7, v5  }
0x1de: {  	v7 =	vld [tilespmem:s31+$0x70];
	[tilespmem:s24+$0x60] =	vst v5  }
0x1df: {  	v5 =	vld [tilespmem:s23+$0x70];
	v4 =	vpack.i.f32.bf16 v6, v4  }
0x1e0: {  	v6 =	vld [tilespmem:s29+$0x70];
	[tilespmem:s30+$0x60] =	vst v4  }
0x1e1: {  	v4 =	vld [tilespmem:s28+$0x70]  }
0x1e2: {  	v10 =	vld [tilespmem:s25+$0x70];
	_ =	sdelay $0x1  }
0x1e3: {  	v3 =	vpack.i.f32.bf16 v8, v3  }
0x1e4: {  	[tilespmem:s6+$0x70] =	vst v3;
	v3 =	vpack.i.f32.bf16 v7, v9  }
0x1e5: {  	[tilespmem:s0+$0x70] =	vst v3;
	v3 =	vpack.i.f32.bf16 v6, v5  }
0x1e6: {  	[tilespmem:s24+$0x70] =	vst v3;
	v3 =	vpack.i.f32.bf16 v10, v4  }
0x1e7: {  	[tilespmem:s30+$0x70] =	vst v3  }
0x1e8: {  	s5 =	simm.s32 $0xC200;
	s25 =	simm.s32 $0x0;
	s26 =	rddreg [dreg:$0x6]  }
0x1e9: {  	[hbm4b:s26+s25] =	stream.linear.scatter [tilespmem:s5], [sflag:$0x3], $0x3000, $0x38;
	[tilespmem:$0x12200] =	vst v63  }
0x1ea: {  	v3 =	vld [tilespmem:$0x40];
	_ =	sdelay $0x4  }
0x1eb: {  	v4 =	vshrl.u32 v3, $0x3  }
0x1ec: {  	v4 =	vmul.u32 $0x30, v4  }
0x1ed: {  	v3 =	vand.u32 $0x7, v3  }
0x1ee: {  	v3 =	vor.u32 v3, v4  }
0x1ef: {  	v4 =	vperm.xlane v3, v0;
	_ =	sdelay $0x1  }
0x1f0: {  	v4 =	vadd.s32 v1, v4;
	_ =	sdelay $0x3  }
0x1f1: {  	s28 =	simm.s32 $0x200;
	v3 =	vperm.xlane v3, v2  }
0x1f2: {  	[tilespmem:s28], [sflag:$0x1] =	stream.indirect_vreg.gather [hbm4b:s2+s25], $0x80, v4, vm0, $0xb8;
	[tilespmem:$0x12200] =	vst v63  }
0x1f3: {  	s29 =	simm.s32 $0xA00;
	v3 =	vadd.s32 v1, v3  }
0x1f4: {  	[tilespmem:s29], [sflag:$0x1] =	stream.indirect_vreg.gather [hbm4b:s7+s25], $0x80, v4, vm0, $0xb8;
	[tilespmem:$0x12200] =	vst v63  }
0x1f5: {  	s30 =	simm.s32 $0x1200  }
0x1f6: {  	[tilespmem:s30], [sflag:$0x1] =	stream.indirect_vreg.gather [hbm4b:s9+s25], $0x80, v4, vm0, $0xb8;
	[tilespmem:$0x12200] =	vst v63  }
0x1f7: {  	s31 =	simm.s32 $0x1A00  }
0x1f8: {  	[tilespmem:s31], [sflag:$0x1] =	stream.indirect_vreg.gather [hbm4b:s2+s25], $0x80, v3, vm0, $0xb8;
	[tilespmem:$0x12200] =	vst v63  }
0x1f9: {  	s5 =	simm.s32 $0x2200  }
0x1fa: {  	[tilespmem:s5], [sflag:$0x1] =	stream.indirect_vreg.gather [hbm4b:s7+s25], $0x80, v3, vm0, $0xb8;
	[tilespmem:$0x12200] =	vst v63  }
0x1fb: {  	s6 =	simm.s32 $0x2A00  }
0x1fc: {  	[tilespmem:s6], [sflag:$0x1] =	stream.indirect_vreg.gather [hbm4b:s9+s25], $0x80, v3, vm0, $0xb8;
	[tilespmem:$0x12200] =	vst v63  }
0x1fd: {  	v3 =	vld [tilespmem:$0x50];
	_ =	sdelay $0x4  }
0x1fe: {  	v4 =	vshrl.u32 v3, $0x3  }
0x1ff: {  	v4 =	vmul.u32 $0x30, v4  }
0x200: {  	v3 =	vand.u32 $0x7, v3  }
0x201: {  	v3 =	vor.u32 v3, v4  }
0x202: {  	v4 =	vperm.xlane v3, v0;
	_ =	sdelay $0x1  }
0x203: {  	v4 =	vadd.s32 v1, v4;
	_ =	sdelay $0x3  }
0x204: {  	s10 =	simm.s32 $0x3200;
	v3 =	vperm.xlane v3, v2  }
0x205: {  	[tilespmem:s10], [sflag:$0x1] =	stream.indirect_vreg.gather [hbm4b:s2+s25], $0x80, v4, vm0, $0xb8;
	[tilespmem:$0x12200] =	vst v63  }
0x206: {  	s11 =	simm.s32 $0x3A00;
	v3 =	vadd.s32 v1, v3  }
0x207: {  	[tilespmem:s11], [sflag:$0x1] =	stream.indirect_vreg.gather [hbm4b:s7+s25], $0x80, v4, vm0, $0xb8;
	[tilespmem:$0x12200] =	vst v63  }
0x208: {  	s12 =	simm.s32 $0x4200  }
0x209: {  	[tilespmem:s12], [sflag:$0x1] =	stream.indirect_vreg.gather [hbm4b:s9+s25], $0x80, v4, vm0, $0xb8;
	[tilespmem:$0x12200] =	vst v63  }
0x20a: {  	s13 =	simm.s32 $0x4A00;
	s19 =	simm.s32 $0x0  }
0x20b: {  	[tilespmem:s13], [sflag:$0x1] =	stream.indirect_vreg.gather [hbm4b:s2+s25], $0x80, v3, vm0, $0xb8;
	[tilespmem:$0x12200] =	vst v63  }
0x20c: {  	s17 =	simm.s32 $0x5200;
	s1 =	sor.u32 $0x4, s19  }
0x20d: {  	[tilespmem:s17], [sflag:$0x1] =	stream.indirect_vreg.gather [hbm4b:s7+s25], $0x80, v3, vm0, $0xb8;
	[tilespmem:$0x12200] =	vst v63  }
0x20e: {  	s18 =	simm.s32 $0x5A00;
	s21 =	simm.s32 $0x4;
	s20 =	smul.u32 $0x6000, s1  }
0x20f: {  	[tilespmem:s18], [sflag:$0x1] =	stream.indirect_vreg.gather [hbm4b:s9+s25], $0x80, v3, vm0, $0xb8;
	[tilespmem:$0x12200] =	vst v63  }
0x210: {  	s22 =	simm.s32 $0x4;
	s0 =	sand.u32 $0x200, s25;
	_ =	swait.ge [sflag:s14], $0x6000  }
0x211: {  	s5 =	sshra.s32 s20, $0x2;
	s10 =	smul.u32 $0x6000, s21;
	[sflag:s14] =	ssyncset.done $0x0  }
0x212: {  	s11 =	simm.s32 $0x1180;
	s25 =	sor.u32 s0, s5;
	[sflag:s14] =	ssyncadd.s32 $0xFFFFA000  }
0x213: {  	s10 =	sshra.s32 s10, $0x2;
	s11 =	sand.u32 $0x380, s11;
	s12 =	smul.u32 $0x6000, s22;
	v3 =	vld [tilespmem:s25+$0xE00]  }
0x214: {  	s19 =	sor.u32 s11, s10;
	s13 =	simm.s32 $0x4;
	s17 =	simm.s32 $0x1100;
	v4 =	vld [tilespmem:s25+$0x200]  }
0x215: {  	s12 =	sshra.s32 s12, $0x2;
	s23 =	smul.u32 $0x6000, s13;
	s18 =	sand.u32 $0x300, s17;
	v5 =	vld [tilespmem:s19+$0x200]  }
0x216: {  	s1 =	smul.u32 $0x3000, s1;
	s24 =	simm.s32 $0x1080;
	s20 =	sor.u32 s18, s12;
	v6 =	vld [tilespmem:s19+$0xE00]  }
0x217: {  	s26 =	sand.u32 $0x280, s24;
	s10 =	sshra.s32 s23, $0x2;
	v7 =	vld [tilespmem:s20+$0x200]  }
0x218: {  	s1 =	sshra.s32 s1, $0x2;
	s6 =	smul.u32 $0x3000, s21;
	s17 =	sor.u32 s26, s10;
	v8 =	vld [tilespmem:s20+$0xE00]  }
0x219: {  	s21 =	sor.u32 s0, s1;
	v3 =	vpack.i.f32.bf16 v3, v4;
	v4 =	vld [tilespmem:s17+$0x200]  }
0x21a: {  	s28 =	smul.u32 $0x3000, s22;
	s29 =	sshra.s32 s6, $0x2;
	[tilespmem:s21+$0xC200] =	vst v3;
	v3 =	vld [tilespmem:s17+$0xE00]  }
0x21b: {  	s23 =	sor.u32 s11, s29;
	v5 =	vpack.i.f32.bf16 v6, v5;
	v9 =	vld [tilespmem:s25+$0x210]  }
0x21c: {  	s30 =	smul.u32 $0x3000, s13;
	s0 =	sshra.s32 s28, $0x2;
	[tilespmem:s23+$0xC200] =	vst v5;
	v6 =	vld [tilespmem:s25+$0xE10]  }
0x21d: {  	s22 =	sor.u32 s18, s0;
	v5 =	vpack.i.f32.bf16 v8, v7;
	v7 =	vld [tilespmem:s19+$0xE10]  }
0x21e: {  	s31 =	sshra.s32 s30, $0x2;
	[tilespmem:s22+$0xC200] =	vst v5;
	v5 =	vld [tilespmem:s19+$0x210]  }
0x21f: {  	s18 =	sor.u32 s26, s31;
	v3 =	vpack.i.f32.bf16 v3, v4;
	v4 =	vld [tilespmem:s20+$0xE10]  }
0x220: {  	[tilespmem:s18+$0xC200] =	vst v3;
	v3 =	vld [tilespmem:s20+$0x210]  }
0x221: {  	v6 =	vpack.i.f32.bf16 v6, v9;
	v8 =	vld [tilespmem:s17+$0x210]  }
0x222: {  	[tilespmem:s21+$0xC210] =	vst v6;
	v6 =	vld [tilespmem:s17+$0xE10]  }
0x223: {  	v5 =	vpack.i.f32.bf16 v7, v5;
	v9 =	vld [tilespmem:s25+$0x220]  }
0x224: {  	[tilespmem:s23+$0xC210] =	vst v5;
	v7 =	vld [tilespmem:s25+$0xE20]  }
0x225: {  	v3 =	vpack.i.f32.bf16 v4, v3;
	v4 =	vld [tilespmem:s19+$0x220]  }
0x226: {  	[tilespmem:s22+$0xC210] =	vst v3;
	v3 =	vld [tilespmem:s19+$0xE20]  }
0x227: {  	v5 =	vpack.i.f32.bf16 v6, v8;
	v6 =	vld [tilespmem:s20+$0x220]  }
0x228: {  	[tilespmem:s18+$0xC210] =	vst v5;
	v5 =	vld [tilespmem:s20+$0xE20]  }
0x229: {  	v7 =	vpack.i.f32.bf16 v7, v9;
	v8 =	vld [tilespmem:s17+$0x220]  }
0x22a: {  	[tilespmem:s21+$0xC220] =	vst v7;
	v7 =	vld [tilespmem:s17+$0xE20]  }
0x22b: {  	v9 =	vld [tilespmem:s25+$0x230];
	v3 =	vpack.i.f32.bf16 v3, v4  }
0x22c: {  	v4 =	vld [tilespmem:s25+$0xE30];
	[tilespmem:s23+$0xC220] =	vst v3  }
0x22d: {  	v3 =	vpack.i.f32.bf16 v5, v6;
	v5 =	vld [tilespmem:s19+$0x230]  }
0x22e: {  	[tilespmem:s22+$0xC220] =	vst v3;
	v3 =	vld [tilespmem:s19+$0xE30]  }
0x22f: {  	v6 =	vpack.i.f32.bf16 v7, v8;
	v7 =	vld [tilespmem:s20+$0x230]  }
0x230: {  	[tilespmem:s18+$0xC220] =	vst v6;
	v6 =	vld [tilespmem:s20+$0xE30]  }
0x231: {  	v8 =	vld [tilespmem:s17+$0x230];
	v4 =	vpack.i.f32.bf16 v4, v9  }
0x232: {  	[tilespmem:s21+$0xC230] =	vst v4;
	v4 =	vld [tilespmem:s17+$0xE30]  }
0x233: {  	v9 =	vld [tilespmem:s25+$0x240];
	v3 =	vpack.i.f32.bf16 v3, v5  }
0x234: {  	v5 =	vld [tilespmem:s25+$0xE40];
	[tilespmem:s23+$0xC230] =	vst v3  }
0x235: {  	v3 =	vpack.i.f32.bf16 v6, v7;
	v6 =	vld [tilespmem:s19+$0x240]  }
0x236: {  	[tilespmem:s22+$0xC230] =	vst v3;
	v3 =	vld [tilespmem:s19+$0xE40]  }
0x237: {  	v7 =	vld [tilespmem:s20+$0x240];
	v4 =	vpack.i.f32.bf16 v4, v8  }
0x238: {  	[tilespmem:s18+$0xC230] =	vst v4;
	v4 =	vld [tilespmem:s20+$0xE40]  }
0x239: {  	v5 =	vpack.i.f32.bf16 v5, v9;
	v8 =	vld [tilespmem:s17+$0x240]  }
0x23a: {  	[tilespmem:s21+$0xC240] =	vst v5;
	v5 =	vld [tilespmem:s17+$0xE40]  }
0x23b: {  	v9 =	vld [tilespmem:s25+$0x250];
	v3 =	vpack.i.f32.bf16 v3, v6  }
0x23c: {  	v6 =	vld [tilespmem:s25+$0xE50];
	[tilespmem:s23+$0xC240] =	vst v3  }
0x23d: {  	v3 =	vpack.i.f32.bf16 v4, v7;
	v4 =	vld [tilespmem:s19+$0x250]  }
0x23e: {  	[tilespmem:s22+$0xC240] =	vst v3;
	v3 =	vld [tilespmem:s19+$0xE50]  }
0x23f: {  	v5 =	vpack.i.f32.bf16 v5, v8;
	v7 =	vld [tilespmem:s20+$0x250]  }
0x240: {  	[tilespmem:s18+$0xC240] =	vst v5;
	v5 =	vld [tilespmem:s20+$0xE50]  }
0x241: {  	v6 =	vpack.i.f32.bf16 v6, v9;
	v8 =	vld [tilespmem:s17+$0x250]  }
0x242: {  	[tilespmem:s21+$0xC250] =	vst v6;
	v6 =	vld [tilespmem:s17+$0xE50]  }
0x243: {  	v9 =	vld [tilespmem:s25+$0x260];
	v3 =	vpack.i.f32.bf16 v3, v4  }
0x244: {  	v4 =	vld [tilespmem:s25+$0xE60];
	[tilespmem:s23+$0xC250] =	vst v3  }
0x245: {  	v3 =	vpack.i.f32.bf16 v5, v7;
	v5 =	vld [tilespmem:s19+$0x260]  }
0x246: {  	[tilespmem:s22+$0xC250] =	vst v3;
	v3 =	vld [tilespmem:s19+$0xE60]  }
0x247: {  	v6 =	vpack.i.f32.bf16 v6, v8;
	v7 =	vld [tilespmem:s20+$0x260]  }
0x248: {  	[tilespmem:s18+$0xC250] =	vst v6;
	v6 =	vld [tilespmem:s20+$0xE60]  }
0x249: {  	v8 =	vld [tilespmem:s17+$0x260];
	v4 =	vpack.i.f32.bf16 v4, v9  }
0x24a: {  	[tilespmem:s21+$0xC260] =	vst v4;
	v4 =	vld [tilespmem:s17+$0xE60]  }
0x24b: {  	v9 =	vld [tilespmem:s25+$0x270];
	v3 =	vpack.i.f32.bf16 v3, v5  }
0x24c: {  	v5 =	vld [tilespmem:s25+$0xE70];
	[tilespmem:s23+$0xC260] =	vst v3  }
0x24d: {  	v3 =	vpack.i.f32.bf16 v6, v7;
	v6 =	vld [tilespmem:s19+$0x270]  }
0x24e: {  	[tilespmem:s22+$0xC260] =	vst v3;
	v3 =	vld [tilespmem:s19+$0xE70]  }
0x24f: {  	v7 =	vld [tilespmem:s20+$0x270];
	v4 =	vpack.i.f32.bf16 v4, v8  }
0x250: {  	[tilespmem:s18+$0xC260] =	vst v4;
	v4 =	vld [tilespmem:s20+$0xE70]  }
0x251: {  	v5 =	vpack.i.f32.bf16 v5, v9;
	v8 =	vld [tilespmem:s17+$0x270]  }
0x252: {  	[tilespmem:s21+$0xC270] =	vst v5;
	v5 =	vld [tilespmem:s17+$0xE70]  }
0x253: {  	v9 =	vld [tilespmem:s25+$0x600];
	v3 =	vpack.i.f32.bf16 v3, v6  }
0x254: {  	v6 =	vld [tilespmem:s25+$0x1200];
	[tilespmem:s23+$0xC270] =	vst v3  }
0x255: {  	v3 =	vpack.i.f32.bf16 v4, v7;
	v4 =	vld [tilespmem:s19+$0x600]  }
0x256: {  	[tilespmem:s22+$0xC270] =	vst v3;
	v3 =	vld [tilespmem:s19+$0x1200]  }
0x257: {  	v5 =	vpack.i.f32.bf16 v5, v8;
	v7 =	vld [tilespmem:s20+$0x600]  }
0x258: {  	[tilespmem:s18+$0xC270] =	vst v5;
	v5 =	vld [tilespmem:s20+$0x1200]  }
0x259: {  	v6 =	vpack.i.f32.bf16 v6, v9;
	v8 =	vld [tilespmem:s17+$0x600]  }
0x25a: {  	[tilespmem:s21+$0xC600] =	vst v6;
	v6 =	vld [tilespmem:s17+$0x1200]  }
0x25b: {  	v9 =	vld [tilespmem:s25+$0x610];
	v3 =	vpack.i.f32.bf16 v3, v4  }
0x25c: {  	v4 =	vld [tilespmem:s25+$0x1210];
	[tilespmem:s23+$0xC600] =	vst v3  }
0x25d: {  	v3 =	vpack.i.f32.bf16 v5, v7;
	v5 =	vld [tilespmem:s19+$0x610]  }
0x25e: {  	[tilespmem:s22+$0xC600] =	vst v3;
	v3 =	vld [tilespmem:s19+$0x1210]  }
0x25f: {  	v6 =	vpack.i.f32.bf16 v6, v8;
	v7 =	vld [tilespmem:s20+$0x610]  }
0x260: {  	[tilespmem:s18+$0xC600] =	vst v6;
	v6 =	vld [tilespmem:s20+$0x1210]  }
0x261: {  	v8 =	vld [tilespmem:s17+$0x610];
	v4 =	vpack.i.f32.bf16 v4, v9  }
0x262: {  	[tilespmem:s21+$0xC610] =	vst v4;
	v4 =	vld [tilespmem:s17+$0x1210]  }
0x263: {  	v9 =	vld [tilespmem:s25+$0x620];
	v3 =	vpack.i.f32.bf16 v3, v5  }
0x264: {  	v5 =	vld [tilespmem:s25+$0x1220];
	[tilespmem:s23+$0xC610] =	vst v3  }
0x265: {  	v3 =	vpack.i.f32.bf16 v6, v7;
	v6 =	vld [tilespmem:s19+$0x620]  }
0x266: {  	[tilespmem:s22+$0xC610] =	vst v3;
	v3 =	vld [tilespmem:s19+$0x1220]  }
0x267: {  	v7 =	vld [tilespmem:s20+$0x620];
	v4 =	vpack.i.f32.bf16 v4, v8  }
0x268: {  	[tilespmem:s18+$0xC610] =	vst v4;
	v4 =	vld [tilespmem:s20+$0x1220]  }
0x269: {  	v5 =	vpack.i.f32.bf16 v5, v9;
	v8 =	vld [tilespmem:s17+$0x620]  }
0x26a: {  	[tilespmem:s21+$0xC620] =	vst v5;
	v5 =	vld [tilespmem:s17+$0x1220]  }
0x26b: {  	v9 =	vld [tilespmem:s25+$0x630];
	v3 =	vpack.i.f32.bf16 v3, v6  }
0x26c: {  	v6 =	vld [tilespmem:s25+$0x1230];
	[tilespmem:s23+$0xC620] =	vst v3  }
0x26d: {  	v3 =	vpack.i.f32.bf16 v4, v7;
	v4 =	vld [tilespmem:s19+$0x630]  }
0x26e: {  	[tilespmem:s22+$0xC620] =	vst v3;
	v3 =	vld [tilespmem:s19+$0x1230]  }
0x26f: {  	v5 =	vpack.i.f32.bf16 v5, v8;
	v7 =	vld [tilespmem:s20+$0x630]  }
0x270: {  	[tilespmem:s18+$0xC620] =	vst v5;
	v5 =	vld [tilespmem:s20+$0x1230]  }
0x271: {  	v6 =	vpack.i.f32.bf16 v6, v9;
	v8 =	vld [tilespmem:s17+$0x630]  }
0x272: {  	[tilespmem:s21+$0xC630] =	vst v6;
	v6 =	vld [tilespmem:s17+$0x1230]  }
0x273: {  	v9 =	vld [tilespmem:s25+$0x640];
	v3 =	vpack.i.f32.bf16 v3, v4  }
0x274: {  	v4 =	vld [tilespmem:s25+$0x1240];
	[tilespmem:s23+$0xC630] =	vst v3  }
0x275: {  	v3 =	vpack.i.f32.bf16 v5, v7;
	v5 =	vld [tilespmem:s19+$0x640]  }
0x276: {  	[tilespmem:s22+$0xC630] =	vst v3;
	v3 =	vld [tilespmem:s19+$0x1240]  }
0x277: {  	v6 =	vpack.i.f32.bf16 v6, v8;
	v7 =	vld [tilespmem:s20+$0x640]  }
0x278: {  	[tilespmem:s18+$0xC630] =	vst v6;
	v6 =	vld [tilespmem:s20+$0x1240]  }
0x279: {  	v8 =	vld [tilespmem:s17+$0x640];
	v4 =	vpack.i.f32.bf16 v4, v9  }
0x27a: {  	[tilespmem:s21+$0xC640] =	vst v4;
	v4 =	vld [tilespmem:s17+$0x1240]  }
0x27b: {  	v9 =	vld [tilespmem:s25+$0x650];
	v3 =	vpack.i.f32.bf16 v3, v5  }
0x27c: {  	v5 =	vld [tilespmem:s25+$0x1250];
	[tilespmem:s23+$0xC640] =	vst v3  }
0x27d: {  	v3 =	vpack.i.f32.bf16 v6, v7;
	v6 =	vld [tilespmem:s19+$0x650]  }
0x27e: {  	[tilespmem:s22+$0xC640] =	vst v3;
	v3 =	vld [tilespmem:s19+$0x1250]  }
0x27f: {  	v7 =	vld [tilespmem:s20+$0x650];
	v4 =	vpack.i.f32.bf16 v4, v8  }
0x280: {  	[tilespmem:s18+$0xC640] =	vst v4;
	v4 =	vld [tilespmem:s20+$0x1250]  }
0x281: {  	v5 =	vpack.i.f32.bf16 v5, v9;
	v8 =	vld [tilespmem:s17+$0x650]  }
0x282: {  	[tilespmem:s21+$0xC650] =	vst v5;
	v5 =	vld [tilespmem:s17+$0x1250]  }
0x283: {  	v9 =	vld [tilespmem:s25+$0x660];
	v3 =	vpack.i.f32.bf16 v3, v6  }
0x284: {  	v6 =	vld [tilespmem:s25+$0x1260];
	[tilespmem:s23+$0xC650] =	vst v3  }
0x285: {  	v3 =	vpack.i.f32.bf16 v4, v7;
	v4 =	vld [tilespmem:s19+$0x660]  }
0x286: {  	[tilespmem:s22+$0xC650] =	vst v3;
	v3 =	vld [tilespmem:s19+$0x1260]  }
0x287: {  	v5 =	vpack.i.f32.bf16 v5, v8;
	v7 =	vld [tilespmem:s20+$0x660]  }
0x288: {  	[tilespmem:s18+$0xC650] =	vst v5;
	v5 =	vld [tilespmem:s20+$0x1260]  }
0x289: {  	v6 =	vpack.i.f32.bf16 v6, v9;
	v8 =	vld [tilespmem:s17+$0x660]  }
0x28a: {  	[tilespmem:s21+$0xC660] =	vst v6;
	v6 =	vld [tilespmem:s17+$0x1260]  }
0x28b: {  	v9 =	vld [tilespmem:s25+$0x670];
	v3 =	vpack.i.f32.bf16 v3, v4  }
0x28c: {  	v4 =	vld [tilespmem:s25+$0x1270];
	[tilespmem:s23+$0xC660] =	vst v3  }
0x28d: {  	v3 =	vpack.i.f32.bf16 v5, v7;
	v5 =	vld [tilespmem:s19+$0x670]  }
0x28e: {  	[tilespmem:s22+$0xC660] =	vst v3;
	v3 =	vld [tilespmem:s19+$0x1270]  }
0x28f: {  	v6 =	vpack.i.f32.bf16 v6, v8;
	v7 =	vld [tilespmem:s20+$0x670]  }
0x290: {  	[tilespmem:s18+$0xC660] =	vst v6;
	v6 =	vld [tilespmem:s20+$0x1270]  }
0x291: {  	v8 =	vld [tilespmem:s17+$0x670];
	v4 =	vpack.i.f32.bf16 v4, v9  }
0x292: {  	[tilespmem:s21+$0xC670] =	vst v4;
	v4 =	vld [tilespmem:s17+$0x1270]  }
0x293: {  	v9 =	vld [tilespmem:s25+$0xA00];
	v3 =	vpack.i.f32.bf16 v3, v5  }
0x294: {  	v5 =	vld [tilespmem:s25+$0x1600];
	[tilespmem:s23+$0xC670] =	vst v3  }
0x295: {  	v3 =	vpack.i.f32.bf16 v6, v7;
	v6 =	vld [tilespmem:s19+$0xA00]  }
0x296: {  	[tilespmem:s22+$0xC670] =	vst v3;
	v3 =	vld [tilespmem:s19+$0x1600]  }
0x297: {  	v7 =	vld [tilespmem:s20+$0xA00];
	v4 =	vpack.i.f32.bf16 v4, v8  }
0x298: {  	[tilespmem:s18+$0xC670] =	vst v4;
	v4 =	vld [tilespmem:s20+$0x1600]  }
0x299: {  	v5 =	vpack.i.f32.bf16 v5, v9;
	v8 =	vld [tilespmem:s17+$0xA00]  }
0x29a: {  	[tilespmem:s21+$0xCA00] =	vst v5;
	v5 =	vld [tilespmem:s17+$0x1600]  }
0x29b: {  	v9 =	vld [tilespmem:s25+$0xA10];
	v3 =	vpack.i.f32.bf16 v3, v6  }
0x29c: {  	v6 =	vld [tilespmem:s25+$0x1610];
	[tilespmem:s23+$0xCA00] =	vst v3  }
0x29d: {  	v3 =	vpack.i.f32.bf16 v4, v7;
	v4 =	vld [tilespmem:s19+$0xA10]  }
0x29e: {  	[tilespmem:s22+$0xCA00] =	vst v3;
	v3 =	vld [tilespmem:s19+$0x1610]  }
0x29f: {  	v5 =	vpack.i.f32.bf16 v5, v8;
	v7 =	vld [tilespmem:s20+$0xA10]  }
0x2a0: {  	[tilespmem:s18+$0xCA00] =	vst v5;
	v5 =	vld [tilespmem:s20+$0x1610]  }
0x2a1: {  	v6 =	vpack.i.f32.bf16 v6, v9;
	v8 =	vld [tilespmem:s17+$0xA10]  }
0x2a2: {  	[tilespmem:s21+$0xCA10] =	vst v6;
	v6 =	vld [tilespmem:s17+$0x1610]  }
0x2a3: {  	v9 =	vld [tilespmem:s25+$0xA20];
	v3 =	vpack.i.f32.bf16 v3, v4  }
0x2a4: {  	v4 =	vld [tilespmem:s25+$0x1620];
	[tilespmem:s23+$0xCA10] =	vst v3  }
0x2a5: {  	v3 =	vpack.i.f32.bf16 v5, v7;
	v5 =	vld [tilespmem:s19+$0xA20]  }
0x2a6: {  	[tilespmem:s22+$0xCA10] =	vst v3;
	v3 =	vld [tilespmem:s19+$0x1620]  }
0x2a7: {  	v6 =	vpack.i.f32.bf16 v6, v8;
	v7 =	vld [tilespmem:s20+$0x1620]  }
0x2a8: {  	[tilespmem:s18+$0xCA10] =	vst v6;
	v6 =	vld [tilespmem:s20+$0xA20]  }
0x2a9: {  	v8 =	vld [tilespmem:s17+$0xA20];
	v4 =	vpack.i.f32.bf16 v4, v9  }
0x2aa: {  	[tilespmem:s21+$0xCA20] =	vst v4;
	v4 =	vld [tilespmem:s17+$0x1620]  }
0x2ab: {  	v9 =	vld [tilespmem:s25+$0xA30];
	v3 =	vpack.i.f32.bf16 v3, v5  }
0x2ac: {  	v5 =	vld [tilespmem:s25+$0x1630];
	[tilespmem:s23+$0xCA20] =	vst v3  }
0x2ad: {  	v3 =	vpack.i.f32.bf16 v7, v6;
	v6 =	vld [tilespmem:s19+$0xA30]  }
0x2ae: {  	[tilespmem:s22+$0xCA20] =	vst v3;
	v3 =	vld [tilespmem:s19+$0x1630]  }
0x2af: {  	v7 =	vld [tilespmem:s20+$0x1630];
	v4 =	vpack.i.f32.bf16 v4, v8  }
0x2b0: {  	[tilespmem:s18+$0xCA20] =	vst v4;
	v4 =	vld [tilespmem:s20+$0xA30]  }
0x2b1: {  	v5 =	vpack.i.f32.bf16 v5, v9;
	v8 =	vld [tilespmem:s17+$0xA30]  }
0x2b2: {  	[tilespmem:s21+$0xCA30] =	vst v5;
	v5 =	vld [tilespmem:s17+$0x1630]  }
0x2b3: {  	v9 =	vld [tilespmem:s25+$0xA40];
	v3 =	vpack.i.f32.bf16 v3, v6  }
0x2b4: {  	v6 =	vld [tilespmem:s25+$0x1640];
	[tilespmem:s23+$0xCA30] =	vst v3  }
0x2b5: {  	v3 =	vpack.i.f32.bf16 v7, v4;
	v4 =	vld [tilespmem:s19+$0xA40]  }
0x2b6: {  	[tilespmem:s22+$0xCA30] =	vst v3;
	v3 =	vld [tilespmem:s19+$0x1640]  }
0x2b7: {  	v5 =	vpack.i.f32.bf16 v5, v8;
	v7 =	vld [tilespmem:s20+$0xA40]  }
0x2b8: {  	[tilespmem:s18+$0xCA30] =	vst v5;
	v5 =	vld [tilespmem:s20+$0x1640]  }
0x2b9: {  	v6 =	vpack.i.f32.bf16 v6, v9;
	v8 =	vld [tilespmem:s17+$0xA40]  }
0x2ba: {  	[tilespmem:s21+$0xCA40] =	vst v6;
	v6 =	vld [tilespmem:s17+$0x1640]  }
0x2bb: {  	v9 =	vld [tilespmem:s25+$0xA50];
	v3 =	vpack.i.f32.bf16 v3, v4  }
0x2bc: {  	v4 =	vld [tilespmem:s25+$0x1650];
	[tilespmem:s23+$0xCA40] =	vst v3  }
0x2bd: {  	v3 =	vpack.i.f32.bf16 v5, v7;
	v5 =	vld [tilespmem:s19+$0xA50]  }
0x2be: {  	[tilespmem:s22+$0xCA40] =	vst v3;
	v3 =	vld [tilespmem:s19+$0x1650]  }
0x2bf: {  	v6 =	vpack.i.f32.bf16 v6, v8;
	v7 =	vld [tilespmem:s20+$0xA50]  }
0x2c0: {  	[tilespmem:s18+$0xCA40] =	vst v6;
	v6 =	vld [tilespmem:s20+$0x1650]  }
0x2c1: {  	v8 =	vld [tilespmem:s17+$0xA50];
	v4 =	vpack.i.f32.bf16 v4, v9  }
0x2c2: {  	[tilespmem:s21+$0xCA50] =	vst v4;
	v4 =	vld [tilespmem:s17+$0x1650]  }
0x2c3: {  	v9 =	vld [tilespmem:s25+$0xA60];
	v3 =	vpack.i.f32.bf16 v3, v5  }
0x2c4: {  	v5 =	vld [tilespmem:s25+$0x1660];
	[tilespmem:s23+$0xCA50] =	vst v3  }
0x2c5: {  	v3 =	vpack.i.f32.bf16 v6, v7;
	v10 =	vld [tilespmem:s19+$0xA60]  }
0x2c6: {  	[tilespmem:s22+$0xCA50] =	vst v3;
	v11 =	vld [tilespmem:s19+$0x1660]  }
0x2c7: {  	v7 =	vld [tilespmem:s20+$0xA60];
	v3 =	vpack.i.f32.bf16 v4, v8  }
0x2c8: {  	v8 =	vld [tilespmem:s20+$0x1660];
	[tilespmem:s18+$0xCA50] =	vst v3  }
0x2c9: {  	v3 =	vpack.i.f32.bf16 v5, v9;
	v5 =	vld [tilespmem:s17+$0xA60]  }
0x2ca: {  	[tilespmem:s21+$0xCA60] =	vst v3;
	v6 =	vld [tilespmem:s17+$0x1660]  }
0x2cb: {  	v3 =	vld [tilespmem:s25+$0xA70];
	v9 =	vpack.i.f32.bf16 v11, v10  }
0x2cc: {  	s24 =	simm.s32 $0x0;
	v4 =	vld [tilespmem:s25+$0x1670];
	s25 =	simm.s32 $0x200;
	[tilespmem:s23+$0xCA60] =	vst v9  }
.LBB2_4:
0x2cd: {  	s0 =	sadd.s32 $0x25, s24  }
0x2ce: {  	s1 =	sadd.s32 $0x1180, s25;
	v7 =	vpack.i.f32.bf16 v8, v7;
	v8 =	vld [tilespmem:s19+$0xA70];
	s5 =	smov.u32 s24;
	s24 =	sadd.s32 $0x4, s24  }
0x2cf: {  	s6 =	sshrl.u32 s24, $0x3;
	s0 =	sshrl.u32 s0, $0x3;
	s10 =	sadd.s32 $0x26, s5;
	[tilespmem:s22+$0xCA60] =	vst v7;
	v7 =	vld [tilespmem:s19+$0x1670]  }
0x2d0: {  	s5 =	sadd.s32 $0x27, s5;
	s6 =	sor.u32 $0x4, s6;
	s11 =	smul.u32 $0x6000, s0;
	v5 =	vpack.i.f32.bf16 v6, v5;
	v6 =	vld [tilespmem:s20+$0xA70]  }
0x2d1: {  	s13 =	sadd.s32 $0x1080, s25;
	s5 =	sshrl.u32 s5, $0x3;
	s12 =	smul.u32 $0x6000, s6;
	[tilespmem:s18+$0xCA60] =	vst v5;
	v5 =	vld [tilespmem:s20+$0x1670]  }
0x2d2: {  	s13 =	sand.u32 $0x280, s13;
	s19 =	smul.u32 $0x6000, s5;
	s11 =	sshra.s32 s11, $0x2;
	v3 =	vpack.i.f32.bf16 v4, v3;
	v4 =	vld [tilespmem:s17+$0xA70]  }
0x2d3: {  	s28 =	sand.u32 $0x200, s25;
	s6 =	smul.u32 $0x3000, s6;
	s12 =	sshra.s32 s12, $0x2;
	[tilespmem:s21+$0xCA70] =	vst v3;
	v3 =	vld [tilespmem:s17+$0x1670]  }
0x2d4: {  	s10 =	sshrl.u32 s10, $0x3;
	s17 =	sor.u32 s13, s11;
	s26 =	sor.u32 s28, s12;
	v7 =	vpack.i.f32.bf16 v7, v8  }
0x2d5: {  	s1 =	sand.u32 $0x380, s1;
	s11 =	smul.u32 $0x6000, s10;
	s12 =	sshra.s32 s19, $0x2;
	v8 =	vld [tilespmem:s26+$0xE00];
	[tilespmem:s23+$0xCA70] =	vst v7  }
0x2d6: {  	s20 =	sadd.s32 $0x1100, s25;
	s10 =	smul.u32 $0x3000, s10;
	s19 =	sor.u32 s1, s12;
	v7 =	vld [tilespmem:s26+$0x200];
	v5 =	vpack.i.f32.bf16 v5, v6  }
0x2d7: {  	s0 =	smul.u32 $0x3000, s0;
	s12 =	sand.u32 $0x300, s20;
	s11 =	sshra.s32 s11, $0x2;
	v6 =	vld [tilespmem:s19+$0x200];
	[tilespmem:s22+$0xCA70] =	vst v5  }
0x2d8: {  	s5 =	smul.u32 $0x3000, s5;
	s10 =	sshra.s32 s10, $0x2;
	s20 =	sor.u32 s12, s11;
	v5 =	vld [tilespmem:s19+$0xE00];
	v3 =	vpack.i.f32.bf16 v3, v4  }
0x2d9: {  	p0 =	slt.u32 s24, $0x1C;
	s0 =	sshra.s32 s0, $0x2;
	s6 =	sshra.s32 s6, $0x2;
	v4 =	vld [tilespmem:s20+$0x200];
	[tilespmem:s18+$0xCA70] =	vst v3  }
0x2da: {  	v3 =	vld [tilespmem:s20+$0xE00]  }
0x2db: {  	s21 =	sor.u32 s28, s6;
	v7 =	vpack.i.f32.bf16 v8, v7;
	v8 =	vld [tilespmem:s17+$0x200]  }
0x2dc: {  	s5 =	sshra.s32 s5, $0x2;
	[tilespmem:s21+$0xC200] =	vst v7;
	v7 =	vld [tilespmem:s17+$0xE00]  }
0x2dd: {  	s23 =	sor.u32 s1, s5;
	s18 =	sor.u32 s13, s0;
	v9 =	vld [tilespmem:s26+$0x210];
	v5 =	vpack.i.f32.bf16 v5, v6  }
0x2de: {  	v6 =	vld [tilespmem:s26+$0xE10];
	[tilespmem:s23+$0xC200] =	vst v5  }
0x2df: {  	s22 =	sor.u32 s12, s10;
	v3 =	vpack.i.f32.bf16 v3, v4;
	v4 =	vld [tilespmem:s19+$0xE10]  }
0x2e0: {  	[tilespmem:s22+$0xC200] =	vst v3;
	v3 =	vld [tilespmem:s19+$0x210]  }
0x2e1: {  	v5 =	vpack.i.f32.bf16 v7, v8;
	v7 =	vld [tilespmem:s20+$0xE10]  }
0x2e2: {  	[tilespmem:s18+$0xC200] =	vst v5;
	v5 =	vld [tilespmem:s20+$0x210]  }
0x2e3: {  	v6 =	vpack.i.f32.bf16 v6, v9;
	v8 =	vld [tilespmem:s17+$0x210]  }
0x2e4: {  	[tilespmem:s21+$0xC210] =	vst v6;
	v6 =	vld [tilespmem:s17+$0xE10]  }
0x2e5: {  	v9 =	vld [tilespmem:s26+$0x220];
	v3 =	vpack.i.f32.bf16 v4, v3  }
0x2e6: {  	v4 =	vld [tilespmem:s26+$0xE20];
	[tilespmem:s23+$0xC210] =	vst v3  }
0x2e7: {  	v3 =	vpack.i.f32.bf16 v7, v5;
	v5 =	vld [tilespmem:s19+$0x220]  }
0x2e8: {  	[tilespmem:s22+$0xC210] =	vst v3;
	v3 =	vld [tilespmem:s19+$0xE20]  }
0x2e9: {  	v6 =	vpack.i.f32.bf16 v6, v8;
	v7 =	vld [tilespmem:s20+$0x220]  }
0x2ea: {  	[tilespmem:s18+$0xC210] =	vst v6;
	v6 =	vld [tilespmem:s20+$0xE20]  }
0x2eb: {  	v4 =	vpack.i.f32.bf16 v4, v9;
	v8 =	vld [tilespmem:s17+$0x220]  }
0x2ec: {  	[tilespmem:s21+$0xC220] =	vst v4;
	v4 =	vld [tilespmem:s17+$0xE20]  }
0x2ed: {  	v9 =	vld [tilespmem:s26+$0x230];
	v3 =	vpack.i.f32.bf16 v3, v5  }
0x2ee: {  	v5 =	vld [tilespmem:s26+$0xE30];
	[tilespmem:s23+$0xC220] =	vst v3  }
0x2ef: {  	v3 =	vpack.i.f32.bf16 v6, v7;
	v6 =	vld [tilespmem:s19+$0x230]  }
0x2f0: {  	[tilespmem:s22+$0xC220] =	vst v3;
	v3 =	vld [tilespmem:s19+$0xE30]  }
0x2f1: {  	v4 =	vpack.i.f32.bf16 v4, v8;
	v7 =	vld [tilespmem:s20+$0x230]  }
0x2f2: {  	[tilespmem:s18+$0xC220] =	vst v4;
	v4 =	vld [tilespmem:s20+$0xE30]  }
0x2f3: {  	v5 =	vpack.i.f32.bf16 v5, v9;
	v8 =	vld [tilespmem:s17+$0x230]  }
0x2f4: {  	[tilespmem:s21+$0xC230] =	vst v5;
	v5 =	vld [tilespmem:s17+$0xE30]  }
0x2f5: {  	v9 =	vld [tilespmem:s26+$0x240];
	v3 =	vpack.i.f32.bf16 v3, v6  }
0x2f6: {  	v6 =	vld [tilespmem:s26+$0xE40];
	[tilespmem:s23+$0xC230] =	vst v3  }
0x2f7: {  	v3 =	vpack.i.f32.bf16 v4, v7;
	v4 =	vld [tilespmem:s19+$0x240]  }
0x2f8: {  	[tilespmem:s22+$0xC230] =	vst v3;
	v3 =	vld [tilespmem:s19+$0xE40]  }
0x2f9: {  	v5 =	vpack.i.f32.bf16 v5, v8;
	v7 =	vld [tilespmem:s20+$0x240]  }
0x2fa: {  	[tilespmem:s18+$0xC230] =	vst v5;
	v5 =	vld [tilespmem:s20+$0xE40]  }
0x2fb: {  	v6 =	vpack.i.f32.bf16 v6, v9;
	v8 =	vld [tilespmem:s17+$0x240]  }
0x2fc: {  	[tilespmem:s21+$0xC240] =	vst v6;
	v6 =	vld [tilespmem:s17+$0xE40]  }
0x2fd: {  	v9 =	vld [tilespmem:s26+$0x250];
	v3 =	vpack.i.f32.bf16 v3, v4  }
0x2fe: {  	v4 =	vld [tilespmem:s26+$0xE50];
	[tilespmem:s23+$0xC240] =	vst v3  }
0x2ff: {  	v3 =	vpack.i.f32.bf16 v5, v7;
	v5 =	vld [tilespmem:s19+$0x250]  }
0x300: {  	[tilespmem:s22+$0xC240] =	vst v3;
	v3 =	vld [tilespmem:s19+$0xE50]  }
0x301: {  	v6 =	vpack.i.f32.bf16 v6, v8;
	v7 =	vld [tilespmem:s20+$0x250]  }
0x302: {  	[tilespmem:s18+$0xC240] =	vst v6;
	v6 =	vld [tilespmem:s20+$0xE50]  }
0x303: {  	v4 =	vpack.i.f32.bf16 v4, v9;
	v8 =	vld [tilespmem:s17+$0x250]  }
0x304: {  	[tilespmem:s21+$0xC250] =	vst v4;
	v4 =	vld [tilespmem:s17+$0xE50]  }
0x305: {  	v9 =	vld [tilespmem:s26+$0x260];
	v3 =	vpack.i.f32.bf16 v3, v5  }
0x306: {  	v5 =	vld [tilespmem:s26+$0xE60];
	[tilespmem:s23+$0xC250] =	vst v3  }
0x307: {  	v3 =	vpack.i.f32.bf16 v6, v7;
	v6 =	vld [tilespmem:s19+$0x260]  }
0x308: {  	[tilespmem:s22+$0xC250] =	vst v3;
	v3 =	vld [tilespmem:s19+$0xE60]  }
0x309: {  	v4 =	vpack.i.f32.bf16 v4, v8;
	v7 =	vld [tilespmem:s20+$0x260]  }
0x30a: {  	[tilespmem:s18+$0xC250] =	vst v4;
	v4 =	vld [tilespmem:s20+$0xE60]  }
0x30b: {  	v5 =	vpack.i.f32.bf16 v5, v9;
	v8 =	vld [tilespmem:s17+$0x260]  }
0x30c: {  	[tilespmem:s21+$0xC260] =	vst v5;
	v5 =	vld [tilespmem:s17+$0xE60]  }
0x30d: {  	v9 =	vld [tilespmem:s26+$0x270];
	v3 =	vpack.i.f32.bf16 v3, v6  }
0x30e: {  	v6 =	vld [tilespmem:s26+$0xE70];
	[tilespmem:s23+$0xC260] =	vst v3  }
0x30f: {  	v3 =	vpack.i.f32.bf16 v4, v7;
	v4 =	vld [tilespmem:s19+$0x270]  }
0x310: {  	[tilespmem:s22+$0xC260] =	vst v3;
	v3 =	vld [tilespmem:s19+$0xE70]  }
0x311: {  	v5 =	vpack.i.f32.bf16 v5, v8;
	v7 =	vld [tilespmem:s20+$0x270]  }
0x312: {  	[tilespmem:s18+$0xC260] =	vst v5;
	v5 =	vld [tilespmem:s20+$0xE70]  }
0x313: {  	v6 =	vpack.i.f32.bf16 v6, v9;
	v8 =	vld [tilespmem:s17+$0x270]  }
0x314: {  	[tilespmem:s21+$0xC270] =	vst v6;
	v6 =	vld [tilespmem:s17+$0xE70]  }
0x315: {  	v9 =	vld [tilespmem:s26+$0x600];
	v3 =	vpack.i.f32.bf16 v3, v4  }
0x316: {  	v4 =	vld [tilespmem:s26+$0x1200];
	[tilespmem:s23+$0xC270] =	vst v3  }
0x317: {  	v3 =	vpack.i.f32.bf16 v5, v7;
	v5 =	vld [tilespmem:s19+$0x600]  }
0x318: {  	[tilespmem:s22+$0xC270] =	vst v3;
	v3 =	vld [tilespmem:s19+$0x1200]  }
0x319: {  	v6 =	vpack.i.f32.bf16 v6, v8;
	v7 =	vld [tilespmem:s20+$0x600]  }
0x31a: {  	[tilespmem:s18+$0xC270] =	vst v6;
	v6 =	vld [tilespmem:s20+$0x1200]  }
0x31b: {  	v4 =	vpack.i.f32.bf16 v4, v9;
	v8 =	vld [tilespmem:s17+$0x600]  }
0x31c: {  	[tilespmem:s21+$0xC600] =	vst v4;
	v4 =	vld [tilespmem:s17+$0x1200]  }
0x31d: {  	v9 =	vld [tilespmem:s26+$0x610];
	v3 =	vpack.i.f32.bf16 v3, v5  }
0x31e: {  	v5 =	vld [tilespmem:s26+$0x1210];
	[tilespmem:s23+$0xC600] =	vst v3  }
0x31f: {  	v3 =	vpack.i.f32.bf16 v6, v7;
	v6 =	vld [tilespmem:s19+$0x610]  }
0x320: {  	[tilespmem:s22+$0xC600] =	vst v3;
	v3 =	vld [tilespmem:s19+$0x1210]  }
0x321: {  	v4 =	vpack.i.f32.bf16 v4, v8;
	v7 =	vld [tilespmem:s20+$0x610]  }
0x322: {  	[tilespmem:s18+$0xC600] =	vst v4;
	v4 =	vld [tilespmem:s20+$0x1210]  }
0x323: {  	v5 =	vpack.i.f32.bf16 v5, v9;
	v8 =	vld [tilespmem:s17+$0x610]  }
0x324: {  	[tilespmem:s21+$0xC610] =	vst v5;
	v5 =	vld [tilespmem:s17+$0x1210]  }
0x325: {  	v9 =	vld [tilespmem:s26+$0x620];
	v3 =	vpack.i.f32.bf16 v3, v6  }
0x326: {  	v6 =	vld [tilespmem:s26+$0x1220];
	[tilespmem:s23+$0xC610] =	vst v3  }
0x327: {  	v3 =	vpack.i.f32.bf16 v4, v7;
	v4 =	vld [tilespmem:s19+$0x620]  }
0x328: {  	[tilespmem:s22+$0xC610] =	vst v3;
	v3 =	vld [tilespmem:s19+$0x1220]  }
0x329: {  	v5 =	vpack.i.f32.bf16 v5, v8;
	v7 =	vld [tilespmem:s20+$0x620]  }
0x32a: {  	[tilespmem:s18+$0xC610] =	vst v5;
	v5 =	vld [tilespmem:s20+$0x1220]  }
0x32b: {  	v6 =	vpack.i.f32.bf16 v6, v9;
	v8 =	vld [tilespmem:s17+$0x620]  }
0x32c: {  	[tilespmem:s21+$0xC620] =	vst v6;
	v6 =	vld [tilespmem:s17+$0x1220]  }
0x32d: {  	v9 =	vld [tilespmem:s26+$0x630];
	v3 =	vpack.i.f32.bf16 v3, v4  }
0x32e: {  	v4 =	vld [tilespmem:s26+$0x1230];
	[tilespmem:s23+$0xC620] =	vst v3  }
0x32f: {  	v3 =	vpack.i.f32.bf16 v5, v7;
	v5 =	vld [tilespmem:s19+$0x630]  }
0x330: {  	[tilespmem:s22+$0xC620] =	vst v3;
	v3 =	vld [tilespmem:s19+$0x1230]  }
0x331: {  	v6 =	vpack.i.f32.bf16 v6, v8;
	v7 =	vld [tilespmem:s20+$0x630]  }
0x332: {  	[tilespmem:s18+$0xC620] =	vst v6;
	v6 =	vld [tilespmem:s20+$0x1230]  }
0x333: {  	v4 =	vpack.i.f32.bf16 v4, v9;
	v8 =	vld [tilespmem:s17+$0x630]  }
0x334: {  	[tilespmem:s21+$0xC630] =	vst v4;
	v4 =	vld [tilespmem:s17+$0x1230]  }
0x335: {  	v9 =	vld [tilespmem:s26+$0x640];
	v3 =	vpack.i.f32.bf16 v3, v5  }
0x336: {  	v5 =	vld [tilespmem:s26+$0x1240];
	[tilespmem:s23+$0xC630] =	vst v3  }
0x337: {  	v3 =	vpack.i.f32.bf16 v6, v7;
	v6 =	vld [tilespmem:s19+$0x640]  }
0x338: {  	[tilespmem:s22+$0xC630] =	vst v3;
	v3 =	vld [tilespmem:s19+$0x1240]  }
0x339: {  	v4 =	vpack.i.f32.bf16 v4, v8;
	v7 =	vld [tilespmem:s20+$0x640]  }
0x33a: {  	[tilespmem:s18+$0xC630] =	vst v4;
	v4 =	vld [tilespmem:s20+$0x1240]  }
0x33b: {  	v5 =	vpack.i.f32.bf16 v5, v9;
	v8 =	vld [tilespmem:s17+$0x640]  }
0x33c: {  	[tilespmem:s21+$0xC640] =	vst v5;
	v5 =	vld [tilespmem:s17+$0x1240]  }
0x33d: {  	v9 =	vld [tilespmem:s26+$0x650];
	v3 =	vpack.i.f32.bf16 v3, v6  }
0x33e: {  	v6 =	vld [tilespmem:s26+$0x1250];
	[tilespmem:s23+$0xC640] =	vst v3  }
0x33f: {  	v3 =	vpack.i.f32.bf16 v4, v7;
	v4 =	vld [tilespmem:s19+$0x650]  }
0x340: {  	[tilespmem:s22+$0xC640] =	vst v3;
	v3 =	vld [tilespmem:s19+$0x1250]  }
0x341: {  	v5 =	vpack.i.f32.bf16 v5, v8;
	v7 =	vld [tilespmem:s20+$0x650]  }
0x342: {  	[tilespmem:s18+$0xC640] =	vst v5;
	v5 =	vld [tilespmem:s20+$0x1250]  }
0x343: {  	v6 =	vpack.i.f32.bf16 v6, v9;
	v8 =	vld [tilespmem:s17+$0x650]  }
0x344: {  	[tilespmem:s21+$0xC650] =	vst v6;
	v6 =	vld [tilespmem:s17+$0x1250]  }
0x345: {  	v9 =	vld [tilespmem:s26+$0x660];
	v3 =	vpack.i.f32.bf16 v3, v4  }
0x346: {  	v4 =	vld [tilespmem:s26+$0x1260];
	[tilespmem:s23+$0xC650] =	vst v3  }
0x347: {  	v3 =	vpack.i.f32.bf16 v5, v7;
	v5 =	vld [tilespmem:s19+$0x660]  }
0x348: {  	[tilespmem:s22+$0xC650] =	vst v3;
	v3 =	vld [tilespmem:s19+$0x1260]  }
0x349: {  	v6 =	vpack.i.f32.bf16 v6, v8;
	v7 =	vld [tilespmem:s20+$0x660]  }
0x34a: {  	[tilespmem:s18+$0xC650] =	vst v6;
	v6 =	vld [tilespmem:s20+$0x1260]  }
0x34b: {  	v4 =	vpack.i.f32.bf16 v4, v9;
	v8 =	vld [tilespmem:s17+$0x660]  }
0x34c: {  	[tilespmem:s21+$0xC660] =	vst v4;
	v4 =	vld [tilespmem:s17+$0x1260]  }
0x34d: {  	v9 =	vld [tilespmem:s26+$0x670];
	v3 =	vpack.i.f32.bf16 v3, v5  }
0x34e: {  	v5 =	vld [tilespmem:s26+$0x1270];
	[tilespmem:s23+$0xC660] =	vst v3  }
0x34f: {  	v3 =	vpack.i.f32.bf16 v6, v7;
	v6 =	vld [tilespmem:s19+$0x670]  }
0x350: {  	[tilespmem:s22+$0xC660] =	vst v3;
	v3 =	vld [tilespmem:s19+$0x1270]  }
0x351: {  	v4 =	vpack.i.f32.bf16 v4, v8;
	v7 =	vld [tilespmem:s20+$0x670]  }
0x352: {  	[tilespmem:s18+$0xC660] =	vst v4;
	v4 =	vld [tilespmem:s20+$0x1270]  }
0x353: {  	v5 =	vpack.i.f32.bf16 v5, v9;
	v8 =	vld [tilespmem:s17+$0x670]  }
0x354: {  	[tilespmem:s21+$0xC670] =	vst v5;
	v5 =	vld [tilespmem:s17+$0x1270]  }
0x355: {  	v9 =	vld [tilespmem:s26+$0xA00];
	v3 =	vpack.i.f32.bf16 v3, v6  }
0x356: {  	v6 =	vld [tilespmem:s26+$0x1600];
	[tilespmem:s23+$0xC670] =	vst v3  }
0x357: {  	v3 =	vpack.i.f32.bf16 v4, v7;
	v4 =	vld [tilespmem:s19+$0xA00]  }
0x358: {  	[tilespmem:s22+$0xC670] =	vst v3;
	v3 =	vld [tilespmem:s19+$0x1600]  }
0x359: {  	v5 =	vpack.i.f32.bf16 v5, v8;
	v7 =	vld [tilespmem:s20+$0xA00]  }
0x35a: {  	[tilespmem:s18+$0xC670] =	vst v5;
	v5 =	vld [tilespmem:s20+$0x1600]  }
0x35b: {  	v6 =	vpack.i.f32.bf16 v6, v9;
	v8 =	vld [tilespmem:s17+$0xA00]  }
0x35c: {  	[tilespmem:s21+$0xCA00] =	vst v6;
	v6 =	vld [tilespmem:s17+$0x1600]  }
0x35d: {  	v9 =	vld [tilespmem:s26+$0xA10];
	v3 =	vpack.i.f32.bf16 v3, v4  }
0x35e: {  	v4 =	vld [tilespmem:s26+$0x1610];
	[tilespmem:s23+$0xCA00] =	vst v3  }
0x35f: {  	v3 =	vpack.i.f32.bf16 v5, v7;
	v5 =	vld [tilespmem:s19+$0xA10]  }
0x360: {  	[tilespmem:s22+$0xCA00] =	vst v3;
	v3 =	vld [tilespmem:s19+$0x1610]  }
0x361: {  	v6 =	vpack.i.f32.bf16 v6, v8;
	v7 =	vld [tilespmem:s20+$0xA10]  }
0x362: {  	[tilespmem:s18+$0xCA00] =	vst v6;
	v6 =	vld [tilespmem:s20+$0x1610]  }
0x363: {  	v4 =	vpack.i.f32.bf16 v4, v9;
	v8 =	vld [tilespmem:s17+$0xA10]  }
0x364: {  	[tilespmem:s21+$0xCA10] =	vst v4;
	v4 =	vld [tilespmem:s17+$0x1610]  }
0x365: {  	v9 =	vld [tilespmem:s26+$0xA20];
	v3 =	vpack.i.f32.bf16 v3, v5  }
0x366: {  	v5 =	vld [tilespmem:s26+$0x1620];
	[tilespmem:s23+$0xCA10] =	vst v3  }
0x367: {  	v3 =	vpack.i.f32.bf16 v6, v7;
	v6 =	vld [tilespmem:s19+$0xA20]  }
0x368: {  	[tilespmem:s22+$0xCA10] =	vst v3;
	v3 =	vld [tilespmem:s19+$0x1620]  }
0x369: {  	v4 =	vpack.i.f32.bf16 v4, v8;
	v7 =	vld [tilespmem:s20+$0x1620]  }
0x36a: {  	[tilespmem:s18+$0xCA10] =	vst v4;
	v4 =	vld [tilespmem:s20+$0xA20]  }
0x36b: {  	v5 =	vpack.i.f32.bf16 v5, v9;
	v8 =	vld [tilespmem:s17+$0xA20]  }
0x36c: {  	[tilespmem:s21+$0xCA20] =	vst v5;
	v5 =	vld [tilespmem:s17+$0x1620]  }
0x36d: {  	v9 =	vld [tilespmem:s26+$0xA30];
	v3 =	vpack.i.f32.bf16 v3, v6  }
0x36e: {  	v6 =	vld [tilespmem:s26+$0x1630];
	[tilespmem:s23+$0xCA20] =	vst v3  }
0x36f: {  	v3 =	vpack.i.f32.bf16 v7, v4;
	v4 =	vld [tilespmem:s19+$0xA30]  }
0x370: {  	[tilespmem:s22+$0xCA20] =	vst v3;
	v3 =	vld [tilespmem:s19+$0x1630]  }
0x371: {  	v5 =	vpack.i.f32.bf16 v5, v8;
	v7 =	vld [tilespmem:s20+$0x1630]  }
0x372: {  	[tilespmem:s18+$0xCA20] =	vst v5;
	v5 =	vld [tilespmem:s20+$0xA30]  }
0x373: {  	v6 =	vpack.i.f32.bf16 v6, v9;
	v8 =	vld [tilespmem:s17+$0xA30]  }
0x374: {  	[tilespmem:s21+$0xCA30] =	vst v6;
	v6 =	vld [tilespmem:s17+$0x1630]  }
0x375: {  	v9 =	vld [tilespmem:s26+$0xA40];
	v3 =	vpack.i.f32.bf16 v3, v4  }
0x376: {  	v4 =	vld [tilespmem:s26+$0x1640];
	[tilespmem:s23+$0xCA30] =	vst v3  }
0x377: {  	v3 =	vpack.i.f32.bf16 v7, v5;
	v5 =	vld [tilespmem:s19+$0xA40]  }
0x378: {  	[tilespmem:s22+$0xCA30] =	vst v3;
	v3 =	vld [tilespmem:s19+$0x1640]  }
0x379: {  	v6 =	vpack.i.f32.bf16 v6, v8;
	v7 =	vld [tilespmem:s20+$0xA40]  }
0x37a: {  	[tilespmem:s18+$0xCA30] =	vst v6;
	v6 =	vld [tilespmem:s20+$0x1640]  }
0x37b: {  	v4 =	vpack.i.f32.bf16 v4, v9;
	v8 =	vld [tilespmem:s17+$0xA40]  }
0x37c: {  	[tilespmem:s21+$0xCA40] =	vst v4;
	v4 =	vld [tilespmem:s17+$0x1640]  }
0x37d: {  	v9 =	vld [tilespmem:s26+$0xA50];
	v3 =	vpack.i.f32.bf16 v3, v5  }
0x37e: {  	v5 =	vld [tilespmem:s26+$0x1650];
	[tilespmem:s23+$0xCA40] =	vst v3  }
0x37f: {  	v3 =	vpack.i.f32.bf16 v6, v7;
	v6 =	vld [tilespmem:s19+$0xA50]  }
0x380: {  	[tilespmem:s22+$0xCA40] =	vst v3;
	v3 =	vld [tilespmem:s19+$0x1650]  }
0x381: {  	v4 =	vpack.i.f32.bf16 v4, v8;
	v7 =	vld [tilespmem:s20+$0xA50]  }
0x382: {  	[tilespmem:s18+$0xCA40] =	vst v4;
	v4 =	vld [tilespmem:s20+$0x1650]  }
0x383: {  	v5 =	vpack.i.f32.bf16 v5, v9;
	v8 =	vld [tilespmem:s17+$0xA50]  }
0x384: {  	[tilespmem:s21+$0xCA50] =	vst v5;
	v5 =	vld [tilespmem:s17+$0x1650]  }
0x385: {  	v9 =	vld [tilespmem:s26+$0xA60];
	v3 =	vpack.i.f32.bf16 v3, v6  }
0x386: {  	v6 =	vld [tilespmem:s26+$0x1660];
	[tilespmem:s23+$0xCA50] =	vst v3  }
0x387: {  	v3 =	vpack.i.f32.bf16 v4, v7;
	v4 =	vld [tilespmem:s19+$0xA60]  }
0x388: {  	[tilespmem:s22+$0xCA50] =	vst v3;
	v10 =	vld [tilespmem:s19+$0x1660]  }
0x389: {  	v3 =	vpack.i.f32.bf16 v5, v8;
	v7 =	vld [tilespmem:s20+$0xA60]  }
.Ltmp1:
0x38a: {  	[tilespmem:s18+$0xCA50] =	vst v3;
	v8 =	vld [tilespmem:s20+$0x1660];
	(pc) =	sbr.rel @p0 .LBB2_4-.Ltmp1, $4  }
0x38b: {  	v3 =	vpack.i.f32.bf16 v6, v9;
	v5 =	vld [tilespmem:s17+$0xA60]  }
0x38c: {  	[tilespmem:s21+$0xCA60] =	vst v3;
	v6 =	vld [tilespmem:s17+$0x1660]  }
0x38d: {  	v3 =	vld [tilespmem:s26+$0xA70];
	v9 =	vpack.i.f32.bf16 v10, v4  }
0x38e: {  	s25 =	sadd.s32 $0x200, s25;
	v4 =	vld [tilespmem:s26+$0x1670];
	[tilespmem:s23+$0xCA60] =	vst v9  }
0x38f: {  	v7 =	vpack.i.f32.bf16 v8, v7;
	v58 =	vld [tilespmem:s19+$0xA70]  }
0x390: {  	v59 =	vld [tilespmem:s19+$0x1670];
	[tilespmem:s22+$0xCA60] =	vst v7  }
0x391: {  	v5 =	vpack.i.f32.bf16 v6, v5;
	v60 =	vld [tilespmem:s20+$0xA70]  }
0x392: {  	v61 =	vld [tilespmem:s20+$0x1670];
	[tilespmem:s18+$0xCA60] =	vst v5  }
0x393: {  	v9 =	vld [tilespmem:s17+$0xA70]  }
0x394: {  	v10 =	vld [tilespmem:s17+$0x1670];
	_ =	sdelay $0x1  }
0x395: {  	v3 =	vpack.i.f32.bf16 v4, v3  }
0x396: {  	[tilespmem:s21+$0xCA70] =	vst v3;
	v3 =	vpack.i.f32.bf16 v59, v58  }
0x397: {  	[tilespmem:s23+$0xCA70] =	vst v3;
	v3 =	vpack.i.f32.bf16 v61, v60  }
0x398: {  	[tilespmem:s22+$0xCA70] =	vst v3;
	v3 =	vpack.i.f32.bf16 v10, v9  }
0x399: {  	[tilespmem:s18+$0xCA70] =	vst v3  }
0x39a: {  	s1 =	simm.s32 $0xF200;
	s0 =	rddreg [dreg:$0x7]  }
0x39b: {  	[hbm4b:s0+s4] =	stream.linear.scatter [tilespmem:s1], [sflag:$0x4], $0x3000, $0x38;
	[tilespmem:$0x12200] =	vst v63  }
0x39c: {  	v3 =	vld [tilespmem:$0x60];
	_ =	sdelay $0x4  }
0x39d: {  	v62 =	vshrl.u32 v3, $0x3  }
0x39e: {  	v4 =	vmul.u32 $0x30, v62  }
0x39f: {  	v3 =	vand.u32 $0x7, v3  }
0x3a0: {  	v3 =	vor.u32 v3, v4  }
0x3a1: {  	v4 =	vperm.xlane v3, v0;
	_ =	sdelay $0x1  }
0x3a2: {  	v4 =	vadd.s32 v1, v4;
	_ =	sdelay $0x3  }
0x3a3: {  	s19 =	simm.s32 $0x6200;
	v3 =	vperm.xlane v3, v2  }
0x3a4: {  	[tilespmem:s19], [sflag:$0x2] =	stream.indirect_vreg.gather [hbm4b:s2+s4], $0x80, v4, vm0, $0xb8;
	[tilespmem:$0x12200] =	vst v63  }
0x3a5: {  	s20 =	simm.s32 $0x6A00;
	v3 =	vadd.s32 v1, v3  }
0x3a6: {  	[tilespmem:s20], [sflag:$0x2] =	stream.indirect_vreg.gather [hbm4b:s7+s4], $0x80, v4, vm0, $0xb8;
	[tilespmem:$0x12200] =	vst v63  }
0x3a7: {  	s21 =	simm.s32 $0x7200  }
0x3a8: {  	[tilespmem:s21], [sflag:$0x2] =	stream.indirect_vreg.gather [hbm4b:s9+s4], $0x80, v4, vm0, $0xb8;
	[tilespmem:$0x12200] =	vst v63  }
0x3a9: {  	s22 =	simm.s32 $0x7A00  }
0x3aa: {  	[tilespmem:s22], [sflag:$0x2] =	stream.indirect_vreg.gather [hbm4b:s2+s4], $0x80, v3, vm0, $0xb8;
	[tilespmem:$0x12200] =	vst v63  }
0x3ab: {  	s23 =	simm.s32 $0x8200  }
0x3ac: {  	[tilespmem:s23], [sflag:$0x2] =	stream.indirect_vreg.gather [hbm4b:s7+s4], $0x80, v3, vm0, $0xb8;
	[tilespmem:$0x12200] =	vst v63  }
0x3ad: {  	s24 =	simm.s32 $0x8A00  }
0x3ae: {  	[tilespmem:s24], [sflag:$0x2] =	stream.indirect_vreg.gather [hbm4b:s9+s4], $0x80, v3, vm0, $0xb8;
	[tilespmem:$0x12200] =	vst v63  }
0x3af: {  	v3 =	vld [tilespmem:$0x70];
	_ =	sdelay $0x4  }
0x3b0: {  	v63 =	vshrl.u32 v3, $0x3  }
0x3b1: {  	v4 =	vmul.u32 $0x30, v63  }
0x3b2: {  	v3 =	vand.u32 $0x7, v3  }
0x3b3: {  	v3 =	vor.u32 v3, v4  }
0x3b4: {  	v4 =	vperm.xlane v3, v0;
	_ =	sdelay $0x1  }
0x3b5: {  	v4 =	vadd.s32 v1, v4;
	_ =	sdelay $0x3  }
0x3b6: {  	s25 =	simm.s32 $0x9200;
	v3 =	vperm.xlane v3, v2  }
0x3b7: {  	[tilespmem:s25], [sflag:$0x2] =	stream.indirect_vreg.gather [hbm4b:s2+s4], $0x80, v4, vm0, $0xb8;
	[tilespmem:$0x12200] =	vst v63  }
0x3b8: {  	s26 =	simm.s32 $0x9A00;
	v3 =	vadd.s32 v1, v3  }
0x3b9: {  	[tilespmem:s26], [sflag:$0x2] =	stream.indirect_vreg.gather [hbm4b:s7+s4], $0x80, v4, vm0, $0xb8;
	[tilespmem:$0x12200] =	vst v63  }
0x3ba: {  	s28 =	simm.s32 $0xA200  }
0x3bb: {  	[tilespmem:s28], [sflag:$0x2] =	stream.indirect_vreg.gather [hbm4b:s9+s4], $0x80, v4, vm0, $0xb8;
	[tilespmem:$0x12200] =	vst v63  }
0x3bc: {  	s29 =	simm.s32 $0xAA00  }
0x3bd: {  	[tilespmem:s29], [sflag:$0x2] =	stream.indirect_vreg.gather [hbm4b:s2+s4], $0x80, v3, vm0, $0xb8;
	[tilespmem:$0x12200] =	vst v63  }
0x3be: {  	s30 =	simm.s32 $0xB200  }
0x3bf: {  	[tilespmem:s30], [sflag:$0x2] =	stream.indirect_vreg.gather [hbm4b:s7+s4], $0x80, v3, vm0, $0xb8;
	[tilespmem:$0x12200] =	vst v63  }
0x3c0: {  	s31 =	simm.s32 $0xBA00;
	s17 =	simm.s32 $0x1  }
0x3c1: {  	[tilespmem:s31], [sflag:$0x2] =	stream.indirect_vreg.gather [hbm4b:s9+s4], $0x80, v3, vm0, $0xb8;
	[tilespmem:$0x12200] =	vst v63  }
.LBB2_6:
0x3c2: {  	_ =	swait.ge [sflag:s3], $0x6000;
	s12 =	simm.s32 $0x0  }
0x3c3: {  	[sflag:s3] =	ssyncset.done $0x0;
	s1 =	smul.u32 $0x6000, s12  }
0x3c4: {  	s18 =	simm.s32 $0x0;
	[sflag:s3] =	ssyncadd.s32 $0xFFFFA000  }
0x3c5: {  	s0 =	sand.u32 $0x200, s18;
	_ =	swait.ge [sflag:s15], $0x3000;
	s1 =	sshra.s32 s1, $0x2  }
0x3c6: {  	s10 =	sor.u32 $0x180, s0;
	[sflag:s15] =	ssyncset.done $0x0;
	s13 =	sor.u32 $0x200, s1  }
0x3c7: {  	s25 =	sadd.s32 $0xE00, s1;
	[sflag:s15] =	ssyncadd.s32 $0xFFFFD000;
	s6 =	sadd.s32 s10, s13  }
0x3c8: {  	s5 =	sadd.s32 s10, s25;
	v3 =	vld [tilespmem:s6+$0x0]  }
0x3c9: {  	s22 =	sadd.s32 s0, s13;
	v4 =	vld [tilespmem:s5+$0x0]  }
0x3ca: {  	s21 =	smul.u32 $0x3000, s12;
	s19 =	sor.u32 $0x80, s0;
	s11 =	sadd.s32 s0, s25;
	v5 =	vld [tilespmem:s22+$0x0]  }
0x3cb: {  	s23 =	sadd.s32 s19, s13;
	v6 =	vld [tilespmem:s11+$0x0]  }
0x3cc: {  	s20 =	sor.u32 $0x100, s0;
	s21 =	sshra.s32 s21, $0x2;
	s12 =	sadd.s32 s19, s25;
	v7 =	vld [tilespmem:s23+$0x0]  }
0x3cd: {  	s30 =	sadd.s32 $0xC200, s21;
	s24 =	sadd.s32 s20, s13;
	v8 =	vld [tilespmem:s12+$0x0]  }
0x3ce: {  	s13 =	sadd.s32 s20, s25;
	s29 =	sadd.s32 s10, s30;
	v9 =	vld [tilespmem:s24+$0x0];
	v3 =	vpack.i.f32.bf16 v4, v3  }
0x3cf: {  	v4 =	vld [tilespmem:s13+$0x0];
	[tilespmem:s29+$0x0] =	vst v3  }
0x3d0: {  	s28 =	sadd.s32 s0, s30;
	v3 =	vpack.i.f32.bf16 v6, v5;
	v5 =	vld [tilespmem:s6+$0x10]  }
0x3d1: {  	[tilespmem:s28+$0x0] =	vst v3;
	v3 =	vld [tilespmem:s5+$0x10]  }
0x3d2: {  	s26 =	sadd.s32 s19, s30;
	v7 =	vpack.i.f32.bf16 v8, v7;
	v6 =	vld [tilespmem:s22+$0x10]  }
0x3d3: {  	[tilespmem:s26+$0x0] =	vst v7;
	v8 =	vld [tilespmem:s11+$0x10]  }
0x3d4: {  	s25 =	sadd.s32 s20, s30;
	v7 =	vld [tilespmem:s23+$0x10];
	v4 =	vpack.i.f32.bf16 v4, v9  }
0x3d5: {  	v9 =	vld [tilespmem:s12+$0x10];
	[tilespmem:s25+$0x0] =	vst v4  }
0x3d6: {  	v4 =	vld [tilespmem:s24+$0x10];
	v3 =	vpack.i.f32.bf16 v3, v5  }
0x3d7: {  	v5 =	vld [tilespmem:s13+$0x10];
	[tilespmem:s29+$0x10] =	vst v3  }
0x3d8: {  	v3 =	vpack.i.f32.bf16 v8, v6;
	v6 =	vld [tilespmem:s6+$0x20]  }
0x3d9: {  	[tilespmem:s28+$0x10] =	vst v3;
	v3 =	vld [tilespmem:s5+$0x20]  }
0x3da: {  	v8 =	vld [tilespmem:s22+$0x20];
	v7 =	vpack.i.f32.bf16 v9, v7  }
0x3db: {  	v9 =	vld [tilespmem:s11+$0x20];
	[tilespmem:s26+$0x10] =	vst v7  }
0x3dc: {  	v7 =	vld [tilespmem:s23+$0x20];
	v4 =	vpack.i.f32.bf16 v5, v4  }
0x3dd: {  	v5 =	vld [tilespmem:s12+$0x20];
	[tilespmem:s25+$0x10] =	vst v4  }
0x3de: {  	v4 =	vld [tilespmem:s24+$0x20];
	v3 =	vpack.i.f32.bf16 v3, v6  }
0x3df: {  	v6 =	vld [tilespmem:s13+$0x20];
	[tilespmem:s29+$0x20] =	vst v3  }
0x3e0: {  	v3 =	vpack.i.f32.bf16 v9, v8;
	v8 =	vld [tilespmem:s6+$0x30]  }
0x3e1: {  	[tilespmem:s28+$0x20] =	vst v3;
	v3 =	vld [tilespmem:s5+$0x30]  }
0x3e2: {  	v9 =	vld [tilespmem:s22+$0x30];
	v5 =	vpack.i.f32.bf16 v5, v7  }
0x3e3: {  	v7 =	vld [tilespmem:s11+$0x30];
	[tilespmem:s26+$0x20] =	vst v5  }
0x3e4: {  	v5 =	vld [tilespmem:s23+$0x30];
	v4 =	vpack.i.f32.bf16 v6, v4  }
0x3e5: {  	v6 =	vld [tilespmem:s12+$0x30];
	[tilespmem:s25+$0x20] =	vst v4  }
0x3e6: {  	v4 =	vld [tilespmem:s24+$0x30];
	v3 =	vpack.i.f32.bf16 v3, v8  }
0x3e7: {  	v8 =	vld [tilespmem:s13+$0x30];
	[tilespmem:s29+$0x30] =	vst v3  }
0x3e8: {  	v3 =	vpack.i.f32.bf16 v7, v9;
	v7 =	vld [tilespmem:s6+$0x40]  }
0x3e9: {  	[tilespmem:s28+$0x30] =	vst v3;
	v3 =	vld [tilespmem:s5+$0x40]  }
0x3ea: {  	v9 =	vld [tilespmem:s22+$0x40];
	v5 =	vpack.i.f32.bf16 v6, v5  }
0x3eb: {  	v6 =	vld [tilespmem:s11+$0x40];
	[tilespmem:s26+$0x30] =	vst v5  }
0x3ec: {  	v5 =	vld [tilespmem:s23+$0x40];
	v4 =	vpack.i.f32.bf16 v8, v4  }
0x3ed: {  	v8 =	vld [tilespmem:s12+$0x40];
	[tilespmem:s25+$0x30] =	vst v4  }
0x3ee: {  	v4 =	vld [tilespmem:s24+$0x40];
	v3 =	vpack.i.f32.bf16 v3, v7  }
0x3ef: {  	v7 =	vld [tilespmem:s13+$0x40];
	[tilespmem:s29+$0x40] =	vst v3  }
0x3f0: {  	v3 =	vpack.i.f32.bf16 v6, v9;
	v6 =	vld [tilespmem:s6+$0x50]  }
0x3f1: {  	[tilespmem:s28+$0x40] =	vst v3;
	v3 =	vld [tilespmem:s5+$0x50]  }
0x3f2: {  	v9 =	vld [tilespmem:s22+$0x50];
	v5 =	vpack.i.f32.bf16 v8, v5  }
0x3f3: {  	v8 =	vld [tilespmem:s11+$0x50];
	[tilespmem:s26+$0x40] =	vst v5  }
0x3f4: {  	v5 =	vld [tilespmem:s23+$0x50];
	v4 =	vpack.i.f32.bf16 v7, v4  }
0x3f5: {  	v7 =	vld [tilespmem:s12+$0x50];
	[tilespmem:s25+$0x40] =	vst v4  }
0x3f6: {  	v4 =	vld [tilespmem:s24+$0x50];
	v3 =	vpack.i.f32.bf16 v3, v6  }
0x3f7: {  	v6 =	vld [tilespmem:s13+$0x50];
	[tilespmem:s29+$0x50] =	vst v3  }
0x3f8: {  	v3 =	vpack.i.f32.bf16 v8, v9;
	v8 =	vld [tilespmem:s6+$0x60]  }
0x3f9: {  	[tilespmem:s28+$0x50] =	vst v3;
	v3 =	vld [tilespmem:s5+$0x60]  }
0x3fa: {  	v9 =	vld [tilespmem:s22+$0x60];
	v5 =	vpack.i.f32.bf16 v7, v5  }
0x3fb: {  	v7 =	vld [tilespmem:s11+$0x60];
	[tilespmem:s26+$0x50] =	vst v5  }
0x3fc: {  	v5 =	vld [tilespmem:s23+$0x60];
	v4 =	vpack.i.f32.bf16 v6, v4  }
0x3fd: {  	v6 =	vld [tilespmem:s12+$0x60];
	[tilespmem:s25+$0x50] =	vst v4  }
0x3fe: {  	v4 =	vld [tilespmem:s24+$0x60];
	v3 =	vpack.i.f32.bf16 v3, v8  }
0x3ff: {  	v8 =	vld [tilespmem:s13+$0x60];
	[tilespmem:s29+$0x60] =	vst v3  }
0x400: {  	v3 =	vpack.i.f32.bf16 v7, v9;
	v7 =	vld [tilespmem:s6+$0x70]  }
0x401: {  	[tilespmem:s28+$0x60] =	vst v3;
	v3 =	vld [tilespmem:s5+$0x70]  }
0x402: {  	v9 =	vld [tilespmem:s22+$0x70];
	v5 =	vpack.i.f32.bf16 v6, v5  }
0x403: {  	v6 =	vld [tilespmem:s11+$0x70];
	[tilespmem:s26+$0x60] =	vst v5  }
0x404: {  	v5 =	vld [tilespmem:s23+$0x70];
	v4 =	vpack.i.f32.bf16 v8, v4  }
0x405: {  	v8 =	vld [tilespmem:s12+$0x70];
	[tilespmem:s25+$0x60] =	vst v4  }
0x406: {  	v4 =	vld [tilespmem:s24+$0x70];
	v3 =	vpack.i.f32.bf16 v3, v7  }
0x407: {  	s12 =	sadd.s32 $0x1200, s1;
	v7 =	vld [tilespmem:s13+$0x70];
	[tilespmem:s29+$0x70] =	vst v3  }
0x408: {  	s13 =	sadd.s32 s10, s12;
	v3 =	vpack.i.f32.bf16 v6, v9;
	v6 =	vld [tilespmem:s6+$0x400]  }
0x409: {  	[tilespmem:s28+$0x70] =	vst v3;
	v3 =	vld [tilespmem:s13+$0x0]  }
0x40a: {  	s5 =	sadd.s32 s0, s12;
	v9 =	vld [tilespmem:s22+$0x400];
	v5 =	vpack.i.f32.bf16 v8, v5  }
0x40b: {  	v8 =	vld [tilespmem:s5+$0x0];
	[tilespmem:s26+$0x70] =	vst v5  }
0x40c: {  	s26 =	sadd.s32 s19, s12;
	v5 =	vld [tilespmem:s23+$0x400];
	v4 =	vpack.i.f32.bf16 v7, v4  }
0x40d: {  	s30 =	sadd.s32 $0xC600, s21;
	v7 =	vld [tilespmem:s26+$0x0];
	[tilespmem:s25+$0x70] =	vst v4  }
0x40e: {  	s29 =	sadd.s32 s10, s30;
	s28 =	sadd.s32 s20, s12;
	v4 =	vld [tilespmem:s24+$0x400];
	v3 =	vpack.i.f32.bf16 v3, v6  }
0x40f: {  	v6 =	vld [tilespmem:s28+$0x0];
	[tilespmem:s29+$0x0] =	vst v3  }
0x410: {  	s25 =	sadd.s32 s0, s30;
	v3 =	vpack.i.f32.bf16 v8, v9;
	v8 =	vld [tilespmem:s6+$0x410]  }
0x411: {  	[tilespmem:s25+$0x0] =	vst v3;
	v3 =	vld [tilespmem:s13+$0x10]  }
0x412: {  	s12 =	sadd.s32 s19, s30;
	v9 =	vld [tilespmem:s22+$0x410];
	v5 =	vpack.i.f32.bf16 v7, v5  }
0x413: {  	v7 =	vld [tilespmem:s5+$0x10];
	[tilespmem:s12+$0x0] =	vst v5  }
0x414: {  	s11 =	sadd.s32 s20, s30;
	v5 =	vld [tilespmem:s23+$0x410];
	v4 =	vpack.i.f32.bf16 v6, v4  }
0x415: {  	v6 =	vld [tilespmem:s26+$0x10];
	[tilespmem:s11+$0x0] =	vst v4  }
0x416: {  	v4 =	vld [tilespmem:s24+$0x410];
	v3 =	vpack.i.f32.bf16 v3, v8  }
0x417: {  	v8 =	vld [tilespmem:s28+$0x10];
	[tilespmem:s29+$0x10] =	vst v3  }
0x418: {  	v3 =	vpack.i.f32.bf16 v7, v9;
	v7 =	vld [tilespmem:s6+$0x420]  }
0x419: {  	[tilespmem:s25+$0x10] =	vst v3;
	v3 =	vld [tilespmem:s13+$0x20]  }
0x41a: {  	v9 =	vld [tilespmem:s22+$0x420];
	v5 =	vpack.i.f32.bf16 v6, v5  }
0x41b: {  	v6 =	vld [tilespmem:s5+$0x20];
	[tilespmem:s12+$0x10] =	vst v5  }
0x41c: {  	v5 =	vld [tilespmem:s23+$0x420];
	v4 =	vpack.i.f32.bf16 v8, v4  }
0x41d: {  	v8 =	vld [tilespmem:s26+$0x20];
	[tilespmem:s11+$0x10] =	vst v4  }
0x41e: {  	v4 =	vld [tilespmem:s24+$0x420];
	v3 =	vpack.i.f32.bf16 v3, v7  }
0x41f: {  	v7 =	vld [tilespmem:s28+$0x20];
	[tilespmem:s29+$0x20] =	vst v3  }
0x420: {  	v3 =	vpack.i.f32.bf16 v6, v9;
	v6 =	vld [tilespmem:s6+$0x430]  }
0x421: {  	[tilespmem:s25+$0x20] =	vst v3;
	v3 =	vld [tilespmem:s13+$0x30]  }
0x422: {  	v9 =	vld [tilespmem:s22+$0x430];
	v5 =	vpack.i.f32.bf16 v8, v5  }
0x423: {  	v8 =	vld [tilespmem:s5+$0x30];
	[tilespmem:s12+$0x20] =	vst v5  }
0x424: {  	v5 =	vld [tilespmem:s23+$0x430];
	v4 =	vpack.i.f32.bf16 v7, v4  }
0x425: {  	v7 =	vld [tilespmem:s26+$0x30];
	[tilespmem:s11+$0x20] =	vst v4  }
0x426: {  	v4 =	vld [tilespmem:s24+$0x430];
	v3 =	vpack.i.f32.bf16 v3, v6  }
0x427: {  	v6 =	vld [tilespmem:s28+$0x30];
	[tilespmem:s29+$0x30] =	vst v3  }
0x428: {  	v3 =	vpack.i.f32.bf16 v8, v9;
	v8 =	vld [tilespmem:s6+$0x440]  }
0x429: {  	[tilespmem:s25+$0x30] =	vst v3;
	v3 =	vld [tilespmem:s13+$0x40]  }
0x42a: {  	v9 =	vld [tilespmem:s22+$0x440];
	v5 =	vpack.i.f32.bf16 v7, v5  }
0x42b: {  	v7 =	vld [tilespmem:s5+$0x40];
	[tilespmem:s12+$0x30] =	vst v5  }
0x42c: {  	v5 =	vld [tilespmem:s23+$0x440];
	v4 =	vpack.i.f32.bf16 v6, v4  }
0x42d: {  	v6 =	vld [tilespmem:s26+$0x40];
	[tilespmem:s11+$0x30] =	vst v4  }
0x42e: {  	v4 =	vld [tilespmem:s24+$0x440];
	v3 =	vpack.i.f32.bf16 v3, v8  }
0x42f: {  	v8 =	vld [tilespmem:s28+$0x40];
	[tilespmem:s29+$0x40] =	vst v3  }
0x430: {  	v3 =	vpack.i.f32.bf16 v7, v9;
	v7 =	vld [tilespmem:s6+$0x450]  }
0x431: {  	[tilespmem:s25+$0x40] =	vst v3;
	v3 =	vld [tilespmem:s13+$0x50]  }
0x432: {  	v9 =	vld [tilespmem:s22+$0x450];
	v5 =	vpack.i.f32.bf16 v6, v5  }
0x433: {  	v6 =	vld [tilespmem:s5+$0x50];
	[tilespmem:s12+$0x40] =	vst v5  }
0x434: {  	v5 =	vld [tilespmem:s23+$0x450];
	v4 =	vpack.i.f32.bf16 v8, v4  }
0x435: {  	v8 =	vld [tilespmem:s26+$0x50];
	[tilespmem:s11+$0x40] =	vst v4  }
0x436: {  	v4 =	vld [tilespmem:s24+$0x450];
	v3 =	vpack.i.f32.bf16 v3, v7  }
0x437: {  	v7 =	vld [tilespmem:s28+$0x50];
	[tilespmem:s29+$0x50] =	vst v3  }
0x438: {  	v3 =	vpack.i.f32.bf16 v6, v9;
	v6 =	vld [tilespmem:s6+$0x460]  }
0x439: {  	[tilespmem:s25+$0x50] =	vst v3;
	v3 =	vld [tilespmem:s13+$0x60]  }
0x43a: {  	v9 =	vld [tilespmem:s22+$0x460];
	v5 =	vpack.i.f32.bf16 v8, v5  }
0x43b: {  	v8 =	vld [tilespmem:s5+$0x60];
	[tilespmem:s12+$0x50] =	vst v5  }
0x43c: {  	v5 =	vld [tilespmem:s23+$0x460];
	v4 =	vpack.i.f32.bf16 v7, v4  }
0x43d: {  	v7 =	vld [tilespmem:s26+$0x60];
	[tilespmem:s11+$0x50] =	vst v4  }
0x43e: {  	v4 =	vld [tilespmem:s24+$0x460];
	v3 =	vpack.i.f32.bf16 v3, v6  }
0x43f: {  	v6 =	vld [tilespmem:s28+$0x60];
	[tilespmem:s29+$0x60] =	vst v3  }
0x440: {  	v3 =	vpack.i.f32.bf16 v8, v9;
	v8 =	vld [tilespmem:s6+$0x470]  }
0x441: {  	[tilespmem:s25+$0x60] =	vst v3;
	v3 =	vld [tilespmem:s13+$0x70]  }
0x442: {  	v9 =	vld [tilespmem:s22+$0x470];
	v5 =	vpack.i.f32.bf16 v7, v5  }
0x443: {  	v7 =	vld [tilespmem:s5+$0x70];
	[tilespmem:s12+$0x60] =	vst v5  }
0x444: {  	v5 =	vld [tilespmem:s23+$0x470];
	v4 =	vpack.i.f32.bf16 v6, v4  }
0x445: {  	v6 =	vld [tilespmem:s26+$0x70];
	[tilespmem:s11+$0x60] =	vst v4  }
0x446: {  	s23 =	sadd.s32 $0xA00, s1;
	v4 =	vld [tilespmem:s24+$0x470];
	v3 =	vpack.i.f32.bf16 v3, v8  }
0x447: {  	s26 =	sadd.s32 $0x1600, s1;
	s5 =	sadd.s32 s10, s23;
	v8 =	vld [tilespmem:s28+$0x70];
	[tilespmem:s29+$0x70] =	vst v3  }
0x448: {  	s6 =	sadd.s32 s10, s26;
	v3 =	vpack.i.f32.bf16 v7, v9;
	v7 =	vld [tilespmem:s5+$0x0]  }
0x449: {  	s29 =	sadd.s32 s0, s23;
	[tilespmem:s25+$0x70] =	vst v3;
	v3 =	vld [tilespmem:s6+$0x0]  }
0x44a: {  	s1 =	sadd.s32 s0, s26;
	v9 =	vld [tilespmem:s29+$0x0];
	v5 =	vpack.i.f32.bf16 v6, v5  }
0x44b: {  	s24 =	sadd.s32 s19, s23;
	v6 =	vld [tilespmem:s1+$0x0];
	[tilespmem:s12+$0x70] =	vst v5  }
0x44c: {  	s30 =	sadd.s32 s19, s26;
	v5 =	vld [tilespmem:s24+$0x0];
	v4 =	vpack.i.f32.bf16 v8, v4  }
0x44d: {  	s28 =	sadd.s32 s20, s23;
	s23 =	sadd.s32 $0xCA00, s21;
	v8 =	vld [tilespmem:s30+$0x0];
	[tilespmem:s11+$0x70] =	vst v4  }
0x44e: {  	s26 =	sadd.s32 s20, s26;
	s10 =	sadd.s32 s10, s23;
	v4 =	vld [tilespmem:s28+$0x0];
	v3 =	vpack.i.f32.bf16 v3, v7  }
0x44f: {  	v7 =	vld [tilespmem:s26+$0x0];
	[tilespmem:s10+$0x0] =	vst v3  }
0x450: {  	s0 =	sadd.s32 s0, s23;
	v3 =	vpack.i.f32.bf16 v6, v9;
	v6 =	vld [tilespmem:s5+$0x10]  }
0x451: {  	[tilespmem:s0+$0x0] =	vst v3;
	v3 =	vld [tilespmem:s6+$0x10]  }
0x452: {  	s25 =	sadd.s32 s19, s23;
	v9 =	vld [tilespmem:s29+$0x10];
	v5 =	vpack.i.f32.bf16 v8, v5  }
0x453: {  	v8 =	vld [tilespmem:s1+$0x10];
	[tilespmem:s25+$0x0] =	vst v5  }
0x454: {  	s31 =	sadd.s32 s20, s23;
	v5 =	vld [tilespmem:s24+$0x10];
	v4 =	vpack.i.f32.bf16 v7, v4  }
0x455: {  	v7 =	vld [tilespmem:s30+$0x10];
	[tilespmem:s31+$0x0] =	vst v4  }
0x456: {  	v4 =	vld [tilespmem:s28+$0x10];
	v3 =	vpack.i.f32.bf16 v3, v6  }
0x457: {  	v6 =	vld [tilespmem:s26+$0x10];
	[tilespmem:s10+$0x10] =	vst v3  }
0x458: {  	v3 =	vpack.i.f32.bf16 v8, v9;
	v8 =	vld [tilespmem:s5+$0x20]  }
0x459: {  	[tilespmem:s0+$0x10] =	vst v3;
	v3 =	vld [tilespmem:s6+$0x20]  }
0x45a: {  	v9 =	vld [tilespmem:s29+$0x20];
	v5 =	vpack.i.f32.bf16 v7, v5  }
0x45b: {  	v7 =	vld [tilespmem:s1+$0x20];
	[tilespmem:s25+$0x10] =	vst v5  }
0x45c: {  	v5 =	vld [tilespmem:s24+$0x20];
	v4 =	vpack.i.f32.bf16 v6, v4  }
0x45d: {  	v6 =	vld [tilespmem:s30+$0x20];
	[tilespmem:s31+$0x10] =	vst v4  }
0x45e: {  	v4 =	vld [tilespmem:s28+$0x20];
	v3 =	vpack.i.f32.bf16 v3, v8  }
0x45f: {  	v8 =	vld [tilespmem:s26+$0x20];
	[tilespmem:s10+$0x20] =	vst v3  }
0x460: {  	v3 =	vpack.i.f32.bf16 v7, v9;
	v7 =	vld [tilespmem:s5+$0x30]  }
0x461: {  	[tilespmem:s0+$0x20] =	vst v3;
	v3 =	vld [tilespmem:s6+$0x30]  }
0x462: {  	v9 =	vld [tilespmem:s29+$0x30];
	v5 =	vpack.i.f32.bf16 v6, v5  }
0x463: {  	v6 =	vld [tilespmem:s1+$0x30];
	[tilespmem:s25+$0x20] =	vst v5  }
0x464: {  	v5 =	vld [tilespmem:s24+$0x30];
	v4 =	vpack.i.f32.bf16 v8, v4  }
0x465: {  	v8 =	vld [tilespmem:s30+$0x30];
	[tilespmem:s31+$0x20] =	vst v4  }
0x466: {  	v4 =	vld [tilespmem:s28+$0x30];
	v3 =	vpack.i.f32.bf16 v3, v7  }
0x467: {  	v7 =	vld [tilespmem:s26+$0x30];
	[tilespmem:s10+$0x30] =	vst v3  }
0x468: {  	v3 =	vpack.i.f32.bf16 v6, v9;
	v6 =	vld [tilespmem:s5+$0x40]  }
0x469: {  	[tilespmem:s0+$0x30] =	vst v3;
	v3 =	vld [tilespmem:s6+$0x40]  }
0x46a: {  	v9 =	vld [tilespmem:s29+$0x40];
	v5 =	vpack.i.f32.bf16 v8, v5  }
0x46b: {  	v8 =	vld [tilespmem:s1+$0x40];
	[tilespmem:s25+$0x30] =	vst v5  }
0x46c: {  	v5 =	vld [tilespmem:s24+$0x40];
	v4 =	vpack.i.f32.bf16 v7, v4  }
0x46d: {  	v7 =	vld [tilespmem:s30+$0x40];
	[tilespmem:s31+$0x30] =	vst v4  }
0x46e: {  	v4 =	vld [tilespmem:s28+$0x40];
	v3 =	vpack.i.f32.bf16 v3, v6  }
0x46f: {  	v6 =	vld [tilespmem:s26+$0x40];
	[tilespmem:s10+$0x40] =	vst v3  }
0x470: {  	v3 =	vpack.i.f32.bf16 v8, v9;
	v8 =	vld [tilespmem:s5+$0x50]  }
0x471: {  	[tilespmem:s0+$0x40] =	vst v3;
	v3 =	vld [tilespmem:s6+$0x50]  }
0x472: {  	v9 =	vld [tilespmem:s29+$0x50];
	v5 =	vpack.i.f32.bf16 v7, v5  }
0x473: {  	v7 =	vld [tilespmem:s1+$0x50];
	[tilespmem:s25+$0x40] =	vst v5  }
0x474: {  	v5 =	vld [tilespmem:s24+$0x50];
	v4 =	vpack.i.f32.bf16 v6, v4  }
0x475: {  	v6 =	vld [tilespmem:s30+$0x50];
	[tilespmem:s31+$0x40] =	vst v4  }
0x476: {  	v4 =	vld [tilespmem:s28+$0x50];
	v3 =	vpack.i.f32.bf16 v3, v8  }
0x477: {  	v8 =	vld [tilespmem:s26+$0x50];
	[tilespmem:s10+$0x50] =	vst v3  }
0x478: {  	v3 =	vpack.i.f32.bf16 v7, v9;
	v9 =	vld [tilespmem:s5+$0x60]  }
0x479: {  	[tilespmem:s0+$0x50] =	vst v3;
	v3 =	vld [tilespmem:s6+$0x60]  }
0x47a: {  	v10 =	vld [tilespmem:s29+$0x60];
	v5 =	vpack.i.f32.bf16 v6, v5  }
0x47b: {  	v11 =	vld [tilespmem:s1+$0x60];
	[tilespmem:s25+$0x50] =	vst v5  }
0x47c: {  	v5 =	vld [tilespmem:s24+$0x60];
	v4 =	vpack.i.f32.bf16 v8, v4  }
0x47d: {  	v7 =	vld [tilespmem:s30+$0x60];
	[tilespmem:s31+$0x50] =	vst v4  }
0x47e: {  	v4 =	vld [tilespmem:s28+$0x60];
	v3 =	vpack.i.f32.bf16 v3, v9  }
0x47f: {  	v6 =	vld [tilespmem:s26+$0x60];
	[tilespmem:s10+$0x60] =	vst v3  }
0x480: {  	s19 =	simm.s32 $0x0;
	v8 =	vpack.i.f32.bf16 v11, v10;
	v3 =	vld [tilespmem:s5+$0x70]  }
.LBB2_7:
0x481: {  	s19 =	sadd.s32 $0x4, s19;
	[tilespmem:s0+$0x60] =	vst v8;
	v8 =	vld [tilespmem:s6+$0x70]  }
0x482: {  	s5 =	sshrl.u32 s19, $0x3;
	p0 =	slt.u32 s19, $0x1C;
	v9 =	vld [tilespmem:s29+$0x70];
	v5 =	vpack.i.f32.bf16 v7, v5  }
0x483: {  	s6 =	smul.u32 $0x6000, s5;
	v7 =	vld [tilespmem:s1+$0x70];
	[tilespmem:s25+$0x60] =	vst v5  }
0x484: {  	s18 =	sadd.s32 $0x200, s18;
	v5 =	vld [tilespmem:s24+$0x70];
	v4 =	vpack.i.f32.bf16 v6, v4  }
0x485: {  	s20 =	sand.u32 $0x200, s18;
	s24 =	sshra.s32 s6, $0x2;
	v6 =	vld [tilespmem:s30+$0x70];
	[tilespmem:s31+$0x60] =	vst v4  }
0x486: {  	s22 =	sor.u32 $0x80, s20;
	s21 =	sor.u32 $0x180, s20;
	s6 =	sor.u32 $0x200, s24;
	v4 =	vld [tilespmem:s28+$0x70];
	v3 =	vpack.i.f32.bf16 v8, v3  }
0x487: {  	s23 =	sor.u32 $0x100, s20;
	s11 =	sadd.s32 $0xE00, s24;
	s30 =	sadd.s32 s21, s6;
	v8 =	vld [tilespmem:s26+$0x70];
	[tilespmem:s10+$0x70] =	vst v3  }
0x488: {  	s28 =	sadd.s32 s20, s6;
	s1 =	sadd.s32 s20, s11;
	s13 =	sadd.s32 s21, s11;
	v3 =	vld [tilespmem:s30+$0x0];
	v7 =	vpack.i.f32.bf16 v7, v9  }
0x489: {  	s29 =	sadd.s32 s22, s6;
	s10 =	sadd.s32 s22, s11;
	s26 =	sadd.s32 s23, s6;
	v9 =	vld [tilespmem:s13+$0x0];
	[tilespmem:s0+$0x70] =	vst v7  }
0x48a: {  	s11 =	sadd.s32 s23, s11;
	s0 =	smul.u32 $0x3000, s5;
	v7 =	vld [tilespmem:s28+$0x0];
	v5 =	vpack.i.f32.bf16 v6, v5  }
0x48b: {  	v6 =	vld [tilespmem:s1+$0x0];
	[tilespmem:s25+$0x70] =	vst v5  }
0x48c: {  	s25 =	sshra.s32 s0, $0x2;
	v5 =	vld [tilespmem:s29+$0x0];
	v4 =	vpack.i.f32.bf16 v8, v4  }
0x48d: {  	s0 =	sadd.s32 $0xC200, s25;
	v8 =	vld [tilespmem:s10+$0x0];
	[tilespmem:s31+$0x70] =	vst v4  }
0x48e: {  	s12 =	sadd.s32 s20, s0;
	s6 =	sadd.s32 s22, s0;
	s5 =	sadd.s32 s21, s0;
	v4 =	vld [tilespmem:s26+$0x0];
	v3 =	vpack.i.f32.bf16 v9, v3  }
0x48f: {  	s0 =	sadd.s32 s23, s0;
	v9 =	vld [tilespmem:s11+$0x0];
	[tilespmem:s5+$0x0] =	vst v3  }
0x490: {  	v3 =	vpack.i.f32.bf16 v6, v7;
	v6 =	vld [tilespmem:s30+$0x10]  }
0x491: {  	[tilespmem:s12+$0x0] =	vst v3;
	v3 =	vld [tilespmem:s13+$0x10]  }
0x492: {  	v7 =	vld [tilespmem:s28+$0x10];
	v5 =	vpack.i.f32.bf16 v8, v5  }
0x493: {  	v8 =	vld [tilespmem:s1+$0x10];
	[tilespmem:s6+$0x0] =	vst v5  }
0x494: {  	v5 =	vld [tilespmem:s29+$0x10];
	v4 =	vpack.i.f32.bf16 v9, v4  }
0x495: {  	v9 =	vld [tilespmem:s10+$0x10];
	[tilespmem:s0+$0x0] =	vst v4  }
0x496: {  	v4 =	vld [tilespmem:s26+$0x10];
	v3 =	vpack.i.f32.bf16 v3, v6  }
0x497: {  	v6 =	vld [tilespmem:s11+$0x10];
	[tilespmem:s5+$0x10] =	vst v3  }
0x498: {  	v3 =	vpack.i.f32.bf16 v8, v7;
	v7 =	vld [tilespmem:s30+$0x20]  }
0x499: {  	[tilespmem:s12+$0x10] =	vst v3;
	v3 =	vld [tilespmem:s13+$0x20]  }
0x49a: {  	v8 =	vld [tilespmem:s28+$0x20];
	v5 =	vpack.i.f32.bf16 v9, v5  }
0x49b: {  	v9 =	vld [tilespmem:s1+$0x20];
	[tilespmem:s6+$0x10] =	vst v5  }
0x49c: {  	v5 =	vld [tilespmem:s29+$0x20];
	v4 =	vpack.i.f32.bf16 v6, v4  }
0x49d: {  	v6 =	vld [tilespmem:s10+$0x20];
	[tilespmem:s0+$0x10] =	vst v4  }
0x49e: {  	v4 =	vld [tilespmem:s26+$0x20];
	v3 =	vpack.i.f32.bf16 v3, v7  }
0x49f: {  	v7 =	vld [tilespmem:s11+$0x20];
	[tilespmem:s5+$0x20] =	vst v3  }
0x4a0: {  	v3 =	vpack.i.f32.bf16 v9, v8;
	v8 =	vld [tilespmem:s30+$0x30]  }
0x4a1: {  	[tilespmem:s12+$0x20] =	vst v3;
	v3 =	vld [tilespmem:s13+$0x30]  }
0x4a2: {  	v9 =	vld [tilespmem:s28+$0x30];
	v5 =	vpack.i.f32.bf16 v6, v5  }
0x4a3: {  	v6 =	vld [tilespmem:s1+$0x30];
	[tilespmem:s6+$0x20] =	vst v5  }
0x4a4: {  	v5 =	vld [tilespmem:s29+$0x30];
	v4 =	vpack.i.f32.bf16 v7, v4  }
0x4a5: {  	v7 =	vld [tilespmem:s10+$0x30];
	[tilespmem:s0+$0x20] =	vst v4  }
0x4a6: {  	v4 =	vld [tilespmem:s26+$0x30];
	v3 =	vpack.i.f32.bf16 v3, v8  }
0x4a7: {  	v8 =	vld [tilespmem:s11+$0x30];
	[tilespmem:s5+$0x30] =	vst v3  }
0x4a8: {  	v3 =	vpack.i.f32.bf16 v6, v9;
	v6 =	vld [tilespmem:s30+$0x40]  }
0x4a9: {  	[tilespmem:s12+$0x30] =	vst v3;
	v3 =	vld [tilespmem:s13+$0x40]  }
0x4aa: {  	v9 =	vld [tilespmem:s28+$0x40];
	v5 =	vpack.i.f32.bf16 v7, v5  }
0x4ab: {  	v7 =	vld [tilespmem:s1+$0x40];
	[tilespmem:s6+$0x30] =	vst v5  }
0x4ac: {  	v5 =	vld [tilespmem:s29+$0x40];
	v4 =	vpack.i.f32.bf16 v8, v4  }
0x4ad: {  	v8 =	vld [tilespmem:s10+$0x40];
	[tilespmem:s0+$0x30] =	vst v4  }
0x4ae: {  	v4 =	vld [tilespmem:s26+$0x40];
	v3 =	vpack.i.f32.bf16 v3, v6  }
0x4af: {  	v6 =	vld [tilespmem:s11+$0x40];
	[tilespmem:s5+$0x40] =	vst v3  }
0x4b0: {  	v3 =	vpack.i.f32.bf16 v7, v9;
	v7 =	vld [tilespmem:s30+$0x50]  }
0x4b1: {  	[tilespmem:s12+$0x40] =	vst v3;
	v3 =	vld [tilespmem:s13+$0x50]  }
0x4b2: {  	v9 =	vld [tilespmem:s28+$0x50];
	v5 =	vpack.i.f32.bf16 v8, v5  }
0x4b3: {  	v8 =	vld [tilespmem:s1+$0x50];
	[tilespmem:s6+$0x40] =	vst v5  }
0x4b4: {  	v5 =	vld [tilespmem:s29+$0x50];
	v4 =	vpack.i.f32.bf16 v6, v4  }
0x4b5: {  	v6 =	vld [tilespmem:s10+$0x50];
	[tilespmem:s0+$0x40] =	vst v4  }
0x4b6: {  	v4 =	vld [tilespmem:s26+$0x50];
	v3 =	vpack.i.f32.bf16 v3, v7  }
0x4b7: {  	v7 =	vld [tilespmem:s11+$0x50];
	[tilespmem:s5+$0x50] =	vst v3  }
0x4b8: {  	v3 =	vpack.i.f32.bf16 v8, v9;
	v8 =	vld [tilespmem:s30+$0x60]  }
0x4b9: {  	[tilespmem:s12+$0x50] =	vst v3;
	v3 =	vld [tilespmem:s13+$0x60]  }
0x4ba: {  	v9 =	vld [tilespmem:s28+$0x60];
	v5 =	vpack.i.f32.bf16 v6, v5  }
0x4bb: {  	v6 =	vld [tilespmem:s1+$0x60];
	[tilespmem:s6+$0x50] =	vst v5  }
0x4bc: {  	v5 =	vld [tilespmem:s29+$0x60];
	v4 =	vpack.i.f32.bf16 v7, v4  }
0x4bd: {  	v7 =	vld [tilespmem:s10+$0x60];
	[tilespmem:s0+$0x50] =	vst v4  }
0x4be: {  	v4 =	vld [tilespmem:s26+$0x60];
	v3 =	vpack.i.f32.bf16 v3, v8  }
0x4bf: {  	v8 =	vld [tilespmem:s11+$0x60];
	[tilespmem:s5+$0x60] =	vst v3  }
0x4c0: {  	v3 =	vpack.i.f32.bf16 v6, v9;
	v6 =	vld [tilespmem:s30+$0x70]  }
0x4c1: {  	[tilespmem:s12+$0x60] =	vst v3;
	v3 =	vld [tilespmem:s13+$0x70]  }
0x4c2: {  	v9 =	vld [tilespmem:s28+$0x70];
	v5 =	vpack.i.f32.bf16 v7, v5  }
0x4c3: {  	v7 =	vld [tilespmem:s1+$0x70];
	[tilespmem:s6+$0x60] =	vst v5  }
0x4c4: {  	v5 =	vld [tilespmem:s29+$0x70];
	v4 =	vpack.i.f32.bf16 v8, v4  }
0x4c5: {  	v8 =	vld [tilespmem:s10+$0x70];
	[tilespmem:s0+$0x60] =	vst v4  }
0x4c6: {  	v4 =	vld [tilespmem:s26+$0x70];
	v3 =	vpack.i.f32.bf16 v3, v6  }
0x4c7: {  	s1 =	sadd.s32 $0x1200, s24;
	v6 =	vld [tilespmem:s11+$0x70];
	[tilespmem:s5+$0x70] =	vst v3  }
0x4c8: {  	s13 =	sadd.s32 s20, s1;
	s31 =	sadd.s32 s22, s1;
	s5 =	sadd.s32 s21, s1;
	v3 =	vpack.i.f32.bf16 v7, v9;
	v7 =	vld [tilespmem:s30+$0x400]  }
0x4c9: {  	s1 =	sadd.s32 s23, s1;
	[tilespmem:s12+$0x70] =	vst v3;
	v3 =	vld [tilespmem:s5+$0x0]  }
0x4ca: {  	v9 =	vld [tilespmem:s28+$0x400];
	v5 =	vpack.i.f32.bf16 v8, v5  }
0x4cb: {  	v8 =	vld [tilespmem:s13+$0x0];
	[tilespmem:s6+$0x70] =	vst v5  }
0x4cc: {  	v5 =	vld [tilespmem:s29+$0x400];
	v4 =	vpack.i.f32.bf16 v6, v4  }
0x4cd: {  	s12 =	sadd.s32 $0xC600, s25;
	v6 =	vld [tilespmem:s31+$0x0];
	[tilespmem:s0+$0x70] =	vst v4  }
0x4ce: {  	s11 =	sadd.s32 s20, s12;
	s10 =	sadd.s32 s22, s12;
	s6 =	sadd.s32 s21, s12;
	v4 =	vld [tilespmem:s26+$0x400];
	v3 =	vpack.i.f32.bf16 v3, v7  }
0x4cf: {  	s0 =	sadd.s32 s23, s12;
	v7 =	vld [tilespmem:s1+$0x0];
	[tilespmem:s6+$0x0] =	vst v3  }
0x4d0: {  	v3 =	vpack.i.f32.bf16 v8, v9;
	v8 =	vld [tilespmem:s30+$0x410]  }
0x4d1: {  	[tilespmem:s11+$0x0] =	vst v3;
	v3 =	vld [tilespmem:s5+$0x10]  }
0x4d2: {  	v9 =	vld [tilespmem:s28+$0x410];
	v5 =	vpack.i.f32.bf16 v6, v5  }
0x4d3: {  	v6 =	vld [tilespmem:s13+$0x10];
	[tilespmem:s10+$0x0] =	vst v5  }
0x4d4: {  	v5 =	vld [tilespmem:s29+$0x410];
	v4 =	vpack.i.f32.bf16 v7, v4  }
0x4d5: {  	v7 =	vld [tilespmem:s31+$0x10];
	[tilespmem:s0+$0x0] =	vst v4  }
0x4d6: {  	v4 =	vld [tilespmem:s26+$0x410];
	v3 =	vpack.i.f32.bf16 v3, v8  }
0x4d7: {  	v8 =	vld [tilespmem:s1+$0x10];
	[tilespmem:s6+$0x10] =	vst v3  }
0x4d8: {  	v3 =	vpack.i.f32.bf16 v6, v9;
	v6 =	vld [tilespmem:s30+$0x420]  }
0x4d9: {  	[tilespmem:s11+$0x10] =	vst v3;
	v3 =	vld [tilespmem:s5+$0x20]  }
0x4da: {  	v9 =	vld [tilespmem:s28+$0x420];
	v5 =	vpack.i.f32.bf16 v7, v5  }
0x4db: {  	v7 =	vld [tilespmem:s13+$0x20];
	[tilespmem:s10+$0x10] =	vst v5  }
0x4dc: {  	v5 =	vld [tilespmem:s29+$0x420];
	v4 =	vpack.i.f32.bf16 v8, v4  }
0x4dd: {  	v8 =	vld [tilespmem:s31+$0x20];
	[tilespmem:s0+$0x10] =	vst v4  }
0x4de: {  	v4 =	vld [tilespmem:s26+$0x420];
	v3 =	vpack.i.f32.bf16 v3, v6  }
0x4df: {  	v6 =	vld [tilespmem:s1+$0x20];
	[tilespmem:s6+$0x20] =	vst v3  }
0x4e0: {  	v3 =	vpack.i.f32.bf16 v7, v9;
	v7 =	vld [tilespmem:s30+$0x430]  }
0x4e1: {  	[tilespmem:s11+$0x20] =	vst v3;
	v3 =	vld [tilespmem:s5+$0x30]  }
0x4e2: {  	v9 =	vld [tilespmem:s28+$0x430];
	v5 =	vpack.i.f32.bf16 v8, v5  }
0x4e3: {  	v8 =	vld [tilespmem:s13+$0x30];
	[tilespmem:s10+$0x20] =	vst v5  }
0x4e4: {  	v5 =	vld [tilespmem:s29+$0x430];
	v4 =	vpack.i.f32.bf16 v6, v4  }
0x4e5: {  	v6 =	vld [tilespmem:s31+$0x30];
	[tilespmem:s0+$0x20] =	vst v4  }
0x4e6: {  	v4 =	vld [tilespmem:s26+$0x430];
	v3 =	vpack.i.f32.bf16 v3, v7  }
0x4e7: {  	v7 =	vld [tilespmem:s1+$0x30];
	[tilespmem:s6+$0x30] =	vst v3  }
0x4e8: {  	v3 =	vpack.i.f32.bf16 v8, v9;
	v8 =	vld [tilespmem:s30+$0x440]  }
0x4e9: {  	[tilespmem:s11+$0x30] =	vst v3;
	v3 =	vld [tilespmem:s5+$0x40]  }
0x4ea: {  	v9 =	vld [tilespmem:s28+$0x440];
	v5 =	vpack.i.f32.bf16 v6, v5  }
0x4eb: {  	v6 =	vld [tilespmem:s13+$0x40];
	[tilespmem:s10+$0x30] =	vst v5  }
0x4ec: {  	v5 =	vld [tilespmem:s29+$0x440];
	v4 =	vpack.i.f32.bf16 v7, v4  }
0x4ed: {  	v7 =	vld [tilespmem:s31+$0x40];
	[tilespmem:s0+$0x30] =	vst v4  }
0x4ee: {  	v4 =	vld [tilespmem:s26+$0x440];
	v3 =	vpack.i.f32.bf16 v3, v8  }
0x4ef: {  	v8 =	vld [tilespmem:s1+$0x40];
	[tilespmem:s6+$0x40] =	vst v3  }
0x4f0: {  	v3 =	vpack.i.f32.bf16 v6, v9;
	v6 =	vld [tilespmem:s30+$0x450]  }
0x4f1: {  	[tilespmem:s11+$0x40] =	vst v3;
	v3 =	vld [tilespmem:s5+$0x50]  }
0x4f2: {  	v9 =	vld [tilespmem:s28+$0x450];
	v5 =	vpack.i.f32.bf16 v7, v5  }
0x4f3: {  	v7 =	vld [tilespmem:s13+$0x50];
	[tilespmem:s10+$0x40] =	vst v5  }
0x4f4: {  	v5 =	vld [tilespmem:s29+$0x450];
	v4 =	vpack.i.f32.bf16 v8, v4  }
0x4f5: {  	v8 =	vld [tilespmem:s31+$0x50];
	[tilespmem:s0+$0x40] =	vst v4  }
0x4f6: {  	v4 =	vld [tilespmem:s26+$0x450];
	v3 =	vpack.i.f32.bf16 v3, v6  }
0x4f7: {  	v6 =	vld [tilespmem:s1+$0x50];
	[tilespmem:s6+$0x50] =	vst v3  }
0x4f8: {  	v3 =	vpack.i.f32.bf16 v7, v9;
	v7 =	vld [tilespmem:s30+$0x460]  }
0x4f9: {  	[tilespmem:s11+$0x50] =	vst v3;
	v3 =	vld [tilespmem:s5+$0x60]  }
0x4fa: {  	v9 =	vld [tilespmem:s28+$0x460];
	v5 =	vpack.i.f32.bf16 v8, v5  }
0x4fb: {  	v8 =	vld [tilespmem:s13+$0x60];
	[tilespmem:s10+$0x50] =	vst v5  }
0x4fc: {  	v5 =	vld [tilespmem:s29+$0x460];
	v4 =	vpack.i.f32.bf16 v6, v4  }
0x4fd: {  	v6 =	vld [tilespmem:s31+$0x60];
	[tilespmem:s0+$0x50] =	vst v4  }
0x4fe: {  	v4 =	vld [tilespmem:s26+$0x460];
	v3 =	vpack.i.f32.bf16 v3, v7  }
0x4ff: {  	v7 =	vld [tilespmem:s1+$0x60];
	[tilespmem:s6+$0x60] =	vst v3  }
0x500: {  	v3 =	vpack.i.f32.bf16 v8, v9;
	v8 =	vld [tilespmem:s30+$0x470]  }
0x501: {  	[tilespmem:s11+$0x60] =	vst v3;
	v3 =	vld [tilespmem:s5+$0x70]  }
0x502: {  	v9 =	vld [tilespmem:s28+$0x470];
	v5 =	vpack.i.f32.bf16 v6, v5  }
0x503: {  	v6 =	vld [tilespmem:s13+$0x70];
	[tilespmem:s10+$0x60] =	vst v5  }
0x504: {  	v5 =	vld [tilespmem:s29+$0x470];
	v4 =	vpack.i.f32.bf16 v7, v4  }
0x505: {  	v7 =	vld [tilespmem:s31+$0x70];
	[tilespmem:s0+$0x60] =	vst v4  }
0x506: {  	s5 =	sadd.s32 $0xA00, s24;
	v4 =	vld [tilespmem:s26+$0x470];
	v3 =	vpack.i.f32.bf16 v3, v8  }
0x507: {  	s12 =	sadd.s32 s21, s5;
	s13 =	sadd.s32 $0x1600, s24;
	s29 =	sadd.s32 s20, s5;
	v8 =	vld [tilespmem:s1+$0x70];
	[tilespmem:s6+$0x70] =	vst v3  }
0x508: {  	s24 =	sadd.s32 s22, s5;
	s1 =	sadd.s32 s20, s13;
	s6 =	sadd.s32 s21, s13;
	v3 =	vpack.i.f32.bf16 v6, v9;
	v6 =	vld [tilespmem:s12+$0x0]  }
0x509: {  	s28 =	sadd.s32 s23, s5;
	s30 =	sadd.s32 s22, s13;
	s26 =	sadd.s32 s23, s13;
	[tilespmem:s11+$0x70] =	vst v3;
	v3 =	vld [tilespmem:s6+$0x0]  }
0x50a: {  	v9 =	vld [tilespmem:s29+$0x0];
	v5 =	vpack.i.f32.bf16 v7, v5  }
0x50b: {  	v7 =	vld [tilespmem:s1+$0x0];
	[tilespmem:s10+$0x70] =	vst v5  }
0x50c: {  	v5 =	vld [tilespmem:s24+$0x0];
	v4 =	vpack.i.f32.bf16 v8, v4  }
0x50d: {  	s5 =	sadd.s32 $0xCA00, s25;
	v8 =	vld [tilespmem:s30+$0x0];
	[tilespmem:s0+$0x70] =	vst v4  }
0x50e: {  	s25 =	sadd.s32 s22, s5;
	s10 =	sadd.s32 s21, s5;
	s0 =	sadd.s32 s20, s5;
	v4 =	vld [tilespmem:s28+$0x0];
	v3 =	vpack.i.f32.bf16 v3, v6  }
0x50f: {  	s31 =	sadd.s32 s23, s5;
	v6 =	vld [tilespmem:s26+$0x0];
	[tilespmem:s10+$0x0] =	vst v3  }
0x510: {  	v3 =	vpack.i.f32.bf16 v7, v9;
	v7 =	vld [tilespmem:s12+$0x10]  }
0x511: {  	[tilespmem:s0+$0x0] =	vst v3;
	v3 =	vld [tilespmem:s6+$0x10]  }
0x512: {  	v9 =	vld [tilespmem:s29+$0x10];
	v5 =	vpack.i.f32.bf16 v8, v5  }
0x513: {  	v8 =	vld [tilespmem:s1+$0x10];
	[tilespmem:s25+$0x0] =	vst v5  }
0x514: {  	v5 =	vld [tilespmem:s24+$0x10];
	v4 =	vpack.i.f32.bf16 v6, v4  }
0x515: {  	v6 =	vld [tilespmem:s30+$0x10];
	[tilespmem:s31+$0x0] =	vst v4  }
0x516: {  	v4 =	vld [tilespmem:s28+$0x10];
	v3 =	vpack.i.f32.bf16 v3, v7  }
0x517: {  	v7 =	vld [tilespmem:s26+$0x10];
	[tilespmem:s10+$0x10] =	vst v3  }
0x518: {  	v3 =	vpack.i.f32.bf16 v8, v9;
	v8 =	vld [tilespmem:s12+$0x20]  }
0x519: {  	[tilespmem:s0+$0x10] =	vst v3;
	v3 =	vld [tilespmem:s6+$0x20]  }
0x51a: {  	v9 =	vld [tilespmem:s29+$0x20];
	v5 =	vpack.i.f32.bf16 v6, v5  }
0x51b: {  	v6 =	vld [tilespmem:s1+$0x20];
	[tilespmem:s25+$0x10] =	vst v5  }
0x51c: {  	v5 =	vld [tilespmem:s24+$0x20];
	v4 =	vpack.i.f32.bf16 v7, v4  }
0x51d: {  	v7 =	vld [tilespmem:s30+$0x20];
	[tilespmem:s31+$0x10] =	vst v4  }
0x51e: {  	v4 =	vld [tilespmem:s28+$0x20];
	v3 =	vpack.i.f32.bf16 v3, v8  }
0x51f: {  	v8 =	vld [tilespmem:s26+$0x20];
	[tilespmem:s10+$0x20] =	vst v3  }
0x520: {  	v3 =	vpack.i.f32.bf16 v6, v9;
	v6 =	vld [tilespmem:s12+$0x30]  }
0x521: {  	[tilespmem:s0+$0x20] =	vst v3;
	v3 =	vld [tilespmem:s6+$0x30]  }
0x522: {  	v9 =	vld [tilespmem:s29+$0x30];
	v5 =	vpack.i.f32.bf16 v7, v5  }
0x523: {  	v7 =	vld [tilespmem:s1+$0x30];
	[tilespmem:s25+$0x20] =	vst v5  }
0x524: {  	v5 =	vld [tilespmem:s24+$0x30];
	v4 =	vpack.i.f32.bf16 v8, v4  }
0x525: {  	v8 =	vld [tilespmem:s30+$0x30];
	[tilespmem:s31+$0x20] =	vst v4  }
0x526: {  	v4 =	vld [tilespmem:s28+$0x30];
	v3 =	vpack.i.f32.bf16 v3, v6  }
0x527: {  	v6 =	vld [tilespmem:s26+$0x30];
	[tilespmem:s10+$0x30] =	vst v3  }
0x528: {  	v3 =	vpack.i.f32.bf16 v7, v9;
	v7 =	vld [tilespmem:s12+$0x40]  }
0x529: {  	[tilespmem:s0+$0x30] =	vst v3;
	v3 =	vld [tilespmem:s6+$0x40]  }
0x52a: {  	v9 =	vld [tilespmem:s29+$0x40];
	v5 =	vpack.i.f32.bf16 v8, v5  }
0x52b: {  	v8 =	vld [tilespmem:s1+$0x40];
	[tilespmem:s25+$0x30] =	vst v5  }
0x52c: {  	v5 =	vld [tilespmem:s24+$0x40];
	v4 =	vpack.i.f32.bf16 v6, v4  }
0x52d: {  	v6 =	vld [tilespmem:s30+$0x40];
	[tilespmem:s31+$0x30] =	vst v4  }
0x52e: {  	v4 =	vld [tilespmem:s28+$0x40];
	v3 =	vpack.i.f32.bf16 v3, v7  }
0x52f: {  	v7 =	vld [tilespmem:s26+$0x40];
	[tilespmem:s10+$0x40] =	vst v3  }
0x530: {  	v3 =	vpack.i.f32.bf16 v8, v9;
	v8 =	vld [tilespmem:s12+$0x50]  }
0x531: {  	[tilespmem:s0+$0x40] =	vst v3;
	v3 =	vld [tilespmem:s6+$0x50]  }
0x532: {  	v9 =	vld [tilespmem:s29+$0x50];
	v5 =	vpack.i.f32.bf16 v6, v5  }
0x533: {  	v6 =	vld [tilespmem:s1+$0x50];
	[tilespmem:s25+$0x40] =	vst v5  }
0x534: {  	v5 =	vld [tilespmem:s24+$0x50];
	v4 =	vpack.i.f32.bf16 v7, v4  }
0x535: {  	v7 =	vld [tilespmem:s30+$0x50];
	[tilespmem:s31+$0x40] =	vst v4  }
0x536: {  	v4 =	vld [tilespmem:s28+$0x50];
	v3 =	vpack.i.f32.bf16 v3, v8  }
0x537: {  	v8 =	vld [tilespmem:s26+$0x50];
	[tilespmem:s10+$0x50] =	vst v3  }
0x538: {  	v3 =	vpack.i.f32.bf16 v6, v9;
	v6 =	vld [tilespmem:s12+$0x60]  }
0x539: {  	[tilespmem:s0+$0x50] =	vst v3;
	v3 =	vld [tilespmem:s6+$0x60]  }
0x53a: {  	v9 =	vld [tilespmem:s29+$0x60];
	v5 =	vpack.i.f32.bf16 v7, v5  }
0x53b: {  	v10 =	vld [tilespmem:s1+$0x60];
	[tilespmem:s25+$0x50] =	vst v5  }
.Ltmp2:
0x53c: {  	v5 =	vld [tilespmem:s24+$0x60];
	v4 =	vpack.i.f32.bf16 v8, v4;
	(pc) =	sbr.rel @p0 .LBB2_7-.Ltmp2, $4  }
0x53d: {  	v7 =	vld [tilespmem:s30+$0x60];
	[tilespmem:s31+$0x50] =	vst v4  }
0x53e: {  	v4 =	vld [tilespmem:s28+$0x60];
	v3 =	vpack.i.f32.bf16 v3, v6  }
0x53f: {  	v6 =	vld [tilespmem:s26+$0x60];
	[tilespmem:s10+$0x60] =	vst v3  }
0x540: {  	v8 =	vpack.i.f32.bf16 v10, v9;
	v3 =	vld [tilespmem:s12+$0x70]  }
0x541: {  	[tilespmem:s0+$0x60] =	vst v8;
	v8 =	vld [tilespmem:s6+$0x70]  }
0x542: {  	v9 =	vld [tilespmem:s29+$0x70];
	v5 =	vpack.i.f32.bf16 v7, v5  }
0x543: {  	v7 =	vld [tilespmem:s1+$0x70];
	[tilespmem:s25+$0x60] =	vst v5  }
0x544: {  	v5 =	vld [tilespmem:s24+$0x70];
	v4 =	vpack.i.f32.bf16 v6, v4  }
0x545: {  	v6 =	vld [tilespmem:s30+$0x70];
	[tilespmem:s31+$0x60] =	vst v4  }
0x546: {  	v4 =	vld [tilespmem:s28+$0x70]  }
0x547: {  	v10 =	vld [tilespmem:s26+$0x70]  }
0x548: {  	s21 =	sshll.u32 s17, $0x6;
	s5 =	rddreg [dreg:$0x5]  }
0x549: {  	v3 =	vpack.i.f32.bf16 v8, v3;
	s1 =	sor.u32 s5, s21  }
0x54a: {  	[tilespmem:s10+$0x70] =	vst v3;
	v3 =	vpack.i.f32.bf16 v7, v9;
	s1 =	sshrl.u32 s1, $0x3  }
0x54b: {  	[tilespmem:s0+$0x70] =	vst v3;
	v3 =	vpack.i.f32.bf16 v6, v5;
	s18 =	smul.u32 $0x180, s1  }
0x54c: {  	s19 =	sshll.u32 s17, $0x8;
	s22 =	rddreg [dreg:$0x2];
	s23 =	simm.s32 $0xC200;
	[tilespmem:s25+$0x70] =	vst v3;
	v3 =	vpack.i.f32.bf16 v10, v4  }
0x54d: {  	s24 =	sadd.s32 $0x100, s19;
	s1 =	simm.s32 $0x0;
	s0 =	sadd.s32 s22, s18;
	[tilespmem:s31+$0x70] =	vst v3  }
0x54e: {  	[hbm4b:s0+s1] =	stream.linear.scatter [tilespmem:s23], [sflag:$0x3], $0x3000, $0x38;
	[tilespmem:$0x12200] =	vst v63  }
0x54f: {  	s0 =	sand.u32 $0x700, s24  }
0x550: {  	s0 =	sshrl.u32 s0, $0x2  }
0x551: {  	v3 =	vld [tilespmem:s0+$0x0];
	_ =	sdelay $0x4  }
0x552: {  	v4 =	vshrl.u32 v3, $0x3  }
0x553: {  	v4 =	vmul.u32 $0x30, v4  }
0x554: {  	v3 =	vand.u32 $0x7, v3  }
0x555: {  	v3 =	vor.u32 v3, v4  }
0x556: {  	v4 =	vperm.xlane v3, v0;
	_ =	sdelay $0x1  }
0x557: {  	v4 =	vadd.s32 v1, v4;
	_ =	sdelay $0x3  }
0x558: {  	s25 =	simm.s32 $0x200;
	v3 =	vperm.xlane v3, v2  }
0x559: {  	[tilespmem:s25], [sflag:$0x1] =	stream.indirect_vreg.gather [hbm4b:s2+s1], $0x80, v4, vm0, $0xb8;
	[tilespmem:$0x12200] =	vst v63  }
0x55a: {  	s26 =	simm.s32 $0xA00;
	v3 =	vadd.s32 v1, v3  }
0x55b: {  	[tilespmem:s26], [sflag:$0x1] =	stream.indirect_vreg.gather [hbm4b:s7+s1], $0x80, v4, vm0, $0xb8;
	[tilespmem:$0x12200] =	vst v63  }
0x55c: {  	s30 =	simm.s32 $0x1200  }
0x55d: {  	[tilespmem:s30], [sflag:$0x1] =	stream.indirect_vreg.gather [hbm4b:s9+s1], $0x80, v4, vm0, $0xb8;
	[tilespmem:$0x12200] =	vst v63  }
0x55e: {  	s31 =	simm.s32 $0x1A00  }
0x55f: {  	[tilespmem:s31], [sflag:$0x1] =	stream.indirect_vreg.gather [hbm4b:s2+s1], $0x80, v3, vm0, $0xb8;
	[tilespmem:$0x12200] =	vst v63  }
0x560: {  	s6 =	simm.s32 $0x2200  }
0x561: {  	[tilespmem:s6], [sflag:$0x1] =	stream.indirect_vreg.gather [hbm4b:s7+s1], $0x80, v3, vm0, $0xb8;
	[tilespmem:$0x12200] =	vst v63  }
0x562: {  	s10 =	simm.s32 $0x2A00  }
0x563: {  	[tilespmem:s10], [sflag:$0x1] =	stream.indirect_vreg.gather [hbm4b:s9+s1], $0x80, v3, vm0, $0xb8;
	[tilespmem:$0x12200] =	vst v63  }
0x564: {  	v3 =	vld [tilespmem:s0+$0x10];
	_ =	sdelay $0x4  }
0x565: {  	v4 =	vshrl.u32 v3, $0x3  }
0x566: {  	v4 =	vmul.u32 $0x30, v4  }
0x567: {  	v3 =	vand.u32 $0x7, v3  }
0x568: {  	v3 =	vor.u32 v3, v4  }
0x569: {  	v4 =	vperm.xlane v3, v0;
	_ =	sdelay $0x1  }
0x56a: {  	v4 =	vadd.s32 v1, v4;
	_ =	sdelay $0x3  }
0x56b: {  	s11 =	simm.s32 $0x3200;
	v3 =	vperm.xlane v3, v2  }
0x56c: {  	[tilespmem:s11], [sflag:$0x1] =	stream.indirect_vreg.gather [hbm4b:s2+s1], $0x80, v4, vm0, $0xb8;
	[tilespmem:$0x12200] =	vst v63  }
0x56d: {  	s12 =	simm.s32 $0x3A00;
	v3 =	vadd.s32 v1, v3  }
0x56e: {  	[tilespmem:s12], [sflag:$0x1] =	stream.indirect_vreg.gather [hbm4b:s7+s1], $0x80, v4, vm0, $0xb8;
	[tilespmem:$0x12200] =	vst v63  }
0x56f: {  	s13 =	simm.s32 $0x4200  }
0x570: {  	[tilespmem:s13], [sflag:$0x1] =	stream.indirect_vreg.gather [hbm4b:s9+s1], $0x80, v4, vm0, $0xb8;
	[tilespmem:$0x12200] =	vst v63  }
0x571: {  	s20 =	simm.s32 $0x4A00  }
0x572: {  	[tilespmem:s20], [sflag:$0x1] =	stream.indirect_vreg.gather [hbm4b:s2+s1], $0x80, v3, vm0, $0xb8;
	[tilespmem:$0x12200] =	vst v63  }
0x573: {  	s21 =	simm.s32 $0x5200  }
0x574: {  	[tilespmem:s21], [sflag:$0x1] =	stream.indirect_vreg.gather [hbm4b:s7+s1], $0x80, v3, vm0, $0xb8;
	[tilespmem:$0x12200] =	vst v63  }
0x575: {  	s22 =	simm.s32 $0x5A00  }
0x576: {  	[tilespmem:s22], [sflag:$0x1] =	stream.indirect_vreg.gather [hbm4b:s9+s1], $0x80, v3, vm0, $0xb8;
	[tilespmem:$0x12200] =	vst v63  }
0x577: {  	s23 =	simm.s32 $0x0;
	_ =	swait.ge [sflag:s14], $0x6000  }
0x578: {  	s0 =	sor.u32 $0x4, s23;
	[sflag:s14] =	ssyncset.done $0x0  }
0x579: {  	s25 =	simm.s32 $0x4;
	s24 =	smul.u32 $0x6000, s0;
	[sflag:s14] =	ssyncadd.s32 $0xFFFFA000  }
0x57a: {  	s26 =	smul.u32 $0x6000, s25;
	s30 =	simm.s32 $0x4;
	_ =	swait.ge [sflag:s16], $0x3000  }
0x57b: {  	s5 =	sshra.s32 s24, $0x2;
	s1 =	sand.u32 $0x200, s1;
	[sflag:s16] =	ssyncset.done $0x0  }
0x57c: {  	s11 =	simm.s32 $0x1180;
	s29 =	sor.u32 s1, s5;
	[sflag:s16] =	ssyncadd.s32 $0xFFFFD000  }
0x57d: {  	s10 =	sshra.s32 s26, $0x2;
	s11 =	sand.u32 $0x380, s11;
	s12 =	smul.u32 $0x6000, s30;
	v3 =	vld [tilespmem:s29+$0xE00]  }
0x57e: {  	s13 =	simm.s32 $0x4;
	s20 =	simm.s32 $0x1100;
	s22 =	sor.u32 s11, s10;
	v4 =	vld [tilespmem:s29+$0x200]  }
0x57f: {  	s12 =	sshra.s32 s12, $0x2;
	s31 =	smul.u32 $0x6000, s13;
	s21 =	sand.u32 $0x300, s20;
	v5 =	vld [tilespmem:s22+$0x200]  }
0x580: {  	s0 =	smul.u32 $0x3000, s0;
	s24 =	simm.s32 $0x1080;
	s23 =	sor.u32 s21, s12;
	v6 =	vld [tilespmem:s22+$0xE00]  }
0x581: {  	s12 =	sand.u32 $0x280, s24;
	s10 =	sshra.s32 s31, $0x2;
	v7 =	vld [tilespmem:s23+$0x200]  }
0x582: {  	s6 =	smul.u32 $0x3000, s25;
	s0 =	sshra.s32 s0, $0x2;
	s20 =	sor.u32 s12, s10;
	v8 =	vld [tilespmem:s23+$0xE00]  }
0x583: {  	s24 =	sor.u32 s1, s0;
	v3 =	vpack.i.f32.bf16 v3, v4;
	v4 =	vld [tilespmem:s20+$0x200]  }
0x584: {  	s25 =	smul.u32 $0x3000, s30;
	s26 =	sshra.s32 s6, $0x2;
	[tilespmem:s24+$0xC200] =	vst v3;
	v3 =	vld [tilespmem:s20+$0xE00]  }
0x585: {  	s26 =	sor.u32 s11, s26;
	v5 =	vpack.i.f32.bf16 v6, v5;
	v9 =	vld [tilespmem:s29+$0x210]  }
0x586: {  	s30 =	smul.u32 $0x3000, s13;
	s0 =	sshra.s32 s25, $0x2;
	[tilespmem:s26+$0xC200] =	vst v5;
	v6 =	vld [tilespmem:s29+$0xE10]  }
0x587: {  	s25 =	sor.u32 s21, s0;
	v5 =	vpack.i.f32.bf16 v8, v7;
	v7 =	vld [tilespmem:s22+$0xE10]  }
0x588: {  	s31 =	sshra.s32 s30, $0x2;
	[tilespmem:s25+$0xC200] =	vst v5;
	v5 =	vld [tilespmem:s22+$0x210]  }
0x589: {  	s21 =	sor.u32 s12, s31;
	v3 =	vpack.i.f32.bf16 v3, v4;
	v4 =	vld [tilespmem:s23+$0xE10]  }
0x58a: {  	[tilespmem:s21+$0xC200] =	vst v3;
	v3 =	vld [tilespmem:s23+$0x210]  }
0x58b: {  	v6 =	vpack.i.f32.bf16 v6, v9;
	v8 =	vld [tilespmem:s20+$0x210]  }
0x58c: {  	[tilespmem:s24+$0xC210] =	vst v6;
	v6 =	vld [tilespmem:s20+$0xE10]  }
0x58d: {  	v5 =	vpack.i.f32.bf16 v7, v5;
	v9 =	vld [tilespmem:s29+$0x220]  }
0x58e: {  	[tilespmem:s26+$0xC210] =	vst v5;
	v7 =	vld [tilespmem:s29+$0xE20]  }
0x58f: {  	v3 =	vpack.i.f32.bf16 v4, v3;
	v4 =	vld [tilespmem:s22+$0x220]  }
0x590: {  	[tilespmem:s25+$0xC210] =	vst v3;
	v3 =	vld [tilespmem:s22+$0xE20]  }
0x591: {  	v5 =	vpack.i.f32.bf16 v6, v8;
	v6 =	vld [tilespmem:s23+$0x220]  }
0x592: {  	[tilespmem:s21+$0xC210] =	vst v5;
	v5 =	vld [tilespmem:s23+$0xE20]  }
0x593: {  	v7 =	vpack.i.f32.bf16 v7, v9;
	v8 =	vld [tilespmem:s20+$0x220]  }
0x594: {  	[tilespmem:s24+$0xC220] =	vst v7;
	v7 =	vld [tilespmem:s20+$0xE20]  }
0x595: {  	v9 =	vld [tilespmem:s29+$0x230];
	v3 =	vpack.i.f32.bf16 v3, v4  }
0x596: {  	v4 =	vld [tilespmem:s29+$0xE30];
	[tilespmem:s26+$0xC220] =	vst v3  }
0x597: {  	v3 =	vpack.i.f32.bf16 v5, v6;
	v5 =	vld [tilespmem:s22+$0x230]  }
0x598: {  	[tilespmem:s25+$0xC220] =	vst v3;
	v3 =	vld [tilespmem:s22+$0xE30]  }
0x599: {  	v6 =	vpack.i.f32.bf16 v7, v8;
	v7 =	vld [tilespmem:s23+$0x230]  }
0x59a: {  	[tilespmem:s21+$0xC220] =	vst v6;
	v6 =	vld [tilespmem:s23+$0xE30]  }
0x59b: {  	v8 =	vld [tilespmem:s20+$0x230];
	v4 =	vpack.i.f32.bf16 v4, v9  }
0x59c: {  	[tilespmem:s24+$0xC230] =	vst v4;
	v4 =	vld [tilespmem:s20+$0xE30]  }
0x59d: {  	v9 =	vld [tilespmem:s29+$0x240];
	v3 =	vpack.i.f32.bf16 v3, v5  }
0x59e: {  	v5 =	vld [tilespmem:s29+$0xE40];
	[tilespmem:s26+$0xC230] =	vst v3  }
0x59f: {  	v3 =	vpack.i.f32.bf16 v6, v7;
	v6 =	vld [tilespmem:s22+$0x240]  }
0x5a0: {  	[tilespmem:s25+$0xC230] =	vst v3;
	v3 =	vld [tilespmem:s22+$0xE40]  }
0x5a1: {  	v7 =	vld [tilespmem:s23+$0x240];
	v4 =	vpack.i.f32.bf16 v4, v8  }
0x5a2: {  	[tilespmem:s21+$0xC230] =	vst v4;
	v4 =	vld [tilespmem:s23+$0xE40]  }
0x5a3: {  	v5 =	vpack.i.f32.bf16 v5, v9;
	v8 =	vld [tilespmem:s20+$0x240]  }
0x5a4: {  	[tilespmem:s24+$0xC240] =	vst v5;
	v5 =	vld [tilespmem:s20+$0xE40]  }
0x5a5: {  	v9 =	vld [tilespmem:s29+$0x250];
	v3 =	vpack.i.f32.bf16 v3, v6  }
0x5a6: {  	v6 =	vld [tilespmem:s29+$0xE50];
	[tilespmem:s26+$0xC240] =	vst v3  }
0x5a7: {  	v3 =	vpack.i.f32.bf16 v4, v7;
	v4 =	vld [tilespmem:s22+$0x250]  }
0x5a8: {  	[tilespmem:s25+$0xC240] =	vst v3;
	v3 =	vld [tilespmem:s22+$0xE50]  }
0x5a9: {  	v5 =	vpack.i.f32.bf16 v5, v8;
	v7 =	vld [tilespmem:s23+$0x250]  }
0x5aa: {  	[tilespmem:s21+$0xC240] =	vst v5;
	v5 =	vld [tilespmem:s23+$0xE50]  }
0x5ab: {  	v6 =	vpack.i.f32.bf16 v6, v9;
	v8 =	vld [tilespmem:s20+$0x250]  }
0x5ac: {  	[tilespmem:s24+$0xC250] =	vst v6;
	v6 =	vld [tilespmem:s20+$0xE50]  }
0x5ad: {  	v9 =	vld [tilespmem:s29+$0x260];
	v3 =	vpack.i.f32.bf16 v3, v4  }
0x5ae: {  	v4 =	vld [tilespmem:s29+$0xE60];
	[tilespmem:s26+$0xC250] =	vst v3  }
0x5af: {  	v3 =	vpack.i.f32.bf16 v5, v7;
	v5 =	vld [tilespmem:s22+$0x260]  }
0x5b0: {  	[tilespmem:s25+$0xC250] =	vst v3;
	v3 =	vld [tilespmem:s22+$0xE60]  }
0x5b1: {  	v6 =	vpack.i.f32.bf16 v6, v8;
	v7 =	vld [tilespmem:s23+$0x260]  }
0x5b2: {  	[tilespmem:s21+$0xC250] =	vst v6;
	v6 =	vld [tilespmem:s23+$0xE60]  }
0x5b3: {  	v8 =	vld [tilespmem:s20+$0x260];
	v4 =	vpack.i.f32.bf16 v4, v9  }
0x5b4: {  	[tilespmem:s24+$0xC260] =	vst v4;
	v4 =	vld [tilespmem:s20+$0xE60]  }
0x5b5: {  	v9 =	vld [tilespmem:s29+$0x270];
	v3 =	vpack.i.f32.bf16 v3, v5  }
0x5b6: {  	v5 =	vld [tilespmem:s29+$0xE70];
	[tilespmem:s26+$0xC260] =	vst v3  }
0x5b7: {  	v3 =	vpack.i.f32.bf16 v6, v7;
	v6 =	vld [tilespmem:s22+$0x270]  }
0x5b8: {  	[tilespmem:s25+$0xC260] =	vst v3;
	v3 =	vld [tilespmem:s22+$0xE70]  }
0x5b9: {  	v7 =	vld [tilespmem:s23+$0x270];
	v4 =	vpack.i.f32.bf16 v4, v8  }
0x5ba: {  	[tilespmem:s21+$0xC260] =	vst v4;
	v4 =	vld [tilespmem:s23+$0xE70]  }
0x5bb: {  	v5 =	vpack.i.f32.bf16 v5, v9;
	v8 =	vld [tilespmem:s20+$0x270]  }
0x5bc: {  	[tilespmem:s24+$0xC270] =	vst v5;
	v5 =	vld [tilespmem:s20+$0xE70]  }
0x5bd: {  	v9 =	vld [tilespmem:s29+$0x600];
	v3 =	vpack.i.f32.bf16 v3, v6  }
0x5be: {  	v6 =	vld [tilespmem:s29+$0x1200];
	[tilespmem:s26+$0xC270] =	vst v3  }
0x5bf: {  	v3 =	vpack.i.f32.bf16 v4, v7;
	v4 =	vld [tilespmem:s22+$0x600]  }
0x5c0: {  	[tilespmem:s25+$0xC270] =	vst v3;
	v3 =	vld [tilespmem:s22+$0x1200]  }
0x5c1: {  	v5 =	vpack.i.f32.bf16 v5, v8;
	v7 =	vld [tilespmem:s23+$0x600]  }
0x5c2: {  	[tilespmem:s21+$0xC270] =	vst v5;
	v5 =	vld [tilespmem:s23+$0x1200]  }
0x5c3: {  	v6 =	vpack.i.f32.bf16 v6, v9;
	v8 =	vld [tilespmem:s20+$0x600]  }
0x5c4: {  	[tilespmem:s24+$0xC600] =	vst v6;
	v6 =	vld [tilespmem:s20+$0x1200]  }
0x5c5: {  	v9 =	vld [tilespmem:s29+$0x610];
	v3 =	vpack.i.f32.bf16 v3, v4  }
0x5c6: {  	v4 =	vld [tilespmem:s29+$0x1210];
	[tilespmem:s26+$0xC600] =	vst v3  }
0x5c7: {  	v3 =	vpack.i.f32.bf16 v5, v7;
	v5 =	vld [tilespmem:s22+$0x610]  }
0x5c8: {  	[tilespmem:s25+$0xC600] =	vst v3;
	v3 =	vld [tilespmem:s22+$0x1210]  }
0x5c9: {  	v6 =	vpack.i.f32.bf16 v6, v8;
	v7 =	vld [tilespmem:s23+$0x610]  }
0x5ca: {  	[tilespmem:s21+$0xC600] =	vst v6;
	v6 =	vld [tilespmem:s23+$0x1210]  }
0x5cb: {  	v8 =	vld [tilespmem:s20+$0x610];
	v4 =	vpack.i.f32.bf16 v4, v9  }
0x5cc: {  	[tilespmem:s24+$0xC610] =	vst v4;
	v4 =	vld [tilespmem:s20+$0x1210]  }
0x5cd: {  	v9 =	vld [tilespmem:s29+$0x620];
	v3 =	vpack.i.f32.bf16 v3, v5  }
0x5ce: {  	v5 =	vld [tilespmem:s29+$0x1220];
	[tilespmem:s26+$0xC610] =	vst v3  }
0x5cf: {  	v3 =	vpack.i.f32.bf16 v6, v7;
	v6 =	vld [tilespmem:s22+$0x620]  }
0x5d0: {  	[tilespmem:s25+$0xC610] =	vst v3;
	v3 =	vld [tilespmem:s22+$0x1220]  }
0x5d1: {  	v7 =	vld [tilespmem:s23+$0x620];
	v4 =	vpack.i.f32.bf16 v4, v8  }
0x5d2: {  	[tilespmem:s21+$0xC610] =	vst v4;
	v4 =	vld [tilespmem:s23+$0x1220]  }
0x5d3: {  	v5 =	vpack.i.f32.bf16 v5, v9;
	v8 =	vld [tilespmem:s20+$0x620]  }
0x5d4: {  	[tilespmem:s24+$0xC620] =	vst v5;
	v5 =	vld [tilespmem:s20+$0x1220]  }
0x5d5: {  	v9 =	vld [tilespmem:s29+$0x630];
	v3 =	vpack.i.f32.bf16 v3, v6  }
0x5d6: {  	v6 =	vld [tilespmem:s29+$0x1230];
	[tilespmem:s26+$0xC620] =	vst v3  }
0x5d7: {  	v3 =	vpack.i.f32.bf16 v4, v7;
	v4 =	vld [tilespmem:s22+$0x630]  }
0x5d8: {  	[tilespmem:s25+$0xC620] =	vst v3;
	v3 =	vld [tilespmem:s22+$0x1230]  }
0x5d9: {  	v5 =	vpack.i.f32.bf16 v5, v8;
	v7 =	vld [tilespmem:s23+$0x630]  }
0x5da: {  	[tilespmem:s21+$0xC620] =	vst v5;
	v5 =	vld [tilespmem:s23+$0x1230]  }
0x5db: {  	v6 =	vpack.i.f32.bf16 v6, v9;
	v8 =	vld [tilespmem:s20+$0x630]  }
0x5dc: {  	[tilespmem:s24+$0xC630] =	vst v6;
	v6 =	vld [tilespmem:s20+$0x1230]  }
0x5dd: {  	v9 =	vld [tilespmem:s29+$0x640];
	v3 =	vpack.i.f32.bf16 v3, v4  }
0x5de: {  	v4 =	vld [tilespmem:s29+$0x1240];
	[tilespmem:s26+$0xC630] =	vst v3  }
0x5df: {  	v3 =	vpack.i.f32.bf16 v5, v7;
	v5 =	vld [tilespmem:s22+$0x640]  }
0x5e0: {  	[tilespmem:s25+$0xC630] =	vst v3;
	v3 =	vld [tilespmem:s22+$0x1240]  }
0x5e1: {  	v6 =	vpack.i.f32.bf16 v6, v8;
	v7 =	vld [tilespmem:s23+$0x640]  }
0x5e2: {  	[tilespmem:s21+$0xC630] =	vst v6;
	v6 =	vld [tilespmem:s23+$0x1240]  }
0x5e3: {  	v8 =	vld [tilespmem:s20+$0x640];
	v4 =	vpack.i.f32.bf16 v4, v9  }
0x5e4: {  	[tilespmem:s24+$0xC640] =	vst v4;
	v4 =	vld [tilespmem:s20+$0x1240]  }
0x5e5: {  	v9 =	vld [tilespmem:s29+$0x650];
	v3 =	vpack.i.f32.bf16 v3, v5  }
0x5e6: {  	v5 =	vld [tilespmem:s29+$0x1250];
	[tilespmem:s26+$0xC640] =	vst v3  }
0x5e7: {  	v3 =	vpack.i.f32.bf16 v6, v7;
	v6 =	vld [tilespmem:s22+$0x650]  }
0x5e8: {  	[tilespmem:s25+$0xC640] =	vst v3;
	v3 =	vld [tilespmem:s22+$0x1250]  }
0x5e9: {  	v7 =	vld [tilespmem:s23+$0x650];
	v4 =	vpack.i.f32.bf16 v4, v8  }
0x5ea: {  	[tilespmem:s21+$0xC640] =	vst v4;
	v4 =	vld [tilespmem:s23+$0x1250]  }
0x5eb: {  	v5 =	vpack.i.f32.bf16 v5, v9;
	v8 =	vld [tilespmem:s20+$0x650]  }
0x5ec: {  	[tilespmem:s24+$0xC650] =	vst v5;
	v5 =	vld [tilespmem:s20+$0x1250]  }
0x5ed: {  	v9 =	vld [tilespmem:s29+$0x660];
	v3 =	vpack.i.f32.bf16 v3, v6  }
0x5ee: {  	v6 =	vld [tilespmem:s29+$0x1260];
	[tilespmem:s26+$0xC650] =	vst v3  }
0x5ef: {  	v3 =	vpack.i.f32.bf16 v4, v7;
	v4 =	vld [tilespmem:s22+$0x660]  }
0x5f0: {  	[tilespmem:s25+$0xC650] =	vst v3;
	v3 =	vld [tilespmem:s22+$0x1260]  }
0x5f1: {  	v5 =	vpack.i.f32.bf16 v5, v8;
	v7 =	vld [tilespmem:s23+$0x660]  }
0x5f2: {  	[tilespmem:s21+$0xC650] =	vst v5;
	v5 =	vld [tilespmem:s23+$0x1260]  }
0x5f3: {  	v6 =	vpack.i.f32.bf16 v6, v9;
	v8 =	vld [tilespmem:s20+$0x660]  }
0x5f4: {  	[tilespmem:s24+$0xC660] =	vst v6;
	v6 =	vld [tilespmem:s20+$0x1260]  }
0x5f5: {  	v9 =	vld [tilespmem:s29+$0x670];
	v3 =	vpack.i.f32.bf16 v3, v4  }
0x5f6: {  	v4 =	vld [tilespmem:s29+$0x1270];
	[tilespmem:s26+$0xC660] =	vst v3  }
0x5f7: {  	v3 =	vpack.i.f32.bf16 v5, v7;
	v5 =	vld [tilespmem:s22+$0x670]  }
0x5f8: {  	[tilespmem:s25+$0xC660] =	vst v3;
	v3 =	vld [tilespmem:s22+$0x1270]  }
0x5f9: {  	v6 =	vpack.i.f32.bf16 v6, v8;
	v7 =	vld [tilespmem:s23+$0x670]  }
0x5fa: {  	[tilespmem:s21+$0xC660] =	vst v6;
	v6 =	vld [tilespmem:s23+$0x1270]  }
0x5fb: {  	v8 =	vld [tilespmem:s20+$0x670];
	v4 =	vpack.i.f32.bf16 v4, v9  }
0x5fc: {  	[tilespmem:s24+$0xC670] =	vst v4;
	v4 =	vld [tilespmem:s20+$0x1270]  }
0x5fd: {  	v9 =	vld [tilespmem:s29+$0xA00];
	v3 =	vpack.i.f32.bf16 v3, v5  }
0x5fe: {  	v5 =	vld [tilespmem:s29+$0x1600];
	[tilespmem:s26+$0xC670] =	vst v3  }
0x5ff: {  	v3 =	vpack.i.f32.bf16 v6, v7;
	v6 =	vld [tilespmem:s22+$0xA00]  }
0x600: {  	[tilespmem:s25+$0xC670] =	vst v3;
	v3 =	vld [tilespmem:s22+$0x1600]  }
0x601: {  	v7 =	vld [tilespmem:s23+$0xA00];
	v4 =	vpack.i.f32.bf16 v4, v8  }
0x602: {  	[tilespmem:s21+$0xC670] =	vst v4;
	v4 =	vld [tilespmem:s23+$0x1600]  }
0x603: {  	v5 =	vpack.i.f32.bf16 v5, v9;
	v8 =	vld [tilespmem:s20+$0xA00]  }
0x604: {  	[tilespmem:s24+$0xCA00] =	vst v5;
	v5 =	vld [tilespmem:s20+$0x1600]  }
0x605: {  	v9 =	vld [tilespmem:s29+$0xA10];
	v3 =	vpack.i.f32.bf16 v3, v6  }
0x606: {  	v6 =	vld [tilespmem:s29+$0x1610];
	[tilespmem:s26+$0xCA00] =	vst v3  }
0x607: {  	v3 =	vpack.i.f32.bf16 v4, v7;
	v4 =	vld [tilespmem:s22+$0xA10]  }
0x608: {  	[tilespmem:s25+$0xCA00] =	vst v3;
	v3 =	vld [tilespmem:s22+$0x1610]  }
0x609: {  	v5 =	vpack.i.f32.bf16 v5, v8;
	v7 =	vld [tilespmem:s23+$0xA10]  }
0x60a: {  	[tilespmem:s21+$0xCA00] =	vst v5;
	v5 =	vld [tilespmem:s23+$0x1610]  }
0x60b: {  	v6 =	vpack.i.f32.bf16 v6, v9;
	v8 =	vld [tilespmem:s20+$0xA10]  }
0x60c: {  	[tilespmem:s24+$0xCA10] =	vst v6;
	v6 =	vld [tilespmem:s20+$0x1610]  }
0x60d: {  	v9 =	vld [tilespmem:s29+$0xA20];
	v3 =	vpack.i.f32.bf16 v3, v4  }
0x60e: {  	v4 =	vld [tilespmem:s29+$0x1620];
	[tilespmem:s26+$0xCA10] =	vst v3  }
0x60f: {  	v3 =	vpack.i.f32.bf16 v5, v7;
	v5 =	vld [tilespmem:s22+$0xA20]  }
0x610: {  	[tilespmem:s25+$0xCA10] =	vst v3;
	v3 =	vld [tilespmem:s22+$0x1620]  }
0x611: {  	v6 =	vpack.i.f32.bf16 v6, v8;
	v7 =	vld [tilespmem:s23+$0x1620]  }
0x612: {  	[tilespmem:s21+$0xCA10] =	vst v6;
	v6 =	vld [tilespmem:s23+$0xA20]  }
0x613: {  	v8 =	vld [tilespmem:s20+$0xA20];
	v4 =	vpack.i.f32.bf16 v4, v9  }
0x614: {  	[tilespmem:s24+$0xCA20] =	vst v4;
	v4 =	vld [tilespmem:s20+$0x1620]  }
0x615: {  	v9 =	vld [tilespmem:s29+$0xA30];
	v3 =	vpack.i.f32.bf16 v3, v5  }
0x616: {  	v5 =	vld [tilespmem:s29+$0x1630];
	[tilespmem:s26+$0xCA20] =	vst v3  }
0x617: {  	v3 =	vpack.i.f32.bf16 v7, v6;
	v6 =	vld [tilespmem:s22+$0xA30]  }
0x618: {  	[tilespmem:s25+$0xCA20] =	vst v3;
	v3 =	vld [tilespmem:s22+$0x1630]  }
0x619: {  	v7 =	vld [tilespmem:s23+$0x1630];
	v4 =	vpack.i.f32.bf16 v4, v8  }
0x61a: {  	[tilespmem:s21+$0xCA20] =	vst v4;
	v4 =	vld [tilespmem:s23+$0xA30]  }
0x61b: {  	v5 =	vpack.i.f32.bf16 v5, v9;
	v8 =	vld [tilespmem:s20+$0xA30]  }
0x61c: {  	[tilespmem:s24+$0xCA30] =	vst v5;
	v5 =	vld [tilespmem:s20+$0x1630]  }
0x61d: {  	v9 =	vld [tilespmem:s29+$0xA40];
	v3 =	vpack.i.f32.bf16 v3, v6  }
0x61e: {  	v6 =	vld [tilespmem:s29+$0x1640];
	[tilespmem:s26+$0xCA30] =	vst v3  }
0x61f: {  	v3 =	vpack.i.f32.bf16 v7, v4;
	v4 =	vld [tilespmem:s22+$0xA40]  }
0x620: {  	[tilespmem:s25+$0xCA30] =	vst v3;
	v3 =	vld [tilespmem:s22+$0x1640]  }
0x621: {  	v5 =	vpack.i.f32.bf16 v5, v8;
	v7 =	vld [tilespmem:s23+$0xA40]  }
0x622: {  	[tilespmem:s21+$0xCA30] =	vst v5;
	v5 =	vld [tilespmem:s23+$0x1640]  }
0x623: {  	v6 =	vpack.i.f32.bf16 v6, v9;
	v8 =	vld [tilespmem:s20+$0xA40]  }
0x624: {  	[tilespmem:s24+$0xCA40] =	vst v6;
	v6 =	vld [tilespmem:s20+$0x1640]  }
0x625: {  	v9 =	vld [tilespmem:s29+$0xA50];
	v3 =	vpack.i.f32.bf16 v3, v4  }
0x626: {  	v4 =	vld [tilespmem:s29+$0x1650];
	[tilespmem:s26+$0xCA40] =	vst v3  }
0x627: {  	v3 =	vpack.i.f32.bf16 v5, v7;
	v5 =	vld [tilespmem:s22+$0xA50]  }
0x628: {  	[tilespmem:s25+$0xCA40] =	vst v3;
	v3 =	vld [tilespmem:s22+$0x1650]  }
0x629: {  	v6 =	vpack.i.f32.bf16 v6, v8;
	v7 =	vld [tilespmem:s23+$0xA50]  }
0x62a: {  	[tilespmem:s21+$0xCA40] =	vst v6;
	v6 =	vld [tilespmem:s23+$0x1650]  }
0x62b: {  	v8 =	vld [tilespmem:s20+$0xA50];
	v4 =	vpack.i.f32.bf16 v4, v9  }
0x62c: {  	[tilespmem:s24+$0xCA50] =	vst v4;
	v4 =	vld [tilespmem:s20+$0x1650]  }
0x62d: {  	v9 =	vld [tilespmem:s29+$0xA60];
	v3 =	vpack.i.f32.bf16 v3, v5  }
0x62e: {  	v5 =	vld [tilespmem:s29+$0x1660];
	[tilespmem:s26+$0xCA50] =	vst v3  }
0x62f: {  	v3 =	vpack.i.f32.bf16 v6, v7;
	v10 =	vld [tilespmem:s22+$0xA60]  }
0x630: {  	[tilespmem:s25+$0xCA50] =	vst v3;
	v11 =	vld [tilespmem:s22+$0x1660]  }
0x631: {  	v7 =	vld [tilespmem:s23+$0xA60];
	v3 =	vpack.i.f32.bf16 v4, v8  }
0x632: {  	v8 =	vld [tilespmem:s23+$0x1660];
	[tilespmem:s21+$0xCA50] =	vst v3  }
0x633: {  	v3 =	vpack.i.f32.bf16 v5, v9;
	v5 =	vld [tilespmem:s20+$0xA60]  }
0x634: {  	[tilespmem:s24+$0xCA60] =	vst v3;
	v6 =	vld [tilespmem:s20+$0x1660]  }
0x635: {  	v3 =	vld [tilespmem:s29+$0xA70];
	v9 =	vpack.i.f32.bf16 v11, v10  }
0x636: {  	s28 =	simm.s32 $0x0;
	v4 =	vld [tilespmem:s29+$0x1670];
	s29 =	simm.s32 $0x200;
	[tilespmem:s26+$0xCA60] =	vst v9  }
.LBB2_9:
0x637: {  	s0 =	sadd.s32 $0x25, s28  }
0x638: {  	s1 =	sadd.s32 $0x1180, s29;
	v7 =	vpack.i.f32.bf16 v8, v7;
	v8 =	vld [tilespmem:s22+$0xA70];
	s5 =	smov.u32 s28;
	s28 =	sadd.s32 $0x4, s28  }
0x639: {  	s6 =	sshrl.u32 s28, $0x3;
	s0 =	sshrl.u32 s0, $0x3;
	s10 =	sadd.s32 $0x26, s5;
	[tilespmem:s25+$0xCA60] =	vst v7;
	v7 =	vld [tilespmem:s22+$0x1670]  }
0x63a: {  	s5 =	sadd.s32 $0x27, s5;
	s6 =	sor.u32 $0x4, s6;
	s11 =	smul.u32 $0x6000, s0;
	v5 =	vpack.i.f32.bf16 v6, v5;
	v6 =	vld [tilespmem:s23+$0xA70]  }
0x63b: {  	s13 =	sadd.s32 $0x1080, s29;
	s5 =	sshrl.u32 s5, $0x3;
	s12 =	smul.u32 $0x6000, s6;
	[tilespmem:s21+$0xCA60] =	vst v5;
	v5 =	vld [tilespmem:s23+$0x1670]  }
0x63c: {  	s13 =	sand.u32 $0x280, s13;
	s22 =	smul.u32 $0x6000, s5;
	s11 =	sshra.s32 s11, $0x2;
	v3 =	vpack.i.f32.bf16 v4, v3;
	v4 =	vld [tilespmem:s20+$0xA70]  }
0x63d: {  	s31 =	sand.u32 $0x200, s29;
	s6 =	smul.u32 $0x3000, s6;
	s12 =	sshra.s32 s12, $0x2;
	[tilespmem:s24+$0xCA70] =	vst v3;
	v3 =	vld [tilespmem:s20+$0x1670]  }
0x63e: {  	s10 =	sshrl.u32 s10, $0x3;
	s20 =	sor.u32 s13, s11;
	s30 =	sor.u32 s31, s12;
	v7 =	vpack.i.f32.bf16 v7, v8  }
0x63f: {  	s1 =	sand.u32 $0x380, s1;
	s11 =	smul.u32 $0x6000, s10;
	s12 =	sshra.s32 s22, $0x2;
	v8 =	vld [tilespmem:s30+$0xE00];
	[tilespmem:s26+$0xCA70] =	vst v7  }
0x640: {  	s23 =	sadd.s32 $0x1100, s29;
	s10 =	smul.u32 $0x3000, s10;
	s22 =	sor.u32 s1, s12;
	v7 =	vld [tilespmem:s30+$0x200];
	v5 =	vpack.i.f32.bf16 v5, v6  }
0x641: {  	s0 =	smul.u32 $0x3000, s0;
	s12 =	sand.u32 $0x300, s23;
	s11 =	sshra.s32 s11, $0x2;
	v6 =	vld [tilespmem:s22+$0x200];
	[tilespmem:s25+$0xCA70] =	vst v5  }
0x642: {  	s5 =	smul.u32 $0x3000, s5;
	s10 =	sshra.s32 s10, $0x2;
	s23 =	sor.u32 s12, s11;
	v5 =	vld [tilespmem:s22+$0xE00];
	v3 =	vpack.i.f32.bf16 v3, v4  }
0x643: {  	p0 =	slt.u32 s28, $0x1C;
	s0 =	sshra.s32 s0, $0x2;
	s6 =	sshra.s32 s6, $0x2;
	v4 =	vld [tilespmem:s23+$0x200];
	[tilespmem:s21+$0xCA70] =	vst v3  }
0x644: {  	v3 =	vld [tilespmem:s23+$0xE00]  }
0x645: {  	s24 =	sor.u32 s31, s6;
	v7 =	vpack.i.f32.bf16 v8, v7;
	v8 =	vld [tilespmem:s20+$0x200]  }
0x646: {  	s5 =	sshra.s32 s5, $0x2;
	[tilespmem:s24+$0xC200] =	vst v7;
	v7 =	vld [tilespmem:s20+$0xE00]  }
0x647: {  	s26 =	sor.u32 s1, s5;
	s21 =	sor.u32 s13, s0;
	v9 =	vld [tilespmem:s30+$0x210];
	v5 =	vpack.i.f32.bf16 v5, v6  }
0x648: {  	v6 =	vld [tilespmem:s30+$0xE10];
	[tilespmem:s26+$0xC200] =	vst v5  }
0x649: {  	s25 =	sor.u32 s12, s10;
	v3 =	vpack.i.f32.bf16 v3, v4;
	v4 =	vld [tilespmem:s22+$0xE10]  }
0x64a: {  	[tilespmem:s25+$0xC200] =	vst v3;
	v3 =	vld [tilespmem:s22+$0x210]  }
0x64b: {  	v5 =	vpack.i.f32.bf16 v7, v8;
	v7 =	vld [tilespmem:s23+$0xE10]  }
0x64c: {  	[tilespmem:s21+$0xC200] =	vst v5;
	v5 =	vld [tilespmem:s23+$0x210]  }
0x64d: {  	v6 =	vpack.i.f32.bf16 v6, v9;
	v8 =	vld [tilespmem:s20+$0x210]  }
0x64e: {  	[tilespmem:s24+$0xC210] =	vst v6;
	v6 =	vld [tilespmem:s20+$0xE10]  }
0x64f: {  	v9 =	vld [tilespmem:s30+$0x220];
	v3 =	vpack.i.f32.bf16 v4, v3  }
0x650: {  	v4 =	vld [tilespmem:s30+$0xE20];
	[tilespmem:s26+$0xC210] =	vst v3  }
0x651: {  	v3 =	vpack.i.f32.bf16 v7, v5;
	v5 =	vld [tilespmem:s22+$0x220]  }
0x652: {  	[tilespmem:s25+$0xC210] =	vst v3;
	v3 =	vld [tilespmem:s22+$0xE20]  }
0x653: {  	v6 =	vpack.i.f32.bf16 v6, v8;
	v7 =	vld [tilespmem:s23+$0x220]  }
0x654: {  	[tilespmem:s21+$0xC210] =	vst v6;
	v6 =	vld [tilespmem:s23+$0xE20]  }
0x655: {  	v4 =	vpack.i.f32.bf16 v4, v9;
	v8 =	vld [tilespmem:s20+$0x220]  }
0x656: {  	[tilespmem:s24+$0xC220] =	vst v4;
	v4 =	vld [tilespmem:s20+$0xE20]  }
0x657: {  	v9 =	vld [tilespmem:s30+$0x230];
	v3 =	vpack.i.f32.bf16 v3, v5  }
0x658: {  	v5 =	vld [tilespmem:s30+$0xE30];
	[tilespmem:s26+$0xC220] =	vst v3  }
0x659: {  	v3 =	vpack.i.f32.bf16 v6, v7;
	v6 =	vld [tilespmem:s22+$0x230]  }
0x65a: {  	[tilespmem:s25+$0xC220] =	vst v3;
	v3 =	vld [tilespmem:s22+$0xE30]  }
0x65b: {  	v4 =	vpack.i.f32.bf16 v4, v8;
	v7 =	vld [tilespmem:s23+$0x230]  }
0x65c: {  	[tilespmem:s21+$0xC220] =	vst v4;
	v4 =	vld [tilespmem:s23+$0xE30]  }
0x65d: {  	v5 =	vpack.i.f32.bf16 v5, v9;
	v8 =	vld [tilespmem:s20+$0x230]  }
0x65e: {  	[tilespmem:s24+$0xC230] =	vst v5;
	v5 =	vld [tilespmem:s20+$0xE30]  }
0x65f: {  	v9 =	vld [tilespmem:s30+$0x240];
	v3 =	vpack.i.f32.bf16 v3, v6  }
0x660: {  	v6 =	vld [tilespmem:s30+$0xE40];
	[tilespmem:s26+$0xC230] =	vst v3  }
0x661: {  	v3 =	vpack.i.f32.bf16 v4, v7;
	v4 =	vld [tilespmem:s22+$0x240]  }
0x662: {  	[tilespmem:s25+$0xC230] =	vst v3;
	v3 =	vld [tilespmem:s22+$0xE40]  }
0x663: {  	v5 =	vpack.i.f32.bf16 v5, v8;
	v7 =	vld [tilespmem:s23+$0x240]  }
0x664: {  	[tilespmem:s21+$0xC230] =	vst v5;
	v5 =	vld [tilespmem:s23+$0xE40]  }
0x665: {  	v6 =	vpack.i.f32.bf16 v6, v9;
	v8 =	vld [tilespmem:s20+$0x240]  }
0x666: {  	[tilespmem:s24+$0xC240] =	vst v6;
	v6 =	vld [tilespmem:s20+$0xE40]  }
0x667: {  	v9 =	vld [tilespmem:s30+$0x250];
	v3 =	vpack.i.f32.bf16 v3, v4  }
0x668: {  	v4 =	vld [tilespmem:s30+$0xE50];
	[tilespmem:s26+$0xC240] =	vst v3  }
0x669: {  	v3 =	vpack.i.f32.bf16 v5, v7;
	v5 =	vld [tilespmem:s22+$0x250]  }
0x66a: {  	[tilespmem:s25+$0xC240] =	vst v3;
	v3 =	vld [tilespmem:s22+$0xE50]  }
0x66b: {  	v6 =	vpack.i.f32.bf16 v6, v8;
	v7 =	vld [tilespmem:s23+$0x250]  }
0x66c: {  	[tilespmem:s21+$0xC240] =	vst v6;
	v6 =	vld [tilespmem:s23+$0xE50]  }
0x66d: {  	v4 =	vpack.i.f32.bf16 v4, v9;
	v8 =	vld [tilespmem:s20+$0x250]  }
0x66e: {  	[tilespmem:s24+$0xC250] =	vst v4;
	v4 =	vld [tilespmem:s20+$0xE50]  }
0x66f: {  	v9 =	vld [tilespmem:s30+$0x260];
	v3 =	vpack.i.f32.bf16 v3, v5  }
0x670: {  	v5 =	vld [tilespmem:s30+$0xE60];
	[tilespmem:s26+$0xC250] =	vst v3  }
0x671: {  	v3 =	vpack.i.f32.bf16 v6, v7;
	v6 =	vld [tilespmem:s22+$0x260]  }
0x672: {  	[tilespmem:s25+$0xC250] =	vst v3;
	v3 =	vld [tilespmem:s22+$0xE60]  }
0x673: {  	v4 =	vpack.i.f32.bf16 v4, v8;
	v7 =	vld [tilespmem:s23+$0x260]  }
0x674: {  	[tilespmem:s21+$0xC250] =	vst v4;
	v4 =	vld [tilespmem:s23+$0xE60]  }
0x675: {  	v5 =	vpack.i.f32.bf16 v5, v9;
	v8 =	vld [tilespmem:s20+$0x260]  }
0x676: {  	[tilespmem:s24+$0xC260] =	vst v5;
	v5 =	vld [tilespmem:s20+$0xE60]  }
0x677: {  	v9 =	vld [tilespmem:s30+$0x270];
	v3 =	vpack.i.f32.bf16 v3, v6  }
0x678: {  	v6 =	vld [tilespmem:s30+$0xE70];
	[tilespmem:s26+$0xC260] =	vst v3  }
0x679: {  	v3 =	vpack.i.f32.bf16 v4, v7;
	v4 =	vld [tilespmem:s22+$0x270]  }
0x67a: {  	[tilespmem:s25+$0xC260] =	vst v3;
	v3 =	vld [tilespmem:s22+$0xE70]  }
0x67b: {  	v5 =	vpack.i.f32.bf16 v5, v8;
	v7 =	vld [tilespmem:s23+$0x270]  }
0x67c: {  	[tilespmem:s21+$0xC260] =	vst v5;
	v5 =	vld [tilespmem:s23+$0xE70]  }
0x67d: {  	v6 =	vpack.i.f32.bf16 v6, v9;
	v8 =	vld [tilespmem:s20+$0x270]  }
0x67e: {  	[tilespmem:s24+$0xC270] =	vst v6;
	v6 =	vld [tilespmem:s20+$0xE70]  }
0x67f: {  	v9 =	vld [tilespmem:s30+$0x600];
	v3 =	vpack.i.f32.bf16 v3, v4  }
0x680: {  	v4 =	vld [tilespmem:s30+$0x1200];
	[tilespmem:s26+$0xC270] =	vst v3  }
0x681: {  	v3 =	vpack.i.f32.bf16 v5, v7;
	v5 =	vld [tilespmem:s22+$0x600]  }
0x682: {  	[tilespmem:s25+$0xC270] =	vst v3;
	v3 =	vld [tilespmem:s22+$0x1200]  }
0x683: {  	v6 =	vpack.i.f32.bf16 v6, v8;
	v7 =	vld [tilespmem:s23+$0x600]  }
0x684: {  	[tilespmem:s21+$0xC270] =	vst v6;
	v6 =	vld [tilespmem:s23+$0x1200]  }
0x685: {  	v4 =	vpack.i.f32.bf16 v4, v9;
	v8 =	vld [tilespmem:s20+$0x600]  }
0x686: {  	[tilespmem:s24+$0xC600] =	vst v4;
	v4 =	vld [tilespmem:s20+$0x1200]  }
0x687: {  	v9 =	vld [tilespmem:s30+$0x610];
	v3 =	vpack.i.f32.bf16 v3, v5  }
0x688: {  	v5 =	vld [tilespmem:s30+$0x1210];
	[tilespmem:s26+$0xC600] =	vst v3  }
0x689: {  	v3 =	vpack.i.f32.bf16 v6, v7;
	v6 =	vld [tilespmem:s22+$0x610]  }
0x68a: {  	[tilespmem:s25+$0xC600] =	vst v3;
	v3 =	vld [tilespmem:s22+$0x1210]  }
0x68b: {  	v4 =	vpack.i.f32.bf16 v4, v8;
	v7 =	vld [tilespmem:s23+$0x610]  }
0x68c: {  	[tilespmem:s21+$0xC600] =	vst v4;
	v4 =	vld [tilespmem:s23+$0x1210]  }
0x68d: {  	v5 =	vpack.i.f32.bf16 v5, v9;
	v8 =	vld [tilespmem:s20+$0x610]  }
0x68e: {  	[tilespmem:s24+$0xC610] =	vst v5;
	v5 =	vld [tilespmem:s20+$0x1210]  }
0x68f: {  	v9 =	vld [tilespmem:s30+$0x620];
	v3 =	vpack.i.f32.bf16 v3, v6  }
0x690: {  	v6 =	vld [tilespmem:s30+$0x1220];
	[tilespmem:s26+$0xC610] =	vst v3  }
0x691: {  	v3 =	vpack.i.f32.bf16 v4, v7;
	v4 =	vld [tilespmem:s22+$0x620]  }
0x692: {  	[tilespmem:s25+$0xC610] =	vst v3;
	v3 =	vld [tilespmem:s22+$0x1220]  }
0x693: {  	v5 =	vpack.i.f32.bf16 v5, v8;
	v7 =	vld [tilespmem:s23+$0x620]  }
0x694: {  	[tilespmem:s21+$0xC610] =	vst v5;
	v5 =	vld [tilespmem:s23+$0x1220]  }
0x695: {  	v6 =	vpack.i.f32.bf16 v6, v9;
	v8 =	vld [tilespmem:s20+$0x620]  }
0x696: {  	[tilespmem:s24+$0xC620] =	vst v6;
	v6 =	vld [tilespmem:s20+$0x1220]  }
0x697: {  	v9 =	vld [tilespmem:s30+$0x630];
	v3 =	vpack.i.f32.bf16 v3, v4  }
0x698: {  	v4 =	vld [tilespmem:s30+$0x1230];
	[tilespmem:s26+$0xC620] =	vst v3  }
0x699: {  	v3 =	vpack.i.f32.bf16 v5, v7;
	v5 =	vld [tilespmem:s22+$0x630]  }
0x69a: {  	[tilespmem:s25+$0xC620] =	vst v3;
	v3 =	vld [tilespmem:s22+$0x1230]  }
0x69b: {  	v6 =	vpack.i.f32.bf16 v6, v8;
	v7 =	vld [tilespmem:s23+$0x630]  }
0x69c: {  	[tilespmem:s21+$0xC620] =	vst v6;
	v6 =	vld [tilespmem:s23+$0x1230]  }
0x69d: {  	v4 =	vpack.i.f32.bf16 v4, v9;
	v8 =	vld [tilespmem:s20+$0x630]  }
0x69e: {  	[tilespmem:s24+$0xC630] =	vst v4;
	v4 =	vld [tilespmem:s20+$0x1230]  }
0x69f: {  	v9 =	vld [tilespmem:s30+$0x640];
	v3 =	vpack.i.f32.bf16 v3, v5  }
0x6a0: {  	v5 =	vld [tilespmem:s30+$0x1240];
	[tilespmem:s26+$0xC630] =	vst v3  }
0x6a1: {  	v3 =	vpack.i.f32.bf16 v6, v7;
	v6 =	vld [tilespmem:s22+$0x640]  }
0x6a2: {  	[tilespmem:s25+$0xC630] =	vst v3;
	v3 =	vld [tilespmem:s22+$0x1240]  }
0x6a3: {  	v4 =	vpack.i.f32.bf16 v4, v8;
	v7 =	vld [tilespmem:s23+$0x640]  }
0x6a4: {  	[tilespmem:s21+$0xC630] =	vst v4;
	v4 =	vld [tilespmem:s23+$0x1240]  }
0x6a5: {  	v5 =	vpack.i.f32.bf16 v5, v9;
	v8 =	vld [tilespmem:s20+$0x640]  }
0x6a6: {  	[tilespmem:s24+$0xC640] =	vst v5;
	v5 =	vld [tilespmem:s20+$0x1240]  }
0x6a7: {  	v9 =	vld [tilespmem:s30+$0x650];
	v3 =	vpack.i.f32.bf16 v3, v6  }
0x6a8: {  	v6 =	vld [tilespmem:s30+$0x1250];
	[tilespmem:s26+$0xC640] =	vst v3  }
0x6a9: {  	v3 =	vpack.i.f32.bf16 v4, v7;
	v4 =	vld [tilespmem:s22+$0x650]  }
0x6aa: {  	[tilespmem:s25+$0xC640] =	vst v3;
	v3 =	vld [tilespmem:s22+$0x1250]  }
0x6ab: {  	v5 =	vpack.i.f32.bf16 v5, v8;
	v7 =	vld [tilespmem:s23+$0x650]  }
0x6ac: {  	[tilespmem:s21+$0xC640] =	vst v5;
	v5 =	vld [tilespmem:s23+$0x1250]  }
0x6ad: {  	v6 =	vpack.i.f32.bf16 v6, v9;
	v8 =	vld [tilespmem:s20+$0x650]  }
0x6ae: {  	[tilespmem:s24+$0xC650] =	vst v6;
	v6 =	vld [tilespmem:s20+$0x1250]  }
0x6af: {  	v9 =	vld [tilespmem:s30+$0x660];
	v3 =	vpack.i.f32.bf16 v3, v4  }
0x6b0: {  	v4 =	vld [tilespmem:s30+$0x1260];
	[tilespmem:s26+$0xC650] =	vst v3  }
0x6b1: {  	v3 =	vpack.i.f32.bf16 v5, v7;
	v5 =	vld [tilespmem:s22+$0x660]  }
0x6b2: {  	[tilespmem:s25+$0xC650] =	vst v3;
	v3 =	vld [tilespmem:s22+$0x1260]  }
0x6b3: {  	v6 =	vpack.i.f32.bf16 v6, v8;
	v7 =	vld [tilespmem:s23+$0x660]  }
0x6b4: {  	[tilespmem:s21+$0xC650] =	vst v6;
	v6 =	vld [tilespmem:s23+$0x1260]  }
0x6b5: {  	v4 =	vpack.i.f32.bf16 v4, v9;
	v8 =	vld [tilespmem:s20+$0x660]  }
0x6b6: {  	[tilespmem:s24+$0xC660] =	vst v4;
	v4 =	vld [tilespmem:s20+$0x1260]  }
0x6b7: {  	v9 =	vld [tilespmem:s30+$0x670];
	v3 =	vpack.i.f32.bf16 v3, v5  }
0x6b8: {  	v5 =	vld [tilespmem:s30+$0x1270];
	[tilespmem:s26+$0xC660] =	vst v3  }
0x6b9: {  	v3 =	vpack.i.f32.bf16 v6, v7;
	v6 =	vld [tilespmem:s22+$0x670]  }
0x6ba: {  	[tilespmem:s25+$0xC660] =	vst v3;
	v3 =	vld [tilespmem:s22+$0x1270]  }
0x6bb: {  	v4 =	vpack.i.f32.bf16 v4, v8;
	v7 =	vld [tilespmem:s23+$0x670]  }
0x6bc: {  	[tilespmem:s21+$0xC660] =	vst v4;
	v4 =	vld [tilespmem:s23+$0x1270]  }
0x6bd: {  	v5 =	vpack.i.f32.bf16 v5, v9;
	v8 =	vld [tilespmem:s20+$0x670]  }
0x6be: {  	[tilespmem:s24+$0xC670] =	vst v5;
	v5 =	vld [tilespmem:s20+$0x1270]  }
0x6bf: {  	v9 =	vld [tilespmem:s30+$0xA00];
	v3 =	vpack.i.f32.bf16 v3, v6  }
0x6c0: {  	v6 =	vld [tilespmem:s30+$0x1600];
	[tilespmem:s26+$0xC670] =	vst v3  }
0x6c1: {  	v3 =	vpack.i.f32.bf16 v4, v7;
	v4 =	vld [tilespmem:s22+$0xA00]  }
0x6c2: {  	[tilespmem:s25+$0xC670] =	vst v3;
	v3 =	vld [tilespmem:s22+$0x1600]  }
0x6c3: {  	v5 =	vpack.i.f32.bf16 v5, v8;
	v7 =	vld [tilespmem:s23+$0xA00]  }
0x6c4: {  	[tilespmem:s21+$0xC670] =	vst v5;
	v5 =	vld [tilespmem:s23+$0x1600]  }
0x6c5: {  	v6 =	vpack.i.f32.bf16 v6, v9;
	v8 =	vld [tilespmem:s20+$0xA00]  }
0x6c6: {  	[tilespmem:s24+$0xCA00] =	vst v6;
	v6 =	vld [tilespmem:s20+$0x1600]  }
0x6c7: {  	v9 =	vld [tilespmem:s30+$0xA10];
	v3 =	vpack.i.f32.bf16 v3, v4  }
0x6c8: {  	v4 =	vld [tilespmem:s30+$0x1610];
	[tilespmem:s26+$0xCA00] =	vst v3  }
0x6c9: {  	v3 =	vpack.i.f32.bf16 v5, v7;
	v5 =	vld [tilespmem:s22+$0xA10]  }
0x6ca: {  	[tilespmem:s25+$0xCA00] =	vst v3;
	v3 =	vld [tilespmem:s22+$0x1610]  }
0x6cb: {  	v6 =	vpack.i.f32.bf16 v6, v8;
	v7 =	vld [tilespmem:s23+$0xA10]  }
0x6cc: {  	[tilespmem:s21+$0xCA00] =	vst v6;
	v6 =	vld [tilespmem:s23+$0x1610]  }
0x6cd: {  	v4 =	vpack.i.f32.bf16 v4, v9;
	v8 =	vld [tilespmem:s20+$0xA10]  }
0x6ce: {  	[tilespmem:s24+$0xCA10] =	vst v4;
	v4 =	vld [tilespmem:s20+$0x1610]  }
0x6cf: {  	v9 =	vld [tilespmem:s30+$0xA20];
	v3 =	vpack.i.f32.bf16 v3, v5  }
0x6d0: {  	v5 =	vld [tilespmem:s30+$0x1620];
	[tilespmem:s26+$0xCA10] =	vst v3  }
0x6d1: {  	v3 =	vpack.i.f32.bf16 v6, v7;
	v6 =	vld [tilespmem:s22+$0xA20]  }
0x6d2: {  	[tilespmem:s25+$0xCA10] =	vst v3;
	v3 =	vld [tilespmem:s22+$0x1620]  }
0x6d3: {  	v4 =	vpack.i.f32.bf16 v4, v8;
	v7 =	vld [tilespmem:s23+$0x1620]  }
0x6d4: {  	[tilespmem:s21+$0xCA10] =	vst v4;
	v4 =	vld [tilespmem:s23+$0xA20]  }
0x6d5: {  	v5 =	vpack.i.f32.bf16 v5, v9;
	v8 =	vld [tilespmem:s20+$0xA20]  }
0x6d6: {  	[tilespmem:s24+$0xCA20] =	vst v5;
	v5 =	vld [tilespmem:s20+$0x1620]  }
0x6d7: {  	v9 =	vld [tilespmem:s30+$0xA30];
	v3 =	vpack.i.f32.bf16 v3, v6  }
0x6d8: {  	v6 =	vld [tilespmem:s30+$0x1630];
	[tilespmem:s26+$0xCA20] =	vst v3  }
0x6d9: {  	v3 =	vpack.i.f32.bf16 v7, v4;
	v4 =	vld [tilespmem:s22+$0xA30]  }
0x6da: {  	[tilespmem:s25+$0xCA20] =	vst v3;
	v3 =	vld [tilespmem:s22+$0x1630]  }
0x6db: {  	v5 =	vpack.i.f32.bf16 v5, v8;
	v7 =	vld [tilespmem:s23+$0x1630]  }
0x6dc: {  	[tilespmem:s21+$0xCA20] =	vst v5;
	v5 =	vld [tilespmem:s23+$0xA30]  }
0x6dd: {  	v6 =	vpack.i.f32.bf16 v6, v9;
	v8 =	vld [tilespmem:s20+$0xA30]  }
0x6de: {  	[tilespmem:s24+$0xCA30] =	vst v6;
	v6 =	vld [tilespmem:s20+$0x1630]  }
0x6df: {  	v9 =	vld [tilespmem:s30+$0xA40];
	v3 =	vpack.i.f32.bf16 v3, v4  }
0x6e0: {  	v4 =	vld [tilespmem:s30+$0x1640];
	[tilespmem:s26+$0xCA30] =	vst v3  }
0x6e1: {  	v3 =	vpack.i.f32.bf16 v7, v5;
	v5 =	vld [tilespmem:s22+$0xA40]  }
0x6e2: {  	[tilespmem:s25+$0xCA30] =	vst v3;
	v3 =	vld [tilespmem:s22+$0x1640]  }
0x6e3: {  	v6 =	vpack.i.f32.bf16 v6, v8;
	v7 =	vld [tilespmem:s23+$0xA40]  }
0x6e4: {  	[tilespmem:s21+$0xCA30] =	vst v6;
	v6 =	vld [tilespmem:s23+$0x1640]  }
0x6e5: {  	v4 =	vpack.i.f32.bf16 v4, v9;
	v8 =	vld [tilespmem:s20+$0xA40]  }
0x6e6: {  	[tilespmem:s24+$0xCA40] =	vst v4;
	v4 =	vld [tilespmem:s20+$0x1640]  }
0x6e7: {  	v9 =	vld [tilespmem:s30+$0xA50];
	v3 =	vpack.i.f32.bf16 v3, v5  }
0x6e8: {  	v5 =	vld [tilespmem:s30+$0x1650];
	[tilespmem:s26+$0xCA40] =	vst v3  }
0x6e9: {  	v3 =	vpack.i.f32.bf16 v6, v7;
	v6 =	vld [tilespmem:s22+$0xA50]  }
0x6ea: {  	[tilespmem:s25+$0xCA40] =	vst v3;
	v3 =	vld [tilespmem:s22+$0x1650]  }
0x6eb: {  	v4 =	vpack.i.f32.bf16 v4, v8;
	v7 =	vld [tilespmem:s23+$0xA50]  }
0x6ec: {  	[tilespmem:s21+$0xCA40] =	vst v4;
	v4 =	vld [tilespmem:s23+$0x1650]  }
0x6ed: {  	v5 =	vpack.i.f32.bf16 v5, v9;
	v8 =	vld [tilespmem:s20+$0xA50]  }
0x6ee: {  	[tilespmem:s24+$0xCA50] =	vst v5;
	v5 =	vld [tilespmem:s20+$0x1650]  }
0x6ef: {  	v9 =	vld [tilespmem:s30+$0xA60];
	v3 =	vpack.i.f32.bf16 v3, v6  }
0x6f0: {  	v6 =	vld [tilespmem:s30+$0x1660];
	[tilespmem:s26+$0xCA50] =	vst v3  }
0x6f1: {  	v3 =	vpack.i.f32.bf16 v4, v7;
	v4 =	vld [tilespmem:s22+$0xA60]  }
0x6f2: {  	[tilespmem:s25+$0xCA50] =	vst v3;
	v10 =	vld [tilespmem:s22+$0x1660]  }
0x6f3: {  	v3 =	vpack.i.f32.bf16 v5, v8;
	v7 =	vld [tilespmem:s23+$0xA60]  }
.Ltmp3:
0x6f4: {  	[tilespmem:s21+$0xCA50] =	vst v3;
	v8 =	vld [tilespmem:s23+$0x1660];
	(pc) =	sbr.rel @p0 .LBB2_9-.Ltmp3, $4  }
0x6f5: {  	v3 =	vpack.i.f32.bf16 v6, v9;
	v5 =	vld [tilespmem:s20+$0xA60]  }
0x6f6: {  	[tilespmem:s24+$0xCA60] =	vst v3;
	v6 =	vld [tilespmem:s20+$0x1660]  }
0x6f7: {  	v3 =	vld [tilespmem:s30+$0xA70];
	v9 =	vpack.i.f32.bf16 v10, v4  }
0x6f8: {  	s29 =	sadd.s32 $0x200, s29;
	v4 =	vld [tilespmem:s30+$0x1670];
	[tilespmem:s26+$0xCA60] =	vst v9  }
0x6f9: {  	v7 =	vpack.i.f32.bf16 v8, v7;
	v60 =	vld [tilespmem:s22+$0xA70]  }
0x6fa: {  	v9 =	vld [tilespmem:s22+$0x1670];
	[tilespmem:s25+$0xCA60] =	vst v7  }
0x6fb: {  	v5 =	vpack.i.f32.bf16 v6, v5;
	v61 =	vld [tilespmem:s23+$0xA70]  }
0x6fc: {  	v7 =	vld [tilespmem:s23+$0x1670];
	[tilespmem:s21+$0xCA60] =	vst v5  }
0x6fd: {  	v5 =	vld [tilespmem:s20+$0xA70]  }
0x6fe: {  	v10 =	vld [tilespmem:s20+$0x1670];
	_ =	sdelay $0x1  }
0x6ff: {  	v3 =	vpack.i.f32.bf16 v4, v3  }
0x700: {  	[tilespmem:s24+$0xCA70] =	vst v3;
	v3 =	vpack.i.f32.bf16 v9, v60  }
0x701: {  	[tilespmem:s26+$0xCA70] =	vst v3;
	v3 =	vpack.i.f32.bf16 v7, v61  }
0x702: {  	[tilespmem:s25+$0xCA70] =	vst v3;
	v3 =	vpack.i.f32.bf16 v10, v5  }
0x703: {  	s0 =	sadd.s32 s8, s18;
	s1 =	simm.s32 $0xF200;
	s18 =	sadd.s32 $0x180, s19;
	[tilespmem:s21+$0xCA70] =	vst v3  }
0x704: {  	[hbm4b:s0+s4] =	stream.linear.scatter [tilespmem:s1], [sflag:$0x4], $0x3000, $0x38;
	[tilespmem:$0x12200] =	vst v63  }
0x705: {  	s0 =	sand.u32 $0x780, s18  }
0x706: {  	s0 =	sshrl.u32 s0, $0x2  }
0x707: {  	v3 =	vld [tilespmem:s0+$0x0];
	_ =	sdelay $0x4  }
0x708: {  	v62 =	vshrl.u32 v3, $0x3  }
0x709: {  	v4 =	vmul.u32 $0x30, v62  }
0x70a: {  	v3 =	vand.u32 $0x7, v3  }
0x70b: {  	v3 =	vor.u32 v3, v4  }
0x70c: {  	v4 =	vperm.xlane v3, v0;
	_ =	sdelay $0x1  }
0x70d: {  	v4 =	vadd.s32 v1, v4;
	_ =	sdelay $0x3  }
0x70e: {  	s19 =	simm.s32 $0x6200;
	v3 =	vperm.xlane v3, v2  }
0x70f: {  	[tilespmem:s19], [sflag:$0x2] =	stream.indirect_vreg.gather [hbm4b:s2+s4], $0x80, v4, vm0, $0xb8;
	[tilespmem:$0x12200] =	vst v63  }
0x710: {  	s20 =	simm.s32 $0x6A00;
	v3 =	vadd.s32 v1, v3  }
0x711: {  	[tilespmem:s20], [sflag:$0x2] =	stream.indirect_vreg.gather [hbm4b:s7+s4], $0x80, v4, vm0, $0xb8;
	[tilespmem:$0x12200] =	vst v63  }
0x712: {  	s21 =	simm.s32 $0x7200  }
0x713: {  	[tilespmem:s21], [sflag:$0x2] =	stream.indirect_vreg.gather [hbm4b:s9+s4], $0x80, v4, vm0, $0xb8;
	[tilespmem:$0x12200] =	vst v63  }
0x714: {  	s22 =	simm.s32 $0x7A00  }
0x715: {  	[tilespmem:s22], [sflag:$0x2] =	stream.indirect_vreg.gather [hbm4b:s2+s4], $0x80, v3, vm0, $0xb8;
	[tilespmem:$0x12200] =	vst v63  }
0x716: {  	s23 =	simm.s32 $0x8200  }
0x717: {  	[tilespmem:s23], [sflag:$0x2] =	stream.indirect_vreg.gather [hbm4b:s7+s4], $0x80, v3, vm0, $0xb8;
	[tilespmem:$0x12200] =	vst v63  }
0x718: {  	s24 =	simm.s32 $0x8A00  }
0x719: {  	[tilespmem:s24], [sflag:$0x2] =	stream.indirect_vreg.gather [hbm4b:s9+s4], $0x80, v3, vm0, $0xb8;
	[tilespmem:$0x12200] =	vst v63  }
0x71a: {  	v3 =	vld [tilespmem:s0+$0x10];
	_ =	sdelay $0x4  }
0x71b: {  	v63 =	vshrl.u32 v3, $0x3  }
0x71c: {  	v4 =	vmul.u32 $0x30, v63  }
0x71d: {  	v3 =	vand.u32 $0x7, v3  }
0x71e: {  	v3 =	vor.u32 v3, v4  }
0x71f: {  	v4 =	vperm.xlane v3, v0;
	_ =	sdelay $0x1  }
0x720: {  	v4 =	vadd.s32 v1, v4;
	_ =	sdelay $0x3  }
0x721: {  	s25 =	simm.s32 $0x9200;
	v3 =	vperm.xlane v3, v2  }
0x722: {  	[tilespmem:s25], [sflag:$0x2] =	stream.indirect_vreg.gather [hbm4b:s2+s4], $0x80, v4, vm0, $0xb8;
	[tilespmem:$0x12200] =	vst v63  }
0x723: {  	s26 =	simm.s32 $0x9A00;
	v3 =	vadd.s32 v1, v3  }
0x724: {  	[tilespmem:s26], [sflag:$0x2] =	stream.indirect_vreg.gather [hbm4b:s7+s4], $0x80, v4, vm0, $0xb8;
	[tilespmem:$0x12200] =	vst v63  }
0x725: {  	s28 =	simm.s32 $0xA200;
	s17 =	sadd.s32 $0x1, s17  }
0x726: {  	[tilespmem:s28], [sflag:$0x2] =	stream.indirect_vreg.gather [hbm4b:s9+s4], $0x80, v4, vm0, $0xb8;
	[tilespmem:$0x12200] =	vst v63  }
0x727: {  	s29 =	simm.s32 $0xAA00;
	p0 =	sne.s32 s17, $0x8  }
0x728: {  	[tilespmem:s29], [sflag:$0x2] =	stream.indirect_vreg.gather [hbm4b:s2+s4], $0x80, v3, vm0, $0xb8;
	[tilespmem:$0x12200] =	vst v63  }
.Ltmp4:
0x729: {  	_ = 	snop;
	(pc) =	sbr.rel @p0 .LBB2_6-.Ltmp4, $4  }
0x72a: {  	s30 =	simm.s32 $0xB200  }
0x72b: {  	[tilespmem:s30], [sflag:$0x2] =	stream.indirect_vreg.gather [hbm4b:s7+s4], $0x80, v3, vm0, $0xb8;
	[tilespmem:$0x12200] =	vst v63  }
0x72c: {  	s31 =	simm.s32 $0xBA00  }
0x72d: {  	[tilespmem:s31], [sflag:$0x2] =	stream.indirect_vreg.gather [hbm4b:s9+s4], $0x80, v3, vm0, $0xb8;
	[tilespmem:$0x12200] =	vst v63  }
0x72e: {  	_ =	swait.ge [sflag:s3], $0x6000  }
0x72f: {  	[sflag:s3] =	ssyncset.done $0x0  }
0x730: {  	[sflag:s3] =	ssyncadd.s32 $0xFFFFA000  }
0x731: {  	_ =	swait.ge [sflag:s14], $0x6000  }
0x732: {  	[sflag:s14] =	ssyncset.done $0x0  }
0x733: {  	[sflag:s14] =	ssyncadd.s32 $0xFFFFA000  }
0x734: {  	_ =	swait.ge [sflag:s15], $0x3000  }
0x735: {  	[sflag:s15] =	ssyncset.done $0x0  }
0x736: {  	[sflag:s15] =	ssyncadd.s32 $0xFFFFD000  }
0x737: {  	_ =	swait.ge [sflag:s16], $0x3000  }
0x738: {  	s1 =	rddreg [dreg:$0x9]  }
0x739: {  	s0 =	rddreg [dreg:$0x8];
	s1 =	sadd.s32 $0x1, s1  }
0x73a: {  	p0 =	sne.s32 s1, s0  }
.Ltmp5:
0x73b: {  	_ = 	snop;
	(pc) =	sbr.rel @p0 .LBB2_1-.Ltmp5, $3  }
0x73c: {  	_ =	sdelay $0x1  }
0x73d: {  	[sflag:s16] =	ssyncset.done $0x0  }
0x73e: {  	[sflag:s16] =	ssyncadd.s32 $0xFFFFD000  }
0x73f: {  	_ =	sfence.sel $0x180000  }
0x740: {  	[bflag:$0x0] =	sbarrier.arrive $0xFFFF  }
0x741: {  	_ =	strace $0x90000047  }
0x742: {  	s0 =	stileid.u32;
	[bflag:$0x2] =	sbarrier.arrive $0xFFFF  }
0x743: {  	p0 =	sne.s32 s0, $0x0;
	s0 =	rddreg [dreg:$0x3]  }
0x744: {  	s0 =	sadd.s32 @!p0 $0x100000, s0  }
0x745: {  	[sflag:s0] =	ssyncadd.tile.s32 @!p0 $0x1;
	_ =	shalt  }
.Lfunc_end2:
_tile_overlayer_lowered:
.L_overlay_start_2:
0x746: {  	(tag) =	ssettag $0x2  }
0x747: {  	s0 =	rddreg [dreg:$0x0];
	s2 =	stileid.u32  }
0x748: {  	s1 =	rddreg [dreg:$0x1];
	p0 =	sne.s32 s2, $0x0  }
0x749: {  	s3 =	rddreg [dreg:$0x2];
	[bflag:$0x3] =	sbarrier.arrive $0xFFFF;
	s2 =	simm.s32 @!p0 $0x1C06  }
0x74a: {  	[timem:s3], [sflag:s2] =	dma.local @!p0 [hbm:s0], s1  }
0x74b: {  	s0 =	simm.s32 @!p0 $0x6  }
0x74c: {  	_ =	swait.ge @!p0 [sflag:s0], s1  }
0x74d: {  	s1 =	ssub.s32 @!p0 $0x0, s1;
	[sflag:s0] =	ssyncset.done @!p0 $0x0  }
0x74e: {  	[sflag:s0] =	ssyncadd.s32 @!p0 s1  }
0x74f: {  	[bflag:$0x3] =	sbarrier.arrive $0xFFFF  }
0x750: {  	_ =	shalt  }

</sc_bundles>
